<compile_context>
chip_gen: v7x
topology: tpu7x:2x2x1
jax: 0.10.2.dev20260603
libtpu: 0.0.44.dev20260713+nightly
codegen_flags: <defaults>
</compile_context>

<pallas_src>
import functools

import jax
import jax.numpy as jnp
from jax import lax
from jax.experimental import pallas as pl
from jax.experimental.pallas import tpu as pltpu
from jax.experimental.pallas import tpu_sc as plsc

N = 10000
E = 160000
G = 64
HH = 16
EPS = 1e-5

NW = 32
EPW = E // NW
CH = 128
NCH = EPW // CH
TAIL = EPW - NCH * CH
NPAD = 10016
STRIPE = NPAD // 16
DUMMY = N

EB = 2000
NEB = E // EB
NB = 1000
NNB = N // NB



def _node_stats_body(x_ref, s_ref, sq_ref):
    @pl.when(pl.program_id(0) == 0)
    def _():
        s_ref[...] = jnp.zeros_like(s_ref)
        sq_ref[...] = jnp.zeros_like(sq_ref)
    x = x_ref[...]
    s_ref[...] += jnp.sum(x, axis=0, keepdims=True)
    sq_ref[...] += jnp.sum(x * x, axis=0, keepdims=True)


def _node_stats(x_node):
    return pl.pallas_call(
        _node_stats_body,
        grid=(NNB,),
        in_specs=[pl.BlockSpec((NB, 128), lambda i: (i, 0))],
        out_specs=[pl.BlockSpec((1, 128), lambda i: (0, 0)),
                   pl.BlockSpec((1, 128), lambda i: (0, 0))],
        out_shape=[jax.ShapeDtypeStruct((1, 128), jnp.float32),
                   jax.ShapeDtypeStruct((1, 128), jnp.float32)],
    )(x_node)


def _edge_mom_body(x_ref, s1_ref, s2_ref):
    @pl.when(pl.program_id(0) == 0)
    def _():
        s1_ref[...] = jnp.zeros_like(s1_ref)
        s2_ref[...] = jnp.zeros_like(s2_ref)
    x = x_ref[...]
    s1_ref[...] += jnp.sum(x, axis=0, keepdims=True)
    s2_ref[...] += lax.dot_general(x, x, (((0,), (0,)), ((), ())),
                                   preferred_element_type=jnp.float32)


def _edge_moments(x_edge):
    return pl.pallas_call(
        _edge_mom_body,
        grid=(NEB,),
        in_specs=[pl.BlockSpec((EB, HH), lambda i: (i, 0))],
        out_specs=[pl.BlockSpec((1, HH), lambda i: (0, 0)),
                   pl.BlockSpec((HH, HH), lambda i: (0, 0))],
        out_shape=[jax.ShapeDtypeStruct((1, HH), jnp.float32),
                   jax.ShapeDtypeStruct((HH, HH), jnp.float32)],
    )(x_edge)


def _edge_act_body(x_ref, A_ref, c_ref, a_ref, sa_ref, saa_ref):
    @pl.when(pl.program_id(0) == 0)
    def _():
        sa_ref[...] = jnp.zeros_like(sa_ref)
        saa_ref[...] = jnp.zeros_like(saa_ref)
    t = jnp.dot(x_ref[...], A_ref[...],
                preferred_element_type=jnp.float32) + c_ref[...]
    a = jnp.where(t >= 0, t, 0.8 * t)
    a_ref[...] = a
    sa_ref[...] += jnp.sum(a, axis=0, keepdims=True)
    saa_ref[...] += lax.dot_general(a, a, (((0,), (0,)), ((), ())),
                                    preferred_element_type=jnp.float32)


def _edge_activations(x_edge, A, c):
    return pl.pallas_call(
        _edge_act_body,
        grid=(NEB,),
        in_specs=[pl.BlockSpec((EB, HH), lambda i: (i, 0)),
                  pl.BlockSpec((HH, HH), lambda i: (0, 0)),
                  pl.BlockSpec((1, HH), lambda i: (0, 0))],
        out_specs=[pl.BlockSpec((EB, HH), lambda i: (i, 0)),
                   pl.BlockSpec((1, HH), lambda i: (0, 0)),
                   pl.BlockSpec((HH, HH), lambda i: (0, 0))],
        out_shape=[jax.ShapeDtypeStruct((E, HH), jnp.float32),
                   jax.ShapeDtypeStruct((1, HH), jnp.float32),
                   jax.ShapeDtypeStruct((HH, HH), jnp.float32)],
    )(x_edge, A, c)


def _node_emb_body(x_ref, W_ref, c_ref, o_ref):
    o_ref[...] = jnp.dot(x_ref[...], W_ref[...],
                         preferred_element_type=jnp.float32) + c_ref[...]


def _node_embed(x_node, Wn, cn):
    return pl.pallas_call(
        _node_emb_body,
        grid=(NNB,),
        in_specs=[pl.BlockSpec((NB, 128), lambda i: (i, 0)),
                  pl.BlockSpec((128, HH), lambda i: (0, 0)),
                  pl.BlockSpec((1, HH), lambda i: (0, 0))],
        out_specs=[pl.BlockSpec((NB, HH), lambda i: (i, 0))],
        out_shape=[jax.ShapeDtypeStruct((N, HH), jnp.float32)],
    )(x_node, Wn, cn)[0]


def _msg_body(a_ref, hs_ref, W_ref, c_ref, m_ref):
    ew = jnp.dot(a_ref[...], W_ref[...],
                 preferred_element_type=jnp.float32) + c_ref[...]
    hs = hs_ref[...]
    acc = hs[:, 0:1] * ew[:, 0:HH]
    for i in range(1, HH):
        acc += hs[:, i:i + 1] * ew[:, i * HH:(i + 1) * HH]
    m_ref[...] = acc


def _messages(a, hsrc, W2s, c2):
    return pl.pallas_call(
        _msg_body,
        grid=(NEB,),
        in_specs=[pl.BlockSpec((EB, HH), lambda i: (i, 0)),
                  pl.BlockSpec((EB, HH), lambda i: (i, 0)),
                  pl.BlockSpec((HH, HH * HH), lambda i: (0, 0)),
                  pl.BlockSpec((1, HH * HH), lambda i: (0, 0))],
        out_specs=[pl.BlockSpec((EB, HH), lambda i: (i, 0))],
        out_shape=[jax.ShapeDtypeStruct((E, HH), jnp.float32)],
    )(a, hsrc, W2s, c2)[0]


def _gru_math(agg, h, wih_ref, bih_ref, whh_ref, bhh_ref):
    gi = jnp.dot(agg, wih_ref[...],
                 preferred_element_type=jnp.float32) + bih_ref[...]
    gh = jnp.dot(h, whh_ref[...],
                 preferred_element_type=jnp.float32) + bhh_ref[...]
    r = jax.nn.sigmoid(gi[:, 0:HH] + gh[:, 0:HH])
    z = jax.nn.sigmoid(gi[:, HH:2 * HH] + gh[:, HH:2 * HH])
    nn = jnp.tanh(gi[:, 2 * HH:3 * HH] + r * gh[:, 2 * HH:3 * HH])
    return (1.0 - z) * nn + z * h


def _gru0_body(p0_ref, p1_ref, d0_ref, d1_ref, h_ref,
               wih_ref, bih_ref, whh_ref, bhh_ref, hn_ref, deg_ref):
    cnt = d0_ref[...][:N] + d1_ref[...][:N]
    deg = jnp.maximum(cnt, 1.0)
    agg = (p0_ref[...][:N] + p1_ref[...][:N]) / deg
    hn_ref[...] = _gru_math(agg, h_ref[...], wih_ref, bih_ref,
                            whh_ref, bhh_ref)
    deg_ref[...] = deg


def _gru0(p0, p1, d0, d1, h, wih, bih, whh, bhh):
    return pl.pallas_call(
        _gru0_body,
        out_shape=[jax.ShapeDtypeStruct((N, HH), jnp.float32),
                   jax.ShapeDtypeStruct((N, HH), jnp.float32)],
    )(p0, p1, d0, d1, h, wih, bih, whh, bhh)


def _gru1_body(p0_ref, p1_ref, deg_ref, h_ref,
               wih_ref, bih_ref, whh_ref, bhh_ref, hn_ref):
    agg = (p0_ref[...][:N] + p1_ref[...][:N]) / deg_ref[...]
    hn_ref[...] = _gru_math(agg, h_ref[...], wih_ref, bih_ref,
                            whh_ref, bhh_ref)


def _gru1(p0, p1, deg, h, wih, bih, whh, bhh):
    return pl.pallas_call(
        _gru1_body,
        out_shape=[jax.ShapeDtypeStruct((N, HH), jnp.float32)],
    )(p0, p1, deg, h, wih, bih, whh, bhh)[0]


def _set2set_body(h_ref, n2gc_ref, n2gr_ref, wih0_ref, wihr_ref, whh_ref,
                  bih_ref, bhh_ref, bng_ref, bnb_ref, c1w_ref, c1b_ref,
                  c2w_ref, c2b_ref, out_ref):
    h = h_ref[...]
    gcol = jax.lax.broadcasted_iota(jnp.int32, (1, G), 1)
    grow = jax.lax.broadcasted_iota(jnp.int32, (G, 1), 0)
    Pb = n2gc_ref[...] == gcol
    Pf = Pb.astype(jnp.float32)
    PTf = (grow == n2gr_ref[...]).astype(jnp.float32)

    q_star = jnp.zeros((G, 2 * HH), jnp.float32)
    hs = [jnp.zeros((G, HH), jnp.float32) for _ in range(4)]
    cs = [jnp.zeros((G, HH), jnp.float32) for _ in range(4)]
    for _ in range(6):
        inp = q_star
        for l in range(4):
            wih = wih0_ref[...] if l == 0 else wihr_ref[l - 1]
            gates = (jnp.dot(inp, wih, preferred_element_type=jnp.float32)
                     + bih_ref[l]
                     + jnp.dot(hs[l], whh_ref[l],
                               preferred_element_type=jnp.float32)
                     + bhh_ref[l])
            gi = gates[:, 0:HH]
            gf = gates[:, HH:2 * HH]
            gg = gates[:, 2 * HH:3 * HH]
            go = gates[:, 3 * HH:4 * HH]
            c = jax.nn.sigmoid(gf) * cs[l] + jax.nn.sigmoid(gi) * jnp.tanh(gg)
            hcur = jax.nn.sigmoid(go) * jnp.tanh(c)
            hs[l] = hcur
            cs[l] = c
            inp = hcur
        q = inp
        qn = jnp.dot(Pf, q, preferred_element_type=jnp.float32)
        e = jnp.sum(h * qn, axis=1, keepdims=True)
        eb = jnp.where(Pb, e, -3e38)
        emax = jnp.max(eb, axis=0, keepdims=True)
        emax_n = jnp.sum(Pf * emax, axis=1, keepdims=True)
        ee = jnp.exp(e - emax_n)
        denom = jnp.sum(Pf * ee, axis=0, keepdims=True)
        denom_n = jnp.sum(Pf * denom, axis=1, keepdims=True)
        alpha = ee / denom_n
        readout = jnp.dot(PTf, alpha * h, preferred_element_type=jnp.float32)
        q_star = jnp.concatenate([q, readout], axis=1)

    m = jnp.mean(q_star, axis=0, keepdims=True)
    v = jnp.mean((q_star - m) ** 2, axis=0, keepdims=True)
    qn_ = (q_star - m) / jnp.sqrt(v + EPS) * bng_ref[...] + bnb_ref[...]
    x1 = jnp.dot(qn_, c1w_ref[...],
                 preferred_element_type=jnp.float32) + c1b_ref[...]
    x1 = jnp.where(x1 >= 0, x1, 0.1 * x1)
    s = jnp.sum(x1 * c2w_ref[...], axis=1, keepdims=True) + c2b_ref[...]
    out_ref[...] = jnp.broadcast_to(jax.nn.sigmoid(s), (G, 128))


def _set2set(h, n2gc, n2gr, wih0, wihr, whh, bih, bhh,
             bng, bnb, c1w, c1b, c2w, c2b):
    return pl.pallas_call(
        _set2set_body,
        out_shape=[jax.ShapeDtypeStruct((G, 128), jnp.float32)],
    )(h, n2gc, n2gr, wih0, wihr, whh, bih, bhh, bng, bnb, c1w, c1b, c2w,
      c2b)[0]



def _sc_gather_body(h_hbm, src_hbm, out_hbm, idx_v, rows_v, sem):
    base = (lax.axis_index("s") * 2 + lax.axis_index("c")) * EPW
    pltpu.sync_copy(src_hbm.at[pl.ds(base, EPW)], idx_v)

    @pl.loop(0, NCH)
    def _fire(j):
        o = j * CH
        pltpu.make_async_copy(h_hbm.at[idx_v.at[pl.ds(o, CH)]],
                              rows_v.at[pl.ds(o, CH)], sem).start()

    pltpu.make_async_copy(h_hbm.at[idx_v.at[pl.ds(NCH * CH, TAIL)]],
                          rows_v.at[pl.ds(NCH * CH, TAIL)], sem).start()

    @pl.loop(0, NCH)
    def _drain(j):
        o = j * CH
        pltpu.make_async_copy(h_hbm.at[idx_v.at[pl.ds(o, CH)]],
                              rows_v.at[pl.ds(o, CH)], sem).wait()

    pltpu.make_async_copy(h_hbm.at[idx_v.at[pl.ds(NCH * CH, TAIL)]],
                          rows_v.at[pl.ds(NCH * CH, TAIL)], sem).wait()
    pltpu.sync_copy(rows_v, out_hbm.at[pl.ds(base, EPW)])


def _sc_scatter_common(msg_hbm, dstp_hbm, zeros_hbm, ones_hbm, shared, sharedd,
                       idx_v, val_v, ones_v, with_deg):
    cid = lax.axis_index("c")
    sid = lax.axis_index("s")
    wid = sid * 2 + cid
    base = wid * EPW
    pltpu.sync_copy(dstp_hbm.at[wid], idx_v)
    if with_deg:
        pltpu.sync_copy(ones_hbm, ones_v)
    zslice = pl.ds(sid * STRIPE, STRIPE)
    pltpu.sync_copy(zeros_hbm.at[zslice], shared.at[zslice])
    if with_deg:
        pltpu.sync_copy(zeros_hbm.at[zslice], sharedd.at[zslice])
    plsc.subcore_barrier()

    @pl.loop(0, NCH)
    def _chunk(j):
        pltpu.sync_copy(msg_hbm.at[pl.ds(base + j * CH, CH)], val_v)
        pltpu.sync_copy(val_v, shared.at[idx_v.at[j]], add=True)
        if with_deg:
            pltpu.sync_copy(ones_v, sharedd.at[idx_v.at[j]], add=True)

    pltpu.sync_copy(msg_hbm.at[pl.ds(base + NCH * CH, TAIL)],
                    val_v.at[pl.ds(0, TAIL)])
    pltpu.sync_copy(val_v, shared.at[idx_v.at[NCH]], add=True)
    if with_deg:
        pltpu.sync_copy(ones_v, sharedd.at[idx_v.at[NCH]], add=True)
    plsc.subcore_barrier()
    return cid, zslice


def _sc_scatter_deg_body(msg_hbm, dstp_hbm, zeros_hbm, ones_hbm, out_hbm,
                         deg_hbm, shared, sharedd, idx_v, val_v, ones_v,
                         stripe_v):
    cid, zslice = _sc_scatter_common(msg_hbm, dstp_hbm, zeros_hbm, ones_hbm,
                                     shared, sharedd, idx_v, val_v, ones_v,
                                     True)
    pltpu.sync_copy(shared.at[zslice], stripe_v)
    pltpu.sync_copy(stripe_v, out_hbm.at[cid, zslice])
    pltpu.sync_copy(sharedd.at[zslice], stripe_v)
    pltpu.sync_copy(stripe_v, deg_hbm.at[cid, zslice])


def _sc_scatter_body(msg_hbm, dstp_hbm, zeros_hbm, out_hbm,
                     shared, idx_v, val_v, stripe_v):
    cid, zslice = _sc_scatter_common(msg_hbm, dstp_hbm, zeros_hbm, None,
                                     shared, None, idx_v, val_v, None,
                                     False)
    pltpu.sync_copy(shared.at[zslice], stripe_v)
    pltpu.sync_copy(stripe_v, out_hbm.at[cid, zslice])


@functools.lru_cache(maxsize=1)
def _sc_kernels():
    mesh = plsc.VectorSubcoreMesh(core_axis_name="c", subcore_axis_name="s")
    params = pltpu.CompilerParams(use_tc_tiling_on_sc=False)
    gather = pl.kernel(
        _sc_gather_body, mesh=mesh, compiler_params=params,
        out_type=jax.ShapeDtypeStruct((E, HH), jnp.float32),
        scratch_types=[pltpu.VMEM((EPW,), jnp.int32),
                       pltpu.VMEM((EPW, HH), jnp.float32),
                       pltpu.SemaphoreType.DMA],
    )
    scatter_deg = pl.kernel(
        _sc_scatter_deg_body, mesh=mesh, compiler_params=params,
        out_type=[jax.ShapeDtypeStruct((2, NPAD, HH), jnp.float32),
                  jax.ShapeDtypeStruct((2, NPAD, HH), jnp.float32)],
        scratch_types=[pltpu.VMEM_SHARED((NPAD, HH), jnp.float32),
                       pltpu.VMEM_SHARED((NPAD, HH), jnp.float32),
                       pltpu.VMEM((NCH + 1, CH), jnp.int32),
                       pltpu.VMEM((CH, HH), jnp.float32),
                       pltpu.VMEM((CH, HH), jnp.float32),
                       pltpu.VMEM((STRIPE, HH), jnp.float32)],
    )
    scatter = pl.kernel(
        _sc_scatter_body, mesh=mesh, compiler_params=params,
        out_type=jax.ShapeDtypeStruct((2, NPAD, HH), jnp.float32),
        scratch_types=[pltpu.VMEM_SHARED((NPAD, HH), jnp.float32),
                       pltpu.VMEM((NCH + 1, CH), jnp.int32),
                       pltpu.VMEM((CH, HH), jnp.float32),
                       pltpu.VMEM((STRIPE, HH), jnp.float32)],
    )
    return gather, scatter_deg, scatter


def _sc_gather(h, src):
    return _sc_kernels()[0](h, src)


def _sc_scatter_deg(msg, dstp, zeros_pad, ones_ch):
    return _sc_kernels()[1](msg, dstp, zeros_pad, ones_ch)


def _sc_scatter(msg, dstp, zeros_pad):
    return _sc_kernels()[2](msg, dstp, zeros_pad)



def kernel(x_node, x_edge, edge_index, node2graph, params):
    p = params
    fE = float(E)
    fN = float(N)

    s_n, sq_n = _node_stats(x_node)
    mu_n = s_n[0] / fN
    var_n = sq_n[0] / fN - mu_n * mu_n
    sn = p['bn_n_g'] / jnp.sqrt(var_n + EPS)
    Wn = sn[:, None] * p['nemb_W'].T
    cn = ((p['bn_n_b'] - mu_n * sn) @ p['nemb_W'].T + p['nemb_b'])[None, :]
    hn = _node_embed(x_node, Wn, cn)

    S1, S2 = _edge_moments(x_edge)
    mu_e = S1[0] / fE
    Cov_e = S2 / fE - mu_e[:, None] * mu_e[None, :]
    var_e = jnp.diagonal(Cov_e)
    se = p['bn_e_g'] / jnp.sqrt(var_e + EPS)
    A0 = se[:, None] * p['eemb_W'].T
    c0 = (p['bn_e_b'] - mu_e * se) @ p['eemb_W'].T + p['eemb_b']
    A1 = A0 @ p['en1_W'].T
    c1 = c0 @ p['en1_W'].T + p['en1_b']
    mean1 = mu_e @ A1 + c1
    var1 = jnp.sum(A1 * (Cov_e @ A1), axis=0)
    s1 = p['enbn1_g'] / jnp.sqrt(var1 + EPS)
    A = A1 * s1[None, :]
    c = ((c1 - mean1) * s1 + p['enbn1_b'])[None, :]

    a, Sa, Saa = _edge_activations(x_edge, A, c)

    mu_a = Sa[0] / fE
    Cov_a = Saa / fE - mu_a[:, None] * mu_a[None, :]
    mean2 = mu_a @ p['en2_W'].T + p['en2_b']
    var2 = jnp.sum(p['en2_W'] * (p['en2_W'] @ Cov_a), axis=1)
    s2 = p['enbn2_g'] / jnp.sqrt(var2 + EPS)
    W2s = p['en2_W'].T * s2[None, :]
    c2 = ((p['en2_b'] - mean2) * s2 + p['enbn2_b'])[None, :]

    src = edge_index[0]
    dst = edge_index[1]
    dstp = jnp.pad(dst.reshape(NW, EPW), ((0, 0), (0, (NCH + 1) * CH - EPW)),
                   constant_values=DUMMY).reshape(NW, NCH + 1, CH)
    zeros_pad = jnp.zeros((NPAD, HH), jnp.float32)
    ones_ch = jnp.ones((CH, HH), jnp.float32)

    wihT = p['gru_Wih'].T
    whhT = p['gru_Whh'].T
    bih = p['gru_bih'][None, :]
    bhh = p['gru_bhh'][None, :]

    hsrc = _sc_gather(hn, src)
    msg = _messages(a, hsrc, W2s, c2)
    part, degp = _sc_scatter_deg(msg, dstp, zeros_pad, ones_ch)
    h, deg = _gru0(part[0], part[1], degp[0], degp[1], hn,
                   wihT, bih, whhT, bhh)

    hsrc = _sc_gather(h, src)
    msg = _messages(a, hsrc, W2s, c2)
    part = _sc_scatter(msg, dstp, zeros_pad)
    h = _gru1(part[0], part[1], deg, h, wihT, bih, whhT, bhh)

    out = _set2set(
        h,
        node2graph[:, None],
        node2graph[None, :],
        p['lstm_Wih0'].T,
        jnp.transpose(p['lstm_Wih_rest'], (0, 2, 1)),
        jnp.transpose(p['lstm_Whh'], (0, 2, 1)),
        p['lstm_bih'][:, None, :],
        p['lstm_bhh'][:, None, :],
        p['bn_o_g'][None, :],
        p['bn_o_b'][None, :],
        p['c1_W'].T,
        p['c1_b'][None, :],
        p['c2_W'],
        p['c2_b'][None, :],
    )
    return out[:, :1]

# --- scband reference (transcript-rebuilt; emitter-appended) ---
"""Pipeline reference for scband-discriminator-29437705846955 (READ-ONLY COPY).

The authoritative reference and input builder live on the scoring server;
editing this copy changes nothing except your own understanding.
"""

import jax, jax.numpy as jnp
import numpy as np

N_NODES = 10000
N_EDGES = 160000
N_GRAPHS = 64
N_ATOM = 128
N_BOND = 16
H = 16
EH = 16
MP_LAYERS = 2
N_OUT = 1

def _bn(x, g, b, eps=1e-5):
    m = x.mean(0)
    v = x.var(0)
    return (x - m) / jnp.sqrt(v + eps) * g + b

def _lin(x, W, b):
    return x @ W.T + b

def _make_params(key):
    it = iter(list(jax.random.split(key, 40)))
    def w(*s):
        return 0.1 * jax.random.normal(next(it), s, jnp.float32)
    p = {}
    p['bn_n_g'] = jnp.ones((N_ATOM,), jnp.float32)
    p['bn_n_b'] = jnp.zeros((N_ATOM,), jnp.float32)
    p['nemb_W'] = w(H, N_ATOM)
    p['nemb_b'] = w(H)
    p['bn_e_g'] = jnp.ones((N_BOND,), jnp.float32)
    p['bn_e_b'] = jnp.zeros((N_BOND,), jnp.float32)
    p['eemb_W'] = w(EH, N_BOND)
    p['eemb_b'] = w(EH)
    p['en1_W'] = w(EH, EH)
    p['en1_b'] = w(EH)
    p['enbn1_g'] = jnp.ones((EH,), jnp.float32)
    p['enbn1_b'] = jnp.zeros((EH,), jnp.float32)
    p['en2_W'] = w(H * H, EH)
    p['en2_b'] = w(H * H)
    p['enbn2_g'] = jnp.ones((H * H,), jnp.float32)
    p['enbn2_b'] = jnp.zeros((H * H,), jnp.float32)
    p['gru_Wih'] = w(3 * H, H)
    p['gru_Whh'] = w(3 * H, H)
    p['gru_bih'] = w(3 * H)
    p['gru_bhh'] = w(3 * H)
    p['lstm_Wih0'] = w(4 * H, 2 * H)
    p['lstm_Wih_rest'] = w(3, 4 * H, H)
    p['lstm_Whh'] = w(4, 4 * H, H)
    p['lstm_bih'] = w(4, 4 * H)
    p['lstm_bhh'] = w(4, 4 * H)
    p['bn_o_g'] = jnp.ones((2 * H,), jnp.float32)
    p['bn_o_b'] = jnp.zeros((2 * H,), jnp.float32)
    p['c1_W'] = w(H, 2 * H)
    p['c1_b'] = w(H)
    p['c2_W'] = w(N_OUT, H)
    p['c2_b'] = w(N_OUT)
    return p

def setup_inputs(seed: int = 0):
    key = jax.random.key(seed)
    k1, k2, k3, k4, k5 = jax.random.split(key, 5)
    return {
        'x_node': jax.random.normal(k1, (N_NODES, N_ATOM), jnp.float32),
        'x_edge': jax.random.normal(k2, (N_EDGES, N_BOND), jnp.float32),
        'edge_index': jax.random.randint(k3, (2, N_EDGES), 0, N_NODES, jnp.int32),
        'node2graph': jnp.sort(jax.random.randint(k4, (N_NODES,), 0, N_GRAPHS, jnp.int32)),
        'params': _make_params(k5),
    }

def _forward(x_node, x_edge, edge_index, node2graph, p):
    hn = _lin(_bn(x_node, p['bn_n_g'], p['bn_n_b']), p['nemb_W'], p['nemb_b'])
    he = _lin(_bn(x_edge, p['bn_e_g'], p['bn_e_b']), p['eemb_W'], p['eemb_b'])
    src = edge_index[0]
    dst = edge_index[1]
    deg = jax.ops.segment_sum(jnp.ones((N_EDGES,), jnp.float32), dst, num_segments=N_NODES)
    deg = jnp.maximum(deg, 1.0)
    h = hn
    h_gru = hn
    for _ in range(MP_LAYERS):
        ew = _lin(he, p['en1_W'], p['en1_b'])
        ew = _bn(ew, p['enbn1_g'], p['enbn1_b'])
        ew = jax.nn.leaky_relu(ew, negative_slope=0.8)
        ew = _lin(ew, p['en2_W'], p['en2_b'])
        ew = _bn(ew, p['enbn2_g'], p['enbn2_b'])
        W = ew.reshape(N_EDGES, H, H)
        hsrc = h[src]
        msg = jnp.einsum('ei,eio->eo', hsrc, W)
        agg = jax.ops.segment_sum(msg, dst, num_segments=N_NODES) / deg[:, None]
        gi = agg @ p['gru_Wih'].T + p['gru_bih']
        gh = h_gru @ p['gru_Whh'].T + p['gru_bhh']
        i_r, i_z, i_n = jnp.split(gi, 3, axis=-1)
        h_r, h_z, h_n = jnp.split(gh, 3, axis=-1)
        r = jax.nn.sigmoid(i_r + h_r)
        z = jax.nn.sigmoid(i_z + h_z)
        n = jnp.tanh(i_n + r * h_n)
        h_gru = (1.0 - z) * n + z * h_gru
        h = h_gru
    q_star = jnp.zeros((N_GRAPHS, 2 * H), jnp.float32)
    hs = jnp.zeros((4, N_GRAPHS, H), jnp.float32)
    cs = jnp.zeros((4, N_GRAPHS, H), jnp.float32)
    for _ in range(6):
        inp = q_star
        new_hs = []
        new_cs = []
        for l in range(4):
            Wih = p['lstm_Wih0'] if l == 0 else p['lstm_Wih_rest'][l - 1]
            gates = inp @ Wih.T + p['lstm_bih'][l] + hs[l] @ p['lstm_Whh'][l].T + p['lstm_bhh'][l]
            gi_, gf_, gg_, go_ = jnp.split(gates, 4, axis=-1)
            c = jax.nn.sigmoid(gf_) * cs[l] + jax.nn.sigmoid(gi_) * jnp.tanh(gg_)
            hcur = jax.nn.sigmoid(go_) * jnp.tanh(c)
            new_hs.append(hcur)
            new_cs.append(c)
            inp = hcur
        hs = jnp.stack(new_hs)
        cs = jnp.stack(new_cs)
        q = inp
        e = (h * q[node2graph]).sum(-1)
        emax = jax.ops.segment_max(e, node2graph, num_segments=N_GRAPHS)
        ee = jnp.exp(e - emax[node2graph])
        denom = jax.ops.segment_sum(ee, node2graph, num_segments=N_GRAPHS)
        alpha = ee / denom[node2graph]
        readout = jax.ops.segment_sum(alpha[:, None] * h, node2graph, num_segments=N_GRAPHS)
        q_star = jnp.concatenate([q, readout], axis=-1)
    out = _bn(q_star, p['bn_o_g'], p['bn_o_b'])
    out = _lin(out, p['c1_W'], p['c1_b'])
    out = jax.nn.leaky_relu(out, negative_slope=0.1)
    out = _lin(out, p['c2_W'], p['c2_b'])
    return jax.nn.sigmoid(out)

def reference(x_node, x_edge, edge_index, node2graph, params):
    return _forward(x_node, x_edge, edge_index, node2graph, params)

if __name__ == "__main__":
    import jax
    _d = setup_inputs()
    print(jax.jit(kernel)(*tuple(_d.values())))

</pallas_src>

<mosaic_0001>
#map = affine_map<(d0, d1) -> (0, 0)>
#map1 = affine_map<(d0, d1) -> (0)>
module attributes {stable_mosaic.version = 14 : i64} {
  func.func @_sc_gather_body(%arg0: i32, %arg1: i32, %arg2: memref<10000x16xf32, #tpu.memory_space<hbm>>, %arg3: memref<160000xi32, #tpu.memory_space<hbm>>, %arg4: memref<160000x16xf32, #tpu.memory_space<hbm>>, %arg5: memref<5000xi32, #tpu.memory_space<vmem>>, %arg6: memref<5000x16xf32, #tpu.memory_space<vmem>>, %arg7: memref<!tpu.dma_semaphore, #tpu.memory_space<semaphore_mem>>) attributes {dimension_semantics = [#tpu.dimension_semantics<core_parallel>, #tpu.dimension_semantics<subcore_parallel>], iteration_bounds = array<i64: 2, 16>, scalar_prefetch = 0 : i64, scratch_operands = 3 : i64, tpu.core_type = #tpu.core_type<sc_vector_subcore>, window_params = [{transform_indices = #map}, {transform_indices = #map1}, {transform_indices = #map}]} {
    %mul3A = arith.constant 2 : i32
    %mul3A_0 = arith.muli %arg1, %mul3A : i32
    %add3A = arith.addi %mul3A_0, %arg0 : i32
    %mul3A_1 = arith.constant 5000 : i32
    %mul3A_2 = arith.muli %add3A, %mul3A_1 : i32
    "tpu.region"() ({
      %run_scoped3A = tpu.sem_alloc : memref<!tpu.dma_semaphore, #tpu.memory_space<semaphore_mem>>
      %dma_start3A_26 = tpu.memref_slice %arg3[%mul3A_2] : memref<160000xi32, #tpu.memory_space<hbm>> -> memref<5000xi32, #tpu.memory_space<hbm>>
      %dma_start3A_27 = tpu.memref_slice %arg3[%mul3A_2] : memref<160000xi32, #tpu.memory_space<hbm>> -> memref<5000xi32, #tpu.memory_space<hbm>>
      tpu.enqueue_dma source(%dma_start3A_27 : memref<5000xi32, #tpu.memory_space<hbm>>) target(%arg5 : memref<5000xi32, #tpu.memory_space<vmem>>) target_semaphore(%run_scoped3A : memref<!tpu.dma_semaphore, #tpu.memory_space<semaphore_mem>>)
      %dma_wait3A_28 = tpu.memref_slice %arg3[%mul3A_2] : memref<160000xi32, #tpu.memory_space<hbm>> -> memref<5000xi32, #tpu.memory_space<hbm>>
      %dma_wait3A_29 = tpu.memref_slice %arg3[%mul3A_2] : memref<160000xi32, #tpu.memory_space<hbm>> -> memref<5000xi32, #tpu.memory_space<hbm>>
      tpu.wait_dma2 semaphore(%run_scoped3A : memref<!tpu.dma_semaphore, #tpu.memory_space<semaphore_mem>>) src(%dma_wait3A_29 : memref<5000xi32, #tpu.memory_space<hbm>>) dst(%arg5 : memref<5000xi32, #tpu.memory_space<vmem>>)
      tpu.yield
    }) : () -> ()
    %scan3A = arith.constant 0 : i32
    %scan3A_3 = arith.constant 39 : i32
    %scan3A_4 = arith.addi %scan3A, %scan3A_3 : i32
    %scan3A_5 = arith.constant 1 : i32
    scf.for %scan3A_26 = %scan3A to %scan3A_4 step %scan3A_5  : i32 {
      %mul3A_27 = arith.constant 1 : i32
      %mul3A_28 = arith.muli %scan3A_26, %mul3A_27 : i32
      %add3A_29 = arith.constant 0 : i32
      %add3A_30 = arith.addi %add3A_29, %mul3A_28 : i32
      %mul3A_31 = arith.constant 128 : i32
      %mul3A_32 = arith.muli %add3A_30, %mul3A_31 : i32
      %dma_start3A_33 = arith.constant 0 : i32
      %dma_start3A_34 = tpu.memref_slice %arg6[%mul3A_32, %dma_start3A_33] : memref<5000x16xf32, #tpu.memory_space<vmem>> -> memref<128x16xf32, #tpu.memory_space<vmem>>
      %dma_start3A_35 = tpu.memref_slice %arg5[%mul3A_32] : memref<5000xi32, #tpu.memory_space<vmem>> -> memref<128xi32, #tpu.memory_space<vmem>>
      %dma_start3A_36 = arith.constant 0 : i32
      %dma_start3A_37 = arith.constant 0 : i32
      %dma_start3A_38 = tpu.memref_slice %arg2[%dma_start3A_36, %dma_start3A_37] : memref<10000x16xf32, #tpu.memory_space<hbm>> -> memref<10000x16xf32, #tpu.memory_space<hbm>>
      tpu.enqueue_indirect_dma source(%dma_start3A_38 : memref<10000x16xf32, #tpu.memory_space<hbm>>) target(%dma_start3A_34 : memref<128x16xf32, #tpu.memory_space<vmem>>) offsets(%dma_start3A_35 : memref<128xi32, #tpu.memory_space<vmem>>) semaphore(%arg7 : memref<!tpu.dma_semaphore, #tpu.memory_space<semaphore_mem>>)
    }
    %scan3A_6 = arith.constant 39 : i32
    %dma_start3A = arith.constant 4992 : i32
    %dma_start3A_7 = arith.constant 0 : i32
    %dma_start3A_8 = tpu.memref_slice %arg6[%dma_start3A, %dma_start3A_7] : memref<5000x16xf32, #tpu.memory_space<vmem>> -> memref<8x16xf32, #tpu.memory_space<vmem>>
    %dma_start3A_9 = arith.constant 4992 : i32
    %dma_start3A_10 = tpu.memref_slice %arg5[%dma_start3A_9] : memref<5000xi32, #tpu.memory_space<vmem>> -> memref<8xi32, #tpu.memory_space<vmem>>
    %dma_start3A_11 = arith.constant 0 : i32
    %dma_start3A_12 = arith.constant 0 : i32
    %dma_start3A_13 = tpu.memref_slice %arg2[%dma_start3A_11, %dma_start3A_12] : memref<10000x16xf32, #tpu.memory_space<hbm>> -> memref<10000x16xf32, #tpu.memory_space<hbm>>
    tpu.enqueue_indirect_dma source(%dma_start3A_13 : memref<10000x16xf32, #tpu.memory_space<hbm>>) target(%dma_start3A_8 : memref<8x16xf32, #tpu.memory_space<vmem>>) offsets(%dma_start3A_10 : memref<8xi32, #tpu.memory_space<vmem>>) semaphore(%arg7 : memref<!tpu.dma_semaphore, #tpu.memory_space<semaphore_mem>>)
    %scan3A_14 = arith.constant 0 : i32
    %scan3A_15 = arith.constant 39 : i32
    %scan3A_16 = arith.addi %scan3A_14, %scan3A_15 : i32
    %scan3A_17 = arith.constant 1 : i32
    scf.for %scan3A_26 = %scan3A_14 to %scan3A_16 step %scan3A_17  : i32 {
      %mul3A_27 = arith.constant 1 : i32
      %mul3A_28 = arith.muli %scan3A_26, %mul3A_27 : i32
      %add3A_29 = arith.constant 0 : i32
      %add3A_30 = arith.addi %add3A_29, %mul3A_28 : i32
      %mul3A_31 = arith.constant 128 : i32
      %mul3A_32 = arith.muli %add3A_30, %mul3A_31 : i32
      %dma_wait3A_33 = arith.constant 0 : i32
      %dma_wait3A_34 = tpu.memref_slice %arg6[%mul3A_32, %dma_wait3A_33] : memref<5000x16xf32, #tpu.memory_space<vmem>> -> memref<128x16xf32, #tpu.memory_space<vmem>>
      %dma_wait3A_35 = tpu.memref_slice %arg5[%mul3A_32] : memref<5000xi32, #tpu.memory_space<vmem>> -> memref<128xi32, #tpu.memory_space<vmem>>
      %dma_wait3A_36 = arith.constant 0 : i32
      %dma_wait3A_37 = arith.constant 0 : i32
      %dma_wait3A_38 = tpu.memref_slice %arg2[%dma_wait3A_36, %dma_wait3A_37] : memref<10000x16xf32, #tpu.memory_space<hbm>> -> memref<10000x16xf32, #tpu.memory_space<hbm>>
      tpu.wait_indirect_dma semaphore(%arg7 : memref<!tpu.dma_semaphore, #tpu.memory_space<semaphore_mem>>) src(%dma_wait3A_38 : memref<10000x16xf32, #tpu.memory_space<hbm>>) dst(%dma_wait3A_34 : memref<128x16xf32, #tpu.memory_space<vmem>>)
    }
    %scan3A_18 = arith.constant 39 : i32
    %dma_wait3A = arith.constant 4992 : i32
    %dma_wait3A_19 = arith.constant 0 : i32
    %dma_wait3A_20 = tpu.memref_slice %arg6[%dma_wait3A, %dma_wait3A_19] : memref<5000x16xf32, #tpu.memory_space<vmem>> -> memref<8x16xf32, #tpu.memory_space<vmem>>
    %dma_wait3A_21 = arith.constant 4992 : i32
    %dma_wait3A_22 = tpu.memref_slice %arg5[%dma_wait3A_21] : memref<5000xi32, #tpu.memory_space<vmem>> -> memref<8xi32, #tpu.memory_space<vmem>>
    %dma_wait3A_23 = arith.constant 0 : i32
    %dma_wait3A_24 = arith.constant 0 : i32
    %dma_wait3A_25 = tpu.memref_slice %arg2[%dma_wait3A_23, %dma_wait3A_24] : memref<10000x16xf32, #tpu.memory_space<hbm>> -> memref<10000x16xf32, #tpu.memory_space<hbm>>
    tpu.wait_indirect_dma semaphore(%arg7 : memref<!tpu.dma_semaphore, #tpu.memory_space<semaphore_mem>>) src(%dma_wait3A_25 : memref<10000x16xf32, #tpu.memory_space<hbm>>) dst(%dma_wait3A_20 : memref<8x16xf32, #tpu.memory_space<vmem>>)
    "tpu.region"() ({
      %run_scoped3A = tpu.sem_alloc : memref<!tpu.dma_semaphore, #tpu.memory_space<semaphore_mem>>
      %dma_start3A_26 = arith.constant 0 : i32
      %dma_start3A_27 = tpu.memref_slice %arg4[%mul3A_2, %dma_start3A_26] : memref<160000x16xf32, #tpu.memory_space<hbm>> -> memref<5000x16xf32, #tpu.memory_space<hbm>>
      %dma_start3A_28 = arith.constant 0 : i32
      %dma_start3A_29 = tpu.memref_slice %arg4[%mul3A_2, %dma_start3A_28] : memref<160000x16xf32, #tpu.memory_space<hbm>> -> memref<5000x16xf32, #tpu.memory_space<hbm>>
      tpu.enqueue_dma source(%arg6 : memref<5000x16xf32, #tpu.memory_space<vmem>>) target(%dma_start3A_29 : memref<5000x16xf32, #tpu.memory_space<hbm>>) target_semaphore(%run_scoped3A : memref<!tpu.dma_semaphore, #tpu.memory_space<semaphore_mem>>)
      %dma_wait3A_30 = arith.constant 0 : i32
      %dma_wait3A_31 = tpu.memref_slice %arg4[%mul3A_2, %dma_wait3A_30] : memref<160000x16xf32, #tpu.memory_space<hbm>> -> memref<5000x16xf32, #tpu.memory_space<hbm>>
      %dma_wait3A_32 = arith.constant 0 : i32
      %dma_wait3A_33 = tpu.memref_slice %arg4[%mul3A_2, %dma_wait3A_32] : memref<160000x16xf32, #tpu.memory_space<hbm>> -> memref<5000x16xf32, #tpu.memory_space<hbm>>
      tpu.wait_dma2 semaphore(%run_scoped3A : memref<!tpu.dma_semaphore, #tpu.memory_space<semaphore_mem>>) src(%arg6 : memref<5000x16xf32, #tpu.memory_space<vmem>>) dst(%dma_wait3A_33 : memref<5000x16xf32, #tpu.memory_space<hbm>>)
      tpu.yield
    }) : () -> ()
    return
  }
}

#map = affine_map<(d0, d1) -> (0, 0)>
#map1 = affine_map<(d0, d1) -> (0, 0, 0)>
module attributes {stable_mosaic.version = 14 : i64} {
  func.func @_sc_scatter_body(%arg0: i32, %arg1: i32, %arg2: memref<160000x16xf32, #tpu.memory_space<hbm>>, %arg3: memref<32x40x128xi32, #tpu.memory_space<hbm>>, %arg4: memref<10016x16xf32, #tpu.memory_space<hbm>>, %arg5: memref<2x10016x16xf32, #tpu.memory_space<hbm>>, %arg6: memref<10016x16xf32, #tpu.memory_space<vmem_shared>>, %arg7: memref<40x128xi32, #tpu.memory_space<vmem>>, %arg8: memref<128x16xf32, #tpu.memory_space<vmem>>, %arg9: memref<626x16xf32, #tpu.memory_space<vmem>>) attributes {dimension_semantics = [#tpu.dimension_semantics<core_parallel>, #tpu.dimension_semantics<subcore_parallel>], iteration_bounds = array<i64: 2, 16>, scalar_prefetch = 0 : i64, scratch_operands = 4 : i64, tpu.core_type = #tpu.core_type<sc_vector_subcore>, window_params = [{transform_indices = #map}, {transform_indices = #map1}, {transform_indices = #map}, {transform_indices = #map1}]} {
    %mul3A = arith.constant 2 : i32
    %mul3A_0 = arith.muli %arg1, %mul3A : i32
    %add3A = arith.addi %mul3A_0, %arg0 : i32
    %mul3A_1 = arith.constant 5000 : i32
    %mul3A_2 = arith.muli %add3A, %mul3A_1 : i32
    "tpu.region"() ({
      %run_scoped3A_12 = tpu.sem_alloc : memref<!tpu.dma_semaphore, #tpu.memory_space<semaphore_mem>>
      %dma_start3A = arith.constant 0 : i32
      %dma_start3A_13 = arith.constant 0 : i32
      %dma_start3A_14 = tpu.memref_slice %arg3[%add3A, %dma_start3A, %dma_start3A_13] : memref<32x40x128xi32, #tpu.memory_space<hbm>> -> memref<1x40x128xi32, #tpu.memory_space<hbm>>
      %dma_start3A_15 = tpu.memref_squeeze %dma_start3A_14 : memref<1x40x128xi32, #tpu.memory_space<hbm>> -> memref<40x128xi32, #tpu.memory_space<hbm>>
      %dma_start3A_16 = arith.constant 0 : i32
      %dma_start3A_17 = arith.constant 0 : i32
      %dma_start3A_18 = tpu.memref_slice %arg3[%add3A, %dma_start3A_16, %dma_start3A_17] : memref<32x40x128xi32, #tpu.memory_space<hbm>> -> memref<1x40x128xi32, #tpu.memory_space<hbm>>
      %dma_start3A_19 = tpu.memref_squeeze %dma_start3A_18 : memref<1x40x128xi32, #tpu.memory_space<hbm>> -> memref<40x128xi32, #tpu.memory_space<hbm>>
      tpu.enqueue_dma source(%dma_start3A_19 : memref<40x128xi32, #tpu.memory_space<hbm>>) target(%arg7 : memref<40x128xi32, #tpu.memory_space<vmem>>) target_semaphore(%run_scoped3A_12 : memref<!tpu.dma_semaphore, #tpu.memory_space<semaphore_mem>>)
      %dma_wait3A = arith.constant 0 : i32
      %dma_wait3A_20 = arith.constant 0 : i32
      %dma_wait3A_21 = tpu.memref_slice %arg3[%add3A, %dma_wait3A, %dma_wait3A_20] : memref<32x40x128xi32, #tpu.memory_space<hbm>> -> memref<1x40x128xi32, #tpu.memory_space<hbm>>
      %dma_wait3A_22 = tpu.memref_squeeze %dma_wait3A_21 : memref<1x40x128xi32, #tpu.memory_space<hbm>> -> memref<40x128xi32, #tpu.memory_space<hbm>>
      %dma_wait3A_23 = arith.constant 0 : i32
      %dma_wait3A_24 = arith.constant 0 : i32
      %dma_wait3A_25 = tpu.memref_slice %arg3[%add3A, %dma_wait3A_23, %dma_wait3A_24] : memref<32x40x128xi32, #tpu.memory_space<hbm>> -> memref<1x40x128xi32, #tpu.memory_space<hbm>>
      %dma_wait3A_26 = tpu.memref_squeeze %dma_wait3A_25 : memref<1x40x128xi32, #tpu.memory_space<hbm>> -> memref<40x128xi32, #tpu.memory_space<hbm>>
      tpu.wait_dma2 semaphore(%run_scoped3A_12 : memref<!tpu.dma_semaphore, #tpu.memory_space<semaphore_mem>>) src(%dma_wait3A_26 : memref<40x128xi32, #tpu.memory_space<hbm>>) dst(%arg7 : memref<40x128xi32, #tpu.memory_space<vmem>>)
      tpu.yield
    }) : () -> ()
    %mul3A_3 = arith.constant 626 : i32
    %mul3A_4 = arith.muli %arg1, %mul3A_3 : i32
    "tpu.region"() ({
      %run_scoped3A_12 = tpu.sem_alloc : memref<!tpu.dma_semaphore, #tpu.memory_space<semaphore_mem>>
      %dma_start3A = arith.constant 0 : i32
      %dma_start3A_13 = tpu.memref_slice %arg6[%mul3A_4, %dma_start3A] : memref<10016x16xf32, #tpu.memory_space<vmem_shared>> -> memref<626x16xf32, #tpu.memory_space<vmem_shared>>
      %dma_start3A_14 = arith.constant 0 : i32
      %dma_start3A_15 = tpu.memref_slice %arg4[%mul3A_4, %dma_start3A_14] : memref<10016x16xf32, #tpu.memory_space<hbm>> -> memref<626x16xf32, #tpu.memory_space<hbm>>
      tpu.enqueue_dma source(%dma_start3A_15 : memref<626x16xf32, #tpu.memory_space<hbm>>) target(%dma_start3A_13 : memref<626x16xf32, #tpu.memory_space<vmem_shared>>) target_semaphore(%run_scoped3A_12 : memref<!tpu.dma_semaphore, #tpu.memory_space<semaphore_mem>>)
      %dma_wait3A = arith.constant 0 : i32
      %dma_wait3A_16 = tpu.memref_slice %arg6[%mul3A_4, %dma_wait3A] : memref<10016x16xf32, #tpu.memory_space<vmem_shared>> -> memref<626x16xf32, #tpu.memory_space<vmem_shared>>
      %dma_wait3A_17 = arith.constant 0 : i32
      %dma_wait3A_18 = tpu.memref_slice %arg4[%mul3A_4, %dma_wait3A_17] : memref<10016x16xf32, #tpu.memory_space<hbm>> -> memref<626x16xf32, #tpu.memory_space<hbm>>
      tpu.wait_dma2 semaphore(%run_scoped3A_12 : memref<!tpu.dma_semaphore, #tpu.memory_space<semaphore_mem>>) src(%dma_wait3A_18 : memref<626x16xf32, #tpu.memory_space<hbm>>) dst(%dma_wait3A_16 : memref<626x16xf32, #tpu.memory_space<vmem_shared>>)
      tpu.yield
    }) : () -> ()
    %barrier3A = arith.constant 0 : index
    tpu.barrier barrier_id(%barrier3A)
    %scan3A = arith.constant 0 : i32
    %scan3A_5 = arith.constant 39 : i32
    %scan3A_6 = arith.addi %scan3A, %scan3A_5 : i32
    %scan3A_7 = arith.constant 1 : i32
    scf.for %scan3A_12 = %scan3A to %scan3A_6 step %scan3A_7  : i32 {
      %mul3A_13 = arith.constant 1 : i32
      %mul3A_14 = arith.muli %scan3A_12, %mul3A_13 : i32
      %add3A_15 = arith.constant 0 : i32
      %add3A_16 = arith.addi %add3A_15, %mul3A_14 : i32
      %mul3A_17 = arith.constant 128 : i32
      %mul3A_18 = arith.muli %add3A_16, %mul3A_17 : i32
      %add3A_19 = arith.addi %mul3A_2, %mul3A_18 : i32
      "tpu.region"() ({
        %run_scoped3A_20 = tpu.sem_alloc : memref<!tpu.dma_semaphore, #tpu.memory_space<semaphore_mem>>
        %dma_start3A = arith.constant 0 : i32
        %dma_start3A_21 = tpu.memref_slice %arg2[%add3A_19, %dma_start3A] : memref<160000x16xf32, #tpu.memory_space<hbm>> -> memref<128x16xf32, #tpu.memory_space<hbm>>
        %dma_start3A_22 = arith.constant 0 : i32
        %dma_start3A_23 = tpu.memref_slice %arg2[%add3A_19, %dma_start3A_22] : memref<160000x16xf32, #tpu.memory_space<hbm>> -> memref<128x16xf32, #tpu.memory_space<hbm>>
        tpu.enqueue_dma source(%dma_start3A_23 : memref<128x16xf32, #tpu.memory_space<hbm>>) target(%arg8 : memref<128x16xf32, #tpu.memory_space<vmem>>) target_semaphore(%run_scoped3A_20 : memref<!tpu.dma_semaphore, #tpu.memory_space<semaphore_mem>>)
        %dma_wait3A = arith.constant 0 : i32
        %dma_wait3A_24 = tpu.memref_slice %arg2[%add3A_19, %dma_wait3A] : memref<160000x16xf32, #tpu.memory_space<hbm>> -> memref<128x16xf32, #tpu.memory_space<hbm>>
        %dma_wait3A_25 = arith.constant 0 : i32
        %dma_wait3A_26 = tpu.memref_slice %arg2[%add3A_19, %dma_wait3A_25] : memref<160000x16xf32, #tpu.memory_space<hbm>> -> memref<128x16xf32, #tpu.memory_space<hbm>>
        tpu.wait_dma2 semaphore(%run_scoped3A_20 : memref<!tpu.dma_semaphore, #tpu.memory_space<semaphore_mem>>) src(%dma_wait3A_26 : memref<128x16xf32, #tpu.memory_space<hbm>>) dst(%arg8 : memref<128x16xf32, #tpu.memory_space<vmem>>)
        tpu.yield
      }) : () -> ()
      "tpu.region"() ({
        %run_scoped3A_20 = tpu.sem_alloc : memref<!tpu.dma_semaphore, #tpu.memory_space<semaphore_mem>>
        %dma_start3A = arith.constant 0 : i32
        %dma_start3A_21 = tpu.memref_slice %arg7[%add3A_16, %dma_start3A] : memref<40x128xi32, #tpu.memory_space<vmem>> -> memref<1x128xi32, #tpu.memory_space<vmem>>
        %dma_start3A_22 = tpu.memref_squeeze %dma_start3A_21 : memref<1x128xi32, #tpu.memory_space<vmem>> -> memref<128xi32, #tpu.memory_space<vmem>>
        %dma_start3A_23 = arith.constant 0 : i32
        %dma_start3A_24 = arith.constant 0 : i32
        %dma_start3A_25 = tpu.memref_slice %arg6[%dma_start3A_23, %dma_start3A_24] : memref<10016x16xf32, #tpu.memory_space<vmem_shared>> -> memref<10016x16xf32, #tpu.memory_space<vmem_shared>>
        tpu.enqueue_indirect_dma source(%arg8 : memref<128x16xf32, #tpu.memory_space<vmem>>) target(%dma_start3A_25 : memref<10016x16xf32, #tpu.memory_space<vmem_shared>>) offsets(%dma_start3A_22 : memref<128xi32, #tpu.memory_space<vmem>>) semaphore(%run_scoped3A_20 : memref<!tpu.dma_semaphore, #tpu.memory_space<semaphore_mem>>) {add = true}
        %dma_wait3A = arith.constant 0 : i32
        %dma_wait3A_26 = tpu.memref_slice %arg7[%add3A_16, %dma_wait3A] : memref<40x128xi32, #tpu.memory_space<vmem>> -> memref<1x128xi32, #tpu.memory_space<vmem>>
        %dma_wait3A_27 = tpu.memref_squeeze %dma_wait3A_26 : memref<1x128xi32, #tpu.memory_space<vmem>> -> memref<128xi32, #tpu.memory_space<vmem>>
        %dma_wait3A_28 = arith.constant 0 : i32
        %dma_wait3A_29 = arith.constant 0 : i32
        %dma_wait3A_30 = tpu.memref_slice %arg6[%dma_wait3A_28, %dma_wait3A_29] : memref<10016x16xf32, #tpu.memory_space<vmem_shared>> -> memref<10016x16xf32, #tpu.memory_space<vmem_shared>>
        tpu.wait_indirect_dma semaphore(%run_scoped3A_20 : memref<!tpu.dma_semaphore, #tpu.memory_space<semaphore_mem>>) src(%arg8 : memref<128x16xf32, #tpu.memory_space<vmem>>) dst(%dma_wait3A_30 : memref<10016x16xf32, #tpu.memory_space<vmem_shared>>)
        tpu.yield
      }) : () -> ()
    }
    %scan3A_8 = arith.constant 39 : i32
    %add3A_9 = arith.constant 4992 : i32
    %add3A_10 = arith.addi %mul3A_2, %add3A_9 : i32
    "tpu.region"() ({
      %run_scoped3A_12 = tpu.sem_alloc : memref<!tpu.dma_semaphore, #tpu.memory_space<semaphore_mem>>
      %dma_start3A = arith.constant 0 : i32
      %dma_start3A_13 = arith.constant 0 : i32
      %dma_start3A_14 = tpu.memref_slice %arg8[%dma_start3A, %dma_start3A_13] : memref<128x16xf32, #tpu.memory_space<vmem>> -> memref<8x16xf32, #tpu.memory_space<vmem>>
      %dma_start3A_15 = arith.constant 0 : i32
      %dma_start3A_16 = tpu.memref_slice %arg2[%add3A_10, %dma_start3A_15] : memref<160000x16xf32, #tpu.memory_space<hbm>> -> memref<8x16xf32, #tpu.memory_space<hbm>>
      %dma_start3A_17 = arith.constant 0 : i32
      %dma_start3A_18 = arith.constant 0 : i32
      %dma_start3A_19 = tpu.memref_slice %arg8[%dma_start3A_17, %dma_start3A_18] : memref<128x16xf32, #tpu.memory_space<vmem>> -> memref<8x16xf32, #tpu.memory_space<vmem>>
      %dma_start3A_20 = arith.constant 0 : i32
      %dma_start3A_21 = tpu.memref_slice %arg2[%add3A_10, %dma_start3A_20] : memref<160000x16xf32, #tpu.memory_space<hbm>> -> memref<8x16xf32, #tpu.memory_space<hbm>>
      tpu.enqueue_dma source(%dma_start3A_21 : memref<8x16xf32, #tpu.memory_space<hbm>>) target(%dma_start3A_19 : memref<8x16xf32, #tpu.memory_space<vmem>>) target_semaphore(%run_scoped3A_12 : memref<!tpu.dma_semaphore, #tpu.memory_space<semaphore_mem>>)
      %dma_wait3A = arith.constant 0 : i32
      %dma_wait3A_22 = arith.constant 0 : i32
      %dma_wait3A_23 = tpu.memref_slice %arg8[%dma_wait3A, %dma_wait3A_22] : memref<128x16xf32, #tpu.memory_space<vmem>> -> memref<8x16xf32, #tpu.memory_space<vmem>>
      %dma_wait3A_24 = arith.constant 0 : i32
      %dma_wait3A_25 = tpu.memref_slice %arg2[%add3A_10, %dma_wait3A_24] : memref<160000x16xf32, #tpu.memory_space<hbm>> -> memref<8x16xf32, #tpu.memory_space<hbm>>
      %dma_wait3A_26 = arith.constant 0 : i32
      %dma_wait3A_27 = arith.constant 0 : i32
      %dma_wait3A_28 = tpu.memref_slice %arg8[%dma_wait3A_26, %dma_wait3A_27] : memref<128x16xf32, #tpu.memory_space<vmem>> -> memref<8x16xf32, #tpu.memory_space<vmem>>
      %dma_wait3A_29 = arith.constant 0 : i32
      %dma_wait3A_30 = tpu.memref_slice %arg2[%add3A_10, %dma_wait3A_29] : memref<160000x16xf32, #tpu.memory_space<hbm>> -> memref<8x16xf32, #tpu.memory_space<hbm>>
      tpu.wait_dma2 semaphore(%run_scoped3A_12 : memref<!tpu.dma_semaphore, #tpu.memory_space<semaphore_mem>>) src(%dma_wait3A_30 : memref<8x16xf32, #tpu.memory_space<hbm>>) dst(%dma_wait3A_28 : memref<8x16xf32, #tpu.memory_space<vmem>>)
      tpu.yield
    }) : () -> ()
    %run_scoped3A = arith.constant 39 : i32
    "tpu.region"() ({
      %run_scoped3A_12 = tpu.sem_alloc : memref<!tpu.dma_semaphore, #tpu.memory_space<semaphore_mem>>
      %dma_start3A = arith.constant 0 : i32
      %dma_start3A_13 = tpu.memref_slice %arg7[%run_scoped3A, %dma_start3A] : memref<40x128xi32, #tpu.memory_space<vmem>> -> memref<1x128xi32, #tpu.memory_space<vmem>>
      %dma_start3A_14 = tpu.memref_squeeze %dma_start3A_13 : memref<1x128xi32, #tpu.memory_space<vmem>> -> memref<128xi32, #tpu.memory_space<vmem>>
      %dma_start3A_15 = arith.constant 0 : i32
      %dma_start3A_16 = arith.constant 0 : i32
      %dma_start3A_17 = tpu.memref_slice %arg6[%dma_start3A_15, %dma_start3A_16] : memref<10016x16xf32, #tpu.memory_space<vmem_shared>> -> memref<10016x16xf32, #tpu.memory_space<vmem_shared>>
      tpu.enqueue_indirect_dma source(%arg8 : memref<128x16xf32, #tpu.memory_space<vmem>>) target(%dma_start3A_17 : memref<10016x16xf32, #tpu.memory_space<vmem_shared>>) offsets(%dma_start3A_14 : memref<128xi32, #tpu.memory_space<vmem>>) semaphore(%run_scoped3A_12 : memref<!tpu.dma_semaphore, #tpu.memory_space<semaphore_mem>>) {add = true}
      %dma_wait3A = arith.constant 0 : i32
      %dma_wait3A_18 = tpu.memref_slice %arg7[%run_scoped3A, %dma_wait3A] : memref<40x128xi32, #tpu.memory_space<vmem>> -> memref<1x128xi32, #tpu.memory_space<vmem>>
      %dma_wait3A_19 = tpu.memref_squeeze %dma_wait3A_18 : memref<1x128xi32, #tpu.memory_space<vmem>> -> memref<128xi32, #tpu.memory_space<vmem>>
      %dma_wait3A_20 = arith.constant 0 : i32
      %dma_wait3A_21 = arith.constant 0 : i32
      %dma_wait3A_22 = tpu.memref_slice %arg6[%dma_wait3A_20, %dma_wait3A_21] : memref<10016x16xf32, #tpu.memory_space<vmem_shared>> -> memref<10016x16xf32, #tpu.memory_space<vmem_shared>>
      tpu.wait_indirect_dma semaphore(%run_scoped3A_12 : memref<!tpu.dma_semaphore, #tpu.memory_space<semaphore_mem>>) src(%arg8 : memref<128x16xf32, #tpu.memory_space<vmem>>) dst(%dma_wait3A_22 : memref<10016x16xf32, #tpu.memory_space<vmem_shared>>)
      tpu.yield
    }) : () -> ()
    %barrier3A_11 = arith.constant 0 : index
    tpu.barrier barrier_id(%barrier3A_11)
    "tpu.region"() ({
      %run_scoped3A_12 = tpu.sem_alloc : memref<!tpu.dma_semaphore, #tpu.memory_space<semaphore_mem>>
      %dma_start3A = arith.constant 0 : i32
      %dma_start3A_13 = tpu.memref_slice %arg6[%mul3A_4, %dma_start3A] : memref<10016x16xf32, #tpu.memory_space<vmem_shared>> -> memref<626x16xf32, #tpu.memory_space<vmem_shared>>
      %dma_start3A_14 = arith.constant 0 : i32
      %dma_start3A_15 = tpu.memref_slice %arg6[%mul3A_4, %dma_start3A_14] : memref<10016x16xf32, #tpu.memory_space<vmem_shared>> -> memref<626x16xf32, #tpu.memory_space<vmem_shared>>
      tpu.enqueue_dma source(%dma_start3A_15 : memref<626x16xf32, #tpu.memory_space<vmem_shared>>) target(%arg9 : memref<626x16xf32, #tpu.memory_space<vmem>>) target_semaphore(%run_scoped3A_12 : memref<!tpu.dma_semaphore, #tpu.memory_space<semaphore_mem>>)
      %dma_wait3A = arith.constant 0 : i32
      %dma_wait3A_16 = tpu.memref_slice %arg6[%mul3A_4, %dma_wait3A] : memref<10016x16xf32, #tpu.memory_space<vmem_shared>> -> memref<626x16xf32, #tpu.memory_space<vmem_shared>>
      %dma_wait3A_17 = arith.constant 0 : i32
      %dma_wait3A_18 = tpu.memref_slice %arg6[%mul3A_4, %dma_wait3A_17] : memref<10016x16xf32, #tpu.memory_space<vmem_shared>> -> memref<626x16xf32, #tpu.memory_space<vmem_shared>>
      tpu.wait_dma2 semaphore(%run_scoped3A_12 : memref<!tpu.dma_semaphore, #tpu.memory_space<semaphore_mem>>) src(%dma_wait3A_18 : memref<626x16xf32, #tpu.memory_space<vmem_shared>>) dst(%arg9 : memref<626x16xf32, #tpu.memory_space<vmem>>)
      tpu.yield
    }) : () -> ()
    "tpu.region"() ({
      %run_scoped3A_12 = tpu.sem_alloc : memref<!tpu.dma_semaphore, #tpu.memory_space<semaphore_mem>>
      %dma_start3A = arith.constant 0 : i32
      %dma_start3A_13 = tpu.memref_slice %arg5[%arg0, %mul3A_4, %dma_start3A] : memref<2x10016x16xf32, #tpu.memory_space<hbm>> -> memref<1x626x16xf32, #tpu.memory_space<hbm>>
      %dma_start3A_14 = tpu.memref_squeeze %dma_start3A_13 : memref<1x626x16xf32, #tpu.memory_space<hbm>> -> memref<626x16xf32, #tpu.memory_space<hbm>>
      %dma_start3A_15 = arith.constant 0 : i32
      %dma_start3A_16 = tpu.memref_slice %arg5[%arg0, %mul3A_4, %dma_start3A_15] : memref<2x10016x16xf32, #tpu.memory_space<hbm>> -> memref<1x626x16xf32, #tpu.memory_space<hbm>>
      %dma_start3A_17 = tpu.memref_squeeze %dma_start3A_16 : memref<1x626x16xf32, #tpu.memory_space<hbm>> -> memref<626x16xf32, #tpu.memory_space<hbm>>
      tpu.enqueue_dma source(%arg9 : memref<626x16xf32, #tpu.memory_space<vmem>>) target(%dma_start3A_17 : memref<626x16xf32, #tpu.memory_space<hbm>>) target_semaphore(%run_scoped3A_12 : memref<!tpu.dma_semaphore, #tpu.memory_space<semaphore_mem>>)
      %dma_wait3A = arith.constant 0 : i32
      %dma_wait3A_18 = tpu.memref_slice %arg5[%arg0, %mul3A_4, %dma_wait3A] : memref<2x10016x16xf32, #tpu.memory_space<hbm>> -> memref<1x626x16xf32, #tpu.memory_space<hbm>>
      %dma_wait3A_19 = tpu.memref_squeeze %dma_wait3A_18 : memref<1x626x16xf32, #tpu.memory_space<hbm>> -> memref<626x16xf32, #tpu.memory_space<hbm>>
      %dma_wait3A_20 = arith.constant 0 : i32
      %dma_wait3A_21 = tpu.memref_slice %arg5[%arg0, %mul3A_4, %dma_wait3A_20] : memref<2x10016x16xf32, #tpu.memory_space<hbm>> -> memref<1x626x16xf32, #tpu.memory_space<hbm>>
      %dma_wait3A_22 = tpu.memref_squeeze %dma_wait3A_21 : memref<1x626x16xf32, #tpu.memory_space<hbm>> -> memref<626x16xf32, #tpu.memory_space<hbm>>
      tpu.wait_dma2 semaphore(%run_scoped3A_12 : memref<!tpu.dma_semaphore, #tpu.memory_space<semaphore_mem>>) src(%arg9 : memref<626x16xf32, #tpu.memory_space<vmem>>) dst(%dma_wait3A_22 : memref<626x16xf32, #tpu.memory_space<hbm>>)
      tpu.yield
    }) : () -> ()
    return
  }
}

#map = affine_map<(d0, d1) -> (0, 0)>
#map1 = affine_map<(d0, d1) -> (0, 0, 0)>
module attributes {stable_mosaic.version = 14 : i64} {
  func.func @_sc_scatter_deg_body(%arg0: i32, %arg1: i32, %arg2: memref<160000x16xf32, #tpu.memory_space<hbm>>, %arg3: memref<32x40x128xi32, #tpu.memory_space<hbm>>, %arg4: memref<10016x16xf32, #tpu.memory_space<hbm>>, %arg5: memref<128x16xf32, #tpu.memory_space<hbm>>, %arg6: memref<2x10016x16xf32, #tpu.memory_space<hbm>>, %arg7: memref<2x10016x16xf32, #tpu.memory_space<hbm>>, %arg8: memref<10016x16xf32, #tpu.memory_space<vmem_shared>>, %arg9: memref<10016x16xf32, #tpu.memory_space<vmem_shared>>, %arg10: memref<40x128xi32, #tpu.memory_space<vmem>>, %arg11: memref<128x16xf32, #tpu.memory_space<vmem>>, %arg12: memref<128x16xf32, #tpu.memory_space<vmem>>, %arg13: memref<626x16xf32, #tpu.memory_space<vmem>>) attributes {dimension_semantics = [#tpu.dimension_semantics<core_parallel>, #tpu.dimension_semantics<subcore_parallel>], iteration_bounds = array<i64: 2, 16>, scalar_prefetch = 0 : i64, scratch_operands = 6 : i64, tpu.core_type = #tpu.core_type<sc_vector_subcore>, window_params = [{transform_indices = #map}, {transform_indices = #map1}, {transform_indices = #map}, {transform_indices = #map}, {transform_indices = #map1}, {transform_indices = #map1}]} {
    %mul3A = arith.constant 2 : i32
    %mul3A_0 = arith.muli %arg1, %mul3A : i32
    %add3A = arith.addi %mul3A_0, %arg0 : i32
    %mul3A_1 = arith.constant 5000 : i32
    %mul3A_2 = arith.muli %add3A, %mul3A_1 : i32
    "tpu.region"() ({
      %run_scoped3A_13 = tpu.sem_alloc : memref<!tpu.dma_semaphore, #tpu.memory_space<semaphore_mem>>
      %dma_start3A = arith.constant 0 : i32
      %dma_start3A_14 = arith.constant 0 : i32
      %dma_start3A_15 = tpu.memref_slice %arg3[%add3A, %dma_start3A, %dma_start3A_14] : memref<32x40x128xi32, #tpu.memory_space<hbm>> -> memref<1x40x128xi32, #tpu.memory_space<hbm>>
      %dma_start3A_16 = tpu.memref_squeeze %dma_start3A_15 : memref<1x40x128xi32, #tpu.memory_space<hbm>> -> memref<40x128xi32, #tpu.memory_space<hbm>>
      %dma_start3A_17 = arith.constant 0 : i32
      %dma_start3A_18 = arith.constant 0 : i32
      %dma_start3A_19 = tpu.memref_slice %arg3[%add3A, %dma_start3A_17, %dma_start3A_18] : memref<32x40x128xi32, #tpu.memory_space<hbm>> -> memref<1x40x128xi32, #tpu.memory_space<hbm>>
      %dma_start3A_20 = tpu.memref_squeeze %dma_start3A_19 : memref<1x40x128xi32, #tpu.memory_space<hbm>> -> memref<40x128xi32, #tpu.memory_space<hbm>>
      tpu.enqueue_dma source(%dma_start3A_20 : memref<40x128xi32, #tpu.memory_space<hbm>>) target(%arg10 : memref<40x128xi32, #tpu.memory_space<vmem>>) target_semaphore(%run_scoped3A_13 : memref<!tpu.dma_semaphore, #tpu.memory_space<semaphore_mem>>)
      %dma_wait3A = arith.constant 0 : i32
      %dma_wait3A_21 = arith.constant 0 : i32
      %dma_wait3A_22 = tpu.memref_slice %arg3[%add3A, %dma_wait3A, %dma_wait3A_21] : memref<32x40x128xi32, #tpu.memory_space<hbm>> -> memref<1x40x128xi32, #tpu.memory_space<hbm>>
      %dma_wait3A_23 = tpu.memref_squeeze %dma_wait3A_22 : memref<1x40x128xi32, #tpu.memory_space<hbm>> -> memref<40x128xi32, #tpu.memory_space<hbm>>
      %dma_wait3A_24 = arith.constant 0 : i32
      %dma_wait3A_25 = arith.constant 0 : i32
      %dma_wait3A_26 = tpu.memref_slice %arg3[%add3A, %dma_wait3A_24, %dma_wait3A_25] : memref<32x40x128xi32, #tpu.memory_space<hbm>> -> memref<1x40x128xi32, #tpu.memory_space<hbm>>
      %dma_wait3A_27 = tpu.memref_squeeze %dma_wait3A_26 : memref<1x40x128xi32, #tpu.memory_space<hbm>> -> memref<40x128xi32, #tpu.memory_space<hbm>>
      tpu.wait_dma2 semaphore(%run_scoped3A_13 : memref<!tpu.dma_semaphore, #tpu.memory_space<semaphore_mem>>) src(%dma_wait3A_27 : memref<40x128xi32, #tpu.memory_space<hbm>>) dst(%arg10 : memref<40x128xi32, #tpu.memory_space<vmem>>)
      tpu.yield
    }) : () -> ()
    "tpu.region"() ({
      %run_scoped3A_13 = tpu.sem_alloc : memref<!tpu.dma_semaphore, #tpu.memory_space<semaphore_mem>>
      tpu.enqueue_dma source(%arg5 : memref<128x16xf32, #tpu.memory_space<hbm>>) target(%arg12 : memref<128x16xf32, #tpu.memory_space<vmem>>) target_semaphore(%run_scoped3A_13 : memref<!tpu.dma_semaphore, #tpu.memory_space<semaphore_mem>>)
      tpu.wait_dma2 semaphore(%run_scoped3A_13 : memref<!tpu.dma_semaphore, #tpu.memory_space<semaphore_mem>>) src(%arg5 : memref<128x16xf32, #tpu.memory_space<hbm>>) dst(%arg12 : memref<128x16xf32, #tpu.memory_space<vmem>>)
      tpu.yield
    }) : () -> ()
    %mul3A_3 = arith.constant 626 : i32
    %mul3A_4 = arith.muli %arg1, %mul3A_3 : i32
    "tpu.region"() ({
      %run_scoped3A_13 = tpu.sem_alloc : memref<!tpu.dma_semaphore, #tpu.memory_space<semaphore_mem>>
      %dma_start3A = arith.constant 0 : i32
      %dma_start3A_14 = tpu.memref_slice %arg8[%mul3A_4, %dma_start3A] : memref<10016x16xf32, #tpu.memory_space<vmem_shared>> -> memref<626x16xf32, #tpu.memory_space<vmem_shared>>
      %dma_start3A_15 = arith.constant 0 : i32
      %dma_start3A_16 = tpu.memref_slice %arg4[%mul3A_4, %dma_start3A_15] : memref<10016x16xf32, #tpu.memory_space<hbm>> -> memref<626x16xf32, #tpu.memory_space<hbm>>
      tpu.enqueue_dma source(%dma_start3A_16 : memref<626x16xf32, #tpu.memory_space<hbm>>) target(%dma_start3A_14 : memref<626x16xf32, #tpu.memory_space<vmem_shared>>) target_semaphore(%run_scoped3A_13 : memref<!tpu.dma_semaphore, #tpu.memory_space<semaphore_mem>>)
      %dma_wait3A = arith.constant 0 : i32
      %dma_wait3A_17 = tpu.memref_slice %arg8[%mul3A_4, %dma_wait3A] : memref<10016x16xf32, #tpu.memory_space<vmem_shared>> -> memref<626x16xf32, #tpu.memory_space<vmem_shared>>
      %dma_wait3A_18 = arith.constant 0 : i32
      %dma_wait3A_19 = tpu.memref_slice %arg4[%mul3A_4, %dma_wait3A_18] : memref<10016x16xf32, #tpu.memory_space<hbm>> -> memref<626x16xf32, #tpu.memory_space<hbm>>
      tpu.wait_dma2 semaphore(%run_scoped3A_13 : memref<!tpu.dma_semaphore, #tpu.memory_space<semaphore_mem>>) src(%dma_wait3A_19 : memref<626x16xf32, #tpu.memory_space<hbm>>) dst(%dma_wait3A_17 : memref<626x16xf32, #tpu.memory_space<vmem_shared>>)
      tpu.yield
    }) : () -> ()
    "tpu.region"() ({
      %run_scoped3A_13 = tpu.sem_alloc : memref<!tpu.dma_semaphore, #tpu.memory_space<semaphore_mem>>
      %dma_start3A = arith.constant 0 : i32
      %dma_start3A_14 = tpu.memref_slice %arg9[%mul3A_4, %dma_start3A] : memref<10016x16xf32, #tpu.memory_space<vmem_shared>> -> memref<626x16xf32, #tpu.memory_space<vmem_shared>>
      %dma_start3A_15 = arith.constant 0 : i32
      %dma_start3A_16 = tpu.memref_slice %arg4[%mul3A_4, %dma_start3A_15] : memref<10016x16xf32, #tpu.memory_space<hbm>> -> memref<626x16xf32, #tpu.memory_space<hbm>>
      tpu.enqueue_dma source(%dma_start3A_16 : memref<626x16xf32, #tpu.memory_space<hbm>>) target(%dma_start3A_14 : memref<626x16xf32, #tpu.memory_space<vmem_shared>>) target_semaphore(%run_scoped3A_13 : memref<!tpu.dma_semaphore, #tpu.memory_space<semaphore_mem>>)
      %dma_wait3A = arith.constant 0 : i32
      %dma_wait3A_17 = tpu.memref_slice %arg9[%mul3A_4, %dma_wait3A] : memref<10016x16xf32, #tpu.memory_space<vmem_shared>> -> memref<626x16xf32, #tpu.memory_space<vmem_shared>>
      %dma_wait3A_18 = arith.constant 0 : i32
      %dma_wait3A_19 = tpu.memref_slice %arg4[%mul3A_4, %dma_wait3A_18] : memref<10016x16xf32, #tpu.memory_space<hbm>> -> memref<626x16xf32, #tpu.memory_space<hbm>>
      tpu.wait_dma2 semaphore(%run_scoped3A_13 : memref<!tpu.dma_semaphore, #tpu.memory_space<semaphore_mem>>) src(%dma_wait3A_19 : memref<626x16xf32, #tpu.memory_space<hbm>>) dst(%dma_wait3A_17 : memref<626x16xf32, #tpu.memory_space<vmem_shared>>)
      tpu.yield
    }) : () -> ()
    %barrier3A = arith.constant 0 : index
    tpu.barrier barrier_id(%barrier3A)
    %scan3A = arith.constant 0 : i32
    %scan3A_5 = arith.constant 39 : i32
    %scan3A_6 = arith.addi %scan3A, %scan3A_5 : i32
    %scan3A_7 = arith.constant 1 : i32
    scf.for %scan3A_13 = %scan3A to %scan3A_6 step %scan3A_7  : i32 {
      %mul3A_14 = arith.constant 1 : i32
      %mul3A_15 = arith.muli %scan3A_13, %mul3A_14 : i32
      %add3A_16 = arith.constant 0 : i32
      %add3A_17 = arith.addi %add3A_16, %mul3A_15 : i32
      %mul3A_18 = arith.constant 128 : i32
      %mul3A_19 = arith.muli %add3A_17, %mul3A_18 : i32
      %add3A_20 = arith.addi %mul3A_2, %mul3A_19 : i32
      "tpu.region"() ({
        %run_scoped3A_21 = tpu.sem_alloc : memref<!tpu.dma_semaphore, #tpu.memory_space<semaphore_mem>>
        %dma_start3A = arith.constant 0 : i32
        %dma_start3A_22 = tpu.memref_slice %arg2[%add3A_20, %dma_start3A] : memref<160000x16xf32, #tpu.memory_space<hbm>> -> memref<128x16xf32, #tpu.memory_space<hbm>>
        %dma_start3A_23 = arith.constant 0 : i32
        %dma_start3A_24 = tpu.memref_slice %arg2[%add3A_20, %dma_start3A_23] : memref<160000x16xf32, #tpu.memory_space<hbm>> -> memref<128x16xf32, #tpu.memory_space<hbm>>
        tpu.enqueue_dma source(%dma_start3A_24 : memref<128x16xf32, #tpu.memory_space<hbm>>) target(%arg11 : memref<128x16xf32, #tpu.memory_space<vmem>>) target_semaphore(%run_scoped3A_21 : memref<!tpu.dma_semaphore, #tpu.memory_space<semaphore_mem>>)
        %dma_wait3A = arith.constant 0 : i32
        %dma_wait3A_25 = tpu.memref_slice %arg2[%add3A_20, %dma_wait3A] : memref<160000x16xf32, #tpu.memory_space<hbm>> -> memref<128x16xf32, #tpu.memory_space<hbm>>
        %dma_wait3A_26 = arith.constant 0 : i32
        %dma_wait3A_27 = tpu.memref_slice %arg2[%add3A_20, %dma_wait3A_26] : memref<160000x16xf32, #tpu.memory_space<hbm>> -> memref<128x16xf32, #tpu.memory_space<hbm>>
        tpu.wait_dma2 semaphore(%run_scoped3A_21 : memref<!tpu.dma_semaphore, #tpu.memory_space<semaphore_mem>>) src(%dma_wait3A_27 : memref<128x16xf32, #tpu.memory_space<hbm>>) dst(%arg11 : memref<128x16xf32, #tpu.memory_space<vmem>>)
        tpu.yield
      }) : () -> ()
      "tpu.region"() ({
        %run_scoped3A_21 = tpu.sem_alloc : memref<!tpu.dma_semaphore, #tpu.memory_space<semaphore_mem>>
        %dma_start3A = arith.constant 0 : i32
        %dma_start3A_22 = tpu.memref_slice %arg10[%add3A_17, %dma_start3A] : memref<40x128xi32, #tpu.memory_space<vmem>> -> memref<1x128xi32, #tpu.memory_space<vmem>>
        %dma_start3A_23 = tpu.memref_squeeze %dma_start3A_22 : memref<1x128xi32, #tpu.memory_space<vmem>> -> memref<128xi32, #tpu.memory_space<vmem>>
        %dma_start3A_24 = arith.constant 0 : i32
        %dma_start3A_25 = arith.constant 0 : i32
        %dma_start3A_26 = tpu.memref_slice %arg8[%dma_start3A_24, %dma_start3A_25] : memref<10016x16xf32, #tpu.memory_space<vmem_shared>> -> memref<10016x16xf32, #tpu.memory_space<vmem_shared>>
        tpu.enqueue_indirect_dma source(%arg11 : memref<128x16xf32, #tpu.memory_space<vmem>>) target(%dma_start3A_26 : memref<10016x16xf32, #tpu.memory_space<vmem_shared>>) offsets(%dma_start3A_23 : memref<128xi32, #tpu.memory_space<vmem>>) semaphore(%run_scoped3A_21 : memref<!tpu.dma_semaphore, #tpu.memory_space<semaphore_mem>>) {add = true}
        %dma_wait3A = arith.constant 0 : i32
        %dma_wait3A_27 = tpu.memref_slice %arg10[%add3A_17, %dma_wait3A] : memref<40x128xi32, #tpu.memory_space<vmem>> -> memref<1x128xi32, #tpu.memory_space<vmem>>
        %dma_wait3A_28 = tpu.memref_squeeze %dma_wait3A_27 : memref<1x128xi32, #tpu.memory_space<vmem>> -> memref<128xi32, #tpu.memory_space<vmem>>
        %dma_wait3A_29 = arith.constant 0 : i32
        %dma_wait3A_30 = arith.constant 0 : i32
        %dma_wait3A_31 = tpu.memref_slice %arg8[%dma_wait3A_29, %dma_wait3A_30] : memref<10016x16xf32, #tpu.memory_space<vmem_shared>> -> memref<10016x16xf32, #tpu.memory_space<vmem_shared>>
        tpu.wait_indirect_dma semaphore(%run_scoped3A_21 : memref<!tpu.dma_semaphore, #tpu.memory_space<semaphore_mem>>) src(%arg11 : memref<128x16xf32, #tpu.memory_space<vmem>>) dst(%dma_wait3A_31 : memref<10016x16xf32, #tpu.memory_space<vmem_shared>>)
        tpu.yield
      }) : () -> ()
      "tpu.region"() ({
        %run_scoped3A_21 = tpu.sem_alloc : memref<!tpu.dma_semaphore, #tpu.memory_space<semaphore_mem>>
        %dma_start3A = arith.constant 0 : i32
        %dma_start3A_22 = tpu.memref_slice %arg10[%add3A_17, %dma_start3A] : memref<40x128xi32, #tpu.memory_space<vmem>> -> memref<1x128xi32, #tpu.memory_space<vmem>>
        %dma_start3A_23 = tpu.memref_squeeze %dma_start3A_22 : memref<1x128xi32, #tpu.memory_space<vmem>> -> memref<128xi32, #tpu.memory_space<vmem>>
        %dma_start3A_24 = arith.constant 0 : i32
        %dma_start3A_25 = arith.constant 0 : i32
        %dma_start3A_26 = tpu.memref_slice %arg9[%dma_start3A_24, %dma_start3A_25] : memref<10016x16xf32, #tpu.memory_space<vmem_shared>> -> memref<10016x16xf32, #tpu.memory_space<vmem_shared>>
        tpu.enqueue_indirect_dma source(%arg12 : memref<128x16xf32, #tpu.memory_space<vmem>>) target(%dma_start3A_26 : memref<10016x16xf32, #tpu.memory_space<vmem_shared>>) offsets(%dma_start3A_23 : memref<128xi32, #tpu.memory_space<vmem>>) semaphore(%run_scoped3A_21 : memref<!tpu.dma_semaphore, #tpu.memory_space<semaphore_mem>>) {add = true}
        %dma_wait3A = arith.constant 0 : i32
        %dma_wait3A_27 = tpu.memref_slice %arg10[%add3A_17, %dma_wait3A] : memref<40x128xi32, #tpu.memory_space<vmem>> -> memref<1x128xi32, #tpu.memory_space<vmem>>
        %dma_wait3A_28 = tpu.memref_squeeze %dma_wait3A_27 : memref<1x128xi32, #tpu.memory_space<vmem>> -> memref<128xi32, #tpu.memory_space<vmem>>
        %dma_wait3A_29 = arith.constant 0 : i32
        %dma_wait3A_30 = arith.constant 0 : i32
        %dma_wait3A_31 = tpu.memref_slice %arg9[%dma_wait3A_29, %dma_wait3A_30] : memref<10016x16xf32, #tpu.memory_space<vmem_shared>> -> memref<10016x16xf32, #tpu.memory_space<vmem_shared>>
        tpu.wait_indirect_dma semaphore(%run_scoped3A_21 : memref<!tpu.dma_semaphore, #tpu.memory_space<semaphore_mem>>) src(%arg12 : memref<128x16xf32, #tpu.memory_space<vmem>>) dst(%dma_wait3A_31 : memref<10016x16xf32, #tpu.memory_space<vmem_shared>>)
        tpu.yield
      }) : () -> ()
    }
    %scan3A_8 = arith.constant 39 : i32
    %add3A_9 = arith.constant 4992 : i32
    %add3A_10 = arith.addi %mul3A_2, %add3A_9 : i32
    "tpu.region"() ({
      %run_scoped3A_13 = tpu.sem_alloc : memref<!tpu.dma_semaphore, #tpu.memory_space<semaphore_mem>>
      %dma_start3A = arith.constant 0 : i32
      %dma_start3A_14 = arith.constant 0 : i32
      %dma_start3A_15 = tpu.memref_slice %arg11[%dma_start3A, %dma_start3A_14] : memref<128x16xf32, #tpu.memory_space<vmem>> -> memref<8x16xf32, #tpu.memory_space<vmem>>
      %dma_start3A_16 = arith.constant 0 : i32
      %dma_start3A_17 = tpu.memref_slice %arg2[%add3A_10, %dma_start3A_16] : memref<160000x16xf32, #tpu.memory_space<hbm>> -> memref<8x16xf32, #tpu.memory_space<hbm>>
      %dma_start3A_18 = arith.constant 0 : i32
      %dma_start3A_19 = arith.constant 0 : i32
      %dma_start3A_20 = tpu.memref_slice %arg11[%dma_start3A_18, %dma_start3A_19] : memref<128x16xf32, #tpu.memory_space<vmem>> -> memref<8x16xf32, #tpu.memory_space<vmem>>
      %dma_start3A_21 = arith.constant 0 : i32
      %dma_start3A_22 = tpu.memref_slice %arg2[%add3A_10, %dma_start3A_21] : memref<160000x16xf32, #tpu.memory_space<hbm>> -> memref<8x16xf32, #tpu.memory_space<hbm>>
      tpu.enqueue_dma source(%dma_start3A_22 : memref<8x16xf32, #tpu.memory_space<hbm>>) target(%dma_start3A_20 : memref<8x16xf32, #tpu.memory_space<vmem>>) target_semaphore(%run_scoped3A_13 : memref<!tpu.dma_semaphore, #tpu.memory_space<semaphore_mem>>)
      %dma_wait3A = arith.constant 0 : i32
      %dma_wait3A_23 = arith.constant 0 : i32
      %dma_wait3A_24 = tpu.memref_slice %arg11[%dma_wait3A, %dma_wait3A_23] : memref<128x16xf32, #tpu.memory_space<vmem>> -> memref<8x16xf32, #tpu.memory_space<vmem>>
      %dma_wait3A_25 = arith.constant 0 : i32
      %dma_wait3A_26 = tpu.memref_slice %arg2[%add3A_10, %dma_wait3A_25] : memref<160000x16xf32, #tpu.memory_space<hbm>> -> memref<8x16xf32, #tpu.memory_space<hbm>>
      %dma_wait3A_27 = arith.constant 0 : i32
      %dma_wait3A_28 = arith.constant 0 : i32
      %dma_wait3A_29 = tpu.memref_slice %arg11[%dma_wait3A_27, %dma_wait3A_28] : memref<128x16xf32, #tpu.memory_space<vmem>> -> memref<8x16xf32, #tpu.memory_space<vmem>>
      %dma_wait3A_30 = arith.constant 0 : i32
      %dma_wait3A_31 = tpu.memref_slice %arg2[%add3A_10, %dma_wait3A_30] : memref<160000x16xf32, #tpu.memory_space<hbm>> -> memref<8x16xf32, #tpu.memory_space<hbm>>
      tpu.wait_dma2 semaphore(%run_scoped3A_13 : memref<!tpu.dma_semaphore, #tpu.memory_space<semaphore_mem>>) src(%dma_wait3A_31 : memref<8x16xf32, #tpu.memory_space<hbm>>) dst(%dma_wait3A_29 : memref<8x16xf32, #tpu.memory_space<vmem>>)
      tpu.yield
    }) : () -> ()
    %run_scoped3A = arith.constant 39 : i32
    "tpu.region"() ({
      %run_scoped3A_13 = tpu.sem_alloc : memref<!tpu.dma_semaphore, #tpu.memory_space<semaphore_mem>>
      %dma_start3A = arith.constant 0 : i32
      %dma_start3A_14 = tpu.memref_slice %arg10[%run_scoped3A, %dma_start3A] : memref<40x128xi32, #tpu.memory_space<vmem>> -> memref<1x128xi32, #tpu.memory_space<vmem>>
      %dma_start3A_15 = tpu.memref_squeeze %dma_start3A_14 : memref<1x128xi32, #tpu.memory_space<vmem>> -> memref<128xi32, #tpu.memory_space<vmem>>
      %dma_start3A_16 = arith.constant 0 : i32
      %dma_start3A_17 = arith.constant 0 : i32
      %dma_start3A_18 = tpu.memref_slice %arg8[%dma_start3A_16, %dma_start3A_17] : memref<10016x16xf32, #tpu.memory_space<vmem_shared>> -> memref<10016x16xf32, #tpu.memory_space<vmem_shared>>
      tpu.enqueue_indirect_dma source(%arg11 : memref<128x16xf32, #tpu.memory_space<vmem>>) target(%dma_start3A_18 : memref<10016x16xf32, #tpu.memory_space<vmem_shared>>) offsets(%dma_start3A_15 : memref<128xi32, #tpu.memory_space<vmem>>) semaphore(%run_scoped3A_13 : memref<!tpu.dma_semaphore, #tpu.memory_space<semaphore_mem>>) {add = true}
      %dma_wait3A = arith.constant 0 : i32
      %dma_wait3A_19 = tpu.memref_slice %arg10[%run_scoped3A, %dma_wait3A] : memref<40x128xi32, #tpu.memory_space<vmem>> -> memref<1x128xi32, #tpu.memory_space<vmem>>
      %dma_wait3A_20 = tpu.memref_squeeze %dma_wait3A_19 : memref<1x128xi32, #tpu.memory_space<vmem>> -> memref<128xi32, #tpu.memory_space<vmem>>
      %dma_wait3A_21 = arith.constant 0 : i32
      %dma_wait3A_22 = arith.constant 0 : i32
      %dma_wait3A_23 = tpu.memref_slice %arg8[%dma_wait3A_21, %dma_wait3A_22] : memref<10016x16xf32, #tpu.memory_space<vmem_shared>> -> memref<10016x16xf32, #tpu.memory_space<vmem_shared>>
      tpu.wait_indirect_dma semaphore(%run_scoped3A_13 : memref<!tpu.dma_semaphore, #tpu.memory_space<semaphore_mem>>) src(%arg11 : memref<128x16xf32, #tpu.memory_space<vmem>>) dst(%dma_wait3A_23 : memref<10016x16xf32, #tpu.memory_space<vmem_shared>>)
      tpu.yield
    }) : () -> ()
    %run_scoped3A_11 = arith.constant 39 : i32
    "tpu.region"() ({
      %run_scoped3A_13 = tpu.sem_alloc : memref<!tpu.dma_semaphore, #tpu.memory_space<semaphore_mem>>
      %dma_start3A = arith.constant 0 : i32
      %dma_start3A_14 = tpu.memref_slice %arg10[%run_scoped3A_11, %dma_start3A] : memref<40x128xi32, #tpu.memory_space<vmem>> -> memref<1x128xi32, #tpu.memory_space<vmem>>
      %dma_start3A_15 = tpu.memref_squeeze %dma_start3A_14 : memref<1x128xi32, #tpu.memory_space<vmem>> -> memref<128xi32, #tpu.memory_space<vmem>>
      %dma_start3A_16 = arith.constant 0 : i32
      %dma_start3A_17 = arith.constant 0 : i32
      %dma_start3A_18 = tpu.memref_slice %arg9[%dma_start3A_16, %dma_start3A_17] : memref<10016x16xf32, #tpu.memory_space<vmem_shared>> -> memref<10016x16xf32, #tpu.memory_space<vmem_shared>>
      tpu.enqueue_indirect_dma source(%arg12 : memref<128x16xf32, #tpu.memory_space<vmem>>) target(%dma_start3A_18 : memref<10016x16xf32, #tpu.memory_space<vmem_shared>>) offsets(%dma_start3A_15 : memref<128xi32, #tpu.memory_space<vmem>>) semaphore(%run_scoped3A_13 : memref<!tpu.dma_semaphore, #tpu.memory_space<semaphore_mem>>) {add = true}
      %dma_wait3A = arith.constant 0 : i32
      %dma_wait3A_19 = tpu.memref_slice %arg10[%run_scoped3A_11, %dma_wait3A] : memref<40x128xi32, #tpu.memory_space<vmem>> -> memref<1x128xi32, #tpu.memory_space<vmem>>
      %dma_wait3A_20 = tpu.memref_squeeze %dma_wait3A_19 : memref<1x128xi32, #tpu.memory_space<vmem>> -> memref<128xi32, #tpu.memory_space<vmem>>
      %dma_wait3A_21 = arith.constant 0 : i32
      %dma_wait3A_22 = arith.constant 0 : i32
      %dma_wait3A_23 = tpu.memref_slice %arg9[%dma_wait3A_21, %dma_wait3A_22] : memref<10016x16xf32, #tpu.memory_space<vmem_shared>> -> memref<10016x16xf32, #tpu.memory_space<vmem_shared>>
      tpu.wait_indirect_dma semaphore(%run_scoped3A_13 : memref<!tpu.dma_semaphore, #tpu.memory_space<semaphore_mem>>) src(%arg12 : memref<128x16xf32, #tpu.memory_space<vmem>>) dst(%dma_wait3A_23 : memref<10016x16xf32, #tpu.memory_space<vmem_shared>>)
      tpu.yield
    }) : () -> ()
    %barrier3A_12 = arith.constant 0 : index
    tpu.barrier barrier_id(%barrier3A_12)
    "tpu.region"() ({
      %run_scoped3A_13 = tpu.sem_alloc : memref<!tpu.dma_semaphore, #tpu.memory_space<semaphore_mem>>
      %dma_start3A = arith.constant 0 : i32
      %dma_start3A_14 = tpu.memref_slice %arg8[%mul3A_4, %dma_start3A] : memref<10016x16xf32, #tpu.memory_space<vmem_shared>> -> memref<626x16xf32, #tpu.memory_space<vmem_shared>>
      %dma_start3A_15 = arith.constant 0 : i32
      %dma_start3A_16 = tpu.memref_slice %arg8[%mul3A_4, %dma_start3A_15] : memref<10016x16xf32, #tpu.memory_space<vmem_shared>> -> memref<626x16xf32, #tpu.memory_space<vmem_shared>>
      tpu.enqueue_dma source(%dma_start3A_16 : memref<626x16xf32, #tpu.memory_space<vmem_shared>>) target(%arg13 : memref<626x16xf32, #tpu.memory_space<vmem>>) target_semaphore(%run_scoped3A_13 : memref<!tpu.dma_semaphore, #tpu.memory_space<semaphore_mem>>)
      %dma_wait3A = arith.constant 0 : i32
      %dma_wait3A_17 = tpu.memref_slice %arg8[%mul3A_4, %dma_wait3A] : memref<10016x16xf32, #tpu.memory_space<vmem_shared>> -> memref<626x16xf32, #tpu.memory_space<vmem_shared>>
      %dma_wait3A_18 = arith.constant 0 : i32
      %dma_wait3A_19 = tpu.memref_slice %arg8[%mul3A_4, %dma_wait3A_18] : memref<10016x16xf32, #tpu.memory_space<vmem_shared>> -> memref<626x16xf32, #tpu.memory_space<vmem_shared>>
      tpu.wait_dma2 semaphore(%run_scoped3A_13 : memref<!tpu.dma_semaphore, #tpu.memory_space<semaphore_mem>>) src(%dma_wait3A_19 : memref<626x16xf32, #tpu.memory_space<vmem_shared>>) dst(%arg13 : memref<626x16xf32, #tpu.memory_space<vmem>>)
      tpu.yield
    }) : () -> ()
    "tpu.region"() ({
      %run_scoped3A_13 = tpu.sem_alloc : memref<!tpu.dma_semaphore, #tpu.memory_space<semaphore_mem>>
      %dma_start3A = arith.constant 0 : i32
      %dma_start3A_14 = tpu.memref_slice %arg6[%arg0, %mul3A_4, %dma_start3A] : memref<2x10016x16xf32, #tpu.memory_space<hbm>> -> memref<1x626x16xf32, #tpu.memory_space<hbm>>
      %dma_start3A_15 = tpu.memref_squeeze %dma_start3A_14 : memref<1x626x16xf32, #tpu.memory_space<hbm>> -> memref<626x16xf32, #tpu.memory_space<hbm>>
      %dma_start3A_16 = arith.constant 0 : i32
      %dma_start3A_17 = tpu.memref_slice %arg6[%arg0, %mul3A_4, %dma_start3A_16] : memref<2x10016x16xf32, #tpu.memory_space<hbm>> -> memref<1x626x16xf32, #tpu.memory_space<hbm>>
      %dma_start3A_18 = tpu.memref_squeeze %dma_start3A_17 : memref<1x626x16xf32, #tpu.memory_space<hbm>> -> memref<626x16xf32, #tpu.memory_space<hbm>>
      tpu.enqueue_dma source(%arg13 : memref<626x16xf32, #tpu.memory_space<vmem>>) target(%dma_start3A_18 : memref<626x16xf32, #tpu.memory_space<hbm>>) target_semaphore(%run_scoped3A_13 : memref<!tpu.dma_semaphore, #tpu.memory_space<semaphore_mem>>)
      %dma_wait3A = arith.constant 0 : i32
      %dma_wait3A_19 = tpu.memref_slice %arg6[%arg0, %mul3A_4, %dma_wait3A] : memref<2x10016x16xf32, #tpu.memory_space<hbm>> -> memref<1x626x16xf32, #tpu.memory_space<hbm>>
      %dma_wait3A_20 = tpu.memref_squeeze %dma_wait3A_19 : memref<1x626x16xf32, #tpu.memory_space<hbm>> -> memref<626x16xf32, #tpu.memory_space<hbm>>
      %dma_wait3A_21 = arith.constant 0 : i32
      %dma_wait3A_22 = tpu.memref_slice %arg6[%arg0, %mul3A_4, %dma_wait3A_21] : memref<2x10016x16xf32, #tpu.memory_space<hbm>> -> memref<1x626x16xf32, #tpu.memory_space<hbm>>
      %dma_wait3A_23 = tpu.memref_squeeze %dma_wait3A_22 : memref<1x626x16xf32, #tpu.memory_space<hbm>> -> memref<626x16xf32, #tpu.memory_space<hbm>>
      tpu.wait_dma2 semaphore(%run_scoped3A_13 : memref<!tpu.dma_semaphore, #tpu.memory_space<semaphore_mem>>) src(%arg13 : memref<626x16xf32, #tpu.memory_space<vmem>>) dst(%dma_wait3A_23 : memref<626x16xf32, #tpu.memory_space<hbm>>)
      tpu.yield
    }) : () -> ()
    "tpu.region"() ({
      %run_scoped3A_13 = tpu.sem_alloc : memref<!tpu.dma_semaphore, #tpu.memory_space<semaphore_mem>>
      %dma_start3A = arith.constant 0 : i32
      %dma_start3A_14 = tpu.memref_slice %arg9[%mul3A_4, %dma_start3A] : memref<10016x16xf32, #tpu.memory_space<vmem_shared>> -> memref<626x16xf32, #tpu.memory_space<vmem_shared>>
      %dma_start3A_15 = arith.constant 0 : i32
      %dma_start3A_16 = tpu.memref_slice %arg9[%mul3A_4, %dma_start3A_15] : memref<10016x16xf32, #tpu.memory_space<vmem_shared>> -> memref<626x16xf32, #tpu.memory_space<vmem_shared>>
      tpu.enqueue_dma source(%dma_start3A_16 : memref<626x16xf32, #tpu.memory_space<vmem_shared>>) target(%arg13 : memref<626x16xf32, #tpu.memory_space<vmem>>) target_semaphore(%run_scoped3A_13 : memref<!tpu.dma_semaphore, #tpu.memory_space<semaphore_mem>>)
      %dma_wait3A = arith.constant 0 : i32
      %dma_wait3A_17 = tpu.memref_slice %arg9[%mul3A_4, %dma_wait3A] : memref<10016x16xf32, #tpu.memory_space<vmem_shared>> -> memref<626x16xf32, #tpu.memory_space<vmem_shared>>
      %dma_wait3A_18 = arith.constant 0 : i32
      %dma_wait3A_19 = tpu.memref_slice %arg9[%mul3A_4, %dma_wait3A_18] : memref<10016x16xf32, #tpu.memory_space<vmem_shared>> -> memref<626x16xf32, #tpu.memory_space<vmem_shared>>
      tpu.wait_dma2 semaphore(%run_scoped3A_13 : memref<!tpu.dma_semaphore, #tpu.memory_space<semaphore_mem>>) src(%dma_wait3A_19 : memref<626x16xf32, #tpu.memory_space<vmem_shared>>) dst(%arg13 : memref<626x16xf32, #tpu.memory_space<vmem>>)
      tpu.yield
    }) : () -> ()
    "tpu.region"() ({
      %run_scoped3A_13 = tpu.sem_alloc : memref<!tpu.dma_semaphore, #tpu.memory_space<semaphore_mem>>
      %dma_start3A = arith.constant 0 : i32
      %dma_start3A_14 = tpu.memref_slice %arg7[%arg0, %mul3A_4, %dma_start3A] : memref<2x10016x16xf32, #tpu.memory_space<hbm>> -> memref<1x626x16xf32, #tpu.memory_space<hbm>>
      %dma_start3A_15 = tpu.memref_squeeze %dma_start3A_14 : memref<1x626x16xf32, #tpu.memory_space<hbm>> -> memref<626x16xf32, #tpu.memory_space<hbm>>
      %dma_start3A_16 = arith.constant 0 : i32
      %dma_start3A_17 = tpu.memref_slice %arg7[%arg0, %mul3A_4, %dma_start3A_16] : memref<2x10016x16xf32, #tpu.memory_space<hbm>> -> memref<1x626x16xf32, #tpu.memory_space<hbm>>
      %dma_start3A_18 = tpu.memref_squeeze %dma_start3A_17 : memref<1x626x16xf32, #tpu.memory_space<hbm>> -> memref<626x16xf32, #tpu.memory_space<hbm>>
      tpu.enqueue_dma source(%arg13 : memref<626x16xf32, #tpu.memory_space<vmem>>) target(%dma_start3A_18 : memref<626x16xf32, #tpu.memory_space<hbm>>) target_semaphore(%run_scoped3A_13 : memref<!tpu.dma_semaphore, #tpu.memory_space<semaphore_mem>>)
      %dma_wait3A = arith.constant 0 : i32
      %dma_wait3A_19 = tpu.memref_slice %arg7[%arg0, %mul3A_4, %dma_wait3A] : memref<2x10016x16xf32, #tpu.memory_space<hbm>> -> memref<1x626x16xf32, #tpu.memory_space<hbm>>
      %dma_wait3A_20 = tpu.memref_squeeze %dma_wait3A_19 : memref<1x626x16xf32, #tpu.memory_space<hbm>> -> memref<626x16xf32, #tpu.memory_space<hbm>>
      %dma_wait3A_21 = arith.constant 0 : i32
      %dma_wait3A_22 = tpu.memref_slice %arg7[%arg0, %mul3A_4, %dma_wait3A_21] : memref<2x10016x16xf32, #tpu.memory_space<hbm>> -> memref<1x626x16xf32, #tpu.memory_space<hbm>>
      %dma_wait3A_23 = tpu.memref_squeeze %dma_wait3A_22 : memref<1x626x16xf32, #tpu.memory_space<hbm>> -> memref<626x16xf32, #tpu.memory_space<hbm>>
      tpu.wait_dma2 semaphore(%run_scoped3A_13 : memref<!tpu.dma_semaphore, #tpu.memory_space<semaphore_mem>>) src(%arg13 : memref<626x16xf32, #tpu.memory_space<vmem>>) dst(%dma_wait3A_23 : memref<626x16xf32, #tpu.memory_space<hbm>>)
      tpu.yield
    }) : () -> ()
    return
  }
}

#map = affine_map<(d0, d1) -> (0, 0)>
#map1 = affine_map<(d0, d1) -> (0)>
module attributes {stable_mosaic.version = 14 : i64} {
  func.func @_sc_gather_body(%arg0: i32, %arg1: i32, %arg2: memref<10000x16xf32, #tpu.memory_space<hbm>>, %arg3: memref<160000xi32, #tpu.memory_space<hbm>>, %arg4: memref<160000x16xf32, #tpu.memory_space<hbm>>, %arg5: memref<5000xi32, #tpu.memory_space<vmem>>, %arg6: memref<5000x16xf32, #tpu.memory_space<vmem>>, %arg7: memref<!tpu.dma_semaphore, #tpu.memory_space<semaphore_mem>>) attributes {dimension_semantics = [#tpu.dimension_semantics<core_parallel>, #tpu.dimension_semantics<subcore_parallel>], iteration_bounds = array<i64: 2, 16>, scalar_prefetch = 0 : i64, scratch_operands = 3 : i64, tpu.core_type = #tpu.core_type<sc_vector_subcore>, window_params = [{transform_indices = #map}, {transform_indices = #map1}, {transform_indices = #map}]} {
    %mul3A = arith.constant 2 : i32
    %mul3A_0 = arith.muli %arg1, %mul3A : i32
    %add3A = arith.addi %mul3A_0, %arg0 : i32
    %mul3A_1 = arith.constant 5000 : i32
    %mul3A_2 = arith.muli %add3A, %mul3A_1 : i32
    "tpu.region"() ({
      %run_scoped3A = tpu.sem_alloc : memref<!tpu.dma_semaphore, #tpu.memory_space<semaphore_mem>>
      %dma_start3A_26 = tpu.memref_slice %arg3[%mul3A_2] : memref<160000xi32, #tpu.memory_space<hbm>> -> memref<5000xi32, #tpu.memory_space<hbm>>
      %dma_start3A_27 = tpu.memref_slice %arg3[%mul3A_2] : memref<160000xi32, #tpu.memory_space<hbm>> -> memref<5000xi32, #tpu.memory_space<hbm>>
      tpu.enqueue_dma source(%dma_start3A_27 : memref<5000xi32, #tpu.memory_space<hbm>>) target(%arg5 : memref<5000xi32, #tpu.memory_space<vmem>>) target_semaphore(%run_scoped3A : memref<!tpu.dma_semaphore, #tpu.memory_space<semaphore_mem>>)
      %dma_wait3A_28 = tpu.memref_slice %arg3[%mul3A_2] : memref<160000xi32, #tpu.memory_space<hbm>> -> memref<5000xi32, #tpu.memory_space<hbm>>
      %dma_wait3A_29 = tpu.memref_slice %arg3[%mul3A_2] : memref<160000xi32, #tpu.memory_space<hbm>> -> memref<5000xi32, #tpu.memory_space<hbm>>
      tpu.wait_dma2 semaphore(%run_scoped3A : memref<!tpu.dma_semaphore, #tpu.memory_space<semaphore_mem>>) src(%dma_wait3A_29 : memref<5000xi32, #tpu.memory_space<hbm>>) dst(%arg5 : memref<5000xi32, #tpu.memory_space<vmem>>)
      tpu.yield
    }) : () -> ()
    %scan3A = arith.constant 0 : i32
    %scan3A_3 = arith.constant 39 : i32
    %scan3A_4 = arith.addi %scan3A, %scan3A_3 : i32
    %scan3A_5 = arith.constant 1 : i32
    scf.for %scan3A_26 = %scan3A to %scan3A_4 step %scan3A_5  : i32 {
      %mul3A_27 = arith.constant 1 : i32
      %mul3A_28 = arith.muli %scan3A_26, %mul3A_27 : i32
      %add3A_29 = arith.constant 0 : i32
      %add3A_30 = arith.addi %add3A_29, %mul3A_28 : i32
      %mul3A_31 = arith.constant 128 : i32
      %mul3A_32 = arith.muli %add3A_30, %mul3A_31 : i32
      %dma_start3A_33 = arith.constant 0 : i32
      %dma_start3A_34 = tpu.memref_slice %arg6[%mul3A_32, %dma_start3A_33] : memref<5000x16xf32, #tpu.memory_space<vmem>> -> memref<128x16xf32, #tpu.memory_space<vmem>>
      %dma_start3A_35 = tpu.memref_slice %arg5[%mul3A_32] : memref<5000xi32, #tpu.memory_space<vmem>> -> memref<128xi32, #tpu.memory_space<vmem>>
      %dma_start3A_36 = arith.constant 0 : i32
      %dma_start3A_37 = arith.constant 0 : i32
      %dma_start3A_38 = tpu.memref_slice %arg2[%dma_start3A_36, %dma_start3A_37] : memref<10000x16xf32, #tpu.memory_space<hbm>> -> memref<10000x16xf32, #tpu.memory_space<hbm>>
      tpu.enqueue_indirect_dma source(%dma_start3A_38 : memref<10000x16xf32, #tpu.memory_space<hbm>>) target(%dma_start3A_34 : memref<128x16xf32, #tpu.memory_space<vmem>>) offsets(%dma_start3A_35 : memref<128xi32, #tpu.memory_space<vmem>>) semaphore(%arg7 : memref<!tpu.dma_semaphore, #tpu.memory_space<semaphore_mem>>)
    }
    %scan3A_6 = arith.constant 39 : i32
    %dma_start3A = arith.constant 4992 : i32
    %dma_start3A_7 = arith.constant 0 : i32
    %dma_start3A_8 = tpu.memref_slice %arg6[%dma_start3A, %dma_start3A_7] : memref<5000x16xf32, #tpu.memory_space<vmem>> -> memref<8x16xf32, #tpu.memory_space<vmem>>
    %dma_start3A_9 = arith.constant 4992 : i32
    %dma_start3A_10 = tpu.memref_slice %arg5[%dma_start3A_9] : memref<5000xi32, #tpu.memory_space<vmem>> -> memref<8xi32, #tpu.memory_space<vmem>>
    %dma_start3A_11 = arith.constant 0 : i32
    %dma_start3A_12 = arith.constant 0 : i32
    %dma_start3A_13 = tpu.memref_slice %arg2[%dma_start3A_11, %dma_start3A_12] : memref<10000x16xf32, #tpu.memory_space<hbm>> -> memref<10000x16xf32, #tpu.memory_space<hbm>>
    tpu.enqueue_indirect_dma source(%dma_start3A_13 : memref<10000x16xf32, #tpu.memory_space<hbm>>) target(%dma_start3A_8 : memref<8x16xf32, #tpu.memory_space<vmem>>) offsets(%dma_start3A_10 : memref<8xi32, #tpu.memory_space<vmem>>) semaphore(%arg7 : memref<!tpu.dma_semaphore, #tpu.memory_space<semaphore_mem>>)
    %scan3A_14 = arith.constant 0 : i32
    %scan3A_15 = arith.constant 39 : i32
    %scan3A_16 = arith.addi %scan3A_14, %scan3A_15 : i32
    %scan3A_17 = arith.constant 1 : i32
    scf.for %scan3A_26 = %scan3A_14 to %scan3A_16 step %scan3A_17  : i32 {
      %mul3A_27 = arith.constant 1 : i32
      %mul3A_28 = arith.muli %scan3A_26, %mul3A_27 : i32
      %add3A_29 = arith.constant 0 : i32
      %add3A_30 = arith.addi %add3A_29, %mul3A_28 : i32
      %mul3A_31 = arith.constant 128 : i32
      %mul3A_32 = arith.muli %add3A_30, %mul3A_31 : i32
      %dma_wait3A_33 = arith.constant 0 : i32
      %dma_wait3A_34 = tpu.memref_slice %arg6[%mul3A_32, %dma_wait3A_33] : memref<5000x16xf32, #tpu.memory_space<vmem>> -> memref<128x16xf32, #tpu.memory_space<vmem>>
      %dma_wait3A_35 = tpu.memref_slice %arg5[%mul3A_32] : memref<5000xi32, #tpu.memory_space<vmem>> -> memref<128xi32, #tpu.memory_space<vmem>>
      %dma_wait3A_36 = arith.constant 0 : i32
      %dma_wait3A_37 = arith.constant 0 : i32
      %dma_wait3A_38 = tpu.memref_slice %arg2[%dma_wait3A_36, %dma_wait3A_37] : memref<10000x16xf32, #tpu.memory_space<hbm>> -> memref<10000x16xf32, #tpu.memory_space<hbm>>
      tpu.wait_indirect_dma semaphore(%arg7 : memref<!tpu.dma_semaphore, #tpu.memory_space<semaphore_mem>>) src(%dma_wait3A_38 : memref<10000x16xf32, #tpu.memory_space<hbm>>) dst(%dma_wait3A_34 : memref<128x16xf32, #tpu.memory_space<vmem>>)
    }
    %scan3A_18 = arith.constant 39 : i32
    %dma_wait3A = arith.constant 4992 : i32
    %dma_wait3A_19 = arith.constant 0 : i32
    %dma_wait3A_20 = tpu.memref_slice %arg6[%dma_wait3A, %dma_wait3A_19] : memref<5000x16xf32, #tpu.memory_space<vmem>> -> memref<8x16xf32, #tpu.memory_space<vmem>>
    %dma_wait3A_21 = arith.constant 4992 : i32
    %dma_wait3A_22 = tpu.memref_slice %arg5[%dma_wait3A_21] : memref<5000xi32, #tpu.memory_space<vmem>> -> memref<8xi32, #tpu.memory_space<vmem>>
    %dma_wait3A_23 = arith.constant 0 : i32
    %dma_wait3A_24 = arith.constant 0 : i32
    %dma_wait3A_25 = tpu.memref_slice %arg2[%dma_wait3A_23, %dma_wait3A_24] : memref<10000x16xf32, #tpu.memory_space<hbm>> -> memref<10000x16xf32, #tpu.memory_space<hbm>>
    tpu.wait_indirect_dma semaphore(%arg7 : memref<!tpu.dma_semaphore, #tpu.memory_space<semaphore_mem>>) src(%dma_wait3A_25 : memref<10000x16xf32, #tpu.memory_space<hbm>>) dst(%dma_wait3A_20 : memref<8x16xf32, #tpu.memory_space<vmem>>)
    "tpu.region"() ({
      %run_scoped3A = tpu.sem_alloc : memref<!tpu.dma_semaphore, #tpu.memory_space<semaphore_mem>>
      %dma_start3A_26 = arith.constant 0 : i32
      %dma_start3A_27 = tpu.memref_slice %arg4[%mul3A_2, %dma_start3A_26] : memref<160000x16xf32, #tpu.memory_space<hbm>> -> memref<5000x16xf32, #tpu.memory_space<hbm>>
      %dma_start3A_28 = arith.constant 0 : i32
      %dma_start3A_29 = tpu.memref_slice %arg4[%mul3A_2, %dma_start3A_28] : memref<160000x16xf32, #tpu.memory_space<hbm>> -> memref<5000x16xf32, #tpu.memory_space<hbm>>
      tpu.enqueue_dma source(%arg6 : memref<5000x16xf32, #tpu.memory_space<vmem>>) target(%dma_start3A_29 : memref<5000x16xf32, #tpu.memory_space<hbm>>) target_semaphore(%run_scoped3A : memref<!tpu.dma_semaphore, #tpu.memory_space<semaphore_mem>>)
      %dma_wait3A_30 = arith.constant 0 : i32
      %dma_wait3A_31 = tpu.memref_slice %arg4[%mul3A_2, %dma_wait3A_30] : memref<160000x16xf32, #tpu.memory_space<hbm>> -> memref<5000x16xf32, #tpu.memory_space<hbm>>
      %dma_wait3A_32 = arith.constant 0 : i32
      %dma_wait3A_33 = tpu.memref_slice %arg4[%mul3A_2, %dma_wait3A_32] : memref<160000x16xf32, #tpu.memory_space<hbm>> -> memref<5000x16xf32, #tpu.memory_space<hbm>>
      tpu.wait_dma2 semaphore(%run_scoped3A : memref<!tpu.dma_semaphore, #tpu.memory_space<semaphore_mem>>) src(%arg6 : memref<5000x16xf32, #tpu.memory_space<vmem>>) dst(%dma_wait3A_33 : memref<5000x16xf32, #tpu.memory_space<hbm>>)
      tpu.yield
    }) : () -> ()
    return
  }
}

module attributes {stable_mosaic.version = 14 : i64} {
  func.func @_node_stats_body(%arg0: i32, %arg1: memref<1000x128xf32, #tpu.memory_space<vmem>>, %arg2: memref<1x128xf32, #tpu.memory_space<vmem>>, %arg3: memref<1x128xf32, #tpu.memory_space<vmem>>) attributes {dimension_semantics = [#tpu.dimension_semantics<arbitrary>], iteration_bounds = array<i64: 10>, scalar_prefetch = 0 : i64, scratch_operands = 0 : i64, tpu.core_type = #tpu.core_type<tc>, window_params = [{transform_indices = @transform_0, window_bounds = array<i64: 1000, 128>}, {pipeline_mode = #tpu.pipeline_mode<synchronous>, transform_indices = @transform_1, window_bounds = array<i64: 1, 128>}, {pipeline_mode = #tpu.pipeline_mode<synchronous>, transform_indices = @transform_2, window_bounds = array<i64: 1, 128>}]} {
    %eq3A = arith.constant 0 : i32
    %eq3A_0 = arith.cmpi eq, %arg0, %eq3A : i32
    %convert_element_type3A = arith.extui %eq3A_0 : i1 to i32
    %cond3A = arith.constant 0 : i32
    %cond3A_1 = arith.cmpi ne, %convert_element_type3A, %cond3A : i32
    scf.if %cond3A_1 {
      %broadcast_in_dim3A_20 = arith.constant 0.000000e+00 : f32
      %broadcast_in_dim3A_21 = vector.broadcast %broadcast_in_dim3A_20 : f32 to vector<1x128xf32>
      %swap3A_22 = arith.constant 0 : index
      %swap3A_23 = arith.constant 0 : index
      %swap3A_24 = vector.load %arg2[%swap3A_22, %swap3A_23] : memref<1x128xf32, #tpu.memory_space<vmem>>, vector<1x128xf32>
      tpu.vector_store %arg2[%swap3A_22, %swap3A_23], %broadcast_in_dim3A_21 {strides = array<i32>} : memref<1x128xf32, #tpu.memory_space<vmem>>, vector<1x128xf32>,
      %broadcast_in_dim3A_25 = arith.constant 0.000000e+00 : f32
      %broadcast_in_dim3A_26 = vector.broadcast %broadcast_in_dim3A_25 : f32 to vector<1x128xf32>
      %swap3A_27 = arith.constant 0 : index
      %swap3A_28 = arith.constant 0 : index
      %swap3A_29 = vector.load %arg3[%swap3A_27, %swap3A_28] : memref<1x128xf32, #tpu.memory_space<vmem>>, vector<1x128xf32>
      tpu.vector_store %arg3[%swap3A_27, %swap3A_28], %broadcast_in_dim3A_26 {strides = array<i32>} : memref<1x128xf32, #tpu.memory_space<vmem>>, vector<1x128xf32>,
    } else {
    }
    %get3A = arith.constant 0 : index
    %get3A_2 = arith.constant 0 : index
    %get3A_3 = vector.load %arg1[%get3A, %get3A_2] : memref<1000x128xf32, #tpu.memory_space<vmem>>, vector<1000x128xf32>
    %get3A_4 = arith.constant 0 : index
    %get3A_5 = arith.constant 0 : index
    %get3A_6 = vector.load %arg2[%get3A_4, %get3A_5] : memref<1x128xf32, #tpu.memory_space<vmem>>, vector<1x128xf32>
    %reduce_sum3A = arith.constant dense<0.000000e+00> : vector<128xf32>
    %reduce_sum3A_7 = vector.multi_reduction <add>, %get3A_3, %reduce_sum3A [0] : vector<1000x128xf32> to vector<128xf32>
    %broadcast_in_dim3A = vector.shape_cast %reduce_sum3A_7 : vector<128xf32> to vector<1x128xf32>
    %add3A = arith.addf %get3A_6, %broadcast_in_dim3A : vector<1x128xf32>
    %swap3A = arith.constant 0 : index
    %swap3A_8 = arith.constant 0 : index
    %swap3A_9 = vector.load %arg2[%swap3A, %swap3A_8] : memref<1x128xf32, #tpu.memory_space<vmem>>, vector<1x128xf32>
    tpu.vector_store %arg2[%swap3A, %swap3A_8], %add3A {strides = array<i32>} : memref<1x128xf32, #tpu.memory_space<vmem>>, vector<1x128xf32>,
    %get3A_10 = arith.constant 0 : index
    %get3A_11 = arith.constant 0 : index
    %get3A_12 = vector.load %arg3[%get3A_10, %get3A_11] : memref<1x128xf32, #tpu.memory_space<vmem>>, vector<1x128xf32>
    %mul3A = arith.mulf %get3A_3, %get3A_3 : vector<1000x128xf32>
    %reduce_sum3A_13 = arith.constant dense<0.000000e+00> : vector<128xf32>
    %reduce_sum3A_14 = vector.multi_reduction <add>, %mul3A, %reduce_sum3A_13 [0] : vector<1000x128xf32> to vector<128xf32>
    %broadcast_in_dim3A_15 = vector.shape_cast %reduce_sum3A_14 : vector<128xf32> to vector<1x128xf32>
    %add3A_16 = arith.addf %get3A_12, %broadcast_in_dim3A_15 : vector<1x128xf32>
    %swap3A_17 = arith.constant 0 : index
    %swap3A_18 = arith.constant 0 : index
    %swap3A_19 = vector.load %arg3[%swap3A_17, %swap3A_18] : memref<1x128xf32, #tpu.memory_space<vmem>>, vector<1x128xf32>
    tpu.vector_store %arg3[%swap3A_17, %swap3A_18], %add3A_16 {strides = array<i32>} : memref<1x128xf32, #tpu.memory_space<vmem>>, vector<1x128xf32>,
    return
  }
  func.func @transform_0(%arg0: i32) -> (i32, i32) {
    %c0_i32 = arith.constant 0 : i32
    %c0_i32_0 = arith.constant 0 : i32
    return %arg0, %c0_i32 : i32, i32
  }
  func.func @transform_1(%arg0: i32) -> (i32, i32) {
    %c0_i32 = arith.constant 0 : i32
    %c0_i32_0 = arith.constant 0 : i32
    %c0_i32_1 = arith.constant 0 : i32
    return %c0_i32, %c0_i32_0 : i32, i32
  }
  func.func @transform_2(%arg0: i32) -> (i32, i32) {
    %c0_i32 = arith.constant 0 : i32
    %c0_i32_0 = arith.constant 0 : i32
    %c0_i32_1 = arith.constant 0 : i32
    return %c0_i32, %c0_i32_0 : i32, i32
  }
}

module attributes {stable_mosaic.version = 14 : i64} {
  func.func @_node_emb_body(%arg0: i32, %arg1: memref<1000x128xf32, #tpu.memory_space<vmem>>, %arg2: memref<128x16xf32, #tpu.memory_space<vmem>>, %arg3: memref<1x16xf32, #tpu.memory_space<vmem>>, %arg4: memref<1000x16xf32, #tpu.memory_space<vmem>>) attributes {dimension_semantics = [#tpu.dimension_semantics<arbitrary>], iteration_bounds = array<i64: 10>, scalar_prefetch = 0 : i64, scratch_operands = 0 : i64, tpu.core_type = #tpu.core_type<tc>, window_params = [{transform_indices = @transform_0, window_bounds = array<i64: 1000, 128>}, {pipeline_mode = #tpu.pipeline_mode<synchronous>, transform_indices = @transform_1, window_bounds = array<i64: 128, 16>}, {pipeline_mode = #tpu.pipeline_mode<synchronous>, transform_indices = @transform_2, window_bounds = array<i64: 1, 16>}, {transform_indices = @transform_3, window_bounds = array<i64: 1000, 16>}]} {
    %get3A = arith.constant 0 : index
    %get3A_0 = arith.constant 0 : index
    %get3A_1 = vector.load %arg1[%get3A, %get3A_0] : memref<1000x128xf32, #tpu.memory_space<vmem>>, vector<1000x128xf32>
    %get3A_2 = arith.constant 0 : index
    %get3A_3 = arith.constant 0 : index
    %get3A_4 = vector.load %arg2[%get3A_2, %get3A_3] : memref<128x16xf32, #tpu.memory_space<vmem>>, vector<128x16xf32>
    %dot_general3A = arith.constant dense<0.000000e+00> : vector<1000x16xf32>
    %dot_general3A_5 = tpu.matmul %get3A_1, %get3A_4, %dot_general3A {dimension_numbers = #tpu.dot_dimension_numbers<[1], [0], [0], [1], [0, 0, 1, 1], [], []>, transpose_lhs_hint = false} : vector<1000x128xf32>, vector<128x16xf32>, vector<1000x16xf32> -> vector<1000x16xf32>
    %get3A_6 = arith.constant 0 : index
    %get3A_7 = arith.constant 0 : index
    %get3A_8 = vector.load %arg3[%get3A_6, %get3A_7] : memref<1x16xf32, #tpu.memory_space<vmem>>, vector<1x16xf32>
    %add3A = vector.broadcast %get3A_8 : vector<1x16xf32> to vector<1000x16xf32>
    %add3A_9 = arith.addf %dot_general3A_5, %add3A : vector<1000x16xf32>
    %swap3A = arith.constant 0 : index
    %swap3A_10 = arith.constant 0 : index
    %swap3A_11 = vector.load %arg4[%swap3A, %swap3A_10] : memref<1000x16xf32, #tpu.memory_space<vmem>>, vector<1000x16xf32>
    tpu.vector_store %arg4[%swap3A, %swap3A_10], %add3A_9 {strides = array<i32>} : memref<1000x16xf32, #tpu.memory_space<vmem>>, vector<1000x16xf32>,
    return
  }
  func.func @transform_0(%arg0: i32) -> (i32, i32) {
    %c0_i32 = arith.constant 0 : i32
    %c0_i32_0 = arith.constant 0 : i32
    return %arg0, %c0_i32 : i32, i32
  }
  func.func @transform_1(%arg0: i32) -> (i32, i32) {
    %c0_i32 = arith.constant 0 : i32
    %c0_i32_0 = arith.constant 0 : i32
    %c0_i32_1 = arith.constant 0 : i32
    return %c0_i32, %c0_i32_0 : i32, i32
  }
  func.func @transform_2(%arg0: i32) -> (i32, i32) {
    %c0_i32 = arith.constant 0 : i32
    %c0_i32_0 = arith.constant 0 : i32
    %c0_i32_1 = arith.constant 0 : i32
    return %c0_i32, %c0_i32_0 : i32, i32
  }
  func.func @transform_3(%arg0: i32) -> (i32, i32) {
    %c0_i32 = arith.constant 0 : i32
    %c0_i32_0 = arith.constant 0 : i32
    return %arg0, %c0_i32 : i32, i32
  }
}

module attributes {stable_mosaic.version = 14 : i64} {
  func.func @_edge_mom_body(%arg0: i32, %arg1: memref<2000x16xf32, #tpu.memory_space<vmem>>, %arg2: memref<1x16xf32, #tpu.memory_space<vmem>>, %arg3: memref<16x16xf32, #tpu.memory_space<vmem>>) attributes {dimension_semantics = [#tpu.dimension_semantics<arbitrary>], iteration_bounds = array<i64: 80>, scalar_prefetch = 0 : i64, scratch_operands = 0 : i64, tpu.core_type = #tpu.core_type<tc>, window_params = [{transform_indices = @transform_0, window_bounds = array<i64: 2000, 16>}, {pipeline_mode = #tpu.pipeline_mode<synchronous>, transform_indices = @transform_1, window_bounds = array<i64: 1, 16>}, {pipeline_mode = #tpu.pipeline_mode<synchronous>, transform_indices = @transform_2, window_bounds = array<i64: 16, 16>}]} {
    %eq3A = arith.constant 0 : i32
    %eq3A_0 = arith.cmpi eq, %arg0, %eq3A : i32
    %convert_element_type3A = arith.extui %eq3A_0 : i1 to i32
    %cond3A = arith.constant 0 : i32
    %cond3A_1 = arith.cmpi ne, %convert_element_type3A, %cond3A : i32
    scf.if %cond3A_1 {
      %broadcast_in_dim3A_18 = arith.constant 0.000000e+00 : f32
      %broadcast_in_dim3A_19 = vector.broadcast %broadcast_in_dim3A_18 : f32 to vector<1x16xf32>
      %swap3A_20 = arith.constant 0 : index
      %swap3A_21 = arith.constant 0 : index
      %swap3A_22 = vector.load %arg2[%swap3A_20, %swap3A_21] : memref<1x16xf32, #tpu.memory_space<vmem>>, vector<1x16xf32>
      tpu.vector_store %arg2[%swap3A_20, %swap3A_21], %broadcast_in_dim3A_19 {strides = array<i32>} : memref<1x16xf32, #tpu.memory_space<vmem>>, vector<1x16xf32>,
      %broadcast_in_dim3A_23 = arith.constant 0.000000e+00 : f32
      %broadcast_in_dim3A_24 = vector.broadcast %broadcast_in_dim3A_23 : f32 to vector<16x16xf32>
      %swap3A_25 = arith.constant 0 : index
      %swap3A_26 = arith.constant 0 : index
      %swap3A_27 = vector.load %arg3[%swap3A_25, %swap3A_26] : memref<16x16xf32, #tpu.memory_space<vmem>>, vector<16x16xf32>
      tpu.vector_store %arg3[%swap3A_25, %swap3A_26], %broadcast_in_dim3A_24 {strides = array<i32>} : memref<16x16xf32, #tpu.memory_space<vmem>>, vector<16x16xf32>,
    } else {
    }
    %get3A = arith.constant 0 : index
    %get3A_2 = arith.constant 0 : index
    %get3A_3 = vector.load %arg1[%get3A, %get3A_2] : memref<2000x16xf32, #tpu.memory_space<vmem>>, vector<2000x16xf32>
    %get3A_4 = arith.constant 0 : index
    %get3A_5 = arith.constant 0 : index
    %get3A_6 = vector.load %arg2[%get3A_4, %get3A_5] : memref<1x16xf32, #tpu.memory_space<vmem>>, vector<1x16xf32>
    %reduce_sum3A = arith.constant dense<0.000000e+00> : vector<16xf32>
    %reduce_sum3A_7 = vector.multi_reduction <add>, %get3A_3, %reduce_sum3A [0] : vector<2000x16xf32> to vector<16xf32>
    %broadcast_in_dim3A = vector.shape_cast %reduce_sum3A_7 : vector<16xf32> to vector<1x16xf32>
    %add3A = arith.addf %get3A_6, %broadcast_in_dim3A : vector<1x16xf32>
    %swap3A = arith.constant 0 : index
    %swap3A_8 = arith.constant 0 : index
    %swap3A_9 = vector.load %arg2[%swap3A, %swap3A_8] : memref<1x16xf32, #tpu.memory_space<vmem>>, vector<1x16xf32>
    tpu.vector_store %arg2[%swap3A, %swap3A_8], %add3A {strides = array<i32>} : memref<1x16xf32, #tpu.memory_space<vmem>>, vector<1x16xf32>,
    %get3A_10 = arith.constant 0 : index
    %get3A_11 = arith.constant 0 : index
    %get3A_12 = vector.load %arg3[%get3A_10, %get3A_11] : memref<16x16xf32, #tpu.memory_space<vmem>>, vector<16x16xf32>
    %dot_general3A = arith.constant dense<0.000000e+00> : vector<16x16xf32>
    %dot_general3A_13 = tpu.matmul %get3A_3, %get3A_3, %dot_general3A {dimension_numbers = #tpu.dot_dimension_numbers<[0], [0], [1], [1], [0, 1, 1, 1], [], []>, transpose_lhs_hint = false} : vector<2000x16xf32>, vector<2000x16xf32>, vector<16x16xf32> -> vector<16x16xf32>
    %add3A_14 = arith.addf %get3A_12, %dot_general3A_13 : vector<16x16xf32>
    %swap3A_15 = arith.constant 0 : index
    %swap3A_16 = arith.constant 0 : index
    %swap3A_17 = vector.load %arg3[%swap3A_15, %swap3A_16] : memref<16x16xf32, #tpu.memory_space<vmem>>, vector<16x16xf32>
    tpu.vector_store %arg3[%swap3A_15, %swap3A_16], %add3A_14 {strides = array<i32>} : memref<16x16xf32, #tpu.memory_space<vmem>>, vector<16x16xf32>,
    return
  }
  func.func @transform_0(%arg0: i32) -> (i32, i32) {
    %c0_i32 = arith.constant 0 : i32
    %c0_i32_0 = arith.constant 0 : i32
    return %arg0, %c0_i32 : i32, i32
  }
  func.func @transform_1(%arg0: i32) -> (i32, i32) {
    %c0_i32 = arith.constant 0 : i32
    %c0_i32_0 = arith.constant 0 : i32
    %c0_i32_1 = arith.constant 0 : i32
    return %c0_i32, %c0_i32_0 : i32, i32
  }
  func.func @transform_2(%arg0: i32) -> (i32, i32) {
    %c0_i32 = arith.constant 0 : i32
    %c0_i32_0 = arith.constant 0 : i32
    %c0_i32_1 = arith.constant 0 : i32
    return %c0_i32, %c0_i32_0 : i32, i32
  }
}

module attributes {stable_mosaic.version = 14 : i64} {
  func.func @_edge_act_body(%arg0: i32, %arg1: memref<2000x16xf32, #tpu.memory_space<vmem>>, %arg2: memref<16x16xf32, #tpu.memory_space<vmem>>, %arg3: memref<1x16xf32, #tpu.memory_space<vmem>>, %arg4: memref<2000x16xf32, #tpu.memory_space<vmem>>, %arg5: memref<1x16xf32, #tpu.memory_space<vmem>>, %arg6: memref<16x16xf32, #tpu.memory_space<vmem>>) attributes {dimension_semantics = [#tpu.dimension_semantics<arbitrary>], iteration_bounds = array<i64: 80>, scalar_prefetch = 0 : i64, scratch_operands = 0 : i64, tpu.core_type = #tpu.core_type<tc>, window_params = [{transform_indices = @transform_0, window_bounds = array<i64: 2000, 16>}, {pipeline_mode = #tpu.pipeline_mode<synchronous>, transform_indices = @transform_1, window_bounds = array<i64: 16, 16>}, {pipeline_mode = #tpu.pipeline_mode<synchronous>, transform_indices = @transform_2, window_bounds = array<i64: 1, 16>}, {transform_indices = @transform_3, window_bounds = array<i64: 2000, 16>}, {pipeline_mode = #tpu.pipeline_mode<synchronous>, transform_indices = @transform_4, window_bounds = array<i64: 1, 16>}, {pipeline_mode = #tpu.pipeline_mode<synchronous>, transform_indices = @transform_5, window_bounds = array<i64: 16, 16>}]} {
    %eq3A = arith.constant 0 : i32
    %eq3A_0 = arith.cmpi eq, %arg0, %eq3A : i32
    %convert_element_type3A = arith.extui %eq3A_0 : i1 to i32
    %cond3A = arith.constant 0 : i32
    %cond3A_1 = arith.cmpi ne, %convert_element_type3A, %cond3A : i32
    scf.if %cond3A_1 {
      %broadcast_in_dim3A_35 = arith.constant 0.000000e+00 : f32
      %broadcast_in_dim3A_36 = vector.broadcast %broadcast_in_dim3A_35 : f32 to vector<1x16xf32>
      %swap3A_37 = arith.constant 0 : index
      %swap3A_38 = arith.constant 0 : index
      %swap3A_39 = vector.load %arg5[%swap3A_37, %swap3A_38] : memref<1x16xf32, #tpu.memory_space<vmem>>, vector<1x16xf32>
      tpu.vector_store %arg5[%swap3A_37, %swap3A_38], %broadcast_in_dim3A_36 {strides = array<i32>} : memref<1x16xf32, #tpu.memory_space<vmem>>, vector<1x16xf32>,
      %broadcast_in_dim3A_40 = arith.constant 0.000000e+00 : f32
      %broadcast_in_dim3A_41 = vector.broadcast %broadcast_in_dim3A_40 : f32 to vector<16x16xf32>
      %swap3A_42 = arith.constant 0 : index
      %swap3A_43 = arith.constant 0 : index
      %swap3A_44 = vector.load %arg6[%swap3A_42, %swap3A_43] : memref<16x16xf32, #tpu.memory_space<vmem>>, vector<16x16xf32>
      tpu.vector_store %arg6[%swap3A_42, %swap3A_43], %broadcast_in_dim3A_41 {strides = array<i32>} : memref<16x16xf32, #tpu.memory_space<vmem>>, vector<16x16xf32>,
    } else {
    }
    %get3A = arith.constant 0 : index
    %get3A_2 = arith.constant 0 : index
    %get3A_3 = vector.load %arg1[%get3A, %get3A_2] : memref<2000x16xf32, #tpu.memory_space<vmem>>, vector<2000x16xf32>
    %get3A_4 = arith.constant 0 : index
    %get3A_5 = arith.constant 0 : index
    %get3A_6 = vector.load %arg2[%get3A_4, %get3A_5] : memref<16x16xf32, #tpu.memory_space<vmem>>, vector<16x16xf32>
    %dot_general3A = arith.constant dense<0.000000e+00> : vector<2000x16xf32>
    %dot_general3A_7 = tpu.matmul %get3A_3, %get3A_6, %dot_general3A {dimension_numbers = #tpu.dot_dimension_numbers<[1], [0], [0], [1], [0, 0, 1, 1], [], []>, transpose_lhs_hint = false} : vector<2000x16xf32>, vector<16x16xf32>, vector<2000x16xf32> -> vector<2000x16xf32>
    %get3A_8 = arith.constant 0 : index
    %get3A_9 = arith.constant 0 : index
    %get3A_10 = vector.load %arg3[%get3A_8, %get3A_9] : memref<1x16xf32, #tpu.memory_space<vmem>>, vector<1x16xf32>
    %add3A = vector.broadcast %get3A_10 : vector<1x16xf32> to vector<2000x16xf32>
    %add3A_11 = arith.addf %dot_general3A_7, %add3A : vector<2000x16xf32>
    %ge3A = arith.constant 0.000000e+00 : f32
    %ge3A_12 = vector.broadcast %ge3A : f32 to vector<2000x16xf32>
    %ge3A_13 = arith.cmpf oge, %add3A_11, %ge3A_12 : vector<2000x16xf32>
    %mul3A = arith.constant 8.000000e-01 : f32
    %mul3A_14 = vector.broadcast %mul3A : f32 to vector<2000x16xf32>
    %mul3A_15 = arith.mulf %mul3A_14, %add3A_11 : vector<2000x16xf32>
    %select_n3A = arith.select %ge3A_13, %add3A_11, %mul3A_15 : vector<2000x16xi1>, vector<2000x16xf32>
    %swap3A = arith.constant 0 : index
    %swap3A_16 = arith.constant 0 : index
    %swap3A_17 = vector.load %arg4[%swap3A, %swap3A_16] : memref<2000x16xf32, #tpu.memory_space<vmem>>, vector<2000x16xf32>
    tpu.vector_store %arg4[%swap3A, %swap3A_16], %select_n3A {strides = array<i32>} : memref<2000x16xf32, #tpu.memory_space<vmem>>, vector<2000x16xf32>,
    %get3A_18 = arith.constant 0 : index
    %get3A_19 = arith.constant 0 : index
    %get3A_20 = vector.load %arg5[%get3A_18, %get3A_19] : memref<1x16xf32, #tpu.memory_space<vmem>>, vector<1x16xf32>
    %reduce_sum3A = arith.constant dense<0.000000e+00> : vector<16xf32>
    %reduce_sum3A_21 = vector.multi_reduction <add>, %select_n3A, %reduce_sum3A [0] : vector<2000x16xf32> to vector<16xf32>
    %broadcast_in_dim3A = vector.shape_cast %reduce_sum3A_21 : vector<16xf32> to vector<1x16xf32>
    %add3A_22 = arith.addf %get3A_20, %broadcast_in_dim3A : vector<1x16xf32>
    %swap3A_23 = arith.constant 0 : index
    %swap3A_24 = arith.constant 0 : index
    %swap3A_25 = vector.load %arg5[%swap3A_23, %swap3A_24] : memref<1x16xf32, #tpu.memory_space<vmem>>, vector<1x16xf32>
    tpu.vector_store %arg5[%swap3A_23, %swap3A_24], %add3A_22 {strides = array<i32>} : memref<1x16xf32, #tpu.memory_space<vmem>>, vector<1x16xf32>,
    %get3A_26 = arith.constant 0 : index
    %get3A_27 = arith.constant 0 : index
    %get3A_28 = vector.load %arg6[%get3A_26, %get3A_27] : memref<16x16xf32, #tpu.memory_space<vmem>>, vector<16x16xf32>
    %dot_general3A_29 = arith.constant dense<0.000000e+00> : vector<16x16xf32>
    %dot_general3A_30 = tpu.matmul %select_n3A, %select_n3A, %dot_general3A_29 {dimension_numbers = #tpu.dot_dimension_numbers<[0], [0], [1], [1], [0, 1, 1, 1], [], []>, transpose_lhs_hint = false} : vector<2000x16xf32>, vector<2000x16xf32>, vector<16x16xf32> -> vector<16x16xf32>
    %add3A_31 = arith.addf %get3A_28, %dot_general3A_30 : vector<16x16xf32>
    %swap3A_32 = arith.constant 0 : index
    %swap3A_33 = arith.constant 0 : index
    %swap3A_34 = vector.load %arg6[%swap3A_32, %swap3A_33] : memref<16x16xf32, #tpu.memory_space<vmem>>, vector<16x16xf32>
    tpu.vector_store %arg6[%swap3A_32, %swap3A_33], %add3A_31 {strides = array<i32>} : memref<16x16xf32, #tpu.memory_space<vmem>>, vector<16x16xf32>,
    return
  }
  func.func @transform_0(%arg0: i32) -> (i32, i32) {
    %c0_i32 = arith.constant 0 : i32
    %c0_i32_0 = arith.constant 0 : i32
    return %arg0, %c0_i32 : i32, i32
  }
  func.func @transform_1(%arg0: i32) -> (i32, i32) {
    %c0_i32 = arith.constant 0 : i32
    %c0_i32_0 = arith.constant 0 : i32
    %c0_i32_1 = arith.constant 0 : i32
    return %c0_i32, %c0_i32_0 : i32, i32
  }
  func.func @transform_2(%arg0: i32) -> (i32, i32) {
    %c0_i32 = arith.constant 0 : i32
    %c0_i32_0 = arith.constant 0 : i32
    %c0_i32_1 = arith.constant 0 : i32
    return %c0_i32, %c0_i32_0 : i32, i32
  }
  func.func @transform_3(%arg0: i32) -> (i32, i32) {
    %c0_i32 = arith.constant 0 : i32
    %c0_i32_0 = arith.constant 0 : i32
    return %arg0, %c0_i32 : i32, i32
  }
  func.func @transform_4(%arg0: i32) -> (i32, i32) {
    %c0_i32 = arith.constant 0 : i32
    %c0_i32_0 = arith.constant 0 : i32
    %c0_i32_1 = arith.constant 0 : i32
    return %c0_i32, %c0_i32_0 : i32, i32
  }
  func.func @transform_5(%arg0: i32) -> (i32, i32) {
    %c0_i32 = arith.constant 0 : i32
    %c0_i32_0 = arith.constant 0 : i32
    %c0_i32_1 = arith.constant 0 : i32
    return %c0_i32, %c0_i32_0 : i32, i32
  }
}

module attributes {stable_mosaic.version = 14 : i64} {
  func.func @_msg_body(%arg0: i32, %arg1: memref<2000x16xf32, #tpu.memory_space<vmem>>, %arg2: memref<2000x16xf32, #tpu.memory_space<vmem>>, %arg3: memref<16x256xf32, #tpu.memory_space<vmem>>, %arg4: memref<1x256xf32, #tpu.memory_space<vmem>>, %arg5: memref<2000x16xf32, #tpu.memory_space<vmem>>) attributes {dimension_semantics = [#tpu.dimension_semantics<arbitrary>], iteration_bounds = array<i64: 80>, scalar_prefetch = 0 : i64, scratch_operands = 0 : i64, tpu.core_type = #tpu.core_type<tc>, window_params = [{transform_indices = @transform_0, window_bounds = array<i64: 2000, 16>}, {transform_indices = @transform_1, window_bounds = array<i64: 2000, 16>}, {pipeline_mode = #tpu.pipeline_mode<synchronous>, transform_indices = @transform_2, window_bounds = array<i64: 16, 256>}, {pipeline_mode = #tpu.pipeline_mode<synchronous>, transform_indices = @transform_3, window_bounds = array<i64: 1, 256>}, {transform_indices = @transform_4, window_bounds = array<i64: 2000, 16>}]} {
    %get3A = arith.constant 0 : index
    %get3A_0 = arith.constant 0 : index
    %get3A_1 = vector.load %arg1[%get3A, %get3A_0] : memref<2000x16xf32, #tpu.memory_space<vmem>>, vector<2000x16xf32>
    %get3A_2 = arith.constant 0 : index
    %get3A_3 = arith.constant 0 : index
    %get3A_4 = vector.load %arg3[%get3A_2, %get3A_3] : memref<16x256xf32, #tpu.memory_space<vmem>>, vector<16x256xf32>
    %dot_general3A = arith.constant dense<0.000000e+00> : vector<2000x256xf32>
    %dot_general3A_5 = tpu.matmul %get3A_1, %get3A_4, %dot_general3A {dimension_numbers = #tpu.dot_dimension_numbers<[1], [0], [0], [1], [0, 0, 1, 1], [], []>, transpose_lhs_hint = false} : vector<2000x16xf32>, vector<16x256xf32>, vector<2000x256xf32> -> vector<2000x256xf32>
    %get3A_6 = arith.constant 0 : index
    %get3A_7 = arith.constant 0 : index
    %get3A_8 = vector.load %arg4[%get3A_6, %get3A_7] : memref<1x256xf32, #tpu.memory_space<vmem>>, vector<1x256xf32>
    %add3A = vector.broadcast %get3A_8 : vector<1x256xf32> to vector<2000x256xf32>
    %add3A_9 = arith.addf %dot_general3A_5, %add3A : vector<2000x256xf32>
    %get3A_10 = arith.constant 0 : index
    %get3A_11 = arith.constant 0 : index
    %get3A_12 = vector.load %arg2[%get3A_10, %get3A_11] : memref<2000x16xf32, #tpu.memory_space<vmem>>, vector<2000x16xf32>
    %slice3A = vector.extract_strided_slice %get3A_12 {offsets = [0, 0], sizes = [2000, 1], strides = [1, 1]} : vector<2000x16xf32> to vector<2000x1xf32>
    %slice3A_13 = vector.extract_strided_slice %add3A_9 {offsets = [0, 0], sizes = [2000, 16], strides = [1, 1]} : vector<2000x256xf32> to vector<2000x16xf32>
    %mul3A = vector.broadcast %slice3A : vector<2000x1xf32> to vector<2000x16xf32>
    %mul3A_14 = arith.mulf %mul3A, %slice3A_13 : vector<2000x16xf32>
    %slice3A_15 = vector.extract_strided_slice %get3A_12 {offsets = [0, 1], sizes = [2000, 1], strides = [1, 1]} : vector<2000x16xf32> to vector<2000x1xf32>
    %slice3A_16 = vector.extract_strided_slice %add3A_9 {offsets = [0, 16], sizes = [2000, 16], strides = [1, 1]} : vector<2000x256xf32> to vector<2000x16xf32>
    %mul3A_17 = vector.broadcast %slice3A_15 : vector<2000x1xf32> to vector<2000x16xf32>
    %mul3A_18 = arith.mulf %mul3A_17, %slice3A_16 : vector<2000x16xf32>
    %add3A_19 = arith.addf %mul3A_14, %mul3A_18 : vector<2000x16xf32>
    %slice3A_20 = vector.extract_strided_slice %get3A_12 {offsets = [0, 2], sizes = [2000, 1], strides = [1, 1]} : vector<2000x16xf32> to vector<2000x1xf32>
    %slice3A_21 = vector.extract_strided_slice %add3A_9 {offsets = [0, 32], sizes = [2000, 16], strides = [1, 1]} : vector<2000x256xf32> to vector<2000x16xf32>
    %mul3A_22 = vector.broadcast %slice3A_20 : vector<2000x1xf32> to vector<2000x16xf32>
    %mul3A_23 = arith.mulf %mul3A_22, %slice3A_21 : vector<2000x16xf32>
    %add3A_24 = arith.addf %add3A_19, %mul3A_23 : vector<2000x16xf32>
    %slice3A_25 = vector.extract_strided_slice %get3A_12 {offsets = [0, 3], sizes = [2000, 1], strides = [1, 1]} : vector<2000x16xf32> to vector<2000x1xf32>
    %slice3A_26 = vector.extract_strided_slice %add3A_9 {offsets = [0, 48], sizes = [2000, 16], strides = [1, 1]} : vector<2000x256xf32> to vector<2000x16xf32>
    %mul3A_27 = vector.broadcast %slice3A_25 : vector<2000x1xf32> to vector<2000x16xf32>
    %mul3A_28 = arith.mulf %mul3A_27, %slice3A_26 : vector<2000x16xf32>
    %add3A_29 = arith.addf %add3A_24, %mul3A_28 : vector<2000x16xf32>
    %slice3A_30 = vector.extract_strided_slice %get3A_12 {offsets = [0, 4], sizes = [2000, 1], strides = [1, 1]} : vector<2000x16xf32> to vector<2000x1xf32>
    %slice3A_31 = vector.extract_strided_slice %add3A_9 {offsets = [0, 64], sizes = [2000, 16], strides = [1, 1]} : vector<2000x256xf32> to vector<2000x16xf32>
    %mul3A_32 = vector.broadcast %slice3A_30 : vector<2000x1xf32> to vector<2000x16xf32>
    %mul3A_33 = arith.mulf %mul3A_32, %slice3A_31 : vector<2000x16xf32>
    %add3A_34 = arith.addf %add3A_29, %mul3A_33 : vector<2000x16xf32>
    %slice3A_35 = vector.extract_strided_slice %get3A_12 {offsets = [0, 5], sizes = [2000, 1], strides = [1, 1]} : vector<2000x16xf32> to vector<2000x1xf32>
    %slice3A_36 = vector.extract_strided_slice %add3A_9 {offsets = [0, 80], sizes = [2000, 16], strides = [1, 1]} : vector<2000x256xf32> to vector<2000x16xf32>
    %mul3A_37 = vector.broadcast %slice3A_35 : vector<2000x1xf32> to vector<2000x16xf32>
    %mul3A_38 = arith.mulf %mul3A_37, %slice3A_36 : vector<2000x16xf32>
    %add3A_39 = arith.addf %add3A_34, %mul3A_38 : vector<2000x16xf32>
    %slice3A_40 = vector.extract_strided_slice %get3A_12 {offsets = [0, 6], sizes = [2000, 1], strides = [1, 1]} : vector<2000x16xf32> to vector<2000x1xf32>
    %slice3A_41 = vector.extract_strided_slice %add3A_9 {offsets = [0, 96], sizes = [2000, 16], strides = [1, 1]} : vector<2000x256xf32> to vector<2000x16xf32>
    %mul3A_42 = vector.broadcast %slice3A_40 : vector<2000x1xf32> to vector<2000x16xf32>
    %mul3A_43 = arith.mulf %mul3A_42, %slice3A_41 : vector<2000x16xf32>
    %add3A_44 = arith.addf %add3A_39, %mul3A_43 : vector<2000x16xf32>
    %slice3A_45 = vector.extract_strided_slice %get3A_12 {offsets = [0, 7], sizes = [2000, 1], strides = [1, 1]} : vector<2000x16xf32> to vector<2000x1xf32>
    %slice3A_46 = vector.extract_strided_slice %add3A_9 {offsets = [0, 112], sizes = [2000, 16], strides = [1, 1]} : vector<2000x256xf32> to vector<2000x16xf32>
    %mul3A_47 = vector.broadcast %slice3A_45 : vector<2000x1xf32> to vector<2000x16xf32>
    %mul3A_48 = arith.mulf %mul3A_47, %slice3A_46 : vector<2000x16xf32>
    %add3A_49 = arith.addf %add3A_44, %mul3A_48 : vector<2000x16xf32>
    %slice3A_50 = vector.extract_strided_slice %get3A_12 {offsets = [0, 8], sizes = [2000, 1], strides = [1, 1]} : vector<2000x16xf32> to vector<2000x1xf32>
    %slice3A_51 = vector.extract_strided_slice %add3A_9 {offsets = [0, 128], sizes = [2000, 16], strides = [1, 1]} : vector<2000x256xf32> to vector<2000x16xf32>
    %mul3A_52 = vector.broadcast %slice3A_50 : vector<2000x1xf32> to vector<2000x16xf32>
    %mul3A_53 = arith.mulf %mul3A_52, %slice3A_51 : vector<2000x16xf32>
    %add3A_54 = arith.addf %add3A_49, %mul3A_53 : vector<2000x16xf32>
    %slice3A_55 = vector.extract_strided_slice %get3A_12 {offsets = [0, 9], sizes = [2000, 1], strides = [1, 1]} : vector<2000x16xf32> to vector<2000x1xf32>
    %slice3A_56 = vector.extract_strided_slice %add3A_9 {offsets = [0, 144], sizes = [2000, 16], strides = [1, 1]} : vector<2000x256xf32> to vector<2000x16xf32>
    %mul3A_57 = vector.broadcast %slice3A_55 : vector<2000x1xf32> to vector<2000x16xf32>
    %mul3A_58 = arith.mulf %mul3A_57, %slice3A_56 : vector<2000x16xf32>
    %add3A_59 = arith.addf %add3A_54, %mul3A_58 : vector<2000x16xf32>
    %slice3A_60 = vector.extract_strided_slice %get3A_12 {offsets = [0, 10], sizes = [2000, 1], strides = [1, 1]} : vector<2000x16xf32> to vector<2000x1xf32>
    %slice3A_61 = vector.extract_strided_slice %add3A_9 {offsets = [0, 160], sizes = [2000, 16], strides = [1, 1]} : vector<2000x256xf32> to vector<2000x16xf32>
    %mul3A_62 = vector.broadcast %slice3A_60 : vector<2000x1xf32> to vector<2000x16xf32>
    %mul3A_63 = arith.mulf %mul3A_62, %slice3A_61 : vector<2000x16xf32>
    %add3A_64 = arith.addf %add3A_59, %mul3A_63 : vector<2000x16xf32>
    %slice3A_65 = vector.extract_strided_slice %get3A_12 {offsets = [0, 11], sizes = [2000, 1], strides = [1, 1]} : vector<2000x16xf32> to vector<2000x1xf32>
    %slice3A_66 = vector.extract_strided_slice %add3A_9 {offsets = [0, 176], sizes = [2000, 16], strides = [1, 1]} : vector<2000x256xf32> to vector<2000x16xf32>
    %mul3A_67 = vector.broadcast %slice3A_65 : vector<2000x1xf32> to vector<2000x16xf32>
    %mul3A_68 = arith.mulf %mul3A_67, %slice3A_66 : vector<2000x16xf32>
    %add3A_69 = arith.addf %add3A_64, %mul3A_68 : vector<2000x16xf32>
    %slice3A_70 = vector.extract_strided_slice %get3A_12 {offsets = [0, 12], sizes = [2000, 1], strides = [1, 1]} : vector<2000x16xf32> to vector<2000x1xf32>
    %slice3A_71 = vector.extract_strided_slice %add3A_9 {offsets = [0, 192], sizes = [2000, 16], strides = [1, 1]} : vector<2000x256xf32> to vector<2000x16xf32>
    %mul3A_72 = vector.broadcast %slice3A_70 : vector<2000x1xf32> to vector<2000x16xf32>
    %mul3A_73 = arith.mulf %mul3A_72, %slice3A_71 : vector<2000x16xf32>
    %add3A_74 = arith.addf %add3A_69, %mul3A_73 : vector<2000x16xf32>
    %slice3A_75 = vector.extract_strided_slice %get3A_12 {offsets = [0, 13], sizes = [2000, 1], strides = [1, 1]} : vector<2000x16xf32> to vector<2000x1xf32>
    %slice3A_76 = vector.extract_strided_slice %add3A_9 {offsets = [0, 208], sizes = [2000, 16], strides = [1, 1]} : vector<2000x256xf32> to vector<2000x16xf32>
    %mul3A_77 = vector.broadcast %slice3A_75 : vector<2000x1xf32> to vector<2000x16xf32>
    %mul3A_78 = arith.mulf %mul3A_77, %slice3A_76 : vector<2000x16xf32>
    %add3A_79 = arith.addf %add3A_74, %mul3A_78 : vector<2000x16xf32>
    %slice3A_80 = vector.extract_strided_slice %get3A_12 {offsets = [0, 14], sizes = [2000, 1], strides = [1, 1]} : vector<2000x16xf32> to vector<2000x1xf32>
    %slice3A_81 = vector.extract_strided_slice %add3A_9 {offsets = [0, 224], sizes = [2000, 16], strides = [1, 1]} : vector<2000x256xf32> to vector<2000x16xf32>
    %mul3A_82 = vector.broadcast %slice3A_80 : vector<2000x1xf32> to vector<2000x16xf32>
    %mul3A_83 = arith.mulf %mul3A_82, %slice3A_81 : vector<2000x16xf32>
    %add3A_84 = arith.addf %add3A_79, %mul3A_83 : vector<2000x16xf32>
    %slice3A_85 = vector.extract_strided_slice %get3A_12 {offsets = [0, 15], sizes = [2000, 1], strides = [1, 1]} : vector<2000x16xf32> to vector<2000x1xf32>
    %slice3A_86 = vector.extract_strided_slice %add3A_9 {offsets = [0, 240], sizes = [2000, 16], strides = [1, 1]} : vector<2000x256xf32> to vector<2000x16xf32>
    %mul3A_87 = vector.broadcast %slice3A_85 : vector<2000x1xf32> to vector<2000x16xf32>
    %mul3A_88 = arith.mulf %mul3A_87, %slice3A_86 : vector<2000x16xf32>
    %add3A_89 = arith.addf %add3A_84, %mul3A_88 : vector<2000x16xf32>
    %swap3A = arith.constant 0 : index
    %swap3A_90 = arith.constant 0 : index
    %swap3A_91 = vector.load %arg5[%swap3A, %swap3A_90] : memref<2000x16xf32, #tpu.memory_space<vmem>>, vector<2000x16xf32>
    tpu.vector_store %arg5[%swap3A, %swap3A_90], %add3A_89 {strides = array<i32>} : memref<2000x16xf32, #tpu.memory_space<vmem>>, vector<2000x16xf32>,
    return
  }
  func.func @transform_0(%arg0: i32) -> (i32, i32) {
    %c0_i32 = arith.constant 0 : i32
    %c0_i32_0 = arith.constant 0 : i32
    return %arg0, %c0_i32 : i32, i32
  }
  func.func @transform_1(%arg0: i32) -> (i32, i32) {
    %c0_i32 = arith.constant 0 : i32
    %c0_i32_0 = arith.constant 0 : i32
    return %arg0, %c0_i32 : i32, i32
  }
  func.func @transform_2(%arg0: i32) -> (i32, i32) {
    %c0_i32 = arith.constant 0 : i32
    %c0_i32_0 = arith.constant 0 : i32
    %c0_i32_1 = arith.constant 0 : i32
    return %c0_i32, %c0_i32_0 : i32, i32
  }
  func.func @transform_3(%arg0: i32) -> (i32, i32) {
    %c0_i32 = arith.constant 0 : i32
    %c0_i32_0 = arith.constant 0 : i32
    %c0_i32_1 = arith.constant 0 : i32
    return %c0_i32, %c0_i32_0 : i32, i32
  }
  func.func @transform_4(%arg0: i32) -> (i32, i32) {
    %c0_i32 = arith.constant 0 : i32
    %c0_i32_0 = arith.constant 0 : i32
    return %arg0, %c0_i32 : i32, i32
  }
}

module attributes {stable_mosaic.version = 14 : i64} {
  func.func @_gru0_body(%arg0: memref<10016x16xf32, #tpu.memory_space<vmem>>, %arg1: memref<10016x16xf32, #tpu.memory_space<vmem>>, %arg2: memref<10016x16xf32, #tpu.memory_space<vmem>>, %arg3: memref<10016x16xf32, #tpu.memory_space<vmem>>, %arg4: memref<10000x16xf32, #tpu.memory_space<vmem>>, %arg5: memref<16x48xf32, #tpu.memory_space<vmem>>, %arg6: memref<1x48xf32, #tpu.memory_space<vmem>>, %arg7: memref<16x48xf32, #tpu.memory_space<vmem>>, %arg8: memref<1x48xf32, #tpu.memory_space<vmem>>, %arg9: memref<10000x16xf32, #tpu.memory_space<vmem>>, %arg10: memref<10000x16xf32, #tpu.memory_space<vmem>>) attributes {dimension_semantics = [], scalar_prefetch = 0 : i64, scratch_operands = 0 : i64, tpu.core_type = #tpu.core_type<tc>} {
    %get3A = arith.constant 0 : index
    %get3A_0 = arith.constant 0 : index
    %get3A_1 = vector.load %arg2[%get3A, %get3A_0] : memref<10016x16xf32, #tpu.memory_space<vmem>>, vector<10016x16xf32>
    %slice3A = vector.extract_strided_slice %get3A_1 {offsets = [0, 0], sizes = [10000, 16], strides = [1, 1]} : vector<10016x16xf32> to vector<10000x16xf32>
    %get3A_2 = arith.constant 0 : index
    %get3A_3 = arith.constant 0 : index
    %get3A_4 = vector.load %arg3[%get3A_2, %get3A_3] : memref<10016x16xf32, #tpu.memory_space<vmem>>, vector<10016x16xf32>
    %slice3A_5 = vector.extract_strided_slice %get3A_4 {offsets = [0, 0], sizes = [10000, 16], strides = [1, 1]} : vector<10016x16xf32> to vector<10000x16xf32>
    %add3A = arith.addf %slice3A, %slice3A_5 : vector<10000x16xf32>
    %max3A = arith.constant 1.000000e+00 : f32
    %max3A_6 = vector.broadcast %max3A : f32 to vector<10000x16xf32>
    %max3A_7 = arith.maximumf %add3A, %max3A_6 : vector<10000x16xf32>
    %get3A_8 = arith.constant 0 : index
    %get3A_9 = arith.constant 0 : index
    %get3A_10 = vector.load %arg0[%get3A_8, %get3A_9] : memref<10016x16xf32, #tpu.memory_space<vmem>>, vector<10016x16xf32>
    %slice3A_11 = vector.extract_strided_slice %get3A_10 {offsets = [0, 0], sizes = [10000, 16], strides = [1, 1]} : vector<10016x16xf32> to vector<10000x16xf32>
    %get3A_12 = arith.constant 0 : index
    %get3A_13 = arith.constant 0 : index
    %get3A_14 = vector.load %arg1[%get3A_12, %get3A_13] : memref<10016x16xf32, #tpu.memory_space<vmem>>, vector<10016x16xf32>
    %slice3A_15 = vector.extract_strided_slice %get3A_14 {offsets = [0, 0], sizes = [10000, 16], strides = [1, 1]} : vector<10016x16xf32> to vector<10000x16xf32>
    %add3A_16 = arith.addf %slice3A_11, %slice3A_15 : vector<10000x16xf32>
    %div3A = arith.divf %add3A_16, %max3A_7 : vector<10000x16xf32>
    %get3A_17 = arith.constant 0 : index
    %get3A_18 = arith.constant 0 : index
    %get3A_19 = vector.load %arg4[%get3A_17, %get3A_18] : memref<10000x16xf32, #tpu.memory_space<vmem>>, vector<10000x16xf32>
    %get3A_20 = arith.constant 0 : index
    %get3A_21 = arith.constant 0 : index
    %get3A_22 = vector.load %arg5[%get3A_20, %get3A_21] : memref<16x48xf32, #tpu.memory_space<vmem>>, vector<16x48xf32>
    %dot_general3A = arith.constant dense<0.000000e+00> : vector<10000x48xf32>
    %dot_general3A_23 = tpu.matmul %div3A, %get3A_22, %dot_general3A {dimension_numbers = #tpu.dot_dimension_numbers<[1], [0], [0], [1], [0, 0, 1, 1], [], []>, transpose_lhs_hint = false} : vector<10000x16xf32>, vector<16x48xf32>, vector<10000x48xf32> -> vector<10000x48xf32>
    %get3A_24 = arith.constant 0 : index
    %get3A_25 = arith.constant 0 : index
    %get3A_26 = vector.load %arg6[%get3A_24, %get3A_25] : memref<1x48xf32, #tpu.memory_space<vmem>>, vector<1x48xf32>
    %add3A_27 = vector.broadcast %get3A_26 : vector<1x48xf32> to vector<10000x48xf32>
    %add3A_28 = arith.addf %dot_general3A_23, %add3A_27 : vector<10000x48xf32>
    %get3A_29 = arith.constant 0 : index
    %get3A_30 = arith.constant 0 : index
    %get3A_31 = vector.load %arg7[%get3A_29, %get3A_30] : memref<16x48xf32, #tpu.memory_space<vmem>>, vector<16x48xf32>
    %dot_general3A_32 = arith.constant dense<0.000000e+00> : vector<10000x48xf32>
    %dot_general3A_33 = tpu.matmul %get3A_19, %get3A_31, %dot_general3A_32 {dimension_numbers = #tpu.dot_dimension_numbers<[1], [0], [0], [1], [0, 0, 1, 1], [], []>, transpose_lhs_hint = false} : vector<10000x16xf32>, vector<16x48xf32>, vector<10000x48xf32> -> vector<10000x48xf32>
    %get3A_34 = arith.constant 0 : index
    %get3A_35 = arith.constant 0 : index
    %get3A_36 = vector.load %arg8[%get3A_34, %get3A_35] : memref<1x48xf32, #tpu.memory_space<vmem>>, vector<1x48xf32>
    %add3A_37 = vector.broadcast %get3A_36 : vector<1x48xf32> to vector<10000x48xf32>
    %add3A_38 = arith.addf %dot_general3A_33, %add3A_37 : vector<10000x48xf32>
    %slice3A_39 = vector.extract_strided_slice %add3A_28 {offsets = [0, 0], sizes = [10000, 16], strides = [1, 1]} : vector<10000x48xf32> to vector<10000x16xf32>
    %slice3A_40 = vector.extract_strided_slice %add3A_38 {offsets = [0, 0], sizes = [10000, 16], strides = [1, 1]} : vector<10000x48xf32> to vector<10000x16xf32>
    %add3A_41 = arith.addf %slice3A_39, %slice3A_40 : vector<10000x16xf32>
    %logistic3A = arith.negf %add3A_41 : vector<10000x16xf32>
    %logistic3A_42 = math.exp %logistic3A : vector<10000x16xf32>
    %logistic3A_43 = arith.constant 1.000000e+00 : f32
    %logistic3A_44 = vector.broadcast %logistic3A_43 : f32 to vector<10000x16xf32>
    %logistic3A_45 = arith.addf %logistic3A_44, %logistic3A_42 : vector<10000x16xf32>
    %logistic3A_46 = arith.divf %logistic3A_44, %logistic3A_45 : vector<10000x16xf32>
    %slice3A_47 = vector.extract_strided_slice %add3A_28 {offsets = [0, 16], sizes = [10000, 16], strides = [1, 1]} : vector<10000x48xf32> to vector<10000x16xf32>
    %slice3A_48 = vector.extract_strided_slice %add3A_38 {offsets = [0, 16], sizes = [10000, 16], strides = [1, 1]} : vector<10000x48xf32> to vector<10000x16xf32>
    %add3A_49 = arith.addf %slice3A_47, %slice3A_48 : vector<10000x16xf32>
    %logistic3A_50 = arith.negf %add3A_49 : vector<10000x16xf32>
    %logistic3A_51 = math.exp %logistic3A_50 : vector<10000x16xf32>
    %logistic3A_52 = arith.constant 1.000000e+00 : f32
    %logistic3A_53 = vector.broadcast %logistic3A_52 : f32 to vector<10000x16xf32>
    %logistic3A_54 = arith.addf %logistic3A_53, %logistic3A_51 : vector<10000x16xf32>
    %logistic3A_55 = arith.divf %logistic3A_53, %logistic3A_54 : vector<10000x16xf32>
    %slice3A_56 = vector.extract_strided_slice %add3A_28 {offsets = [0, 32], sizes = [10000, 16], strides = [1, 1]} : vector<10000x48xf32> to vector<10000x16xf32>
    %slice3A_57 = vector.extract_strided_slice %add3A_38 {offsets = [0, 32], sizes = [10000, 16], strides = [1, 1]} : vector<10000x48xf32> to vector<10000x16xf32>
    %mul3A = arith.mulf %logistic3A_46, %slice3A_57 : vector<10000x16xf32>
    %add3A_58 = arith.addf %slice3A_56, %mul3A : vector<10000x16xf32>
    %tanh3A = math.tanh %add3A_58 : vector<10000x16xf32>
    %sub3A = arith.constant 1.000000e+00 : f32
    %sub3A_59 = vector.broadcast %sub3A : f32 to vector<10000x16xf32>
    %sub3A_60 = arith.subf %sub3A_59, %logistic3A_55 : vector<10000x16xf32>
    %mul3A_61 = arith.mulf %sub3A_60, %tanh3A : vector<10000x16xf32>
    %mul3A_62 = arith.mulf %logistic3A_55, %get3A_19 : vector<10000x16xf32>
    %add3A_63 = arith.addf %mul3A_61, %mul3A_62 : vector<10000x16xf32>
    %swap3A = arith.constant 0 : index
    %swap3A_64 = arith.constant 0 : index
    %swap3A_65 = vector.load %arg9[%swap3A, %swap3A_64] : memref<10000x16xf32, #tpu.memory_space<vmem>>, vector<10000x16xf32>
    tpu.vector_store %arg9[%swap3A, %swap3A_64], %add3A_63 {strides = array<i32>} : memref<10000x16xf32, #tpu.memory_space<vmem>>, vector<10000x16xf32>,
    %swap3A_66 = arith.constant 0 : index
    %swap3A_67 = arith.constant 0 : index
    %swap3A_68 = vector.load %arg10[%swap3A_66, %swap3A_67] : memref<10000x16xf32, #tpu.memory_space<vmem>>, vector<10000x16xf32>
    tpu.vector_store %arg10[%swap3A_66, %swap3A_67], %max3A_7 {strides = array<i32>} : memref<10000x16xf32, #tpu.memory_space<vmem>>, vector<10000x16xf32>,
    return
  }
}

module attributes {stable_mosaic.version = 14 : i64} {
  func.func @_gru1_body(%arg0: memref<10016x16xf32, #tpu.memory_space<vmem>>, %arg1: memref<10016x16xf32, #tpu.memory_space<vmem>>, %arg2: memref<10000x16xf32, #tpu.memory_space<vmem>>, %arg3: memref<10000x16xf32, #tpu.memory_space<vmem>>, %arg4: memref<16x48xf32, #tpu.memory_space<vmem>>, %arg5: memref<1x48xf32, #tpu.memory_space<vmem>>, %arg6: memref<16x48xf32, #tpu.memory_space<vmem>>, %arg7: memref<1x48xf32, #tpu.memory_space<vmem>>, %arg8: memref<10000x16xf32, #tpu.memory_space<vmem>>) attributes {dimension_semantics = [], scalar_prefetch = 0 : i64, scratch_operands = 0 : i64, tpu.core_type = #tpu.core_type<tc>} {
    %get3A = arith.constant 0 : index
    %get3A_0 = arith.constant 0 : index
    %get3A_1 = vector.load %arg0[%get3A, %get3A_0] : memref<10016x16xf32, #tpu.memory_space<vmem>>, vector<10016x16xf32>
    %slice3A = vector.extract_strided_slice %get3A_1 {offsets = [0, 0], sizes = [10000, 16], strides = [1, 1]} : vector<10016x16xf32> to vector<10000x16xf32>
    %get3A_2 = arith.constant 0 : index
    %get3A_3 = arith.constant 0 : index
    %get3A_4 = vector.load %arg1[%get3A_2, %get3A_3] : memref<10016x16xf32, #tpu.memory_space<vmem>>, vector<10016x16xf32>
    %slice3A_5 = vector.extract_strided_slice %get3A_4 {offsets = [0, 0], sizes = [10000, 16], strides = [1, 1]} : vector<10016x16xf32> to vector<10000x16xf32>
    %add3A = arith.addf %slice3A, %slice3A_5 : vector<10000x16xf32>
    %get3A_6 = arith.constant 0 : index
    %get3A_7 = arith.constant 0 : index
    %get3A_8 = vector.load %arg2[%get3A_6, %get3A_7] : memref<10000x16xf32, #tpu.memory_space<vmem>>, vector<10000x16xf32>
    %div3A = arith.divf %add3A, %get3A_8 : vector<10000x16xf32>
    %get3A_9 = arith.constant 0 : index
    %get3A_10 = arith.constant 0 : index
    %get3A_11 = vector.load %arg3[%get3A_9, %get3A_10] : memref<10000x16xf32, #tpu.memory_space<vmem>>, vector<10000x16xf32>
    %get3A_12 = arith.constant 0 : index
    %get3A_13 = arith.constant 0 : index
    %get3A_14 = vector.load %arg4[%get3A_12, %get3A_13] : memref<16x48xf32, #tpu.memory_space<vmem>>, vector<16x48xf32>
    %dot_general3A = arith.constant dense<0.000000e+00> : vector<10000x48xf32>
    %dot_general3A_15 = tpu.matmul %div3A, %get3A_14, %dot_general3A {dimension_numbers = #tpu.dot_dimension_numbers<[1], [0], [0], [1], [0, 0, 1, 1], [], []>, transpose_lhs_hint = false} : vector<10000x16xf32>, vector<16x48xf32>, vector<10000x48xf32> -> vector<10000x48xf32>
    %get3A_16 = arith.constant 0 : index
    %get3A_17 = arith.constant 0 : index
    %get3A_18 = vector.load %arg5[%get3A_16, %get3A_17] : memref<1x48xf32, #tpu.memory_space<vmem>>, vector<1x48xf32>
    %add3A_19 = vector.broadcast %get3A_18 : vector<1x48xf32> to vector<10000x48xf32>
    %add3A_20 = arith.addf %dot_general3A_15, %add3A_19 : vector<10000x48xf32>
    %get3A_21 = arith.constant 0 : index
    %get3A_22 = arith.constant 0 : index
    %get3A_23 = vector.load %arg6[%get3A_21, %get3A_22] : memref<16x48xf32, #tpu.memory_space<vmem>>, vector<16x48xf32>
    %dot_general3A_24 = arith.constant dense<0.000000e+00> : vector<10000x48xf32>
    %dot_general3A_25 = tpu.matmul %get3A_11, %get3A_23, %dot_general3A_24 {dimension_numbers = #tpu.dot_dimension_numbers<[1], [0], [0], [1], [0, 0, 1, 1], [], []>, transpose_lhs_hint = false} : vector<10000x16xf32>, vector<16x48xf32>, vector<10000x48xf32> -> vector<10000x48xf32>
    %get3A_26 = arith.constant 0 : index
    %get3A_27 = arith.constant 0 : index
    %get3A_28 = vector.load %arg7[%get3A_26, %get3A_27] : memref<1x48xf32, #tpu.memory_space<vmem>>, vector<1x48xf32>
    %add3A_29 = vector.broadcast %get3A_28 : vector<1x48xf32> to vector<10000x48xf32>
    %add3A_30 = arith.addf %dot_general3A_25, %add3A_29 : vector<10000x48xf32>
    %slice3A_31 = vector.extract_strided_slice %add3A_20 {offsets = [0, 0], sizes = [10000, 16], strides = [1, 1]} : vector<10000x48xf32> to vector<10000x16xf32>
    %slice3A_32 = vector.extract_strided_slice %add3A_30 {offsets = [0, 0], sizes = [10000, 16], strides = [1, 1]} : vector<10000x48xf32> to vector<10000x16xf32>
    %add3A_33 = arith.addf %slice3A_31, %slice3A_32 : vector<10000x16xf32>
    %logistic3A = arith.negf %add3A_33 : vector<10000x16xf32>
    %logistic3A_34 = math.exp %logistic3A : vector<10000x16xf32>
    %logistic3A_35 = arith.constant 1.000000e+00 : f32
    %logistic3A_36 = vector.broadcast %logistic3A_35 : f32 to vector<10000x16xf32>
    %logistic3A_37 = arith.addf %logistic3A_36, %logistic3A_34 : vector<10000x16xf32>
    %logistic3A_38 = arith.divf %logistic3A_36, %logistic3A_37 : vector<10000x16xf32>
    %slice3A_39 = vector.extract_strided_slice %add3A_20 {offsets = [0, 16], sizes = [10000, 16], strides = [1, 1]} : vector<10000x48xf32> to vector<10000x16xf32>
    %slice3A_40 = vector.extract_strided_slice %add3A_30 {offsets = [0, 16], sizes = [10000, 16], strides = [1, 1]} : vector<10000x48xf32> to vector<10000x16xf32>
    %add3A_41 = arith.addf %slice3A_39, %slice3A_40 : vector<10000x16xf32>
    %logistic3A_42 = arith.negf %add3A_41 : vector<10000x16xf32>
    %logistic3A_43 = math.exp %logistic3A_42 : vector<10000x16xf32>
    %logistic3A_44 = arith.constant 1.000000e+00 : f32
    %logistic3A_45 = vector.broadcast %logistic3A_44 : f32 to vector<10000x16xf32>
    %logistic3A_46 = arith.addf %logistic3A_45, %logistic3A_43 : vector<10000x16xf32>
    %logistic3A_47 = arith.divf %logistic3A_45, %logistic3A_46 : vector<10000x16xf32>
    %slice3A_48 = vector.extract_strided_slice %add3A_20 {offsets = [0, 32], sizes = [10000, 16], strides = [1, 1]} : vector<10000x48xf32> to vector<10000x16xf32>
    %slice3A_49 = vector.extract_strided_slice %add3A_30 {offsets = [0, 32], sizes = [10000, 16], strides = [1, 1]} : vector<10000x48xf32> to vector<10000x16xf32>
    %mul3A = arith.mulf %logistic3A_38, %slice3A_49 : vector<10000x16xf32>
    %add3A_50 = arith.addf %slice3A_48, %mul3A : vector<10000x16xf32>
    %tanh3A = math.tanh %add3A_50 : vector<10000x16xf32>
    %sub3A = arith.constant 1.000000e+00 : f32
    %sub3A_51 = vector.broadcast %sub3A : f32 to vector<10000x16xf32>
    %sub3A_52 = arith.subf %sub3A_51, %logistic3A_47 : vector<10000x16xf32>
    %mul3A_53 = arith.mulf %sub3A_52, %tanh3A : vector<10000x16xf32>
    %mul3A_54 = arith.mulf %logistic3A_47, %get3A_11 : vector<10000x16xf32>
    %add3A_55 = arith.addf %mul3A_53, %mul3A_54 : vector<10000x16xf32>
    %swap3A = arith.constant 0 : index
    %swap3A_56 = arith.constant 0 : index
    %swap3A_57 = vector.load %arg8[%swap3A, %swap3A_56] : memref<10000x16xf32, #tpu.memory_space<vmem>>, vector<10000x16xf32>
    tpu.vector_store %arg8[%swap3A, %swap3A_56], %add3A_55 {strides = array<i32>} : memref<10000x16xf32, #tpu.memory_space<vmem>>, vector<10000x16xf32>,
    return
  }
}

module attributes {stable_mosaic.version = 14 : i64} {
  func.func @_set2set_body(%arg0: memref<10000x16xf32, #tpu.memory_space<vmem>>, %arg1: memref<10000x1xi32, #tpu.memory_space<vmem>>, %arg2: memref<1x10000xi32, #tpu.memory_space<vmem>>, %arg3: memref<32x64xf32, #tpu.memory_space<vmem>>, %arg4: memref<3x16x64xf32, #tpu.memory_space<vmem>>, %arg5: memref<4x16x64xf32, #tpu.memory_space<vmem>>, %arg6: memref<4x1x64xf32, #tpu.memory_space<vmem>>, %arg7: memref<4x1x64xf32, #tpu.memory_space<vmem>>, %arg8: memref<1x32xf32, #tpu.memory_space<vmem>>, %arg9: memref<1x32xf32, #tpu.memory_space<vmem>>, %arg10: memref<32x16xf32, #tpu.memory_space<vmem>>, %arg11: memref<1x16xf32, #tpu.memory_space<vmem>>, %arg12: memref<1x16xf32, #tpu.memory_space<vmem>>, %arg13: memref<1x1xf32, #tpu.memory_space<vmem>>, %arg14: memref<64x128xf32, #tpu.memory_space<vmem>>) attributes {dimension_semantics = [], scalar_prefetch = 0 : i64, scratch_operands = 0 : i64, tpu.core_type = #tpu.core_type<tc>} {
    %get3A = arith.constant 0 : index
    %get3A_0 = arith.constant 0 : index
    %get3A_1 = vector.load %arg0[%get3A, %get3A_0] : memref<10000x16xf32, #tpu.memory_space<vmem>>, vector<10000x16xf32>
    %iota3A = tpu.iota {dimensions = array<i32: 1>} : vector<1x64xi32>
    %iota3A_2 = tpu.iota {dimensions = array<i32: 0>} : vector<64x1xi32>
    %get3A_3 = arith.constant 0 : index
    %get3A_4 = arith.constant 0 : index
    %get3A_5 = vector.load %arg1[%get3A_3, %get3A_4] : memref<10000x1xi32, #tpu.memory_space<vmem>>, vector<10000x1xi32>
    %eq3A = vector.broadcast %get3A_5 : vector<10000x1xi32> to vector<10000x64xi32>
    %eq3A_6 = vector.broadcast %iota3A : vector<1x64xi32> to vector<10000x64xi32>
    %eq3A_7 = arith.cmpi eq, %eq3A, %eq3A_6 : vector<10000x64xi32>
    %convert_element_type3A = arith.extui %eq3A_7 : vector<10000x64xi1> to vector<10000x64xi32>
    %convert_element_type3A_8 = arith.sitofp %convert_element_type3A : vector<10000x64xi32> to vector<10000x64xf32>
    %get3A_9 = arith.constant 0 : index
    %get3A_10 = arith.constant 0 : index
    %get3A_11 = vector.load %arg2[%get3A_9, %get3A_10] : memref<1x10000xi32, #tpu.memory_space<vmem>>, vector<1x10000xi32>
    %eq3A_12 = vector.broadcast %iota3A_2 : vector<64x1xi32> to vector<64x10000xi32>
    %eq3A_13 = vector.broadcast %get3A_11 : vector<1x10000xi32> to vector<64x10000xi32>
    %eq3A_14 = arith.cmpi eq, %eq3A_12, %eq3A_13 : vector<64x10000xi32>
    %convert_element_type3A_15 = arith.extui %eq3A_14 : vector<64x10000xi1> to vector<64x10000xi32>
    %convert_element_type3A_16 = arith.sitofp %convert_element_type3A_15 : vector<64x10000xi32> to vector<64x10000xf32>
    %broadcast_in_dim3A = arith.constant 0.000000e+00 : f32
    %broadcast_in_dim3A_17 = vector.broadcast %broadcast_in_dim3A : f32 to vector<64x32xf32>
    %broadcast_in_dim3A_18 = arith.constant 0.000000e+00 : f32
    %broadcast_in_dim3A_19 = vector.broadcast %broadcast_in_dim3A_18 : f32 to vector<64x16xf32>
    %broadcast_in_dim3A_20 = arith.constant 0.000000e+00 : f32
    %broadcast_in_dim3A_21 = vector.broadcast %broadcast_in_dim3A_20 : f32 to vector<64x16xf32>
    %broadcast_in_dim3A_22 = arith.constant 0.000000e+00 : f32
    %broadcast_in_dim3A_23 = vector.broadcast %broadcast_in_dim3A_22 : f32 to vector<64x16xf32>
    %broadcast_in_dim3A_24 = arith.constant 0.000000e+00 : f32
    %broadcast_in_dim3A_25 = vector.broadcast %broadcast_in_dim3A_24 : f32 to vector<64x16xf32>
    %broadcast_in_dim3A_26 = arith.constant 0.000000e+00 : f32
    %broadcast_in_dim3A_27 = vector.broadcast %broadcast_in_dim3A_26 : f32 to vector<64x16xf32>
    %broadcast_in_dim3A_28 = arith.constant 0.000000e+00 : f32
    %broadcast_in_dim3A_29 = vector.broadcast %broadcast_in_dim3A_28 : f32 to vector<64x16xf32>
    %broadcast_in_dim3A_30 = arith.constant 0.000000e+00 : f32
    %broadcast_in_dim3A_31 = vector.broadcast %broadcast_in_dim3A_30 : f32 to vector<64x16xf32>
    %broadcast_in_dim3A_32 = arith.constant 0.000000e+00 : f32
    %broadcast_in_dim3A_33 = vector.broadcast %broadcast_in_dim3A_32 : f32 to vector<64x16xf32>
    %get3A_34 = arith.constant 0 : index
    %get3A_35 = arith.constant 0 : index
    %get3A_36 = vector.load %arg3[%get3A_34, %get3A_35] : memref<32x64xf32, #tpu.memory_space<vmem>>, vector<32x64xf32>
    %dot_general3A = arith.constant dense<0.000000e+00> : vector<64x64xf32>
    %dot_general3A_37 = tpu.matmul %broadcast_in_dim3A_17, %get3A_36, %dot_general3A {dimension_numbers = #tpu.dot_dimension_numbers<[1], [0], [0], [1], [0, 0, 1, 1], [], []>, transpose_lhs_hint = false} : vector<64x32xf32>, vector<32x64xf32>, vector<64x64xf32> -> vector<64x64xf32>
    %get3A_38 = arith.constant 0 : index
    %get3A_39 = arith.constant 0 : index
    %get3A_40 = arith.constant 0 : index
    %get3A_41 = vector.load %arg6[%get3A_38, %get3A_39, %get3A_40] : memref<4x1x64xf32, #tpu.memory_space<vmem>>, vector<1x1x64xf32>
    %get3A_42 = vector.shape_cast %get3A_41 : vector<1x1x64xf32> to vector<1x64xf32>
    %add3A = vector.broadcast %get3A_42 : vector<1x64xf32> to vector<64x64xf32>
    %add3A_43 = arith.addf %dot_general3A_37, %add3A : vector<64x64xf32>
    %get3A_44 = arith.constant 0 : index
    %get3A_45 = arith.constant 0 : index
    %get3A_46 = arith.constant 0 : index
    %get3A_47 = vector.load %arg5[%get3A_44, %get3A_45, %get3A_46] : memref<4x16x64xf32, #tpu.memory_space<vmem>>, vector<1x16x64xf32>
    %get3A_48 = vector.shape_cast %get3A_47 : vector<1x16x64xf32> to vector<16x64xf32>
    %dot_general3A_49 = arith.constant dense<0.000000e+00> : vector<64x64xf32>
    %dot_general3A_50 = tpu.matmul %broadcast_in_dim3A_19, %get3A_48, %dot_general3A_49 {dimension_numbers = #tpu.dot_dimension_numbers<[1], [0], [0], [1], [0, 0, 1, 1], [], []>, transpose_lhs_hint = false} : vector<64x16xf32>, vector<16x64xf32>, vector<64x64xf32> -> vector<64x64xf32>
    %add3A_51 = arith.addf %add3A_43, %dot_general3A_50 : vector<64x64xf32>
    %get3A_52 = arith.constant 0 : index
    %get3A_53 = arith.constant 0 : index
    %get3A_54 = arith.constant 0 : index
    %get3A_55 = vector.load %arg7[%get3A_52, %get3A_53, %get3A_54] : memref<4x1x64xf32, #tpu.memory_space<vmem>>, vector<1x1x64xf32>
    %get3A_56 = vector.shape_cast %get3A_55 : vector<1x1x64xf32> to vector<1x64xf32>
    %add3A_57 = vector.broadcast %get3A_56 : vector<1x64xf32> to vector<64x64xf32>
    %add3A_58 = arith.addf %add3A_51, %add3A_57 : vector<64x64xf32>
    %slice3A = vector.extract_strided_slice %add3A_58 {offsets = [0, 0], sizes = [64, 16], strides = [1, 1]} : vector<64x64xf32> to vector<64x16xf32>
    %slice3A_59 = vector.extract_strided_slice %add3A_58 {offsets = [0, 16], sizes = [64, 16], strides = [1, 1]} : vector<64x64xf32> to vector<64x16xf32>
    %slice3A_60 = vector.extract_strided_slice %add3A_58 {offsets = [0, 32], sizes = [64, 16], strides = [1, 1]} : vector<64x64xf32> to vector<64x16xf32>
    %slice3A_61 = vector.extract_strided_slice %add3A_58 {offsets = [0, 48], sizes = [64, 16], strides = [1, 1]} : vector<64x64xf32> to vector<64x16xf32>
    %logistic3A = arith.negf %slice3A_59 : vector<64x16xf32>
    %logistic3A_62 = math.exp %logistic3A : vector<64x16xf32>
    %logistic3A_63 = arith.constant 1.000000e+00 : f32
    %logistic3A_64 = vector.broadcast %logistic3A_63 : f32 to vector<64x16xf32>
    %logistic3A_65 = arith.addf %logistic3A_64, %logistic3A_62 : vector<64x16xf32>
    %logistic3A_66 = arith.divf %logistic3A_64, %logistic3A_65 : vector<64x16xf32>
    %mul3A = arith.mulf %logistic3A_66, %broadcast_in_dim3A_27 : vector<64x16xf32>
    %logistic3A_67 = arith.negf %slice3A : vector<64x16xf32>
    %logistic3A_68 = math.exp %logistic3A_67 : vector<64x16xf32>
    %logistic3A_69 = arith.constant 1.000000e+00 : f32
    %logistic3A_70 = vector.broadcast %logistic3A_69 : f32 to vector<64x16xf32>
    %logistic3A_71 = arith.addf %logistic3A_70, %logistic3A_68 : vector<64x16xf32>
    %logistic3A_72 = arith.divf %logistic3A_70, %logistic3A_71 : vector<64x16xf32>
    %tanh3A = math.tanh %slice3A_60 : vector<64x16xf32>
    %mul3A_73 = arith.mulf %logistic3A_72, %tanh3A : vector<64x16xf32>
    %add3A_74 = arith.addf %mul3A, %mul3A_73 : vector<64x16xf32>
    %logistic3A_75 = arith.negf %slice3A_61 : vector<64x16xf32>
    %logistic3A_76 = math.exp %logistic3A_75 : vector<64x16xf32>
    %logistic3A_77 = arith.constant 1.000000e+00 : f32
    %logistic3A_78 = vector.broadcast %logistic3A_77 : f32 to vector<64x16xf32>
    %logistic3A_79 = arith.addf %logistic3A_78, %logistic3A_76 : vector<64x16xf32>
    %logistic3A_80 = arith.divf %logistic3A_78, %logistic3A_79 : vector<64x16xf32>
    %tanh3A_81 = math.tanh %add3A_74 : vector<64x16xf32>
    %mul3A_82 = arith.mulf %logistic3A_80, %tanh3A_81 : vector<64x16xf32>
    %get3A_83 = arith.constant 0 : index
    %get3A_84 = arith.constant 0 : index
    %get3A_85 = arith.constant 0 : index
    %get3A_86 = vector.load %arg4[%get3A_83, %get3A_84, %get3A_85] : memref<3x16x64xf32, #tpu.memory_space<vmem>>, vector<1x16x64xf32>
    %get3A_87 = vector.shape_cast %get3A_86 : vector<1x16x64xf32> to vector<16x64xf32>
    %dot_general3A_88 = arith.constant dense<0.000000e+00> : vector<64x64xf32>
    %dot_general3A_89 = tpu.matmul %mul3A_82, %get3A_87, %dot_general3A_88 {dimension_numbers = #tpu.dot_dimension_numbers<[1], [0], [0], [1], [0, 0, 1, 1], [], []>, transpose_lhs_hint = false} : vector<64x16xf32>, vector<16x64xf32>, vector<64x64xf32> -> vector<64x64xf32>
    %get3A_90 = arith.constant 1 : index
    %get3A_91 = arith.constant 0 : index
    %get3A_92 = arith.constant 0 : index
    %get3A_93 = vector.load %arg6[%get3A_90, %get3A_91, %get3A_92] : memref<4x1x64xf32, #tpu.memory_space<vmem>>, vector<1x1x64xf32>
    %get3A_94 = vector.shape_cast %get3A_93 : vector<1x1x64xf32> to vector<1x64xf32>
    %add3A_95 = vector.broadcast %get3A_94 : vector<1x64xf32> to vector<64x64xf32>
    %add3A_96 = arith.addf %dot_general3A_89, %add3A_95 : vector<64x64xf32>
    %get3A_97 = arith.constant 1 : index
    %get3A_98 = arith.constant 0 : index
    %get3A_99 = arith.constant 0 : index
    %get3A_100 = vector.load %arg5[%get3A_97, %get3A_98, %get3A_99] : memref<4x16x64xf32, #tpu.memory_space<vmem>>, vector<1x16x64xf32>
    %get3A_101 = vector.shape_cast %get3A_100 : vector<1x16x64xf32> to vector<16x64xf32>
    %dot_general3A_102 = arith.constant dense<0.000000e+00> : vector<64x64xf32>
    %dot_general3A_103 = tpu.matmul %broadcast_in_dim3A_21, %get3A_101, %dot_general3A_102 {dimension_numbers = #tpu.dot_dimension_numbers<[1], [0], [0], [1], [0, 0, 1, 1], [], []>, transpose_lhs_hint = false} : vector<64x16xf32>, vector<16x64xf32>, vector<64x64xf32> -> vector<64x64xf32>
    %add3A_104 = arith.addf %add3A_96, %dot_general3A_103 : vector<64x64xf32>
    %get3A_105 = arith.constant 1 : index
    %get3A_106 = arith.constant 0 : index
    %get3A_107 = arith.constant 0 : index
    %get3A_108 = vector.load %arg7[%get3A_105, %get3A_106, %get3A_107] : memref<4x1x64xf32, #tpu.memory_space<vmem>>, vector<1x1x64xf32>
    %get3A_109 = vector.shape_cast %get3A_108 : vector<1x1x64xf32> to vector<1x64xf32>
    %add3A_110 = vector.broadcast %get3A_109 : vector<1x64xf32> to vector<64x64xf32>
    %add3A_111 = arith.addf %add3A_104, %add3A_110 : vector<64x64xf32>
    %slice3A_112 = vector.extract_strided_slice %add3A_111 {offsets = [0, 0], sizes = [64, 16], strides = [1, 1]} : vector<64x64xf32> to vector<64x16xf32>
    %slice3A_113 = vector.extract_strided_slice %add3A_111 {offsets = [0, 16], sizes = [64, 16], strides = [1, 1]} : vector<64x64xf32> to vector<64x16xf32>
    %slice3A_114 = vector.extract_strided_slice %add3A_111 {offsets = [0, 32], sizes = [64, 16], strides = [1, 1]} : vector<64x64xf32> to vector<64x16xf32>
    %slice3A_115 = vector.extract_strided_slice %add3A_111 {offsets = [0, 48], sizes = [64, 16], strides = [1, 1]} : vector<64x64xf32> to vector<64x16xf32>
    %logistic3A_116 = arith.negf %slice3A_113 : vector<64x16xf32>
    %logistic3A_117 = math.exp %logistic3A_116 : vector<64x16xf32>
    %logistic3A_118 = arith.constant 1.000000e+00 : f32
    %logistic3A_119 = vector.broadcast %logistic3A_118 : f32 to vector<64x16xf32>
    %logistic3A_120 = arith.addf %logistic3A_119, %logistic3A_117 : vector<64x16xf32>
    %logistic3A_121 = arith.divf %logistic3A_119, %logistic3A_120 : vector<64x16xf32>
    %mul3A_122 = arith.mulf %logistic3A_121, %broadcast_in_dim3A_29 : vector<64x16xf32>
    %logistic3A_123 = arith.negf %slice3A_112 : vector<64x16xf32>
    %logistic3A_124 = math.exp %logistic3A_123 : vector<64x16xf32>
    %logistic3A_125 = arith.constant 1.000000e+00 : f32
    %logistic3A_126 = vector.broadcast %logistic3A_125 : f32 to vector<64x16xf32>
    %logistic3A_127 = arith.addf %logistic3A_126, %logistic3A_124 : vector<64x16xf32>
    %logistic3A_128 = arith.divf %logistic3A_126, %logistic3A_127 : vector<64x16xf32>
    %tanh3A_129 = math.tanh %slice3A_114 : vector<64x16xf32>
    %mul3A_130 = arith.mulf %logistic3A_128, %tanh3A_129 : vector<64x16xf32>
    %add3A_131 = arith.addf %mul3A_122, %mul3A_130 : vector<64x16xf32>
    %logistic3A_132 = arith.negf %slice3A_115 : vector<64x16xf32>
    %logistic3A_133 = math.exp %logistic3A_132 : vector<64x16xf32>
    %logistic3A_134 = arith.constant 1.000000e+00 : f32
    %logistic3A_135 = vector.broadcast %logistic3A_134 : f32 to vector<64x16xf32>
    %logistic3A_136 = arith.addf %logistic3A_135, %logistic3A_133 : vector<64x16xf32>
    %logistic3A_137 = arith.divf %logistic3A_135, %logistic3A_136 : vector<64x16xf32>
    %tanh3A_138 = math.tanh %add3A_131 : vector<64x16xf32>
    %mul3A_139 = arith.mulf %logistic3A_137, %tanh3A_138 : vector<64x16xf32>
    %get3A_140 = arith.constant 1 : index
    %get3A_141 = arith.constant 0 : index
    %get3A_142 = arith.constant 0 : index
    %get3A_143 = vector.load %arg4[%get3A_140, %get3A_141, %get3A_142] : memref<3x16x64xf32, #tpu.memory_space<vmem>>, vector<1x16x64xf32>
    %get3A_144 = vector.shape_cast %get3A_143 : vector<1x16x64xf32> to vector<16x64xf32>
    %dot_general3A_145 = arith.constant dense<0.000000e+00> : vector<64x64xf32>
    %dot_general3A_146 = tpu.matmul %mul3A_139, %get3A_144, %dot_general3A_145 {dimension_numbers = #tpu.dot_dimension_numbers<[1], [0], [0], [1], [0, 0, 1, 1], [], []>, transpose_lhs_hint = false} : vector<64x16xf32>, vector<16x64xf32>, vector<64x64xf32> -> vector<64x64xf32>
    %get3A_147 = arith.constant 2 : index
    %get3A_148 = arith.constant 0 : index
    %get3A_149 = arith.constant 0 : index
    %get3A_150 = vector.load %arg6[%get3A_147, %get3A_148, %get3A_149] : memref<4x1x64xf32, #tpu.memory_space<vmem>>, vector<1x1x64xf32>
    %get3A_151 = vector.shape_cast %get3A_150 : vector<1x1x64xf32> to vector<1x64xf32>
    %add3A_152 = vector.broadcast %get3A_151 : vector<1x64xf32> to vector<64x64xf32>
    %add3A_153 = arith.addf %dot_general3A_146, %add3A_152 : vector<64x64xf32>
    %get3A_154 = arith.constant 2 : index
    %get3A_155 = arith.constant 0 : index
    %get3A_156 = arith.constant 0 : index
    %get3A_157 = vector.load %arg5[%get3A_154, %get3A_155, %get3A_156] : memref<4x16x64xf32, #tpu.memory_space<vmem>>, vector<1x16x64xf32>
    %get3A_158 = vector.shape_cast %get3A_157 : vector<1x16x64xf32> to vector<16x64xf32>
    %dot_general3A_159 = arith.constant dense<0.000000e+00> : vector<64x64xf32>
    %dot_general3A_160 = tpu.matmul %broadcast_in_dim3A_23, %get3A_158, %dot_general3A_159 {dimension_numbers = #tpu.dot_dimension_numbers<[1], [0], [0], [1], [0, 0, 1, 1], [], []>, transpose_lhs_hint = false} : vector<64x16xf32>, vector<16x64xf32>, vector<64x64xf32> -> vector<64x64xf32>
    %add3A_161 = arith.addf %add3A_153, %dot_general3A_160 : vector<64x64xf32>
    %get3A_162 = arith.constant 2 : index
    %get3A_163 = arith.constant 0 : index
    %get3A_164 = arith.constant 0 : index
    %get3A_165 = vector.load %arg7[%get3A_162, %get3A_163, %get3A_164] : memref<4x1x64xf32, #tpu.memory_space<vmem>>, vector<1x1x64xf32>
    %get3A_166 = vector.shape_cast %get3A_165 : vector<1x1x64xf32> to vector<1x64xf32>
    %add3A_167 = vector.broadcast %get3A_166 : vector<1x64xf32> to vector<64x64xf32>
    %add3A_168 = arith.addf %add3A_161, %add3A_167 : vector<64x64xf32>
    %slice3A_169 = vector.extract_strided_slice %add3A_168 {offsets = [0, 0], sizes = [64, 16], strides = [1, 1]} : vector<64x64xf32> to vector<64x16xf32>
    %slice3A_170 = vector.extract_strided_slice %add3A_168 {offsets = [0, 16], sizes = [64, 16], strides = [1, 1]} : vector<64x64xf32> to vector<64x16xf32>
    %slice3A_171 = vector.extract_strided_slice %add3A_168 {offsets = [0, 32], sizes = [64, 16], strides = [1, 1]} : vector<64x64xf32> to vector<64x16xf32>
    %slice3A_172 = vector.extract_strided_slice %add3A_168 {offsets = [0, 48], sizes = [64, 16], strides = [1, 1]} : vector<64x64xf32> to vector<64x16xf32>
    %logistic3A_173 = arith.negf %slice3A_170 : vector<64x16xf32>
    %logistic3A_174 = math.exp %logistic3A_173 : vector<64x16xf32>
    %logistic3A_175 = arith.constant 1.000000e+00 : f32
    %logistic3A_176 = vector.broadcast %logistic3A_175 : f32 to vector<64x16xf32>
    %logistic3A_177 = arith.addf %logistic3A_176, %logistic3A_174 : vector<64x16xf32>
    %logistic3A_178 = arith.divf %logistic3A_176, %logistic3A_177 : vector<64x16xf32>
    %mul3A_179 = arith.mulf %logistic3A_178, %broadcast_in_dim3A_31 : vector<64x16xf32>
    %logistic3A_180 = arith.negf %slice3A_169 : vector<64x16xf32>
    %logistic3A_181 = math.exp %logistic3A_180 : vector<64x16xf32>
    %logistic3A_182 = arith.constant 1.000000e+00 : f32
    %logistic3A_183 = vector.broadcast %logistic3A_182 : f32 to vector<64x16xf32>
    %logistic3A_184 = arith.addf %logistic3A_183, %logistic3A_181 : vector<64x16xf32>
    %logistic3A_185 = arith.divf %logistic3A_183, %logistic3A_184 : vector<64x16xf32>
    %tanh3A_186 = math.tanh %slice3A_171 : vector<64x16xf32>
    %mul3A_187 = arith.mulf %logistic3A_185, %tanh3A_186 : vector<64x16xf32>
    %add3A_188 = arith.addf %mul3A_179, %mul3A_187 : vector<64x16xf32>
    %logistic3A_189 = arith.negf %slice3A_172 : vector<64x16xf32>
    %logistic3A_190 = math.exp %logistic3A_189 : vector<64x16xf32>
    %logistic3A_191 = arith.constant 1.000000e+00 : f32
    %logistic3A_192 = vector.broadcast %logistic3A_191 : f32 to vector<64x16xf32>
    %logistic3A_193 = arith.addf %logistic3A_192, %logistic3A_190 : vector<64x16xf32>
    %logistic3A_194 = arith.divf %logistic3A_192, %logistic3A_193 : vector<64x16xf32>
    %tanh3A_195 = math.tanh %add3A_188 : vector<64x16xf32>
    %mul3A_196 = arith.mulf %logistic3A_194, %tanh3A_195 : vector<64x16xf32>
    %get3A_197 = arith.constant 2 : index
    %get3A_198 = arith.constant 0 : index
    %get3A_199 = arith.constant 0 : index
    %get3A_200 = vector.load %arg4[%get3A_197, %get3A_198, %get3A_199] : memref<3x16x64xf32, #tpu.memory_space<vmem>>, vector<1x16x64xf32>
    %get3A_201 = vector.shape_cast %get3A_200 : vector<1x16x64xf32> to vector<16x64xf32>
    %dot_general3A_202 = arith.constant dense<0.000000e+00> : vector<64x64xf32>
    %dot_general3A_203 = tpu.matmul %mul3A_196, %get3A_201, %dot_general3A_202 {dimension_numbers = #tpu.dot_dimension_numbers<[1], [0], [0], [1], [0, 0, 1, 1], [], []>, transpose_lhs_hint = false} : vector<64x16xf32>, vector<16x64xf32>, vector<64x64xf32> -> vector<64x64xf32>
    %get3A_204 = arith.constant 3 : index
    %get3A_205 = arith.constant 0 : index
    %get3A_206 = arith.constant 0 : index
    %get3A_207 = vector.load %arg6[%get3A_204, %get3A_205, %get3A_206] : memref<4x1x64xf32, #tpu.memory_space<vmem>>, vector<1x1x64xf32>
    %get3A_208 = vector.shape_cast %get3A_207 : vector<1x1x64xf32> to vector<1x64xf32>
    %add3A_209 = vector.broadcast %get3A_208 : vector<1x64xf32> to vector<64x64xf32>
    %add3A_210 = arith.addf %dot_general3A_203, %add3A_209 : vector<64x64xf32>
    %get3A_211 = arith.constant 3 : index
    %get3A_212 = arith.constant 0 : index
    %get3A_213 = arith.constant 0 : index
    %get3A_214 = vector.load %arg5[%get3A_211, %get3A_212, %get3A_213] : memref<4x16x64xf32, #tpu.memory_space<vmem>>, vector<1x16x64xf32>
    %get3A_215 = vector.shape_cast %get3A_214 : vector<1x16x64xf32> to vector<16x64xf32>
    %dot_general3A_216 = arith.constant dense<0.000000e+00> : vector<64x64xf32>
    %dot_general3A_217 = tpu.matmul %broadcast_in_dim3A_25, %get3A_215, %dot_general3A_216 {dimension_numbers = #tpu.dot_dimension_numbers<[1], [0], [0], [1], [0, 0, 1, 1], [], []>, transpose_lhs_hint = false} : vector<64x16xf32>, vector<16x64xf32>, vector<64x64xf32> -> vector<64x64xf32>
    %add3A_218 = arith.addf %add3A_210, %dot_general3A_217 : vector<64x64xf32>
    %get3A_219 = arith.constant 3 : index
    %get3A_220 = arith.constant 0 : index
    %get3A_221 = arith.constant 0 : index
    %get3A_222 = vector.load %arg7[%get3A_219, %get3A_220, %get3A_221] : memref<4x1x64xf32, #tpu.memory_space<vmem>>, vector<1x1x64xf32>
    %get3A_223 = vector.shape_cast %get3A_222 : vector<1x1x64xf32> to vector<1x64xf32>
    %add3A_224 = vector.broadcast %get3A_223 : vector<1x64xf32> to vector<64x64xf32>
    %add3A_225 = arith.addf %add3A_218, %add3A_224 : vector<64x64xf32>
    %slice3A_226 = vector.extract_strided_slice %add3A_225 {offsets = [0, 0], sizes = [64, 16], strides = [1, 1]} : vector<64x64xf32> to vector<64x16xf32>
    %slice3A_227 = vector.extract_strided_slice %add3A_225 {offsets = [0, 16], sizes = [64, 16], strides = [1, 1]} : vector<64x64xf32> to vector<64x16xf32>
    %slice3A_228 = vector.extract_strided_slice %add3A_225 {offsets = [0, 32], sizes = [64, 16], strides = [1, 1]} : vector<64x64xf32> to vector<64x16xf32>
    %slice3A_229 = vector.extract_strided_slice %add3A_225 {offsets = [0, 48], sizes = [64, 16], strides = [1, 1]} : vector<64x64xf32> to vector<64x16xf32>
    %logistic3A_230 = arith.negf %slice3A_227 : vector<64x16xf32>
    %logistic3A_231 = math.exp %logistic3A_230 : vector<64x16xf32>
    %logistic3A_232 = arith.constant 1.000000e+00 : f32
    %logistic3A_233 = vector.broadcast %logistic3A_232 : f32 to vector<64x16xf32>
    %logistic3A_234 = arith.addf %logistic3A_233, %logistic3A_231 : vector<64x16xf32>
    %logistic3A_235 = arith.divf %logistic3A_233, %logistic3A_234 : vector<64x16xf32>
    %mul3A_236 = arith.mulf %logistic3A_235, %broadcast_in_dim3A_33 : vector<64x16xf32>
    %logistic3A_237 = arith.negf %slice3A_226 : vector<64x16xf32>
    %logistic3A_238 = math.exp %logistic3A_237 : vector<64x16xf32>
    %logistic3A_239 = arith.constant 1.000000e+00 : f32
    %logistic3A_240 = vector.broadcast %logistic3A_239 : f32 to vector<64x16xf32>
    %logistic3A_241 = arith.addf %logistic3A_240, %logistic3A_238 : vector<64x16xf32>
    %logistic3A_242 = arith.divf %logistic3A_240, %logistic3A_241 : vector<64x16xf32>
    %tanh3A_243 = math.tanh %slice3A_228 : vector<64x16xf32>
    %mul3A_244 = arith.mulf %logistic3A_242, %tanh3A_243 : vector<64x16xf32>
    %add3A_245 = arith.addf %mul3A_236, %mul3A_244 : vector<64x16xf32>
    %logistic3A_246 = arith.negf %slice3A_229 : vector<64x16xf32>
    %logistic3A_247 = math.exp %logistic3A_246 : vector<64x16xf32>
    %logistic3A_248 = arith.constant 1.000000e+00 : f32
    %logistic3A_249 = vector.broadcast %logistic3A_248 : f32 to vector<64x16xf32>
    %logistic3A_250 = arith.addf %logistic3A_249, %logistic3A_247 : vector<64x16xf32>
    %logistic3A_251 = arith.divf %logistic3A_249, %logistic3A_250 : vector<64x16xf32>
    %tanh3A_252 = math.tanh %add3A_245 : vector<64x16xf32>
    %mul3A_253 = arith.mulf %logistic3A_251, %tanh3A_252 : vector<64x16xf32>
    %dot_general3A_254 = arith.constant dense<0.000000e+00> : vector<10000x16xf32>
    %dot_general3A_255 = tpu.matmul %convert_element_type3A_8, %mul3A_253, %dot_general3A_254 {dimension_numbers = #tpu.dot_dimension_numbers<[1], [0], [0], [1], [0, 0, 1, 1], [], []>, transpose_lhs_hint = false} : vector<10000x64xf32>, vector<64x16xf32>, vector<10000x16xf32> -> vector<10000x16xf32>
    %mul3A_256 = arith.mulf %get3A_1, %dot_general3A_255 : vector<10000x16xf32>
    %reduce_sum3A = arith.constant dense<0.000000e+00> : vector<10000xf32>
    %reduce_sum3A_257 = vector.multi_reduction <add>, %mul3A_256, %reduce_sum3A [1] : vector<10000x16xf32> to vector<10000xf32>
    %broadcast_in_dim3A_258 = vector.shape_cast %reduce_sum3A_257 : vector<10000xf32> to vector<10000x1xf32>
    %jit3A = arith.constant -3.000000e+38 : f32
    %broadcast_in_dim3A_259 = vector.shape_cast %broadcast_in_dim3A_258 : vector<10000x1xf32> to vector<10000x1xf32>
    %broadcast_in_dim3A_260 = vector.broadcast %broadcast_in_dim3A_259 : vector<10000x1xf32> to vector<10000x64xf32>
    %broadcast_in_dim3A_261 = vector.broadcast %jit3A : f32 to vector<10000x64xf32>
    %select_n3A = arith.select %eq3A_7, %broadcast_in_dim3A_260, %broadcast_in_dim3A_261 : vector<10000x64xi1>, vector<10000x64xf32>
    %reduce_max3A = arith.constant dense<0xFF800000> : vector<64xf32>
    %reduce_max3A_262 = vector.multi_reduction <maximumf>, %select_n3A, %reduce_max3A [0] : vector<10000x64xf32> to vector<64xf32>
    %broadcast_in_dim3A_263 = vector.shape_cast %reduce_max3A_262 : vector<64xf32> to vector<1x64xf32>
    %mul3A_264 = vector.broadcast %broadcast_in_dim3A_263 : vector<1x64xf32> to vector<10000x64xf32>
    %mul3A_265 = arith.mulf %convert_element_type3A_8, %mul3A_264 : vector<10000x64xf32>
    %reduce_sum3A_266 = arith.constant dense<0.000000e+00> : vector<10000xf32>
    %reduce_sum3A_267 = vector.multi_reduction <add>, %mul3A_265, %reduce_sum3A_266 [1] : vector<10000x64xf32> to vector<10000xf32>
    %broadcast_in_dim3A_268 = vector.shape_cast %reduce_sum3A_267 : vector<10000xf32> to vector<10000x1xf32>
    %sub3A = arith.subf %broadcast_in_dim3A_258, %broadcast_in_dim3A_268 : vector<10000x1xf32>
    %exp3A = math.exp %sub3A : vector<10000x1xf32>
    %mul3A_269 = vector.broadcast %exp3A : vector<10000x1xf32> to vector<10000x64xf32>
    %mul3A_270 = arith.mulf %convert_element_type3A_8, %mul3A_269 : vector<10000x64xf32>
    %reduce_sum3A_271 = arith.constant dense<0.000000e+00> : vector<64xf32>
    %reduce_sum3A_272 = vector.multi_reduction <add>, %mul3A_270, %reduce_sum3A_271 [0] : vector<10000x64xf32> to vector<64xf32>
    %broadcast_in_dim3A_273 = vector.shape_cast %reduce_sum3A_272 : vector<64xf32> to vector<1x64xf32>
    %mul3A_274 = vector.broadcast %broadcast_in_dim3A_273 : vector<1x64xf32> to vector<10000x64xf32>
    %mul3A_275 = arith.mulf %convert_element_type3A_8, %mul3A_274 : vector<10000x64xf32>
    %reduce_sum3A_276 = arith.constant dense<0.000000e+00> : vector<10000xf32>
    %reduce_sum3A_277 = vector.multi_reduction <add>, %mul3A_275, %reduce_sum3A_276 [1] : vector<10000x64xf32> to vector<10000xf32>
    %broadcast_in_dim3A_278 = vector.shape_cast %reduce_sum3A_277 : vector<10000xf32> to vector<10000x1xf32>
    %div3A = arith.divf %exp3A, %broadcast_in_dim3A_278 : vector<10000x1xf32>
    %mul3A_279 = vector.broadcast %div3A : vector<10000x1xf32> to vector<10000x16xf32>
    %mul3A_280 = arith.mulf %mul3A_279, %get3A_1 : vector<10000x16xf32>
    %dot_general3A_281 = arith.constant dense<0.000000e+00> : vector<64x16xf32>
    %dot_general3A_282 = tpu.matmul %convert_element_type3A_16, %mul3A_280, %dot_general3A_281 {dimension_numbers = #tpu.dot_dimension_numbers<[1], [0], [0], [1], [0, 0, 1, 1], [], []>, transpose_lhs_hint = false} : vector<64x10000xf32>, vector<10000x16xf32>, vector<64x16xf32> -> vector<64x16xf32>
    %concatenate3A = tpu.concatenate %mul3A_253, %dot_general3A_282 in 1 : vector<64x16xf32>, vector<64x16xf32> -> vector<64x32xf32>
    %get3A_283 = arith.constant 0 : index
    %get3A_284 = arith.constant 0 : index
    %get3A_285 = vector.load %arg3[%get3A_283, %get3A_284] : memref<32x64xf32, #tpu.memory_space<vmem>>, vector<32x64xf32>
    %dot_general3A_286 = arith.constant dense<0.000000e+00> : vector<64x64xf32>
    %dot_general3A_287 = tpu.matmul %concatenate3A, %get3A_285, %dot_general3A_286 {dimension_numbers = #tpu.dot_dimension_numbers<[1], [0], [0], [1], [0, 0, 1, 1], [], []>, transpose_lhs_hint = false} : vector<64x32xf32>, vector<32x64xf32>, vector<64x64xf32> -> vector<64x64xf32>
    %get3A_288 = arith.constant 0 : index
    %get3A_289 = arith.constant 0 : index
    %get3A_290 = arith.constant 0 : index
    %get3A_291 = vector.load %arg6[%get3A_288, %get3A_289, %get3A_290] : memref<4x1x64xf32, #tpu.memory_space<vmem>>, vector<1x1x64xf32>
    %get3A_292 = vector.shape_cast %get3A_291 : vector<1x1x64xf32> to vector<1x64xf32>
    %add3A_293 = vector.broadcast %get3A_292 : vector<1x64xf32> to vector<64x64xf32>
    %add3A_294 = arith.addf %dot_general3A_287, %add3A_293 : vector<64x64xf32>
    %get3A_295 = arith.constant 0 : index
    %get3A_296 = arith.constant 0 : index
    %get3A_297 = arith.constant 0 : index
    %get3A_298 = vector.load %arg5[%get3A_295, %get3A_296, %get3A_297] : memref<4x16x64xf32, #tpu.memory_space<vmem>>, vector<1x16x64xf32>
    %get3A_299 = vector.shape_cast %get3A_298 : vector<1x16x64xf32> to vector<16x64xf32>
    %dot_general3A_300 = arith.constant dense<0.000000e+00> : vector<64x64xf32>
    %dot_general3A_301 = tpu.matmul %mul3A_82, %get3A_299, %dot_general3A_300 {dimension_numbers = #tpu.dot_dimension_numbers<[1], [0], [0], [1], [0, 0, 1, 1], [], []>, transpose_lhs_hint = false} : vector<64x16xf32>, vector<16x64xf32>, vector<64x64xf32> -> vector<64x64xf32>
    %add3A_302 = arith.addf %add3A_294, %dot_general3A_301 : vector<64x64xf32>
    %get3A_303 = arith.constant 0 : index
    %get3A_304 = arith.constant 0 : index
    %get3A_305 = arith.constant 0 : index
    %get3A_306 = vector.load %arg7[%get3A_303, %get3A_304, %get3A_305] : memref<4x1x64xf32, #tpu.memory_space<vmem>>, vector<1x1x64xf32>
    %get3A_307 = vector.shape_cast %get3A_306 : vector<1x1x64xf32> to vector<1x64xf32>
    %add3A_308 = vector.broadcast %get3A_307 : vector<1x64xf32> to vector<64x64xf32>
    %add3A_309 = arith.addf %add3A_302, %add3A_308 : vector<64x64xf32>
    %slice3A_310 = vector.extract_strided_slice %add3A_309 {offsets = [0, 0], sizes = [64, 16], strides = [1, 1]} : vector<64x64xf32> to vector<64x16xf32>
    %slice3A_311 = vector.extract_strided_slice %add3A_309 {offsets = [0, 16], sizes = [64, 16], strides = [1, 1]} : vector<64x64xf32> to vector<64x16xf32>
    %slice3A_312 = vector.extract_strided_slice %add3A_309 {offsets = [0, 32], sizes = [64, 16], strides = [1, 1]} : vector<64x64xf32> to vector<64x16xf32>
    %slice3A_313 = vector.extract_strided_slice %add3A_309 {offsets = [0, 48], sizes = [64, 16], strides = [1, 1]} : vector<64x64xf32> to vector<64x16xf32>
    %logistic3A_314 = arith.negf %slice3A_311 : vector<64x16xf32>
    %logistic3A_315 = math.exp %logistic3A_314 : vector<64x16xf32>
    %logistic3A_316 = arith.constant 1.000000e+00 : f32
    %logistic3A_317 = vector.broadcast %logistic3A_316 : f32 to vector<64x16xf32>
    %logistic3A_318 = arith.addf %logistic3A_317, %logistic3A_315 : vector<64x16xf32>
    %logistic3A_319 = arith.divf %logistic3A_317, %logistic3A_318 : vector<64x16xf32>
    %mul3A_320 = arith.mulf %logistic3A_319, %add3A_74 : vector<64x16xf32>
    %logistic3A_321 = arith.negf %slice3A_310 : vector<64x16xf32>
    %logistic3A_322 = math.exp %logistic3A_321 : vector<64x16xf32>
    %logistic3A_323 = arith.constant 1.000000e+00 : f32
    %logistic3A_324 = vector.broadcast %logistic3A_323 : f32 to vector<64x16xf32>
    %logistic3A_325 = arith.addf %logistic3A_324, %logistic3A_322 : vector<64x16xf32>
    %logistic3A_326 = arith.divf %logistic3A_324, %logistic3A_325 : vector<64x16xf32>
    %tanh3A_327 = math.tanh %slice3A_312 : vector<64x16xf32>
    %mul3A_328 = arith.mulf %logistic3A_326, %tanh3A_327 : vector<64x16xf32>
    %add3A_329 = arith.addf %mul3A_320, %mul3A_328 : vector<64x16xf32>
    %logistic3A_330 = arith.negf %slice3A_313 : vector<64x16xf32>
    %logistic3A_331 = math.exp %logistic3A_330 : vector<64x16xf32>
    %logistic3A_332 = arith.constant 1.000000e+00 : f32
    %logistic3A_333 = vector.broadcast %logistic3A_332 : f32 to vector<64x16xf32>
    %logistic3A_334 = arith.addf %logistic3A_333, %logistic3A_331 : vector<64x16xf32>
    %logistic3A_335 = arith.divf %logistic3A_333, %logistic3A_334 : vector<64x16xf32>
    %tanh3A_336 = math.tanh %add3A_329 : vector<64x16xf32>
    %mul3A_337 = arith.mulf %logistic3A_335, %tanh3A_336 : vector<64x16xf32>
    %get3A_338 = arith.constant 0 : index
    %get3A_339 = arith.constant 0 : index
    %get3A_340 = arith.constant 0 : index
    %get3A_341 = vector.load %arg4[%get3A_338, %get3A_339, %get3A_340] : memref<3x16x64xf32, #tpu.memory_space<vmem>>, vector<1x16x64xf32>
    %get3A_342 = vector.shape_cast %get3A_341 : vector<1x16x64xf32> to vector<16x64xf32>
    %dot_general3A_343 = arith.constant dense<0.000000e+00> : vector<64x64xf32>
    %dot_general3A_344 = tpu.matmul %mul3A_337, %get3A_342, %dot_general3A_343 {dimension_numbers = #tpu.dot_dimension_numbers<[1], [0], [0], [1], [0, 0, 1, 1], [], []>, transpose_lhs_hint = false} : vector<64x16xf32>, vector<16x64xf32>, vector<64x64xf32> -> vector<64x64xf32>
    %get3A_345 = arith.constant 1 : index
    %get3A_346 = arith.constant 0 : index
    %get3A_347 = arith.constant 0 : index
    %get3A_348 = vector.load %arg6[%get3A_345, %get3A_346, %get3A_347] : memref<4x1x64xf32, #tpu.memory_space<vmem>>, vector<1x1x64xf32>
    %get3A_349 = vector.shape_cast %get3A_348 : vector<1x1x64xf32> to vector<1x64xf32>
    %add3A_350 = vector.broadcast %get3A_349 : vector<1x64xf32> to vector<64x64xf32>
    %add3A_351 = arith.addf %dot_general3A_344, %add3A_350 : vector<64x64xf32>
    %get3A_352 = arith.constant 1 : index
    %get3A_353 = arith.constant 0 : index
    %get3A_354 = arith.constant 0 : index
    %get3A_355 = vector.load %arg5[%get3A_352, %get3A_353, %get3A_354] : memref<4x16x64xf32, #tpu.memory_space<vmem>>, vector<1x16x64xf32>
    %get3A_356 = vector.shape_cast %get3A_355 : vector<1x16x64xf32> to vector<16x64xf32>
    %dot_general3A_357 = arith.constant dense<0.000000e+00> : vector<64x64xf32>
    %dot_general3A_358 = tpu.matmul %mul3A_139, %get3A_356, %dot_general3A_357 {dimension_numbers = #tpu.dot_dimension_numbers<[1], [0], [0], [1], [0, 0, 1, 1], [], []>, transpose_lhs_hint = false} : vector<64x16xf32>, vector<16x64xf32>, vector<64x64xf32> -> vector<64x64xf32>
    %add3A_359 = arith.addf %add3A_351, %dot_general3A_358 : vector<64x64xf32>
    %get3A_360 = arith.constant 1 : index
    %get3A_361 = arith.constant 0 : index
    %get3A_362 = arith.constant 0 : index
    %get3A_363 = vector.load %arg7[%get3A_360, %get3A_361, %get3A_362] : memref<4x1x64xf32, #tpu.memory_space<vmem>>, vector<1x1x64xf32>
    %get3A_364 = vector.shape_cast %get3A_363 : vector<1x1x64xf32> to vector<1x64xf32>
    %add3A_365 = vector.broadcast %get3A_364 : vector<1x64xf32> to vector<64x64xf32>
    %add3A_366 = arith.addf %add3A_359, %add3A_365 : vector<64x64xf32>
    %slice3A_367 = vector.extract_strided_slice %add3A_366 {offsets = [0, 0], sizes = [64, 16], strides = [1, 1]} : vector<64x64xf32> to vector<64x16xf32>
    %slice3A_368 = vector.extract_strided_slice %add3A_366 {offsets = [0, 16], sizes = [64, 16], strides = [1, 1]} : vector<64x64xf32> to vector<64x16xf32>
    %slice3A_369 = vector.extract_strided_slice %add3A_366 {offsets = [0, 32], sizes = [64, 16], strides = [1, 1]} : vector<64x64xf32> to vector<64x16xf32>
    %slice3A_370 = vector.extract_strided_slice %add3A_366 {offsets = [0, 48], sizes = [64, 16], strides = [1, 1]} : vector<64x64xf32> to vector<64x16xf32>
    %logistic3A_371 = arith.negf %slice3A_368 : vector<64x16xf32>
    %logistic3A_372 = math.exp %logistic3A_371 : vector<64x16xf32>
    %logistic3A_373 = arith.constant 1.000000e+00 : f32
    %logistic3A_374 = vector.broadcast %logistic3A_373 : f32 to vector<64x16xf32>
    %logistic3A_375 = arith.addf %logistic3A_374, %logistic3A_372 : vector<64x16xf32>
    %logistic3A_376 = arith.divf %logistic3A_374, %logistic3A_375 : vector<64x16xf32>
    %mul3A_377 = arith.mulf %logistic3A_376, %add3A_131 : vector<64x16xf32>
    %logistic3A_378 = arith.negf %slice3A_367 : vector<64x16xf32>
    %logistic3A_379 = math.exp %logistic3A_378 : vector<64x16xf32>
    %logistic3A_380 = arith.constant 1.000000e+00 : f32
    %logistic3A_381 = vector.broadcast %logistic3A_380 : f32 to vector<64x16xf32>
    %logistic3A_382 = arith.addf %logistic3A_381, %logistic3A_379 : vector<64x16xf32>
    %logistic3A_383 = arith.divf %logistic3A_381, %logistic3A_382 : vector<64x16xf32>
    %tanh3A_384 = math.tanh %slice3A_369 : vector<64x16xf32>
    %mul3A_385 = arith.mulf %logistic3A_383, %tanh3A_384 : vector<64x16xf32>
    %add3A_386 = arith.addf %mul3A_377, %mul3A_385 : vector<64x16xf32>
    %logistic3A_387 = arith.negf %slice3A_370 : vector<64x16xf32>
    %logistic3A_388 = math.exp %logistic3A_387 : vector<64x16xf32>
    %logistic3A_389 = arith.constant 1.000000e+00 : f32
    %logistic3A_390 = vector.broadcast %logistic3A_389 : f32 to vector<64x16xf32>
    %logistic3A_391 = arith.addf %logistic3A_390, %logistic3A_388 : vector<64x16xf32>
    %logistic3A_392 = arith.divf %logistic3A_390, %logistic3A_391 : vector<64x16xf32>
    %tanh3A_393 = math.tanh %add3A_386 : vector<64x16xf32>
    %mul3A_394 = arith.mulf %logistic3A_392, %tanh3A_393 : vector<64x16xf32>
    %get3A_395 = arith.constant 1 : index
    %get3A_396 = arith.constant 0 : index
    %get3A_397 = arith.constant 0 : index
    %get3A_398 = vector.load %arg4[%get3A_395, %get3A_396, %get3A_397] : memref<3x16x64xf32, #tpu.memory_space<vmem>>, vector<1x16x64xf32>
    %get3A_399 = vector.shape_cast %get3A_398 : vector<1x16x64xf32> to vector<16x64xf32>
    %dot_general3A_400 = arith.constant dense<0.000000e+00> : vector<64x64xf32>
    %dot_general3A_401 = tpu.matmul %mul3A_394, %get3A_399, %dot_general3A_400 {dimension_numbers = #tpu.dot_dimension_numbers<[1], [0], [0], [1], [0, 0, 1, 1], [], []>, transpose_lhs_hint = false} : vector<64x16xf32>, vector<16x64xf32>, vector<64x64xf32> -> vector<64x64xf32>
    %get3A_402 = arith.constant 2 : index
    %get3A_403 = arith.constant 0 : index
    %get3A_404 = arith.constant 0 : index
    %get3A_405 = vector.load %arg6[%get3A_402, %get3A_403, %get3A_404] : memref<4x1x64xf32, #tpu.memory_space<vmem>>, vector<1x1x64xf32>
    %get3A_406 = vector.shape_cast %get3A_405 : vector<1x1x64xf32> to vector<1x64xf32>
    %add3A_407 = vector.broadcast %get3A_406 : vector<1x64xf32> to vector<64x64xf32>
    %add3A_408 = arith.addf %dot_general3A_401, %add3A_407 : vector<64x64xf32>
    %get3A_409 = arith.constant 2 : index
    %get3A_410 = arith.constant 0 : index
    %get3A_411 = arith.constant 0 : index
    %get3A_412 = vector.load %arg5[%get3A_409, %get3A_410, %get3A_411] : memref<4x16x64xf32, #tpu.memory_space<vmem>>, vector<1x16x64xf32>
    %get3A_413 = vector.shape_cast %get3A_412 : vector<1x16x64xf32> to vector<16x64xf32>
    %dot_general3A_414 = arith.constant dense<0.000000e+00> : vector<64x64xf32>
    %dot_general3A_415 = tpu.matmul %mul3A_196, %get3A_413, %dot_general3A_414 {dimension_numbers = #tpu.dot_dimension_numbers<[1], [0], [0], [1], [0, 0, 1, 1], [], []>, transpose_lhs_hint = false} : vector<64x16xf32>, vector<16x64xf32>, vector<64x64xf32> -> vector<64x64xf32>
    %add3A_416 = arith.addf %add3A_408, %dot_general3A_415 : vector<64x64xf32>
    %get3A_417 = arith.constant 2 : index
    %get3A_418 = arith.constant 0 : index
    %get3A_419 = arith.constant 0 : index
    %get3A_420 = vector.load %arg7[%get3A_417, %get3A_418, %get3A_419] : memref<4x1x64xf32, #tpu.memory_space<vmem>>, vector<1x1x64xf32>
    %get3A_421 = vector.shape_cast %get3A_420 : vector<1x1x64xf32> to vector<1x64xf32>
    %add3A_422 = vector.broadcast %get3A_421 : vector<1x64xf32> to vector<64x64xf32>
    %add3A_423 = arith.addf %add3A_416, %add3A_422 : vector<64x64xf32>
    %slice3A_424 = vector.extract_strided_slice %add3A_423 {offsets = [0, 0], sizes = [64, 16], strides = [1, 1]} : vector<64x64xf32> to vector<64x16xf32>
    %slice3A_425 = vector.extract_strided_slice %add3A_423 {offsets = [0, 16], sizes = [64, 16], strides = [1, 1]} : vector<64x64xf32> to vector<64x16xf32>
    %slice3A_426 = vector.extract_strided_slice %add3A_423 {offsets = [0, 32], sizes = [64, 16], strides = [1, 1]} : vector<64x64xf32> to vector<64x16xf32>
    %slice3A_427 = vector.extract_strided_slice %add3A_423 {offsets = [0, 48], sizes = [64, 16], strides = [1, 1]} : vector<64x64xf32> to vector<64x16xf32>
    %logistic3A_428 = arith.negf %slice3A_425 : vector<64x16xf32>
    %logistic3A_429 = math.exp %logistic3A_428 : vector<64x16xf32>
    %logistic3A_430 = arith.constant 1.000000e+00 : f32
    %logistic3A_431 = vector.broadcast %logistic3A_430 : f32 to vector<64x16xf32>
    %logistic3A_432 = arith.addf %logistic3A_431, %logistic3A_429 : vector<64x16xf32>
    %logistic3A_433 = arith.divf %logistic3A_431, %logistic3A_432 : vector<64x16xf32>
    %mul3A_434 = arith.mulf %logistic3A_433, %add3A_188 : vector<64x16xf32>
    %logistic3A_435 = arith.negf %slice3A_424 : vector<64x16xf32>
    %logistic3A_436 = math.exp %logistic3A_435 : vector<64x16xf32>
    %logistic3A_437 = arith.constant 1.000000e+00 : f32
    %logistic3A_438 = vector.broadcast %logistic3A_437 : f32 to vector<64x16xf32>
    %logistic3A_439 = arith.addf %logistic3A_438, %logistic3A_436 : vector<64x16xf32>
    %logistic3A_440 = arith.divf %logistic3A_438, %logistic3A_439 : vector<64x16xf32>
    %tanh3A_441 = math.tanh %slice3A_426 : vector<64x16xf32>
    %mul3A_442 = arith.mulf %logistic3A_440, %tanh3A_441 : vector<64x16xf32>
    %add3A_443 = arith.addf %mul3A_434, %mul3A_442 : vector<64x16xf32>
    %logistic3A_444 = arith.negf %slice3A_427 : vector<64x16xf32>
    %logistic3A_445 = math.exp %logistic3A_444 : vector<64x16xf32>
    %logistic3A_446 = arith.constant 1.000000e+00 : f32
    %logistic3A_447 = vector.broadcast %logistic3A_446 : f32 to vector<64x16xf32>
    %logistic3A_448 = arith.addf %logistic3A_447, %logistic3A_445 : vector<64x16xf32>
    %logistic3A_449 = arith.divf %logistic3A_447, %logistic3A_448 : vector<64x16xf32>
    %tanh3A_450 = math.tanh %add3A_443 : vector<64x16xf32>
    %mul3A_451 = arith.mulf %logistic3A_449, %tanh3A_450 : vector<64x16xf32>
    %get3A_452 = arith.constant 2 : index
    %get3A_453 = arith.constant 0 : index
    %get3A_454 = arith.constant 0 : index
    %get3A_455 = vector.load %arg4[%get3A_452, %get3A_453, %get3A_454] : memref<3x16x64xf32, #tpu.memory_space<vmem>>, vector<1x16x64xf32>
    %get3A_456 = vector.shape_cast %get3A_455 : vector<1x16x64xf32> to vector<16x64xf32>
    %dot_general3A_457 = arith.constant dense<0.000000e+00> : vector<64x64xf32>
    %dot_general3A_458 = tpu.matmul %mul3A_451, %get3A_456, %dot_general3A_457 {dimension_numbers = #tpu.dot_dimension_numbers<[1], [0], [0], [1], [0, 0, 1, 1], [], []>, transpose_lhs_hint = false} : vector<64x16xf32>, vector<16x64xf32>, vector<64x64xf32> -> vector<64x64xf32>
    %get3A_459 = arith.constant 3 : index
    %get3A_460 = arith.constant 0 : index
    %get3A_461 = arith.constant 0 : index
    %get3A_462 = vector.load %arg6[%get3A_459, %get3A_460, %get3A_461] : memref<4x1x64xf32, #tpu.memory_space<vmem>>, vector<1x1x64xf32>
    %get3A_463 = vector.shape_cast %get3A_462 : vector<1x1x64xf32> to vector<1x64xf32>
    %add3A_464 = vector.broadcast %get3A_463 : vector<1x64xf32> to vector<64x64xf32>
    %add3A_465 = arith.addf %dot_general3A_458, %add3A_464 : vector<64x64xf32>
    %get3A_466 = arith.constant 3 : index
    %get3A_467 = arith.constant 0 : index
    %get3A_468 = arith.constant 0 : index
    %get3A_469 = vector.load %arg5[%get3A_466, %get3A_467, %get3A_468] : memref<4x16x64xf32, #tpu.memory_space<vmem>>, vector<1x16x64xf32>
    %get3A_470 = vector.shape_cast %get3A_469 : vector<1x16x64xf32> to vector<16x64xf32>
    %dot_general3A_471 = arith.constant dense<0.000000e+00> : vector<64x64xf32>
    %dot_general3A_472 = tpu.matmul %mul3A_253, %get3A_470, %dot_general3A_471 {dimension_numbers = #tpu.dot_dimension_numbers<[1], [0], [0], [1], [0, 0, 1, 1], [], []>, transpose_lhs_hint = false} : vector<64x16xf32>, vector<16x64xf32>, vector<64x64xf32> -> vector<64x64xf32>
    %add3A_473 = arith.addf %add3A_465, %dot_general3A_472 : vector<64x64xf32>
    %get3A_474 = arith.constant 3 : index
    %get3A_475 = arith.constant 0 : index
    %get3A_476 = arith.constant 0 : index
    %get3A_477 = vector.load %arg7[%get3A_474, %get3A_475, %get3A_476] : memref<4x1x64xf32, #tpu.memory_space<vmem>>, vector<1x1x64xf32>
    %get3A_478 = vector.shape_cast %get3A_477 : vector<1x1x64xf32> to vector<1x64xf32>
    %add3A_479 = vector.broadcast %get3A_478 : vector<1x64xf32> to vector<64x64xf32>
    %add3A_480 = arith.addf %add3A_473, %add3A_479 : vector<64x64xf32>
    %slice3A_481 = vector.extract_strided_slice %add3A_480 {offsets = [0, 0], sizes = [64, 16], strides = [1, 1]} : vector<64x64xf32> to vector<64x16xf32>
    %slice3A_482 = vector.extract_strided_slice %add3A_480 {offsets = [0, 16], sizes = [64, 16], strides = [1, 1]} : vector<64x64xf32> to vector<64x16xf32>
    %slice3A_483 = vector.extract_strided_slice %add3A_480 {offsets = [0, 32], sizes = [64, 16], strides = [1, 1]} : vector<64x64xf32> to vector<64x16xf32>
    %slice3A_484 = vector.extract_strided_slice %add3A_480 {offsets = [0, 48], sizes = [64, 16], strides = [1, 1]} : vector<64x64xf32> to vector<64x16xf32>
    %logistic3A_485 = arith.negf %slice3A_482 : vector<64x16xf32>
    %logistic3A_486 = math.exp %logistic3A_485 : vector<64x16xf32>
    %logistic3A_487 = arith.constant 1.000000e+00 : f32
    %logistic3A_488 = vector.broadcast %logistic3A_487 : f32 to vector<64x16xf32>
    %logistic3A_489 = arith.addf %logistic3A_488, %logistic3A_486 : vector<64x16xf32>
    %logistic3A_490 = arith.divf %logistic3A_488, %logistic3A_489 : vector<64x16xf32>
    %mul3A_491 = arith.mulf %logistic3A_490, %add3A_245 : vector<64x16xf32>
    %logistic3A_492 = arith.negf %slice3A_481 : vector<64x16xf32>
    %logistic3A_493 = math.exp %logistic3A_492 : vector<64x16xf32>
    %logistic3A_494 = arith.constant 1.000000e+00 : f32
    %logistic3A_495 = vector.broadcast %logistic3A_494 : f32 to vector<64x16xf32>
    %logistic3A_496 = arith.addf %logistic3A_495, %logistic3A_493 : vector<64x16xf32>
    %logistic3A_497 = arith.divf %logistic3A_495, %logistic3A_496 : vector<64x16xf32>
    %tanh3A_498 = math.tanh %slice3A_483 : vector<64x16xf32>
    %mul3A_499 = arith.mulf %logistic3A_497, %tanh3A_498 : vector<64x16xf32>
    %add3A_500 = arith.addf %mul3A_491, %mul3A_499 : vector<64x16xf32>
    %logistic3A_501 = arith.negf %slice3A_484 : vector<64x16xf32>
    %logistic3A_502 = math.exp %logistic3A_501 : vector<64x16xf32>
    %logistic3A_503 = arith.constant 1.000000e+00 : f32
    %logistic3A_504 = vector.broadcast %logistic3A_503 : f32 to vector<64x16xf32>
    %logistic3A_505 = arith.addf %logistic3A_504, %logistic3A_502 : vector<64x16xf32>
    %logistic3A_506 = arith.divf %logistic3A_504, %logistic3A_505 : vector<64x16xf32>
    %tanh3A_507 = math.tanh %add3A_500 : vector<64x16xf32>
    %mul3A_508 = arith.mulf %logistic3A_506, %tanh3A_507 : vector<64x16xf32>
    %dot_general3A_509 = arith.constant dense<0.000000e+00> : vector<10000x16xf32>
    %dot_general3A_510 = tpu.matmul %convert_element_type3A_8, %mul3A_508, %dot_general3A_509 {dimension_numbers = #tpu.dot_dimension_numbers<[1], [0], [0], [1], [0, 0, 1, 1], [], []>, transpose_lhs_hint = false} : vector<10000x64xf32>, vector<64x16xf32>, vector<10000x16xf32> -> vector<10000x16xf32>
    %mul3A_511 = arith.mulf %get3A_1, %dot_general3A_510 : vector<10000x16xf32>
    %reduce_sum3A_512 = arith.constant dense<0.000000e+00> : vector<10000xf32>
    %reduce_sum3A_513 = vector.multi_reduction <add>, %mul3A_511, %reduce_sum3A_512 [1] : vector<10000x16xf32> to vector<10000xf32>
    %broadcast_in_dim3A_514 = vector.shape_cast %reduce_sum3A_513 : vector<10000xf32> to vector<10000x1xf32>
    %jit3A_515 = arith.constant -3.000000e+38 : f32
    %broadcast_in_dim3A_516 = vector.shape_cast %broadcast_in_dim3A_514 : vector<10000x1xf32> to vector<10000x1xf32>
    %broadcast_in_dim3A_517 = vector.broadcast %broadcast_in_dim3A_516 : vector<10000x1xf32> to vector<10000x64xf32>
    %broadcast_in_dim3A_518 = vector.broadcast %jit3A_515 : f32 to vector<10000x64xf32>
    %select_n3A_519 = arith.select %eq3A_7, %broadcast_in_dim3A_517, %broadcast_in_dim3A_518 : vector<10000x64xi1>, vector<10000x64xf32>
    %reduce_max3A_520 = arith.constant dense<0xFF800000> : vector<64xf32>
    %reduce_max3A_521 = vector.multi_reduction <maximumf>, %select_n3A_519, %reduce_max3A_520 [0] : vector<10000x64xf32> to vector<64xf32>
    %broadcast_in_dim3A_522 = vector.shape_cast %reduce_max3A_521 : vector<64xf32> to vector<1x64xf32>
    %mul3A_523 = vector.broadcast %broadcast_in_dim3A_522 : vector<1x64xf32> to vector<10000x64xf32>
    %mul3A_524 = arith.mulf %convert_element_type3A_8, %mul3A_523 : vector<10000x64xf32>
    %reduce_sum3A_525 = arith.constant dense<0.000000e+00> : vector<10000xf32>
    %reduce_sum3A_526 = vector.multi_reduction <add>, %mul3A_524, %reduce_sum3A_525 [1] : vector<10000x64xf32> to vector<10000xf32>
    %broadcast_in_dim3A_527 = vector.shape_cast %reduce_sum3A_526 : vector<10000xf32> to vector<10000x1xf32>
    %sub3A_528 = arith.subf %broadcast_in_dim3A_514, %broadcast_in_dim3A_527 : vector<10000x1xf32>
    %exp3A_529 = math.exp %sub3A_528 : vector<10000x1xf32>
    %mul3A_530 = vector.broadcast %exp3A_529 : vector<10000x1xf32> to vector<10000x64xf32>
    %mul3A_531 = arith.mulf %convert_element_type3A_8, %mul3A_530 : vector<10000x64xf32>
    %reduce_sum3A_532 = arith.constant dense<0.000000e+00> : vector<64xf32>
    %reduce_sum3A_533 = vector.multi_reduction <add>, %mul3A_531, %reduce_sum3A_532 [0] : vector<10000x64xf32> to vector<64xf32>
    %broadcast_in_dim3A_534 = vector.shape_cast %reduce_sum3A_533 : vector<64xf32> to vector<1x64xf32>
    %mul3A_535 = vector.broadcast %broadcast_in_dim3A_534 : vector<1x64xf32> to vector<10000x64xf32>
    %mul3A_536 = arith.mulf %convert_element_type3A_8, %mul3A_535 : vector<10000x64xf32>
    %reduce_sum3A_537 = arith.constant dense<0.000000e+00> : vector<10000xf32>
    %reduce_sum3A_538 = vector.multi_reduction <add>, %mul3A_536, %reduce_sum3A_537 [1] : vector<10000x64xf32> to vector<10000xf32>
    %broadcast_in_dim3A_539 = vector.shape_cast %reduce_sum3A_538 : vector<10000xf32> to vector<10000x1xf32>
    %div3A_540 = arith.divf %exp3A_529, %broadcast_in_dim3A_539 : vector<10000x1xf32>
    %mul3A_541 = vector.broadcast %div3A_540 : vector<10000x1xf32> to vector<10000x16xf32>
    %mul3A_542 = arith.mulf %mul3A_541, %get3A_1 : vector<10000x16xf32>
    %dot_general3A_543 = arith.constant dense<0.000000e+00> : vector<64x16xf32>
    %dot_general3A_544 = tpu.matmul %convert_element_type3A_16, %mul3A_542, %dot_general3A_543 {dimension_numbers = #tpu.dot_dimension_numbers<[1], [0], [0], [1], [0, 0, 1, 1], [], []>, transpose_lhs_hint = false} : vector<64x10000xf32>, vector<10000x16xf32>, vector<64x16xf32> -> vector<64x16xf32>
    %concatenate3A_545 = tpu.concatenate %mul3A_508, %dot_general3A_544 in 1 : vector<64x16xf32>, vector<64x16xf32> -> vector<64x32xf32>
    %get3A_546 = arith.constant 0 : index
    %get3A_547 = arith.constant 0 : index
    %get3A_548 = vector.load %arg3[%get3A_546, %get3A_547] : memref<32x64xf32, #tpu.memory_space<vmem>>, vector<32x64xf32>
    %dot_general3A_549 = arith.constant dense<0.000000e+00> : vector<64x64xf32>
    %dot_general3A_550 = tpu.matmul %concatenate3A_545, %get3A_548, %dot_general3A_549 {dimension_numbers = #tpu.dot_dimension_numbers<[1], [0], [0], [1], [0, 0, 1, 1], [], []>, transpose_lhs_hint = false} : vector<64x32xf32>, vector<32x64xf32>, vector<64x64xf32> -> vector<64x64xf32>
    %get3A_551 = arith.constant 0 : index
    %get3A_552 = arith.constant 0 : index
    %get3A_553 = arith.constant 0 : index
    %get3A_554 = vector.load %arg6[%get3A_551, %get3A_552, %get3A_553] : memref<4x1x64xf32, #tpu.memory_space<vmem>>, vector<1x1x64xf32>
    %get3A_555 = vector.shape_cast %get3A_554 : vector<1x1x64xf32> to vector<1x64xf32>
    %add3A_556 = vector.broadcast %get3A_555 : vector<1x64xf32> to vector<64x64xf32>
    %add3A_557 = arith.addf %dot_general3A_550, %add3A_556 : vector<64x64xf32>
    %get3A_558 = arith.constant 0 : index
    %get3A_559 = arith.constant 0 : index
    %get3A_560 = arith.constant 0 : index
    %get3A_561 = vector.load %arg5[%get3A_558, %get3A_559, %get3A_560] : memref<4x16x64xf32, #tpu.memory_space<vmem>>, vector<1x16x64xf32>
    %get3A_562 = vector.shape_cast %get3A_561 : vector<1x16x64xf32> to vector<16x64xf32>
    %dot_general3A_563 = arith.constant dense<0.000000e+00> : vector<64x64xf32>
    %dot_general3A_564 = tpu.matmul %mul3A_337, %get3A_562, %dot_general3A_563 {dimension_numbers = #tpu.dot_dimension_numbers<[1], [0], [0], [1], [0, 0, 1, 1], [], []>, transpose_lhs_hint = false} : vector<64x16xf32>, vector<16x64xf32>, vector<64x64xf32> -> vector<64x64xf32>
    %add3A_565 = arith.addf %add3A_557, %dot_general3A_564 : vector<64x64xf32>
    %get3A_566 = arith.constant 0 : index
    %get3A_567 = arith.constant 0 : index
    %get3A_568 = arith.constant 0 : index
    %get3A_569 = vector.load %arg7[%get3A_566, %get3A_567, %get3A_568] : memref<4x1x64xf32, #tpu.memory_space<vmem>>, vector<1x1x64xf32>
    %get3A_570 = vector.shape_cast %get3A_569 : vector<1x1x64xf32> to vector<1x64xf32>
    %add3A_571 = vector.broadcast %get3A_570 : vector<1x64xf32> to vector<64x64xf32>
    %add3A_572 = arith.addf %add3A_565, %add3A_571 : vector<64x64xf32>
    %slice3A_573 = vector.extract_strided_slice %add3A_572 {offsets = [0, 0], sizes = [64, 16], strides = [1, 1]} : vector<64x64xf32> to vector<64x16xf32>
    %slice3A_574 = vector.extract_strided_slice %add3A_572 {offsets = [0, 16], sizes = [64, 16], strides = [1, 1]} : vector<64x64xf32> to vector<64x16xf32>
    %slice3A_575 = vector.extract_strided_slice %add3A_572 {offsets = [0, 32], sizes = [64, 16], strides = [1, 1]} : vector<64x64xf32> to vector<64x16xf32>
    %slice3A_576 = vector.extract_strided_slice %add3A_572 {offsets = [0, 48], sizes = [64, 16], strides = [1, 1]} : vector<64x64xf32> to vector<64x16xf32>
    %logistic3A_577 = arith.negf %slice3A_574 : vector<64x16xf32>
    %logistic3A_578 = math.exp %logistic3A_577 : vector<64x16xf32>
    %logistic3A_579 = arith.constant 1.000000e+00 : f32
    %logistic3A_580 = vector.broadcast %logistic3A_579 : f32 to vector<64x16xf32>
    %logistic3A_581 = arith.addf %logistic3A_580, %logistic3A_578 : vector<64x16xf32>
    %logistic3A_582 = arith.divf %logistic3A_580, %logistic3A_581 : vector<64x16xf32>
    %mul3A_583 = arith.mulf %logistic3A_582, %add3A_329 : vector<64x16xf32>
    %logistic3A_584 = arith.negf %slice3A_573 : vector<64x16xf32>
    %logistic3A_585 = math.exp %logistic3A_584 : vector<64x16xf32>
    %logistic3A_586 = arith.constant 1.000000e+00 : f32
    %logistic3A_587 = vector.broadcast %logistic3A_586 : f32 to vector<64x16xf32>
    %logistic3A_588 = arith.addf %logistic3A_587, %logistic3A_585 : vector<64x16xf32>
    %logistic3A_589 = arith.divf %logistic3A_587, %logistic3A_588 : vector<64x16xf32>
    %tanh3A_590 = math.tanh %slice3A_575 : vector<64x16xf32>
    %mul3A_591 = arith.mulf %logistic3A_589, %tanh3A_590 : vector<64x16xf32>
    %add3A_592 = arith.addf %mul3A_583, %mul3A_591 : vector<64x16xf32>
    %logistic3A_593 = arith.negf %slice3A_576 : vector<64x16xf32>
    %logistic3A_594 = math.exp %logistic3A_593 : vector<64x16xf32>
    %logistic3A_595 = arith.constant 1.000000e+00 : f32
    %logistic3A_596 = vector.broadcast %logistic3A_595 : f32 to vector<64x16xf32>
    %logistic3A_597 = arith.addf %logistic3A_596, %logistic3A_594 : vector<64x16xf32>
    %logistic3A_598 = arith.divf %logistic3A_596, %logistic3A_597 : vector<64x16xf32>
    %tanh3A_599 = math.tanh %add3A_592 : vector<64x16xf32>
    %mul3A_600 = arith.mulf %logistic3A_598, %tanh3A_599 : vector<64x16xf32>
    %get3A_601 = arith.constant 0 : index
    %get3A_602 = arith.constant 0 : index
    %get3A_603 = arith.constant 0 : index
    %get3A_604 = vector.load %arg4[%get3A_601, %get3A_602, %get3A_603] : memref<3x16x64xf32, #tpu.memory_space<vmem>>, vector<1x16x64xf32>
    %get3A_605 = vector.shape_cast %get3A_604 : vector<1x16x64xf32> to vector<16x64xf32>
    %dot_general3A_606 = arith.constant dense<0.000000e+00> : vector<64x64xf32>
    %dot_general3A_607 = tpu.matmul %mul3A_600, %get3A_605, %dot_general3A_606 {dimension_numbers = #tpu.dot_dimension_numbers<[1], [0], [0], [1], [0, 0, 1, 1], [], []>, transpose_lhs_hint = false} : vector<64x16xf32>, vector<16x64xf32>, vector<64x64xf32> -> vector<64x64xf32>
    %get3A_608 = arith.constant 1 : index
    %get3A_609 = arith.constant 0 : index
    %get3A_610 = arith.constant 0 : index
    %get3A_611 = vector.load %arg6[%get3A_608, %get3A_609, %get3A_610] : memref<4x1x64xf32, #tpu.memory_space<vmem>>, vector<1x1x64xf32>
    %get3A_612 = vector.shape_cast %get3A_611 : vector<1x1x64xf32> to vector<1x64xf32>
    %add3A_613 = vector.broadcast %get3A_612 : vector<1x64xf32> to vector<64x64xf32>
    %add3A_614 = arith.addf %dot_general3A_607, %add3A_613 : vector<64x64xf32>
    %get3A_615 = arith.constant 1 : index
    %get3A_616 = arith.constant 0 : index
    %get3A_617 = arith.constant 0 : index
    %get3A_618 = vector.load %arg5[%get3A_615, %get3A_616, %get3A_617] : memref<4x16x64xf32, #tpu.memory_space<vmem>>, vector<1x16x64xf32>
    %get3A_619 = vector.shape_cast %get3A_618 : vector<1x16x64xf32> to vector<16x64xf32>
    %dot_general3A_620 = arith.constant dense<0.000000e+00> : vector<64x64xf32>
    %dot_general3A_621 = tpu.matmul %mul3A_394, %get3A_619, %dot_general3A_620 {dimension_numbers = #tpu.dot_dimension_numbers<[1], [0], [0], [1], [0, 0, 1, 1], [], []>, transpose_lhs_hint = false} : vector<64x16xf32>, vector<16x64xf32>, vector<64x64xf32> -> vector<64x64xf32>
    %add3A_622 = arith.addf %add3A_614, %dot_general3A_621 : vector<64x64xf32>
    %get3A_623 = arith.constant 1 : index
    %get3A_624 = arith.constant 0 : index
    %get3A_625 = arith.constant 0 : index
    %get3A_626 = vector.load %arg7[%get3A_623, %get3A_624, %get3A_625] : memref<4x1x64xf32, #tpu.memory_space<vmem>>, vector<1x1x64xf32>
    %get3A_627 = vector.shape_cast %get3A_626 : vector<1x1x64xf32> to vector<1x64xf32>
    %add3A_628 = vector.broadcast %get3A_627 : vector<1x64xf32> to vector<64x64xf32>
    %add3A_629 = arith.addf %add3A_622, %add3A_628 : vector<64x64xf32>
    %slice3A_630 = vector.extract_strided_slice %add3A_629 {offsets = [0, 0], sizes = [64, 16], strides = [1, 1]} : vector<64x64xf32> to vector<64x16xf32>
    %slice3A_631 = vector.extract_strided_slice %add3A_629 {offsets = [0, 16], sizes = [64, 16], strides = [1, 1]} : vector<64x64xf32> to vector<64x16xf32>
    %slice3A_632 = vector.extract_strided_slice %add3A_629 {offsets = [0, 32], sizes = [64, 16], strides = [1, 1]} : vector<64x64xf32> to vector<64x16xf32>
    %slice3A_633 = vector.extract_strided_slice %add3A_629 {offsets = [0, 48], sizes = [64, 16], strides = [1, 1]} : vector<64x64xf32> to vector<64x16xf32>
    %logistic3A_634 = arith.negf %slice3A_631 : vector<64x16xf32>
    %logistic3A_635 = math.exp %logistic3A_634 : vector<64x16xf32>
    %logistic3A_636 = arith.constant 1.000000e+00 : f32
    %logistic3A_637 = vector.broadcast %logistic3A_636 : f32 to vector<64x16xf32>
    %logistic3A_638 = arith.addf %logistic3A_637, %logistic3A_635 : vector<64x16xf32>
    %logistic3A_639 = arith.divf %logistic3A_637, %logistic3A_638 : vector<64x16xf32>
    %mul3A_640 = arith.mulf %logistic3A_639, %add3A_386 : vector<64x16xf32>
    %logistic3A_641 = arith.negf %slice3A_630 : vector<64x16xf32>
    %logistic3A_642 = math.exp %logistic3A_641 : vector<64x16xf32>
    %logistic3A_643 = arith.constant 1.000000e+00 : f32
    %logistic3A_644 = vector.broadcast %logistic3A_643 : f32 to vector<64x16xf32>
    %logistic3A_645 = arith.addf %logistic3A_644, %logistic3A_642 : vector<64x16xf32>
    %logistic3A_646 = arith.divf %logistic3A_644, %logistic3A_645 : vector<64x16xf32>
    %tanh3A_647 = math.tanh %slice3A_632 : vector<64x16xf32>
    %mul3A_648 = arith.mulf %logistic3A_646, %tanh3A_647 : vector<64x16xf32>
    %add3A_649 = arith.addf %mul3A_640, %mul3A_648 : vector<64x16xf32>
    %logistic3A_650 = arith.negf %slice3A_633 : vector<64x16xf32>
    %logistic3A_651 = math.exp %logistic3A_650 : vector<64x16xf32>
    %logistic3A_652 = arith.constant 1.000000e+00 : f32
    %logistic3A_653 = vector.broadcast %logistic3A_652 : f32 to vector<64x16xf32>
    %logistic3A_654 = arith.addf %logistic3A_653, %logistic3A_651 : vector<64x16xf32>
    %logistic3A_655 = arith.divf %logistic3A_653, %logistic3A_654 : vector<64x16xf32>
    %tanh3A_656 = math.tanh %add3A_649 : vector<64x16xf32>
    %mul3A_657 = arith.mulf %logistic3A_655, %tanh3A_656 : vector<64x16xf32>
    %get3A_658 = arith.constant 1 : index
    %get3A_659 = arith.constant 0 : index
    %get3A_660 = arith.constant 0 : index
    %get3A_661 = vector.load %arg4[%get3A_658, %get3A_659, %get3A_660] : memref<3x16x64xf32, #tpu.memory_space<vmem>>, vector<1x16x64xf32>
    %get3A_662 = vector.shape_cast %get3A_661 : vector<1x16x64xf32> to vector<16x64xf32>
    %dot_general3A_663 = arith.constant dense<0.000000e+00> : vector<64x64xf32>
    %dot_general3A_664 = tpu.matmul %mul3A_657, %get3A_662, %dot_general3A_663 {dimension_numbers = #tpu.dot_dimension_numbers<[1], [0], [0], [1], [0, 0, 1, 1], [], []>, transpose_lhs_hint = false} : vector<64x16xf32>, vector<16x64xf32>, vector<64x64xf32> -> vector<64x64xf32>
    %get3A_665 = arith.constant 2 : index
    %get3A_666 = arith.constant 0 : index
    %get3A_667 = arith.constant 0 : index
    %get3A_668 = vector.load %arg6[%get3A_665, %get3A_666, %get3A_667] : memref<4x1x64xf32, #tpu.memory_space<vmem>>, vector<1x1x64xf32>
    %get3A_669 = vector.shape_cast %get3A_668 : vector<1x1x64xf32> to vector<1x64xf32>
    %add3A_670 = vector.broadcast %get3A_669 : vector<1x64xf32> to vector<64x64xf32>
    %add3A_671 = arith.addf %dot_general3A_664, %add3A_670 : vector<64x64xf32>
    %get3A_672 = arith.constant 2 : index
    %get3A_673 = arith.constant 0 : index
    %get3A_674 = arith.constant 0 : index
    %get3A_675 = vector.load %arg5[%get3A_672, %get3A_673, %get3A_674] : memref<4x16x64xf32, #tpu.memory_space<vmem>>, vector<1x16x64xf32>
    %get3A_676 = vector.shape_cast %get3A_675 : vector<1x16x64xf32> to vector<16x64xf32>
    %dot_general3A_677 = arith.constant dense<0.000000e+00> : vector<64x64xf32>
    %dot_general3A_678 = tpu.matmul %mul3A_451, %get3A_676, %dot_general3A_677 {dimension_numbers = #tpu.dot_dimension_numbers<[1], [0], [0], [1], [0, 0, 1, 1], [], []>, transpose_lhs_hint = false} : vector<64x16xf32>, vector<16x64xf32>, vector<64x64xf32> -> vector<64x64xf32>
    %add3A_679 = arith.addf %add3A_671, %dot_general3A_678 : vector<64x64xf32>
    %get3A_680 = arith.constant 2 : index
    %get3A_681 = arith.constant 0 : index
    %get3A_682 = arith.constant 0 : index
    %get3A_683 = vector.load %arg7[%get3A_680, %get3A_681, %get3A_682] : memref<4x1x64xf32, #tpu.memory_space<vmem>>, vector<1x1x64xf32>
    %get3A_684 = vector.shape_cast %get3A_683 : vector<1x1x64xf32> to vector<1x64xf32>
    %add3A_685 = vector.broadcast %get3A_684 : vector<1x64xf32> to vector<64x64xf32>
    %add3A_686 = arith.addf %add3A_679, %add3A_685 : vector<64x64xf32>
    %slice3A_687 = vector.extract_strided_slice %add3A_686 {offsets = [0, 0], sizes = [64, 16], strides = [1, 1]} : vector<64x64xf32> to vector<64x16xf32>
    %slice3A_688 = vector.extract_strided_slice %add3A_686 {offsets = [0, 16], sizes = [64, 16], strides = [1, 1]} : vector<64x64xf32> to vector<64x16xf32>
    %slice3A_689 = vector.extract_strided_slice %add3A_686 {offsets = [0, 32], sizes = [64, 16], strides = [1, 1]} : vector<64x64xf32> to vector<64x16xf32>
    %slice3A_690 = vector.extract_strided_slice %add3A_686 {offsets = [0, 48], sizes = [64, 16], strides = [1, 1]} : vector<64x64xf32> to vector<64x16xf32>
    %logistic3A_691 = arith.negf %slice3A_688 : vector<64x16xf32>
    %logistic3A_692 = math.exp %logistic3A_691 : vector<64x16xf32>
    %logistic3A_693 = arith.constant 1.000000e+00 : f32
    %logistic3A_694 = vector.broadcast %logistic3A_693 : f32 to vector<64x16xf32>
    %logistic3A_695 = arith.addf %logistic3A_694, %logistic3A_692 : vector<64x16xf32>
    %logistic3A_696 = arith.divf %logistic3A_694, %logistic3A_695 : vector<64x16xf32>
    %mul3A_697 = arith.mulf %logistic3A_696, %add3A_443 : vector<64x16xf32>
    %logistic3A_698 = arith.negf %slice3A_687 : vector<64x16xf32>
    %logistic3A_699 = math.exp %logistic3A_698 : vector<64x16xf32>
    %logistic3A_700 = arith.constant 1.000000e+00 : f32
    %logistic3A_701 = vector.broadcast %logistic3A_700 : f32 to vector<64x16xf32>
    %logistic3A_702 = arith.addf %logistic3A_701, %logistic3A_699 : vector<64x16xf32>
    %logistic3A_703 = arith.divf %logistic3A_701, %logistic3A_702 : vector<64x16xf32>
    %tanh3A_704 = math.tanh %slice3A_689 : vector<64x16xf32>
    %mul3A_705 = arith.mulf %logistic3A_703, %tanh3A_704 : vector<64x16xf32>
    %add3A_706 = arith.addf %mul3A_697, %mul3A_705 : vector<64x16xf32>
    %logistic3A_707 = arith.negf %slice3A_690 : vector<64x16xf32>
    %logistic3A_708 = math.exp %logistic3A_707 : vector<64x16xf32>
    %logistic3A_709 = arith.constant 1.000000e+00 : f32
    %logistic3A_710 = vector.broadcast %logistic3A_709 : f32 to vector<64x16xf32>
    %logistic3A_711 = arith.addf %logistic3A_710, %logistic3A_708 : vector<64x16xf32>
    %logistic3A_712 = arith.divf %logistic3A_710, %logistic3A_711 : vector<64x16xf32>
    %tanh3A_713 = math.tanh %add3A_706 : vector<64x16xf32>
    %mul3A_714 = arith.mulf %logistic3A_712, %tanh3A_713 : vector<64x16xf32>
    %get3A_715 = arith.constant 2 : index
    %get3A_716 = arith.constant 0 : index
    %get3A_717 = arith.constant 0 : index
    %get3A_718 = vector.load %arg4[%get3A_715, %get3A_716, %get3A_717] : memref<3x16x64xf32, #tpu.memory_space<vmem>>, vector<1x16x64xf32>
    %get3A_719 = vector.shape_cast %get3A_718 : vector<1x16x64xf32> to vector<16x64xf32>
    %dot_general3A_720 = arith.constant dense<0.000000e+00> : vector<64x64xf32>
    %dot_general3A_721 = tpu.matmul %mul3A_714, %get3A_719, %dot_general3A_720 {dimension_numbers = #tpu.dot_dimension_numbers<[1], [0], [0], [1], [0, 0, 1, 1], [], []>, transpose_lhs_hint = false} : vector<64x16xf32>, vector<16x64xf32>, vector<64x64xf32> -> vector<64x64xf32>
    %get3A_722 = arith.constant 3 : index
    %get3A_723 = arith.constant 0 : index
    %get3A_724 = arith.constant 0 : index
    %get3A_725 = vector.load %arg6[%get3A_722, %get3A_723, %get3A_724] : memref<4x1x64xf32, #tpu.memory_space<vmem>>, vector<1x1x64xf32>
    %get3A_726 = vector.shape_cast %get3A_725 : vector<1x1x64xf32> to vector<1x64xf32>
    %add3A_727 = vector.broadcast %get3A_726 : vector<1x64xf32> to vector<64x64xf32>
    %add3A_728 = arith.addf %dot_general3A_721, %add3A_727 : vector<64x64xf32>
    %get3A_729 = arith.constant 3 : index
    %get3A_730 = arith.constant 0 : index
    %get3A_731 = arith.constant 0 : index
    %get3A_732 = vector.load %arg5[%get3A_729, %get3A_730, %get3A_731] : memref<4x16x64xf32, #tpu.memory_space<vmem>>, vector<1x16x64xf32>
    %get3A_733 = vector.shape_cast %get3A_732 : vector<1x16x64xf32> to vector<16x64xf32>
    %dot_general3A_734 = arith.constant dense<0.000000e+00> : vector<64x64xf32>
    %dot_general3A_735 = tpu.matmul %mul3A_508, %get3A_733, %dot_general3A_734 {dimension_numbers = #tpu.dot_dimension_numbers<[1], [0], [0], [1], [0, 0, 1, 1], [], []>, transpose_lhs_hint = false} : vector<64x16xf32>, vector<16x64xf32>, vector<64x64xf32> -> vector<64x64xf32>
    %add3A_736 = arith.addf %add3A_728, %dot_general3A_735 : vector<64x64xf32>
    %get3A_737 = arith.constant 3 : index
    %get3A_738 = arith.constant 0 : index
    %get3A_739 = arith.constant 0 : index
    %get3A_740 = vector.load %arg7[%get3A_737, %get3A_738, %get3A_739] : memref<4x1x64xf32, #tpu.memory_space<vmem>>, vector<1x1x64xf32>
    %get3A_741 = vector.shape_cast %get3A_740 : vector<1x1x64xf32> to vector<1x64xf32>
    %add3A_742 = vector.broadcast %get3A_741 : vector<1x64xf32> to vector<64x64xf32>
    %add3A_743 = arith.addf %add3A_736, %add3A_742 : vector<64x64xf32>
    %slice3A_744 = vector.extract_strided_slice %add3A_743 {offsets = [0, 0], sizes = [64, 16], strides = [1, 1]} : vector<64x64xf32> to vector<64x16xf32>
    %slice3A_745 = vector.extract_strided_slice %add3A_743 {offsets = [0, 16], sizes = [64, 16], strides = [1, 1]} : vector<64x64xf32> to vector<64x16xf32>
    %slice3A_746 = vector.extract_strided_slice %add3A_743 {offsets = [0, 32], sizes = [64, 16], strides = [1, 1]} : vector<64x64xf32> to vector<64x16xf32>
    %slice3A_747 = vector.extract_strided_slice %add3A_743 {offsets = [0, 48], sizes = [64, 16], strides = [1, 1]} : vector<64x64xf32> to vector<64x16xf32>
    %logistic3A_748 = arith.negf %slice3A_745 : vector<64x16xf32>
    %logistic3A_749 = math.exp %logistic3A_748 : vector<64x16xf32>
    %logistic3A_750 = arith.constant 1.000000e+00 : f32
    %logistic3A_751 = vector.broadcast %logistic3A_750 : f32 to vector<64x16xf32>
    %logistic3A_752 = arith.addf %logistic3A_751, %logistic3A_749 : vector<64x16xf32>
    %logistic3A_753 = arith.divf %logistic3A_751, %logistic3A_752 : vector<64x16xf32>
    %mul3A_754 = arith.mulf %logistic3A_753, %add3A_500 : vector<64x16xf32>
    %logistic3A_755 = arith.negf %slice3A_744 : vector<64x16xf32>
    %logistic3A_756 = math.exp %logistic3A_755 : vector<64x16xf32>
    %logistic3A_757 = arith.constant 1.000000e+00 : f32
    %logistic3A_758 = vector.broadcast %logistic3A_757 : f32 to vector<64x16xf32>
    %logistic3A_759 = arith.addf %logistic3A_758, %logistic3A_756 : vector<64x16xf32>
    %logistic3A_760 = arith.divf %logistic3A_758, %logistic3A_759 : vector<64x16xf32>
    %tanh3A_761 = math.tanh %slice3A_746 : vector<64x16xf32>
    %mul3A_762 = arith.mulf %logistic3A_760, %tanh3A_761 : vector<64x16xf32>
    %add3A_763 = arith.addf %mul3A_754, %mul3A_762 : vector<64x16xf32>
    %logistic3A_764 = arith.negf %slice3A_747 : vector<64x16xf32>
    %logistic3A_765 = math.exp %logistic3A_764 : vector<64x16xf32>
    %logistic3A_766 = arith.constant 1.000000e+00 : f32
    %logistic3A_767 = vector.broadcast %logistic3A_766 : f32 to vector<64x16xf32>
    %logistic3A_768 = arith.addf %logistic3A_767, %logistic3A_765 : vector<64x16xf32>
    %logistic3A_769 = arith.divf %logistic3A_767, %logistic3A_768 : vector<64x16xf32>
    %tanh3A_770 = math.tanh %add3A_763 : vector<64x16xf32>
    %mul3A_771 = arith.mulf %logistic3A_769, %tanh3A_770 : vector<64x16xf32>
    %dot_general3A_772 = arith.constant dense<0.000000e+00> : vector<10000x16xf32>
    %dot_general3A_773 = tpu.matmul %convert_element_type3A_8, %mul3A_771, %dot_general3A_772 {dimension_numbers = #tpu.dot_dimension_numbers<[1], [0], [0], [1], [0, 0, 1, 1], [], []>, transpose_lhs_hint = false} : vector<10000x64xf32>, vector<64x16xf32>, vector<10000x16xf32> -> vector<10000x16xf32>
    %mul3A_774 = arith.mulf %get3A_1, %dot_general3A_773 : vector<10000x16xf32>
    %reduce_sum3A_775 = arith.constant dense<0.000000e+00> : vector<10000xf32>
    %reduce_sum3A_776 = vector.multi_reduction <add>, %mul3A_774, %reduce_sum3A_775 [1] : vector<10000x16xf32> to vector<10000xf32>
    %broadcast_in_dim3A_777 = vector.shape_cast %reduce_sum3A_776 : vector<10000xf32> to vector<10000x1xf32>
    %jit3A_778 = arith.constant -3.000000e+38 : f32
    %broadcast_in_dim3A_779 = vector.shape_cast %broadcast_in_dim3A_777 : vector<10000x1xf32> to vector<10000x1xf32>
    %broadcast_in_dim3A_780 = vector.broadcast %broadcast_in_dim3A_779 : vector<10000x1xf32> to vector<10000x64xf32>
    %broadcast_in_dim3A_781 = vector.broadcast %jit3A_778 : f32 to vector<10000x64xf32>
    %select_n3A_782 = arith.select %eq3A_7, %broadcast_in_dim3A_780, %broadcast_in_dim3A_781 : vector<10000x64xi1>, vector<10000x64xf32>
    %reduce_max3A_783 = arith.constant dense<0xFF800000> : vector<64xf32>
    %reduce_max3A_784 = vector.multi_reduction <maximumf>, %select_n3A_782, %reduce_max3A_783 [0] : vector<10000x64xf32> to vector<64xf32>
    %broadcast_in_dim3A_785 = vector.shape_cast %reduce_max3A_784 : vector<64xf32> to vector<1x64xf32>
    %mul3A_786 = vector.broadcast %broadcast_in_dim3A_785 : vector<1x64xf32> to vector<10000x64xf32>
    %mul3A_787 = arith.mulf %convert_element_type3A_8, %mul3A_786 : vector<10000x64xf32>
    %reduce_sum3A_788 = arith.constant dense<0.000000e+00> : vector<10000xf32>
    %reduce_sum3A_789 = vector.multi_reduction <add>, %mul3A_787, %reduce_sum3A_788 [1] : vector<10000x64xf32> to vector<10000xf32>
    %broadcast_in_dim3A_790 = vector.shape_cast %reduce_sum3A_789 : vector<10000xf32> to vector<10000x1xf32>
    %sub3A_791 = arith.subf %broadcast_in_dim3A_777, %broadcast_in_dim3A_790 : vector<10000x1xf32>
    %exp3A_792 = math.exp %sub3A_791 : vector<10000x1xf32>
    %mul3A_793 = vector.broadcast %exp3A_792 : vector<10000x1xf32> to vector<10000x64xf32>
    %mul3A_794 = arith.mulf %convert_element_type3A_8, %mul3A_793 : vector<10000x64xf32>
    %reduce_sum3A_795 = arith.constant dense<0.000000e+00> : vector<64xf32>
    %reduce_sum3A_796 = vector.multi_reduction <add>, %mul3A_794, %reduce_sum3A_795 [0] : vector<10000x64xf32> to vector<64xf32>
    %broadcast_in_dim3A_797 = vector.shape_cast %reduce_sum3A_796 : vector<64xf32> to vector<1x64xf32>
    %mul3A_798 = vector.broadcast %broadcast_in_dim3A_797 : vector<1x64xf32> to vector<10000x64xf32>
    %mul3A_799 = arith.mulf %convert_element_type3A_8, %mul3A_798 : vector<10000x64xf32>
    %reduce_sum3A_800 = arith.constant dense<0.000000e+00> : vector<10000xf32>
    %reduce_sum3A_801 = vector.multi_reduction <add>, %mul3A_799, %reduce_sum3A_800 [1] : vector<10000x64xf32> to vector<10000xf32>
    %broadcast_in_dim3A_802 = vector.shape_cast %reduce_sum3A_801 : vector<10000xf32> to vector<10000x1xf32>
    %div3A_803 = arith.divf %exp3A_792, %broadcast_in_dim3A_802 : vector<10000x1xf32>
    %mul3A_804 = vector.broadcast %div3A_803 : vector<10000x1xf32> to vector<10000x16xf32>
    %mul3A_805 = arith.mulf %mul3A_804, %get3A_1 : vector<10000x16xf32>
    %dot_general3A_806 = arith.constant dense<0.000000e+00> : vector<64x16xf32>
    %dot_general3A_807 = tpu.matmul %convert_element_type3A_16, %mul3A_805, %dot_general3A_806 {dimension_numbers = #tpu.dot_dimension_numbers<[1], [0], [0], [1], [0, 0, 1, 1], [], []>, transpose_lhs_hint = false} : vector<64x10000xf32>, vector<10000x16xf32>, vector<64x16xf32> -> vector<64x16xf32>
    %concatenate3A_808 = tpu.concatenate %mul3A_771, %dot_general3A_807 in 1 : vector<64x16xf32>, vector<64x16xf32> -> vector<64x32xf32>
    %get3A_809 = arith.constant 0 : index
    %get3A_810 = arith.constant 0 : index
    %get3A_811 = vector.load %arg3[%get3A_809, %get3A_810] : memref<32x64xf32, #tpu.memory_space<vmem>>, vector<32x64xf32>
    %dot_general3A_812 = arith.constant dense<0.000000e+00> : vector<64x64xf32>
    %dot_general3A_813 = tpu.matmul %concatenate3A_808, %get3A_811, %dot_general3A_812 {dimension_numbers = #tpu.dot_dimension_numbers<[1], [0], [0], [1], [0, 0, 1, 1], [], []>, transpose_lhs_hint = false} : vector<64x32xf32>, vector<32x64xf32>, vector<64x64xf32> -> vector<64x64xf32>
    %get3A_814 = arith.constant 0 : index
    %get3A_815 = arith.constant 0 : index
    %get3A_816 = arith.constant 0 : index
    %get3A_817 = vector.load %arg6[%get3A_814, %get3A_815, %get3A_816] : memref<4x1x64xf32, #tpu.memory_space<vmem>>, vector<1x1x64xf32>
    %get3A_818 = vector.shape_cast %get3A_817 : vector<1x1x64xf32> to vector<1x64xf32>
    %add3A_819 = vector.broadcast %get3A_818 : vector<1x64xf32> to vector<64x64xf32>
    %add3A_820 = arith.addf %dot_general3A_813, %add3A_819 : vector<64x64xf32>
    %get3A_821 = arith.constant 0 : index
    %get3A_822 = arith.constant 0 : index
    %get3A_823 = arith.constant 0 : index
    %get3A_824 = vector.load %arg5[%get3A_821, %get3A_822, %get3A_823] : memref<4x16x64xf32, #tpu.memory_space<vmem>>, vector<1x16x64xf32>
    %get3A_825 = vector.shape_cast %get3A_824 : vector<1x16x64xf32> to vector<16x64xf32>
    %dot_general3A_826 = arith.constant dense<0.000000e+00> : vector<64x64xf32>
    %dot_general3A_827 = tpu.matmul %mul3A_600, %get3A_825, %dot_general3A_826 {dimension_numbers = #tpu.dot_dimension_numbers<[1], [0], [0], [1], [0, 0, 1, 1], [], []>, transpose_lhs_hint = false} : vector<64x16xf32>, vector<16x64xf32>, vector<64x64xf32> -> vector<64x64xf32>
    %add3A_828 = arith.addf %add3A_820, %dot_general3A_827 : vector<64x64xf32>
    %get3A_829 = arith.constant 0 : index
    %get3A_830 = arith.constant 0 : index
    %get3A_831 = arith.constant 0 : index
    %get3A_832 = vector.load %arg7[%get3A_829, %get3A_830, %get3A_831] : memref<4x1x64xf32, #tpu.memory_space<vmem>>, vector<1x1x64xf32>
    %get3A_833 = vector.shape_cast %get3A_832 : vector<1x1x64xf32> to vector<1x64xf32>
    %add3A_834 = vector.broadcast %get3A_833 : vector<1x64xf32> to vector<64x64xf32>
    %add3A_835 = arith.addf %add3A_828, %add3A_834 : vector<64x64xf32>
    %slice3A_836 = vector.extract_strided_slice %add3A_835 {offsets = [0, 0], sizes = [64, 16], strides = [1, 1]} : vector<64x64xf32> to vector<64x16xf32>
    %slice3A_837 = vector.extract_strided_slice %add3A_835 {offsets = [0, 16], sizes = [64, 16], strides = [1, 1]} : vector<64x64xf32> to vector<64x16xf32>
    %slice3A_838 = vector.extract_strided_slice %add3A_835 {offsets = [0, 32], sizes = [64, 16], strides = [1, 1]} : vector<64x64xf32> to vector<64x16xf32>
    %slice3A_839 = vector.extract_strided_slice %add3A_835 {offsets = [0, 48], sizes = [64, 16], strides = [1, 1]} : vector<64x64xf32> to vector<64x16xf32>
    %logistic3A_840 = arith.negf %slice3A_837 : vector<64x16xf32>
    %logistic3A_841 = math.exp %logistic3A_840 : vector<64x16xf32>
    %logistic3A_842 = arith.constant 1.000000e+00 : f32
    %logistic3A_843 = vector.broadcast %logistic3A_842 : f32 to vector<64x16xf32>
    %logistic3A_844 = arith.addf %logistic3A_843, %logistic3A_841 : vector<64x16xf32>
    %logistic3A_845 = arith.divf %logistic3A_843, %logistic3A_844 : vector<64x16xf32>
    %mul3A_846 = arith.mulf %logistic3A_845, %add3A_592 : vector<64x16xf32>
    %logistic3A_847 = arith.negf %slice3A_836 : vector<64x16xf32>
    %logistic3A_848 = math.exp %logistic3A_847 : vector<64x16xf32>
    %logistic3A_849 = arith.constant 1.000000e+00 : f32
    %logistic3A_850 = vector.broadcast %logistic3A_849 : f32 to vector<64x16xf32>
    %logistic3A_851 = arith.addf %logistic3A_850, %logistic3A_848 : vector<64x16xf32>
    %logistic3A_852 = arith.divf %logistic3A_850, %logistic3A_851 : vector<64x16xf32>
    %tanh3A_853 = math.tanh %slice3A_838 : vector<64x16xf32>
    %mul3A_854 = arith.mulf %logistic3A_852, %tanh3A_853 : vector<64x16xf32>
    %add3A_855 = arith.addf %mul3A_846, %mul3A_854 : vector<64x16xf32>
    %logistic3A_856 = arith.negf %slice3A_839 : vector<64x16xf32>
    %logistic3A_857 = math.exp %logistic3A_856 : vector<64x16xf32>
    %logistic3A_858 = arith.constant 1.000000e+00 : f32
    %logistic3A_859 = vector.broadcast %logistic3A_858 : f32 to vector<64x16xf32>
    %logistic3A_860 = arith.addf %logistic3A_859, %logistic3A_857 : vector<64x16xf32>
    %logistic3A_861 = arith.divf %logistic3A_859, %logistic3A_860 : vector<64x16xf32>
    %tanh3A_862 = math.tanh %add3A_855 : vector<64x16xf32>
    %mul3A_863 = arith.mulf %logistic3A_861, %tanh3A_862 : vector<64x16xf32>
    %get3A_864 = arith.constant 0 : index
    %get3A_865 = arith.constant 0 : index
    %get3A_866 = arith.constant 0 : index
    %get3A_867 = vector.load %arg4[%get3A_864, %get3A_865, %get3A_866] : memref<3x16x64xf32, #tpu.memory_space<vmem>>, vector<1x16x64xf32>
    %get3A_868 = vector.shape_cast %get3A_867 : vector<1x16x64xf32> to vector<16x64xf32>
    %dot_general3A_869 = arith.constant dense<0.000000e+00> : vector<64x64xf32>
    %dot_general3A_870 = tpu.matmul %mul3A_863, %get3A_868, %dot_general3A_869 {dimension_numbers = #tpu.dot_dimension_numbers<[1], [0], [0], [1], [0, 0, 1, 1], [], []>, transpose_lhs_hint = false} : vector<64x16xf32>, vector<16x64xf32>, vector<64x64xf32> -> vector<64x64xf32>
    %get3A_871 = arith.constant 1 : index
    %get3A_872 = arith.constant 0 : index
    %get3A_873 = arith.constant 0 : index
    %get3A_874 = vector.load %arg6[%get3A_871, %get3A_872, %get3A_873] : memref<4x1x64xf32, #tpu.memory_space<vmem>>, vector<1x1x64xf32>
    %get3A_875 = vector.shape_cast %get3A_874 : vector<1x1x64xf32> to vector<1x64xf32>
    %add3A_876 = vector.broadcast %get3A_875 : vector<1x64xf32> to vector<64x64xf32>
    %add3A_877 = arith.addf %dot_general3A_870, %add3A_876 : vector<64x64xf32>
    %get3A_878 = arith.constant 1 : index
    %get3A_879 = arith.constant 0 : index
    %get3A_880 = arith.constant 0 : index
    %get3A_881 = vector.load %arg5[%get3A_878, %get3A_879, %get3A_880] : memref<4x16x64xf32, #tpu.memory_space<vmem>>, vector<1x16x64xf32>
    %get3A_882 = vector.shape_cast %get3A_881 : vector<1x16x64xf32> to vector<16x64xf32>
    %dot_general3A_883 = arith.constant dense<0.000000e+00> : vector<64x64xf32>
    %dot_general3A_884 = tpu.matmul %mul3A_657, %get3A_882, %dot_general3A_883 {dimension_numbers = #tpu.dot_dimension_numbers<[1], [0], [0], [1], [0, 0, 1, 1], [], []>, transpose_lhs_hint = false} : vector<64x16xf32>, vector<16x64xf32>, vector<64x64xf32> -> vector<64x64xf32>
    %add3A_885 = arith.addf %add3A_877, %dot_general3A_884 : vector<64x64xf32>
    %get3A_886 = arith.constant 1 : index
    %get3A_887 = arith.constant 0 : index
    %get3A_888 = arith.constant 0 : index
    %get3A_889 = vector.load %arg7[%get3A_886, %get3A_887, %get3A_888] : memref<4x1x64xf32, #tpu.memory_space<vmem>>, vector<1x1x64xf32>
    %get3A_890 = vector.shape_cast %get3A_889 : vector<1x1x64xf32> to vector<1x64xf32>
    %add3A_891 = vector.broadcast %get3A_890 : vector<1x64xf32> to vector<64x64xf32>
    %add3A_892 = arith.addf %add3A_885, %add3A_891 : vector<64x64xf32>
    %slice3A_893 = vector.extract_strided_slice %add3A_892 {offsets = [0, 0], sizes = [64, 16], strides = [1, 1]} : vector<64x64xf32> to vector<64x16xf32>
    %slice3A_894 = vector.extract_strided_slice %add3A_892 {offsets = [0, 16], sizes = [64, 16], strides = [1, 1]} : vector<64x64xf32> to vector<64x16xf32>
    %slice3A_895 = vector.extract_strided_slice %add3A_892 {offsets = [0, 32], sizes = [64, 16], strides = [1, 1]} : vector<64x64xf32> to vector<64x16xf32>
    %slice3A_896 = vector.extract_strided_slice %add3A_892 {offsets = [0, 48], sizes = [64, 16], strides = [1, 1]} : vector<64x64xf32> to vector<64x16xf32>
    %logistic3A_897 = arith.negf %slice3A_894 : vector<64x16xf32>
    %logistic3A_898 = math.exp %logistic3A_897 : vector<64x16xf32>
    %logistic3A_899 = arith.constant 1.000000e+00 : f32
    %logistic3A_900 = vector.broadcast %logistic3A_899 : f32 to vector<64x16xf32>
    %logistic3A_901 = arith.addf %logistic3A_900, %logistic3A_898 : vector<64x16xf32>
    %logistic3A_902 = arith.divf %logistic3A_900, %logistic3A_901 : vector<64x16xf32>
    %mul3A_903 = arith.mulf %logistic3A_902, %add3A_649 : vector<64x16xf32>
    %logistic3A_904 = arith.negf %slice3A_893 : vector<64x16xf32>
    %logistic3A_905 = math.exp %logistic3A_904 : vector<64x16xf32>
    %logistic3A_906 = arith.constant 1.000000e+00 : f32
    %logistic3A_907 = vector.broadcast %logistic3A_906 : f32 to vector<64x16xf32>
    %logistic3A_908 = arith.addf %logistic3A_907, %logistic3A_905 : vector<64x16xf32>
    %logistic3A_909 = arith.divf %logistic3A_907, %logistic3A_908 : vector<64x16xf32>
    %tanh3A_910 = math.tanh %slice3A_895 : vector<64x16xf32>
    %mul3A_911 = arith.mulf %logistic3A_909, %tanh3A_910 : vector<64x16xf32>
    %add3A_912 = arith.addf %mul3A_903, %mul3A_911 : vector<64x16xf32>
    %logistic3A_913 = arith.negf %slice3A_896 : vector<64x16xf32>
    %logistic3A_914 = math.exp %logistic3A_913 : vector<64x16xf32>
    %logistic3A_915 = arith.constant 1.000000e+00 : f32
    %logistic3A_916 = vector.broadcast %logistic3A_915 : f32 to vector<64x16xf32>
    %logistic3A_917 = arith.addf %logistic3A_916, %logistic3A_914 : vector<64x16xf32>
    %logistic3A_918 = arith.divf %logistic3A_916, %logistic3A_917 : vector<64x16xf32>
    %tanh3A_919 = math.tanh %add3A_912 : vector<64x16xf32>
    %mul3A_920 = arith.mulf %logistic3A_918, %tanh3A_919 : vector<64x16xf32>
    %get3A_921 = arith.constant 1 : index
    %get3A_922 = arith.constant 0 : index
    %get3A_923 = arith.constant 0 : index
    %get3A_924 = vector.load %arg4[%get3A_921, %get3A_922, %get3A_923] : memref<3x16x64xf32, #tpu.memory_space<vmem>>, vector<1x16x64xf32>
    %get3A_925 = vector.shape_cast %get3A_924 : vector<1x16x64xf32> to vector<16x64xf32>
    %dot_general3A_926 = arith.constant dense<0.000000e+00> : vector<64x64xf32>
    %dot_general3A_927 = tpu.matmul %mul3A_920, %get3A_925, %dot_general3A_926 {dimension_numbers = #tpu.dot_dimension_numbers<[1], [0], [0], [1], [0, 0, 1, 1], [], []>, transpose_lhs_hint = false} : vector<64x16xf32>, vector<16x64xf32>, vector<64x64xf32> -> vector<64x64xf32>
    %get3A_928 = arith.constant 2 : index
    %get3A_929 = arith.constant 0 : index
    %get3A_930 = arith.constant 0 : index
    %get3A_931 = vector.load %arg6[%get3A_928, %get3A_929, %get3A_930] : memref<4x1x64xf32, #tpu.memory_space<vmem>>, vector<1x1x64xf32>
    %get3A_932 = vector.shape_cast %get3A_931 : vector<1x1x64xf32> to vector<1x64xf32>
    %add3A_933 = vector.broadcast %get3A_932 : vector<1x64xf32> to vector<64x64xf32>
    %add3A_934 = arith.addf %dot_general3A_927, %add3A_933 : vector<64x64xf32>
    %get3A_935 = arith.constant 2 : index
    %get3A_936 = arith.constant 0 : index
    %get3A_937 = arith.constant 0 : index
    %get3A_938 = vector.load %arg5[%get3A_935, %get3A_936, %get3A_937] : memref<4x16x64xf32, #tpu.memory_space<vmem>>, vector<1x16x64xf32>
    %get3A_939 = vector.shape_cast %get3A_938 : vector<1x16x64xf32> to vector<16x64xf32>
    %dot_general3A_940 = arith.constant dense<0.000000e+00> : vector<64x64xf32>
    %dot_general3A_941 = tpu.matmul %mul3A_714, %get3A_939, %dot_general3A_940 {dimension_numbers = #tpu.dot_dimension_numbers<[1], [0], [0], [1], [0, 0, 1, 1], [], []>, transpose_lhs_hint = false} : vector<64x16xf32>, vector<16x64xf32>, vector<64x64xf32> -> vector<64x64xf32>
    %add3A_942 = arith.addf %add3A_934, %dot_general3A_941 : vector<64x64xf32>
    %get3A_943 = arith.constant 2 : index
    %get3A_944 = arith.constant 0 : index
    %get3A_945 = arith.constant 0 : index
    %get3A_946 = vector.load %arg7[%get3A_943, %get3A_944, %get3A_945] : memref<4x1x64xf32, #tpu.memory_space<vmem>>, vector<1x1x64xf32>
    %get3A_947 = vector.shape_cast %get3A_946 : vector<1x1x64xf32> to vector<1x64xf32>
    %add3A_948 = vector.broadcast %get3A_947 : vector<1x64xf32> to vector<64x64xf32>
    %add3A_949 = arith.addf %add3A_942, %add3A_948 : vector<64x64xf32>
    %slice3A_950 = vector.extract_strided_slice %add3A_949 {offsets = [0, 0], sizes = [64, 16], strides = [1, 1]} : vector<64x64xf32> to vector<64x16xf32>
    %slice3A_951 = vector.extract_strided_slice %add3A_949 {offsets = [0, 16], sizes = [64, 16], strides = [1, 1]} : vector<64x64xf32> to vector<64x16xf32>
    %slice3A_952 = vector.extract_strided_slice %add3A_949 {offsets = [0, 32], sizes = [64, 16], strides = [1, 1]} : vector<64x64xf32> to vector<64x16xf32>
    %slice3A_953 = vector.extract_strided_slice %add3A_949 {offsets = [0, 48], sizes = [64, 16], strides = [1, 1]} : vector<64x64xf32> to vector<64x16xf32>
    %logistic3A_954 = arith.negf %slice3A_951 : vector<64x16xf32>
    %logistic3A_955 = math.exp %logistic3A_954 : vector<64x16xf32>
    %logistic3A_956 = arith.constant 1.000000e+00 : f32
    %logistic3A_957 = vector.broadcast %logistic3A_956 : f32 to vector<64x16xf32>
    %logistic3A_958 = arith.addf %logistic3A_957, %logistic3A_955 : vector<64x16xf32>
    %logistic3A_959 = arith.divf %logistic3A_957, %logistic3A_958 : vector<64x16xf32>
    %mul3A_960 = arith.mulf %logistic3A_959, %add3A_706 : vector<64x16xf32>
    %logistic3A_961 = arith.negf %slice3A_950 : vector<64x16xf32>
    %logistic3A_962 = math.exp %logistic3A_961 : vector<64x16xf32>
    %logistic3A_963 = arith.constant 1.000000e+00 : f32
    %logistic3A_964 = vector.broadcast %logistic3A_963 : f32 to vector<64x16xf32>
    %logistic3A_965 = arith.addf %logistic3A_964, %logistic3A_962 : vector<64x16xf32>
    %logistic3A_966 = arith.divf %logistic3A_964, %logistic3A_965 : vector<64x16xf32>
    %tanh3A_967 = math.tanh %slice3A_952 : vector<64x16xf32>
    %mul3A_968 = arith.mulf %logistic3A_966, %tanh3A_967 : vector<64x16xf32>
    %add3A_969 = arith.addf %mul3A_960, %mul3A_968 : vector<64x16xf32>
    %logistic3A_970 = arith.negf %slice3A_953 : vector<64x16xf32>
    %logistic3A_971 = math.exp %logistic3A_970 : vector<64x16xf32>
    %logistic3A_972 = arith.constant 1.000000e+00 : f32
    %logistic3A_973 = vector.broadcast %logistic3A_972 : f32 to vector<64x16xf32>
    %logistic3A_974 = arith.addf %logistic3A_973, %logistic3A_971 : vector<64x16xf32>
    %logistic3A_975 = arith.divf %logistic3A_973, %logistic3A_974 : vector<64x16xf32>
    %tanh3A_976 = math.tanh %add3A_969 : vector<64x16xf32>
    %mul3A_977 = arith.mulf %logistic3A_975, %tanh3A_976 : vector<64x16xf32>
    %get3A_978 = arith.constant 2 : index
    %get3A_979 = arith.constant 0 : index
    %get3A_980 = arith.constant 0 : index
    %get3A_981 = vector.load %arg4[%get3A_978, %get3A_979, %get3A_980] : memref<3x16x64xf32, #tpu.memory_space<vmem>>, vector<1x16x64xf32>
    %get3A_982 = vector.shape_cast %get3A_981 : vector<1x16x64xf32> to vector<16x64xf32>
    %dot_general3A_983 = arith.constant dense<0.000000e+00> : vector<64x64xf32>
    %dot_general3A_984 = tpu.matmul %mul3A_977, %get3A_982, %dot_general3A_983 {dimension_numbers = #tpu.dot_dimension_numbers<[1], [0], [0], [1], [0, 0, 1, 1], [], []>, transpose_lhs_hint = false} : vector<64x16xf32>, vector<16x64xf32>, vector<64x64xf32> -> vector<64x64xf32>
    %get3A_985 = arith.constant 3 : index
    %get3A_986 = arith.constant 0 : index
    %get3A_987 = arith.constant 0 : index
    %get3A_988 = vector.load %arg6[%get3A_985, %get3A_986, %get3A_987] : memref<4x1x64xf32, #tpu.memory_space<vmem>>, vector<1x1x64xf32>
    %get3A_989 = vector.shape_cast %get3A_988 : vector<1x1x64xf32> to vector<1x64xf32>
    %add3A_990 = vector.broadcast %get3A_989 : vector<1x64xf32> to vector<64x64xf32>
    %add3A_991 = arith.addf %dot_general3A_984, %add3A_990 : vector<64x64xf32>
    %get3A_992 = arith.constant 3 : index
    %get3A_993 = arith.constant 0 : index
    %get3A_994 = arith.constant 0 : index
    %get3A_995 = vector.load %arg5[%get3A_992, %get3A_993, %get3A_994] : memref<4x16x64xf32, #tpu.memory_space<vmem>>, vector<1x16x64xf32>
    %get3A_996 = vector.shape_cast %get3A_995 : vector<1x16x64xf32> to vector<16x64xf32>
    %dot_general3A_997 = arith.constant dense<0.000000e+00> : vector<64x64xf32>
    %dot_general3A_998 = tpu.matmul %mul3A_771, %get3A_996, %dot_general3A_997 {dimension_numbers = #tpu.dot_dimension_numbers<[1], [0], [0], [1], [0, 0, 1, 1], [], []>, transpose_lhs_hint = false} : vector<64x16xf32>, vector<16x64xf32>, vector<64x64xf32> -> vector<64x64xf32>
    %add3A_999 = arith.addf %add3A_991, %dot_general3A_998 : vector<64x64xf32>
    %get3A_1000 = arith.constant 3 : index
    %get3A_1001 = arith.constant 0 : index
    %get3A_1002 = arith.constant 0 : index
    %get3A_1003 = vector.load %arg7[%get3A_1000, %get3A_1001, %get3A_1002] : memref<4x1x64xf32, #tpu.memory_space<vmem>>, vector<1x1x64xf32>
    %get3A_1004 = vector.shape_cast %get3A_1003 : vector<1x1x64xf32> to vector<1x64xf32>
    %add3A_1005 = vector.broadcast %get3A_1004 : vector<1x64xf32> to vector<64x64xf32>
    %add3A_1006 = arith.addf %add3A_999, %add3A_1005 : vector<64x64xf32>
    %slice3A_1007 = vector.extract_strided_slice %add3A_1006 {offsets = [0, 0], sizes = [64, 16], strides = [1, 1]} : vector<64x64xf32> to vector<64x16xf32>
    %slice3A_1008 = vector.extract_strided_slice %add3A_1006 {offsets = [0, 16], sizes = [64, 16], strides = [1, 1]} : vector<64x64xf32> to vector<64x16xf32>
    %slice3A_1009 = vector.extract_strided_slice %add3A_1006 {offsets = [0, 32], sizes = [64, 16], strides = [1, 1]} : vector<64x64xf32> to vector<64x16xf32>
    %slice3A_1010 = vector.extract_strided_slice %add3A_1006 {offsets = [0, 48], sizes = [64, 16], strides = [1, 1]} : vector<64x64xf32> to vector<64x16xf32>
    %logistic3A_1011 = arith.negf %slice3A_1008 : vector<64x16xf32>
    %logistic3A_1012 = math.exp %logistic3A_1011 : vector<64x16xf32>
    %logistic3A_1013 = arith.constant 1.000000e+00 : f32
    %logistic3A_1014 = vector.broadcast %logistic3A_1013 : f32 to vector<64x16xf32>
    %logistic3A_1015 = arith.addf %logistic3A_1014, %logistic3A_1012 : vector<64x16xf32>
    %logistic3A_1016 = arith.divf %logistic3A_1014, %logistic3A_1015 : vector<64x16xf32>
    %mul3A_1017 = arith.mulf %logistic3A_1016, %add3A_763 : vector<64x16xf32>
    %logistic3A_1018 = arith.negf %slice3A_1007 : vector<64x16xf32>
    %logistic3A_1019 = math.exp %logistic3A_1018 : vector<64x16xf32>
    %logistic3A_1020 = arith.constant 1.000000e+00 : f32
    %logistic3A_1021 = vector.broadcast %logistic3A_1020 : f32 to vector<64x16xf32>
    %logistic3A_1022 = arith.addf %logistic3A_1021, %logistic3A_1019 : vector<64x16xf32>
    %logistic3A_1023 = arith.divf %logistic3A_1021, %logistic3A_1022 : vector<64x16xf32>
    %tanh3A_1024 = math.tanh %slice3A_1009 : vector<64x16xf32>
    %mul3A_1025 = arith.mulf %logistic3A_1023, %tanh3A_1024 : vector<64x16xf32>
    %add3A_1026 = arith.addf %mul3A_1017, %mul3A_1025 : vector<64x16xf32>
    %logistic3A_1027 = arith.negf %slice3A_1010 : vector<64x16xf32>
    %logistic3A_1028 = math.exp %logistic3A_1027 : vector<64x16xf32>
    %logistic3A_1029 = arith.constant 1.000000e+00 : f32
    %logistic3A_1030 = vector.broadcast %logistic3A_1029 : f32 to vector<64x16xf32>
    %logistic3A_1031 = arith.addf %logistic3A_1030, %logistic3A_1028 : vector<64x16xf32>
    %logistic3A_1032 = arith.divf %logistic3A_1030, %logistic3A_1031 : vector<64x16xf32>
    %tanh3A_1033 = math.tanh %add3A_1026 : vector<64x16xf32>
    %mul3A_1034 = arith.mulf %logistic3A_1032, %tanh3A_1033 : vector<64x16xf32>
    %dot_general3A_1035 = arith.constant dense<0.000000e+00> : vector<10000x16xf32>
    %dot_general3A_1036 = tpu.matmul %convert_element_type3A_8, %mul3A_1034, %dot_general3A_1035 {dimension_numbers = #tpu.dot_dimension_numbers<[1], [0], [0], [1], [0, 0, 1, 1], [], []>, transpose_lhs_hint = false} : vector<10000x64xf32>, vector<64x16xf32>, vector<10000x16xf32> -> vector<10000x16xf32>
    %mul3A_1037 = arith.mulf %get3A_1, %dot_general3A_1036 : vector<10000x16xf32>
    %reduce_sum3A_1038 = arith.constant dense<0.000000e+00> : vector<10000xf32>
    %reduce_sum3A_1039 = vector.multi_reduction <add>, %mul3A_1037, %reduce_sum3A_1038 [1] : vector<10000x16xf32> to vector<10000xf32>
    %broadcast_in_dim3A_1040 = vector.shape_cast %reduce_sum3A_1039 : vector<10000xf32> to vector<10000x1xf32>
    %jit3A_1041 = arith.constant -3.000000e+38 : f32
    %broadcast_in_dim3A_1042 = vector.shape_cast %broadcast_in_dim3A_1040 : vector<10000x1xf32> to vector<10000x1xf32>
    %broadcast_in_dim3A_1043 = vector.broadcast %broadcast_in_dim3A_1042 : vector<10000x1xf32> to vector<10000x64xf32>
    %broadcast_in_dim3A_1044 = vector.broadcast %jit3A_1041 : f32 to vector<10000x64xf32>
    %select_n3A_1045 = arith.select %eq3A_7, %broadcast_in_dim3A_1043, %broadcast_in_dim3A_1044 : vector<10000x64xi1>, vector<10000x64xf32>
    %reduce_max3A_1046 = arith.constant dense<0xFF800000> : vector<64xf32>
    %reduce_max3A_1047 = vector.multi_reduction <maximumf>, %select_n3A_1045, %reduce_max3A_1046 [0] : vector<10000x64xf32> to vector<64xf32>
    %broadcast_in_dim3A_1048 = vector.shape_cast %reduce_max3A_1047 : vector<64xf32> to vector<1x64xf32>
    %mul3A_1049 = vector.broadcast %broadcast_in_dim3A_1048 : vector<1x64xf32> to vector<10000x64xf32>
    %mul3A_1050 = arith.mulf %convert_element_type3A_8, %mul3A_1049 : vector<10000x64xf32>
    %reduce_sum3A_1051 = arith.constant dense<0.000000e+00> : vector<10000xf32>
    %reduce_sum3A_1052 = vector.multi_reduction <add>, %mul3A_1050, %reduce_sum3A_1051 [1] : vector<10000x64xf32> to vector<10000xf32>
    %broadcast_in_dim3A_1053 = vector.shape_cast %reduce_sum3A_1052 : vector<10000xf32> to vector<10000x1xf32>
    %sub3A_1054 = arith.subf %broadcast_in_dim3A_1040, %broadcast_in_dim3A_1053 : vector<10000x1xf32>
    %exp3A_1055 = math.exp %sub3A_1054 : vector<10000x1xf32>
    %mul3A_1056 = vector.broadcast %exp3A_1055 : vector<10000x1xf32> to vector<10000x64xf32>
    %mul3A_1057 = arith.mulf %convert_element_type3A_8, %mul3A_1056 : vector<10000x64xf32>
    %reduce_sum3A_1058 = arith.constant dense<0.000000e+00> : vector<64xf32>
    %reduce_sum3A_1059 = vector.multi_reduction <add>, %mul3A_1057, %reduce_sum3A_1058 [0] : vector<10000x64xf32> to vector<64xf32>
    %broadcast_in_dim3A_1060 = vector.shape_cast %reduce_sum3A_1059 : vector<64xf32> to vector<1x64xf32>
    %mul3A_1061 = vector.broadcast %broadcast_in_dim3A_1060 : vector<1x64xf32> to vector<10000x64xf32>
    %mul3A_1062 = arith.mulf %convert_element_type3A_8, %mul3A_1061 : vector<10000x64xf32>
    %reduce_sum3A_1063 = arith.constant dense<0.000000e+00> : vector<10000xf32>
    %reduce_sum3A_1064 = vector.multi_reduction <add>, %mul3A_1062, %reduce_sum3A_1063 [1] : vector<10000x64xf32> to vector<10000xf32>
    %broadcast_in_dim3A_1065 = vector.shape_cast %reduce_sum3A_1064 : vector<10000xf32> to vector<10000x1xf32>
    %div3A_1066 = arith.divf %exp3A_1055, %broadcast_in_dim3A_1065 : vector<10000x1xf32>
    %mul3A_1067 = vector.broadcast %div3A_1066 : vector<10000x1xf32> to vector<10000x16xf32>
    %mul3A_1068 = arith.mulf %mul3A_1067, %get3A_1 : vector<10000x16xf32>
    %dot_general3A_1069 = arith.constant dense<0.000000e+00> : vector<64x16xf32>
    %dot_general3A_1070 = tpu.matmul %convert_element_type3A_16, %mul3A_1068, %dot_general3A_1069 {dimension_numbers = #tpu.dot_dimension_numbers<[1], [0], [0], [1], [0, 0, 1, 1], [], []>, transpose_lhs_hint = false} : vector<64x10000xf32>, vector<10000x16xf32>, vector<64x16xf32> -> vector<64x16xf32>
    %concatenate3A_1071 = tpu.concatenate %mul3A_1034, %dot_general3A_1070 in 1 : vector<64x16xf32>, vector<64x16xf32> -> vector<64x32xf32>
    %get3A_1072 = arith.constant 0 : index
    %get3A_1073 = arith.constant 0 : index
    %get3A_1074 = vector.load %arg3[%get3A_1072, %get3A_1073] : memref<32x64xf32, #tpu.memory_space<vmem>>, vector<32x64xf32>
    %dot_general3A_1075 = arith.constant dense<0.000000e+00> : vector<64x64xf32>
    %dot_general3A_1076 = tpu.matmul %concatenate3A_1071, %get3A_1074, %dot_general3A_1075 {dimension_numbers = #tpu.dot_dimension_numbers<[1], [0], [0], [1], [0, 0, 1, 1], [], []>, transpose_lhs_hint = false} : vector<64x32xf32>, vector<32x64xf32>, vector<64x64xf32> -> vector<64x64xf32>
    %get3A_1077 = arith.constant 0 : index
    %get3A_1078 = arith.constant 0 : index
    %get3A_1079 = arith.constant 0 : index
    %get3A_1080 = vector.load %arg6[%get3A_1077, %get3A_1078, %get3A_1079] : memref<4x1x64xf32, #tpu.memory_space<vmem>>, vector<1x1x64xf32>
    %get3A_1081 = vector.shape_cast %get3A_1080 : vector<1x1x64xf32> to vector<1x64xf32>
    %add3A_1082 = vector.broadcast %get3A_1081 : vector<1x64xf32> to vector<64x64xf32>
    %add3A_1083 = arith.addf %dot_general3A_1076, %add3A_1082 : vector<64x64xf32>
    %get3A_1084 = arith.constant 0 : index
    %get3A_1085 = arith.constant 0 : index
    %get3A_1086 = arith.constant 0 : index
    %get3A_1087 = vector.load %arg5[%get3A_1084, %get3A_1085, %get3A_1086] : memref<4x16x64xf32, #tpu.memory_space<vmem>>, vector<1x16x64xf32>
    %get3A_1088 = vector.shape_cast %get3A_1087 : vector<1x16x64xf32> to vector<16x64xf32>
    %dot_general3A_1089 = arith.constant dense<0.000000e+00> : vector<64x64xf32>
    %dot_general3A_1090 = tpu.matmul %mul3A_863, %get3A_1088, %dot_general3A_1089 {dimension_numbers = #tpu.dot_dimension_numbers<[1], [0], [0], [1], [0, 0, 1, 1], [], []>, transpose_lhs_hint = false} : vector<64x16xf32>, vector<16x64xf32>, vector<64x64xf32> -> vector<64x64xf32>
    %add3A_1091 = arith.addf %add3A_1083, %dot_general3A_1090 : vector<64x64xf32>
    %get3A_1092 = arith.constant 0 : index
    %get3A_1093 = arith.constant 0 : index
    %get3A_1094 = arith.constant 0 : index
    %get3A_1095 = vector.load %arg7[%get3A_1092, %get3A_1093, %get3A_1094] : memref<4x1x64xf32, #tpu.memory_space<vmem>>, vector<1x1x64xf32>
    %get3A_1096 = vector.shape_cast %get3A_1095 : vector<1x1x64xf32> to vector<1x64xf32>
    %add3A_1097 = vector.broadcast %get3A_1096 : vector<1x64xf32> to vector<64x64xf32>
    %add3A_1098 = arith.addf %add3A_1091, %add3A_1097 : vector<64x64xf32>
    %slice3A_1099 = vector.extract_strided_slice %add3A_1098 {offsets = [0, 0], sizes = [64, 16], strides = [1, 1]} : vector<64x64xf32> to vector<64x16xf32>
    %slice3A_1100 = vector.extract_strided_slice %add3A_1098 {offsets = [0, 16], sizes = [64, 16], strides = [1, 1]} : vector<64x64xf32> to vector<64x16xf32>
    %slice3A_1101 = vector.extract_strided_slice %add3A_1098 {offsets = [0, 32], sizes = [64, 16], strides = [1, 1]} : vector<64x64xf32> to vector<64x16xf32>
    %slice3A_1102 = vector.extract_strided_slice %add3A_1098 {offsets = [0, 48], sizes = [64, 16], strides = [1, 1]} : vector<64x64xf32> to vector<64x16xf32>
    %logistic3A_1103 = arith.negf %slice3A_1100 : vector<64x16xf32>
    %logistic3A_1104 = math.exp %logistic3A_1103 : vector<64x16xf32>
    %logistic3A_1105 = arith.constant 1.000000e+00 : f32
    %logistic3A_1106 = vector.broadcast %logistic3A_1105 : f32 to vector<64x16xf32>
    %logistic3A_1107 = arith.addf %logistic3A_1106, %logistic3A_1104 : vector<64x16xf32>
    %logistic3A_1108 = arith.divf %logistic3A_1106, %logistic3A_1107 : vector<64x16xf32>
    %mul3A_1109 = arith.mulf %logistic3A_1108, %add3A_855 : vector<64x16xf32>
    %logistic3A_1110 = arith.negf %slice3A_1099 : vector<64x16xf32>
    %logistic3A_1111 = math.exp %logistic3A_1110 : vector<64x16xf32>
    %logistic3A_1112 = arith.constant 1.000000e+00 : f32
    %logistic3A_1113 = vector.broadcast %logistic3A_1112 : f32 to vector<64x16xf32>
    %logistic3A_1114 = arith.addf %logistic3A_1113, %logistic3A_1111 : vector<64x16xf32>
    %logistic3A_1115 = arith.divf %logistic3A_1113, %logistic3A_1114 : vector<64x16xf32>
    %tanh3A_1116 = math.tanh %slice3A_1101 : vector<64x16xf32>
    %mul3A_1117 = arith.mulf %logistic3A_1115, %tanh3A_1116 : vector<64x16xf32>
    %add3A_1118 = arith.addf %mul3A_1109, %mul3A_1117 : vector<64x16xf32>
    %logistic3A_1119 = arith.negf %slice3A_1102 : vector<64x16xf32>
    %logistic3A_1120 = math.exp %logistic3A_1119 : vector<64x16xf32>
    %logistic3A_1121 = arith.constant 1.000000e+00 : f32
    %logistic3A_1122 = vector.broadcast %logistic3A_1121 : f32 to vector<64x16xf32>
    %logistic3A_1123 = arith.addf %logistic3A_1122, %logistic3A_1120 : vector<64x16xf32>
    %logistic3A_1124 = arith.divf %logistic3A_1122, %logistic3A_1123 : vector<64x16xf32>
    %tanh3A_1125 = math.tanh %add3A_1118 : vector<64x16xf32>
    %mul3A_1126 = arith.mulf %logistic3A_1124, %tanh3A_1125 : vector<64x16xf32>
    %get3A_1127 = arith.constant 0 : index
    %get3A_1128 = arith.constant 0 : index
    %get3A_1129 = arith.constant 0 : index
    %get3A_1130 = vector.load %arg4[%get3A_1127, %get3A_1128, %get3A_1129] : memref<3x16x64xf32, #tpu.memory_space<vmem>>, vector<1x16x64xf32>
    %get3A_1131 = vector.shape_cast %get3A_1130 : vector<1x16x64xf32> to vector<16x64xf32>
    %dot_general3A_1132 = arith.constant dense<0.000000e+00> : vector<64x64xf32>
    %dot_general3A_1133 = tpu.matmul %mul3A_1126, %get3A_1131, %dot_general3A_1132 {dimension_numbers = #tpu.dot_dimension_numbers<[1], [0], [0], [1], [0, 0, 1, 1], [], []>, transpose_lhs_hint = false} : vector<64x16xf32>, vector<16x64xf32>, vector<64x64xf32> -> vector<64x64xf32>
    %get3A_1134 = arith.constant 1 : index
    %get3A_1135 = arith.constant 0 : index
    %get3A_1136 = arith.constant 0 : index
    %get3A_1137 = vector.load %arg6[%get3A_1134, %get3A_1135, %get3A_1136] : memref<4x1x64xf32, #tpu.memory_space<vmem>>, vector<1x1x64xf32>
    %get3A_1138 = vector.shape_cast %get3A_1137 : vector<1x1x64xf32> to vector<1x64xf32>
    %add3A_1139 = vector.broadcast %get3A_1138 : vector<1x64xf32> to vector<64x64xf32>
    %add3A_1140 = arith.addf %dot_general3A_1133, %add3A_1139 : vector<64x64xf32>
    %get3A_1141 = arith.constant 1 : index
    %get3A_1142 = arith.constant 0 : index
    %get3A_1143 = arith.constant 0 : index
    %get3A_1144 = vector.load %arg5[%get3A_1141, %get3A_1142, %get3A_1143] : memref<4x16x64xf32, #tpu.memory_space<vmem>>, vector<1x16x64xf32>
    %get3A_1145 = vector.shape_cast %get3A_1144 : vector<1x16x64xf32> to vector<16x64xf32>
    %dot_general3A_1146 = arith.constant dense<0.000000e+00> : vector<64x64xf32>
    %dot_general3A_1147 = tpu.matmul %mul3A_920, %get3A_1145, %dot_general3A_1146 {dimension_numbers = #tpu.dot_dimension_numbers<[1], [0], [0], [1], [0, 0, 1, 1], [], []>, transpose_lhs_hint = false} : vector<64x16xf32>, vector<16x64xf32>, vector<64x64xf32> -> vector<64x64xf32>
    %add3A_1148 = arith.addf %add3A_1140, %dot_general3A_1147 : vector<64x64xf32>
    %get3A_1149 = arith.constant 1 : index
    %get3A_1150 = arith.constant 0 : index
    %get3A_1151 = arith.constant 0 : index
    %get3A_1152 = vector.load %arg7[%get3A_1149, %get3A_1150, %get3A_1151] : memref<4x1x64xf32, #tpu.memory_space<vmem>>, vector<1x1x64xf32>
    %get3A_1153 = vector.shape_cast %get3A_1152 : vector<1x1x64xf32> to vector<1x64xf32>
    %add3A_1154 = vector.broadcast %get3A_1153 : vector<1x64xf32> to vector<64x64xf32>
    %add3A_1155 = arith.addf %add3A_1148, %add3A_1154 : vector<64x64xf32>
    %slice3A_1156 = vector.extract_strided_slice %add3A_1155 {offsets = [0, 0], sizes = [64, 16], strides = [1, 1]} : vector<64x64xf32> to vector<64x16xf32>
    %slice3A_1157 = vector.extract_strided_slice %add3A_1155 {offsets = [0, 16], sizes = [64, 16], strides = [1, 1]} : vector<64x64xf32> to vector<64x16xf32>
    %slice3A_1158 = vector.extract_strided_slice %add3A_1155 {offsets = [0, 32], sizes = [64, 16], strides = [1, 1]} : vector<64x64xf32> to vector<64x16xf32>
    %slice3A_1159 = vector.extract_strided_slice %add3A_1155 {offsets = [0, 48], sizes = [64, 16], strides = [1, 1]} : vector<64x64xf32> to vector<64x16xf32>
    %logistic3A_1160 = arith.negf %slice3A_1157 : vector<64x16xf32>
    %logistic3A_1161 = math.exp %logistic3A_1160 : vector<64x16xf32>
    %logistic3A_1162 = arith.constant 1.000000e+00 : f32
    %logistic3A_1163 = vector.broadcast %logistic3A_1162 : f32 to vector<64x16xf32>
    %logistic3A_1164 = arith.addf %logistic3A_1163, %logistic3A_1161 : vector<64x16xf32>
    %logistic3A_1165 = arith.divf %logistic3A_1163, %logistic3A_1164 : vector<64x16xf32>
    %mul3A_1166 = arith.mulf %logistic3A_1165, %add3A_912 : vector<64x16xf32>
    %logistic3A_1167 = arith.negf %slice3A_1156 : vector<64x16xf32>
    %logistic3A_1168 = math.exp %logistic3A_1167 : vector<64x16xf32>
    %logistic3A_1169 = arith.constant 1.000000e+00 : f32
    %logistic3A_1170 = vector.broadcast %logistic3A_1169 : f32 to vector<64x16xf32>
    %logistic3A_1171 = arith.addf %logistic3A_1170, %logistic3A_1168 : vector<64x16xf32>
    %logistic3A_1172 = arith.divf %logistic3A_1170, %logistic3A_1171 : vector<64x16xf32>
    %tanh3A_1173 = math.tanh %slice3A_1158 : vector<64x16xf32>
    %mul3A_1174 = arith.mulf %logistic3A_1172, %tanh3A_1173 : vector<64x16xf32>
    %add3A_1175 = arith.addf %mul3A_1166, %mul3A_1174 : vector<64x16xf32>
    %logistic3A_1176 = arith.negf %slice3A_1159 : vector<64x16xf32>
    %logistic3A_1177 = math.exp %logistic3A_1176 : vector<64x16xf32>
    %logistic3A_1178 = arith.constant 1.000000e+00 : f32
    %logistic3A_1179 = vector.broadcast %logistic3A_1178 : f32 to vector<64x16xf32>
    %logistic3A_1180 = arith.addf %logistic3A_1179, %logistic3A_1177 : vector<64x16xf32>
    %logistic3A_1181 = arith.divf %logistic3A_1179, %logistic3A_1180 : vector<64x16xf32>
    %tanh3A_1182 = math.tanh %add3A_1175 : vector<64x16xf32>
    %mul3A_1183 = arith.mulf %logistic3A_1181, %tanh3A_1182 : vector<64x16xf32>
    %get3A_1184 = arith.constant 1 : index
    %get3A_1185 = arith.constant 0 : index
    %get3A_1186 = arith.constant 0 : index
    %get3A_1187 = vector.load %arg4[%get3A_1184, %get3A_1185, %get3A_1186] : memref<3x16x64xf32, #tpu.memory_space<vmem>>, vector<1x16x64xf32>
    %get3A_1188 = vector.shape_cast %get3A_1187 : vector<1x16x64xf32> to vector<16x64xf32>
    %dot_general3A_1189 = arith.constant dense<0.000000e+00> : vector<64x64xf32>
    %dot_general3A_1190 = tpu.matmul %mul3A_1183, %get3A_1188, %dot_general3A_1189 {dimension_numbers = #tpu.dot_dimension_numbers<[1], [0], [0], [1], [0, 0, 1, 1], [], []>, transpose_lhs_hint = false} : vector<64x16xf32>, vector<16x64xf32>, vector<64x64xf32> -> vector<64x64xf32>
    %get3A_1191 = arith.constant 2 : index
    %get3A_1192 = arith.constant 0 : index
    %get3A_1193 = arith.constant 0 : index
    %get3A_1194 = vector.load %arg6[%get3A_1191, %get3A_1192, %get3A_1193] : memref<4x1x64xf32, #tpu.memory_space<vmem>>, vector<1x1x64xf32>
    %get3A_1195 = vector.shape_cast %get3A_1194 : vector<1x1x64xf32> to vector<1x64xf32>
    %add3A_1196 = vector.broadcast %get3A_1195 : vector<1x64xf32> to vector<64x64xf32>
    %add3A_1197 = arith.addf %dot_general3A_1190, %add3A_1196 : vector<64x64xf32>
    %get3A_1198 = arith.constant 2 : index
    %get3A_1199 = arith.constant 0 : index
    %get3A_1200 = arith.constant 0 : index
    %get3A_1201 = vector.load %arg5[%get3A_1198, %get3A_1199, %get3A_1200] : memref<4x16x64xf32, #tpu.memory_space<vmem>>, vector<1x16x64xf32>
    %get3A_1202 = vector.shape_cast %get3A_1201 : vector<1x16x64xf32> to vector<16x64xf32>
    %dot_general3A_1203 = arith.constant dense<0.000000e+00> : vector<64x64xf32>
    %dot_general3A_1204 = tpu.matmul %mul3A_977, %get3A_1202, %dot_general3A_1203 {dimension_numbers = #tpu.dot_dimension_numbers<[1], [0], [0], [1], [0, 0, 1, 1], [], []>, transpose_lhs_hint = false} : vector<64x16xf32>, vector<16x64xf32>, vector<64x64xf32> -> vector<64x64xf32>
    %add3A_1205 = arith.addf %add3A_1197, %dot_general3A_1204 : vector<64x64xf32>
    %get3A_1206 = arith.constant 2 : index
    %get3A_1207 = arith.constant 0 : index
    %get3A_1208 = arith.constant 0 : index
    %get3A_1209 = vector.load %arg7[%get3A_1206, %get3A_1207, %get3A_1208] : memref<4x1x64xf32, #tpu.memory_space<vmem>>, vector<1x1x64xf32>
    %get3A_1210 = vector.shape_cast %get3A_1209 : vector<1x1x64xf32> to vector<1x64xf32>
    %add3A_1211 = vector.broadcast %get3A_1210 : vector<1x64xf32> to vector<64x64xf32>
    %add3A_1212 = arith.addf %add3A_1205, %add3A_1211 : vector<64x64xf32>
    %slice3A_1213 = vector.extract_strided_slice %add3A_1212 {offsets = [0, 0], sizes = [64, 16], strides = [1, 1]} : vector<64x64xf32> to vector<64x16xf32>
    %slice3A_1214 = vector.extract_strided_slice %add3A_1212 {offsets = [0, 16], sizes = [64, 16], strides = [1, 1]} : vector<64x64xf32> to vector<64x16xf32>
    %slice3A_1215 = vector.extract_strided_slice %add3A_1212 {offsets = [0, 32], sizes = [64, 16], strides = [1, 1]} : vector<64x64xf32> to vector<64x16xf32>
    %slice3A_1216 = vector.extract_strided_slice %add3A_1212 {offsets = [0, 48], sizes = [64, 16], strides = [1, 1]} : vector<64x64xf32> to vector<64x16xf32>
    %logistic3A_1217 = arith.negf %slice3A_1214 : vector<64x16xf32>
    %logistic3A_1218 = math.exp %logistic3A_1217 : vector<64x16xf32>
    %logistic3A_1219 = arith.constant 1.000000e+00 : f32
    %logistic3A_1220 = vector.broadcast %logistic3A_1219 : f32 to vector<64x16xf32>
    %logistic3A_1221 = arith.addf %logistic3A_1220, %logistic3A_1218 : vector<64x16xf32>
    %logistic3A_1222 = arith.divf %logistic3A_1220, %logistic3A_1221 : vector<64x16xf32>
    %mul3A_1223 = arith.mulf %logistic3A_1222, %add3A_969 : vector<64x16xf32>
    %logistic3A_1224 = arith.negf %slice3A_1213 : vector<64x16xf32>
    %logistic3A_1225 = math.exp %logistic3A_1224 : vector<64x16xf32>
    %logistic3A_1226 = arith.constant 1.000000e+00 : f32
    %logistic3A_1227 = vector.broadcast %logistic3A_1226 : f32 to vector<64x16xf32>
    %logistic3A_1228 = arith.addf %logistic3A_1227, %logistic3A_1225 : vector<64x16xf32>
    %logistic3A_1229 = arith.divf %logistic3A_1227, %logistic3A_1228 : vector<64x16xf32>
    %tanh3A_1230 = math.tanh %slice3A_1215 : vector<64x16xf32>
    %mul3A_1231 = arith.mulf %logistic3A_1229, %tanh3A_1230 : vector<64x16xf32>
    %add3A_1232 = arith.addf %mul3A_1223, %mul3A_1231 : vector<64x16xf32>
    %logistic3A_1233 = arith.negf %slice3A_1216 : vector<64x16xf32>
    %logistic3A_1234 = math.exp %logistic3A_1233 : vector<64x16xf32>
    %logistic3A_1235 = arith.constant 1.000000e+00 : f32
    %logistic3A_1236 = vector.broadcast %logistic3A_1235 : f32 to vector<64x16xf32>
    %logistic3A_1237 = arith.addf %logistic3A_1236, %logistic3A_1234 : vector<64x16xf32>
    %logistic3A_1238 = arith.divf %logistic3A_1236, %logistic3A_1237 : vector<64x16xf32>
    %tanh3A_1239 = math.tanh %add3A_1232 : vector<64x16xf32>
    %mul3A_1240 = arith.mulf %logistic3A_1238, %tanh3A_1239 : vector<64x16xf32>
    %get3A_1241 = arith.constant 2 : index
    %get3A_1242 = arith.constant 0 : index
    %get3A_1243 = arith.constant 0 : index
    %get3A_1244 = vector.load %arg4[%get3A_1241, %get3A_1242, %get3A_1243] : memref<3x16x64xf32, #tpu.memory_space<vmem>>, vector<1x16x64xf32>
    %get3A_1245 = vector.shape_cast %get3A_1244 : vector<1x16x64xf32> to vector<16x64xf32>
    %dot_general3A_1246 = arith.constant dense<0.000000e+00> : vector<64x64xf32>
    %dot_general3A_1247 = tpu.matmul %mul3A_1240, %get3A_1245, %dot_general3A_1246 {dimension_numbers = #tpu.dot_dimension_numbers<[1], [0], [0], [1], [0, 0, 1, 1], [], []>, transpose_lhs_hint = false} : vector<64x16xf32>, vector<16x64xf32>, vector<64x64xf32> -> vector<64x64xf32>
    %get3A_1248 = arith.constant 3 : index
    %get3A_1249 = arith.constant 0 : index
    %get3A_1250 = arith.constant 0 : index
    %get3A_1251 = vector.load %arg6[%get3A_1248, %get3A_1249, %get3A_1250] : memref<4x1x64xf32, #tpu.memory_space<vmem>>, vector<1x1x64xf32>
    %get3A_1252 = vector.shape_cast %get3A_1251 : vector<1x1x64xf32> to vector<1x64xf32>
    %add3A_1253 = vector.broadcast %get3A_1252 : vector<1x64xf32> to vector<64x64xf32>
    %add3A_1254 = arith.addf %dot_general3A_1247, %add3A_1253 : vector<64x64xf32>
    %get3A_1255 = arith.constant 3 : index
    %get3A_1256 = arith.constant 0 : index
    %get3A_1257 = arith.constant 0 : index
    %get3A_1258 = vector.load %arg5[%get3A_1255, %get3A_1256, %get3A_1257] : memref<4x16x64xf32, #tpu.memory_space<vmem>>, vector<1x16x64xf32>
    %get3A_1259 = vector.shape_cast %get3A_1258 : vector<1x16x64xf32> to vector<16x64xf32>
    %dot_general3A_1260 = arith.constant dense<0.000000e+00> : vector<64x64xf32>
    %dot_general3A_1261 = tpu.matmul %mul3A_1034, %get3A_1259, %dot_general3A_1260 {dimension_numbers = #tpu.dot_dimension_numbers<[1], [0], [0], [1], [0, 0, 1, 1], [], []>, transpose_lhs_hint = false} : vector<64x16xf32>, vector<16x64xf32>, vector<64x64xf32> -> vector<64x64xf32>
    %add3A_1262 = arith.addf %add3A_1254, %dot_general3A_1261 : vector<64x64xf32>
    %get3A_1263 = arith.constant 3 : index
    %get3A_1264 = arith.constant 0 : index
    %get3A_1265 = arith.constant 0 : index
    %get3A_1266 = vector.load %arg7[%get3A_1263, %get3A_1264, %get3A_1265] : memref<4x1x64xf32, #tpu.memory_space<vmem>>, vector<1x1x64xf32>
    %get3A_1267 = vector.shape_cast %get3A_1266 : vector<1x1x64xf32> to vector<1x64xf32>
    %add3A_1268 = vector.broadcast %get3A_1267 : vector<1x64xf32> to vector<64x64xf32>
    %add3A_1269 = arith.addf %add3A_1262, %add3A_1268 : vector<64x64xf32>
    %slice3A_1270 = vector.extract_strided_slice %add3A_1269 {offsets = [0, 0], sizes = [64, 16], strides = [1, 1]} : vector<64x64xf32> to vector<64x16xf32>
    %slice3A_1271 = vector.extract_strided_slice %add3A_1269 {offsets = [0, 16], sizes = [64, 16], strides = [1, 1]} : vector<64x64xf32> to vector<64x16xf32>
    %slice3A_1272 = vector.extract_strided_slice %add3A_1269 {offsets = [0, 32], sizes = [64, 16], strides = [1, 1]} : vector<64x64xf32> to vector<64x16xf32>
    %slice3A_1273 = vector.extract_strided_slice %add3A_1269 {offsets = [0, 48], sizes = [64, 16], strides = [1, 1]} : vector<64x64xf32> to vector<64x16xf32>
    %logistic3A_1274 = arith.negf %slice3A_1271 : vector<64x16xf32>
    %logistic3A_1275 = math.exp %logistic3A_1274 : vector<64x16xf32>
    %logistic3A_1276 = arith.constant 1.000000e+00 : f32
    %logistic3A_1277 = vector.broadcast %logistic3A_1276 : f32 to vector<64x16xf32>
    %logistic3A_1278 = arith.addf %logistic3A_1277, %logistic3A_1275 : vector<64x16xf32>
    %logistic3A_1279 = arith.divf %logistic3A_1277, %logistic3A_1278 : vector<64x16xf32>
    %mul3A_1280 = arith.mulf %logistic3A_1279, %add3A_1026 : vector<64x16xf32>
    %logistic3A_1281 = arith.negf %slice3A_1270 : vector<64x16xf32>
    %logistic3A_1282 = math.exp %logistic3A_1281 : vector<64x16xf32>
    %logistic3A_1283 = arith.constant 1.000000e+00 : f32
    %logistic3A_1284 = vector.broadcast %logistic3A_1283 : f32 to vector<64x16xf32>
    %logistic3A_1285 = arith.addf %logistic3A_1284, %logistic3A_1282 : vector<64x16xf32>
    %logistic3A_1286 = arith.divf %logistic3A_1284, %logistic3A_1285 : vector<64x16xf32>
    %tanh3A_1287 = math.tanh %slice3A_1272 : vector<64x16xf32>
    %mul3A_1288 = arith.mulf %logistic3A_1286, %tanh3A_1287 : vector<64x16xf32>
    %add3A_1289 = arith.addf %mul3A_1280, %mul3A_1288 : vector<64x16xf32>
    %logistic3A_1290 = arith.negf %slice3A_1273 : vector<64x16xf32>
    %logistic3A_1291 = math.exp %logistic3A_1290 : vector<64x16xf32>
    %logistic3A_1292 = arith.constant 1.000000e+00 : f32
    %logistic3A_1293 = vector.broadcast %logistic3A_1292 : f32 to vector<64x16xf32>
    %logistic3A_1294 = arith.addf %logistic3A_1293, %logistic3A_1291 : vector<64x16xf32>
    %logistic3A_1295 = arith.divf %logistic3A_1293, %logistic3A_1294 : vector<64x16xf32>
    %tanh3A_1296 = math.tanh %add3A_1289 : vector<64x16xf32>
    %mul3A_1297 = arith.mulf %logistic3A_1295, %tanh3A_1296 : vector<64x16xf32>
    %dot_general3A_1298 = arith.constant dense<0.000000e+00> : vector<10000x16xf32>
    %dot_general3A_1299 = tpu.matmul %convert_element_type3A_8, %mul3A_1297, %dot_general3A_1298 {dimension_numbers = #tpu.dot_dimension_numbers<[1], [0], [0], [1], [0, 0, 1, 1], [], []>, transpose_lhs_hint = false} : vector<10000x64xf32>, vector<64x16xf32>, vector<10000x16xf32> -> vector<10000x16xf32>
    %mul3A_1300 = arith.mulf %get3A_1, %dot_general3A_1299 : vector<10000x16xf32>
    %reduce_sum3A_1301 = arith.constant dense<0.000000e+00> : vector<10000xf32>
    %reduce_sum3A_1302 = vector.multi_reduction <add>, %mul3A_1300, %reduce_sum3A_1301 [1] : vector<10000x16xf32> to vector<10000xf32>
    %broadcast_in_dim3A_1303 = vector.shape_cast %reduce_sum3A_1302 : vector<10000xf32> to vector<10000x1xf32>
    %jit3A_1304 = arith.constant -3.000000e+38 : f32
    %broadcast_in_dim3A_1305 = vector.shape_cast %broadcast_in_dim3A_1303 : vector<10000x1xf32> to vector<10000x1xf32>
    %broadcast_in_dim3A_1306 = vector.broadcast %broadcast_in_dim3A_1305 : vector<10000x1xf32> to vector<10000x64xf32>
    %broadcast_in_dim3A_1307 = vector.broadcast %jit3A_1304 : f32 to vector<10000x64xf32>
    %select_n3A_1308 = arith.select %eq3A_7, %broadcast_in_dim3A_1306, %broadcast_in_dim3A_1307 : vector<10000x64xi1>, vector<10000x64xf32>
    %reduce_max3A_1309 = arith.constant dense<0xFF800000> : vector<64xf32>
    %reduce_max3A_1310 = vector.multi_reduction <maximumf>, %select_n3A_1308, %reduce_max3A_1309 [0] : vector<10000x64xf32> to vector<64xf32>
    %broadcast_in_dim3A_1311 = vector.shape_cast %reduce_max3A_1310 : vector<64xf32> to vector<1x64xf32>
    %mul3A_1312 = vector.broadcast %broadcast_in_dim3A_1311 : vector<1x64xf32> to vector<10000x64xf32>
    %mul3A_1313 = arith.mulf %convert_element_type3A_8, %mul3A_1312 : vector<10000x64xf32>
    %reduce_sum3A_1314 = arith.constant dense<0.000000e+00> : vector<10000xf32>
    %reduce_sum3A_1315 = vector.multi_reduction <add>, %mul3A_1313, %reduce_sum3A_1314 [1] : vector<10000x64xf32> to vector<10000xf32>
    %broadcast_in_dim3A_1316 = vector.shape_cast %reduce_sum3A_1315 : vector<10000xf32> to vector<10000x1xf32>
    %sub3A_1317 = arith.subf %broadcast_in_dim3A_1303, %broadcast_in_dim3A_1316 : vector<10000x1xf32>
    %exp3A_1318 = math.exp %sub3A_1317 : vector<10000x1xf32>
    %mul3A_1319 = vector.broadcast %exp3A_1318 : vector<10000x1xf32> to vector<10000x64xf32>
    %mul3A_1320 = arith.mulf %convert_element_type3A_8, %mul3A_1319 : vector<10000x64xf32>
    %reduce_sum3A_1321 = arith.constant dense<0.000000e+00> : vector<64xf32>
    %reduce_sum3A_1322 = vector.multi_reduction <add>, %mul3A_1320, %reduce_sum3A_1321 [0] : vector<10000x64xf32> to vector<64xf32>
    %broadcast_in_dim3A_1323 = vector.shape_cast %reduce_sum3A_1322 : vector<64xf32> to vector<1x64xf32>
    %mul3A_1324 = vector.broadcast %broadcast_in_dim3A_1323 : vector<1x64xf32> to vector<10000x64xf32>
    %mul3A_1325 = arith.mulf %convert_element_type3A_8, %mul3A_1324 : vector<10000x64xf32>
    %reduce_sum3A_1326 = arith.constant dense<0.000000e+00> : vector<10000xf32>
    %reduce_sum3A_1327 = vector.multi_reduction <add>, %mul3A_1325, %reduce_sum3A_1326 [1] : vector<10000x64xf32> to vector<10000xf32>
    %broadcast_in_dim3A_1328 = vector.shape_cast %reduce_sum3A_1327 : vector<10000xf32> to vector<10000x1xf32>
    %div3A_1329 = arith.divf %exp3A_1318, %broadcast_in_dim3A_1328 : vector<10000x1xf32>
    %mul3A_1330 = vector.broadcast %div3A_1329 : vector<10000x1xf32> to vector<10000x16xf32>
    %mul3A_1331 = arith.mulf %mul3A_1330, %get3A_1 : vector<10000x16xf32>
    %dot_general3A_1332 = arith.constant dense<0.000000e+00> : vector<64x16xf32>
    %dot_general3A_1333 = tpu.matmul %convert_element_type3A_16, %mul3A_1331, %dot_general3A_1332 {dimension_numbers = #tpu.dot_dimension_numbers<[1], [0], [0], [1], [0, 0, 1, 1], [], []>, transpose_lhs_hint = false} : vector<64x10000xf32>, vector<10000x16xf32>, vector<64x16xf32> -> vector<64x16xf32>
    %concatenate3A_1334 = tpu.concatenate %mul3A_1297, %dot_general3A_1333 in 1 : vector<64x16xf32>, vector<64x16xf32> -> vector<64x32xf32>
    %get3A_1335 = arith.constant 0 : index
    %get3A_1336 = arith.constant 0 : index
    %get3A_1337 = vector.load %arg3[%get3A_1335, %get3A_1336] : memref<32x64xf32, #tpu.memory_space<vmem>>, vector<32x64xf32>
    %dot_general3A_1338 = arith.constant dense<0.000000e+00> : vector<64x64xf32>
    %dot_general3A_1339 = tpu.matmul %concatenate3A_1334, %get3A_1337, %dot_general3A_1338 {dimension_numbers = #tpu.dot_dimension_numbers<[1], [0], [0], [1], [0, 0, 1, 1], [], []>, transpose_lhs_hint = false} : vector<64x32xf32>, vector<32x64xf32>, vector<64x64xf32> -> vector<64x64xf32>
    %get3A_1340 = arith.constant 0 : index
    %get3A_1341 = arith.constant 0 : index
    %get3A_1342 = arith.constant 0 : index
    %get3A_1343 = vector.load %arg6[%get3A_1340, %get3A_1341, %get3A_1342] : memref<4x1x64xf32, #tpu.memory_space<vmem>>, vector<1x1x64xf32>
    %get3A_1344 = vector.shape_cast %get3A_1343 : vector<1x1x64xf32> to vector<1x64xf32>
    %add3A_1345 = vector.broadcast %get3A_1344 : vector<1x64xf32> to vector<64x64xf32>
    %add3A_1346 = arith.addf %dot_general3A_1339, %add3A_1345 : vector<64x64xf32>
    %get3A_1347 = arith.constant 0 : index
    %get3A_1348 = arith.constant 0 : index
    %get3A_1349 = arith.constant 0 : index
    %get3A_1350 = vector.load %arg5[%get3A_1347, %get3A_1348, %get3A_1349] : memref<4x16x64xf32, #tpu.memory_space<vmem>>, vector<1x16x64xf32>
    %get3A_1351 = vector.shape_cast %get3A_1350 : vector<1x16x64xf32> to vector<16x64xf32>
    %dot_general3A_1352 = arith.constant dense<0.000000e+00> : vector<64x64xf32>
    %dot_general3A_1353 = tpu.matmul %mul3A_1126, %get3A_1351, %dot_general3A_1352 {dimension_numbers = #tpu.dot_dimension_numbers<[1], [0], [0], [1], [0, 0, 1, 1], [], []>, transpose_lhs_hint = false} : vector<64x16xf32>, vector<16x64xf32>, vector<64x64xf32> -> vector<64x64xf32>
    %add3A_1354 = arith.addf %add3A_1346, %dot_general3A_1353 : vector<64x64xf32>
    %get3A_1355 = arith.constant 0 : index
    %get3A_1356 = arith.constant 0 : index
    %get3A_1357 = arith.constant 0 : index
    %get3A_1358 = vector.load %arg7[%get3A_1355, %get3A_1356, %get3A_1357] : memref<4x1x64xf32, #tpu.memory_space<vmem>>, vector<1x1x64xf32>
    %get3A_1359 = vector.shape_cast %get3A_1358 : vector<1x1x64xf32> to vector<1x64xf32>
    %add3A_1360 = vector.broadcast %get3A_1359 : vector<1x64xf32> to vector<64x64xf32>
    %add3A_1361 = arith.addf %add3A_1354, %add3A_1360 : vector<64x64xf32>
    %slice3A_1362 = vector.extract_strided_slice %add3A_1361 {offsets = [0, 0], sizes = [64, 16], strides = [1, 1]} : vector<64x64xf32> to vector<64x16xf32>
    %slice3A_1363 = vector.extract_strided_slice %add3A_1361 {offsets = [0, 16], sizes = [64, 16], strides = [1, 1]} : vector<64x64xf32> to vector<64x16xf32>
    %slice3A_1364 = vector.extract_strided_slice %add3A_1361 {offsets = [0, 32], sizes = [64, 16], strides = [1, 1]} : vector<64x64xf32> to vector<64x16xf32>
    %slice3A_1365 = vector.extract_strided_slice %add3A_1361 {offsets = [0, 48], sizes = [64, 16], strides = [1, 1]} : vector<64x64xf32> to vector<64x16xf32>
    %logistic3A_1366 = arith.negf %slice3A_1363 : vector<64x16xf32>
    %logistic3A_1367 = math.exp %logistic3A_1366 : vector<64x16xf32>
    %logistic3A_1368 = arith.constant 1.000000e+00 : f32
    %logistic3A_1369 = vector.broadcast %logistic3A_1368 : f32 to vector<64x16xf32>
    %logistic3A_1370 = arith.addf %logistic3A_1369, %logistic3A_1367 : vector<64x16xf32>
    %logistic3A_1371 = arith.divf %logistic3A_1369, %logistic3A_1370 : vector<64x16xf32>
    %mul3A_1372 = arith.mulf %logistic3A_1371, %add3A_1118 : vector<64x16xf32>
    %logistic3A_1373 = arith.negf %slice3A_1362 : vector<64x16xf32>
    %logistic3A_1374 = math.exp %logistic3A_1373 : vector<64x16xf32>
    %logistic3A_1375 = arith.constant 1.000000e+00 : f32
    %logistic3A_1376 = vector.broadcast %logistic3A_1375 : f32 to vector<64x16xf32>
    %logistic3A_1377 = arith.addf %logistic3A_1376, %logistic3A_1374 : vector<64x16xf32>
    %logistic3A_1378 = arith.divf %logistic3A_1376, %logistic3A_1377 : vector<64x16xf32>
    %tanh3A_1379 = math.tanh %slice3A_1364 : vector<64x16xf32>
    %mul3A_1380 = arith.mulf %logistic3A_1378, %tanh3A_1379 : vector<64x16xf32>
    %add3A_1381 = arith.addf %mul3A_1372, %mul3A_1380 : vector<64x16xf32>
    %logistic3A_1382 = arith.negf %slice3A_1365 : vector<64x16xf32>
    %logistic3A_1383 = math.exp %logistic3A_1382 : vector<64x16xf32>
    %logistic3A_1384 = arith.constant 1.000000e+00 : f32
    %logistic3A_1385 = vector.broadcast %logistic3A_1384 : f32 to vector<64x16xf32>
    %logistic3A_1386 = arith.addf %logistic3A_1385, %logistic3A_1383 : vector<64x16xf32>
    %logistic3A_1387 = arith.divf %logistic3A_1385, %logistic3A_1386 : vector<64x16xf32>
    %tanh3A_1388 = math.tanh %add3A_1381 : vector<64x16xf32>
    %mul3A_1389 = arith.mulf %logistic3A_1387, %tanh3A_1388 : vector<64x16xf32>
    %get3A_1390 = arith.constant 0 : index
    %get3A_1391 = arith.constant 0 : index
    %get3A_1392 = arith.constant 0 : index
    %get3A_1393 = vector.load %arg4[%get3A_1390, %get3A_1391, %get3A_1392] : memref<3x16x64xf32, #tpu.memory_space<vmem>>, vector<1x16x64xf32>
    %get3A_1394 = vector.shape_cast %get3A_1393 : vector<1x16x64xf32> to vector<16x64xf32>
    %dot_general3A_1395 = arith.constant dense<0.000000e+00> : vector<64x64xf32>
    %dot_general3A_1396 = tpu.matmul %mul3A_1389, %get3A_1394, %dot_general3A_1395 {dimension_numbers = #tpu.dot_dimension_numbers<[1], [0], [0], [1], [0, 0, 1, 1], [], []>, transpose_lhs_hint = false} : vector<64x16xf32>, vector<16x64xf32>, vector<64x64xf32> -> vector<64x64xf32>
    %get3A_1397 = arith.constant 1 : index
    %get3A_1398 = arith.constant 0 : index
    %get3A_1399 = arith.constant 0 : index
    %get3A_1400 = vector.load %arg6[%get3A_1397, %get3A_1398, %get3A_1399] : memref<4x1x64xf32, #tpu.memory_space<vmem>>, vector<1x1x64xf32>
    %get3A_1401 = vector.shape_cast %get3A_1400 : vector<1x1x64xf32> to vector<1x64xf32>
    %add3A_1402 = vector.broadcast %get3A_1401 : vector<1x64xf32> to vector<64x64xf32>
    %add3A_1403 = arith.addf %dot_general3A_1396, %add3A_1402 : vector<64x64xf32>
    %get3A_1404 = arith.constant 1 : index
    %get3A_1405 = arith.constant 0 : index
    %get3A_1406 = arith.constant 0 : index
    %get3A_1407 = vector.load %arg5[%get3A_1404, %get3A_1405, %get3A_1406] : memref<4x16x64xf32, #tpu.memory_space<vmem>>, vector<1x16x64xf32>
    %get3A_1408 = vector.shape_cast %get3A_1407 : vector<1x16x64xf32> to vector<16x64xf32>
    %dot_general3A_1409 = arith.constant dense<0.000000e+00> : vector<64x64xf32>
    %dot_general3A_1410 = tpu.matmul %mul3A_1183, %get3A_1408, %dot_general3A_1409 {dimension_numbers = #tpu.dot_dimension_numbers<[1], [0], [0], [1], [0, 0, 1, 1], [], []>, transpose_lhs_hint = false} : vector<64x16xf32>, vector<16x64xf32>, vector<64x64xf32> -> vector<64x64xf32>
    %add3A_1411 = arith.addf %add3A_1403, %dot_general3A_1410 : vector<64x64xf32>
    %get3A_1412 = arith.constant 1 : index
    %get3A_1413 = arith.constant 0 : index
    %get3A_1414 = arith.constant 0 : index
    %get3A_1415 = vector.load %arg7[%get3A_1412, %get3A_1413, %get3A_1414] : memref<4x1x64xf32, #tpu.memory_space<vmem>>, vector<1x1x64xf32>
    %get3A_1416 = vector.shape_cast %get3A_1415 : vector<1x1x64xf32> to vector<1x64xf32>
    %add3A_1417 = vector.broadcast %get3A_1416 : vector<1x64xf32> to vector<64x64xf32>
    %add3A_1418 = arith.addf %add3A_1411, %add3A_1417 : vector<64x64xf32>
    %slice3A_1419 = vector.extract_strided_slice %add3A_1418 {offsets = [0, 0], sizes = [64, 16], strides = [1, 1]} : vector<64x64xf32> to vector<64x16xf32>
    %slice3A_1420 = vector.extract_strided_slice %add3A_1418 {offsets = [0, 16], sizes = [64, 16], strides = [1, 1]} : vector<64x64xf32> to vector<64x16xf32>
    %slice3A_1421 = vector.extract_strided_slice %add3A_1418 {offsets = [0, 32], sizes = [64, 16], strides = [1, 1]} : vector<64x64xf32> to vector<64x16xf32>
    %slice3A_1422 = vector.extract_strided_slice %add3A_1418 {offsets = [0, 48], sizes = [64, 16], strides = [1, 1]} : vector<64x64xf32> to vector<64x16xf32>
    %logistic3A_1423 = arith.negf %slice3A_1420 : vector<64x16xf32>
    %logistic3A_1424 = math.exp %logistic3A_1423 : vector<64x16xf32>
    %logistic3A_1425 = arith.constant 1.000000e+00 : f32
    %logistic3A_1426 = vector.broadcast %logistic3A_1425 : f32 to vector<64x16xf32>
    %logistic3A_1427 = arith.addf %logistic3A_1426, %logistic3A_1424 : vector<64x16xf32>
    %logistic3A_1428 = arith.divf %logistic3A_1426, %logistic3A_1427 : vector<64x16xf32>
    %mul3A_1429 = arith.mulf %logistic3A_1428, %add3A_1175 : vector<64x16xf32>
    %logistic3A_1430 = arith.negf %slice3A_1419 : vector<64x16xf32>
    %logistic3A_1431 = math.exp %logistic3A_1430 : vector<64x16xf32>
    %logistic3A_1432 = arith.constant 1.000000e+00 : f32
    %logistic3A_1433 = vector.broadcast %logistic3A_1432 : f32 to vector<64x16xf32>
    %logistic3A_1434 = arith.addf %logistic3A_1433, %logistic3A_1431 : vector<64x16xf32>
    %logistic3A_1435 = arith.divf %logistic3A_1433, %logistic3A_1434 : vector<64x16xf32>
    %tanh3A_1436 = math.tanh %slice3A_1421 : vector<64x16xf32>
    %mul3A_1437 = arith.mulf %logistic3A_1435, %tanh3A_1436 : vector<64x16xf32>
    %add3A_1438 = arith.addf %mul3A_1429, %mul3A_1437 : vector<64x16xf32>
    %logistic3A_1439 = arith.negf %slice3A_1422 : vector<64x16xf32>
    %logistic3A_1440 = math.exp %logistic3A_1439 : vector<64x16xf32>
    %logistic3A_1441 = arith.constant 1.000000e+00 : f32
    %logistic3A_1442 = vector.broadcast %logistic3A_1441 : f32 to vector<64x16xf32>
    %logistic3A_1443 = arith.addf %logistic3A_1442, %logistic3A_1440 : vector<64x16xf32>
    %logistic3A_1444 = arith.divf %logistic3A_1442, %logistic3A_1443 : vector<64x16xf32>
    %tanh3A_1445 = math.tanh %add3A_1438 : vector<64x16xf32>
    %mul3A_1446 = arith.mulf %logistic3A_1444, %tanh3A_1445 : vector<64x16xf32>
    %get3A_1447 = arith.constant 1 : index
    %get3A_1448 = arith.constant 0 : index
    %get3A_1449 = arith.constant 0 : index
    %get3A_1450 = vector.load %arg4[%get3A_1447, %get3A_1448, %get3A_1449] : memref<3x16x64xf32, #tpu.memory_space<vmem>>, vector<1x16x64xf32>
    %get3A_1451 = vector.shape_cast %get3A_1450 : vector<1x16x64xf32> to vector<16x64xf32>
    %dot_general3A_1452 = arith.constant dense<0.000000e+00> : vector<64x64xf32>
    %dot_general3A_1453 = tpu.matmul %mul3A_1446, %get3A_1451, %dot_general3A_1452 {dimension_numbers = #tpu.dot_dimension_numbers<[1], [0], [0], [1], [0, 0, 1, 1], [], []>, transpose_lhs_hint = false} : vector<64x16xf32>, vector<16x64xf32>, vector<64x64xf32> -> vector<64x64xf32>
    %get3A_1454 = arith.constant 2 : index
    %get3A_1455 = arith.constant 0 : index
    %get3A_1456 = arith.constant 0 : index
    %get3A_1457 = vector.load %arg6[%get3A_1454, %get3A_1455, %get3A_1456] : memref<4x1x64xf32, #tpu.memory_space<vmem>>, vector<1x1x64xf32>
    %get3A_1458 = vector.shape_cast %get3A_1457 : vector<1x1x64xf32> to vector<1x64xf32>
    %add3A_1459 = vector.broadcast %get3A_1458 : vector<1x64xf32> to vector<64x64xf32>
    %add3A_1460 = arith.addf %dot_general3A_1453, %add3A_1459 : vector<64x64xf32>
    %get3A_1461 = arith.constant 2 : index
    %get3A_1462 = arith.constant 0 : index
    %get3A_1463 = arith.constant 0 : index
    %get3A_1464 = vector.load %arg5[%get3A_1461, %get3A_1462, %get3A_1463] : memref<4x16x64xf32, #tpu.memory_space<vmem>>, vector<1x16x64xf32>
    %get3A_1465 = vector.shape_cast %get3A_1464 : vector<1x16x64xf32> to vector<16x64xf32>
    %dot_general3A_1466 = arith.constant dense<0.000000e+00> : vector<64x64xf32>
    %dot_general3A_1467 = tpu.matmul %mul3A_1240, %get3A_1465, %dot_general3A_1466 {dimension_numbers = #tpu.dot_dimension_numbers<[1], [0], [0], [1], [0, 0, 1, 1], [], []>, transpose_lhs_hint = false} : vector<64x16xf32>, vector<16x64xf32>, vector<64x64xf32> -> vector<64x64xf32>
    %add3A_1468 = arith.addf %add3A_1460, %dot_general3A_1467 : vector<64x64xf32>
    %get3A_1469 = arith.constant 2 : index
    %get3A_1470 = arith.constant 0 : index
    %get3A_1471 = arith.constant 0 : index
    %get3A_1472 = vector.load %arg7[%get3A_1469, %get3A_1470, %get3A_1471] : memref<4x1x64xf32, #tpu.memory_space<vmem>>, vector<1x1x64xf32>
    %get3A_1473 = vector.shape_cast %get3A_1472 : vector<1x1x64xf32> to vector<1x64xf32>
    %add3A_1474 = vector.broadcast %get3A_1473 : vector<1x64xf32> to vector<64x64xf32>
    %add3A_1475 = arith.addf %add3A_1468, %add3A_1474 : vector<64x64xf32>
    %slice3A_1476 = vector.extract_strided_slice %add3A_1475 {offsets = [0, 0], sizes = [64, 16], strides = [1, 1]} : vector<64x64xf32> to vector<64x16xf32>
    %slice3A_1477 = vector.extract_strided_slice %add3A_1475 {offsets = [0, 16], sizes = [64, 16], strides = [1, 1]} : vector<64x64xf32> to vector<64x16xf32>
    %slice3A_1478 = vector.extract_strided_slice %add3A_1475 {offsets = [0, 32], sizes = [64, 16], strides = [1, 1]} : vector<64x64xf32> to vector<64x16xf32>
    %slice3A_1479 = vector.extract_strided_slice %add3A_1475 {offsets = [0, 48], sizes = [64, 16], strides = [1, 1]} : vector<64x64xf32> to vector<64x16xf32>
    %logistic3A_1480 = arith.negf %slice3A_1477 : vector<64x16xf32>
    %logistic3A_1481 = math.exp %logistic3A_1480 : vector<64x16xf32>
    %logistic3A_1482 = arith.constant 1.000000e+00 : f32
    %logistic3A_1483 = vector.broadcast %logistic3A_1482 : f32 to vector<64x16xf32>
    %logistic3A_1484 = arith.addf %logistic3A_1483, %logistic3A_1481 : vector<64x16xf32>
    %logistic3A_1485 = arith.divf %logistic3A_1483, %logistic3A_1484 : vector<64x16xf32>
    %mul3A_1486 = arith.mulf %logistic3A_1485, %add3A_1232 : vector<64x16xf32>
    %logistic3A_1487 = arith.negf %slice3A_1476 : vector<64x16xf32>
    %logistic3A_1488 = math.exp %logistic3A_1487 : vector<64x16xf32>
    %logistic3A_1489 = arith.constant 1.000000e+00 : f32
    %logistic3A_1490 = vector.broadcast %logistic3A_1489 : f32 to vector<64x16xf32>
    %logistic3A_1491 = arith.addf %logistic3A_1490, %logistic3A_1488 : vector<64x16xf32>
    %logistic3A_1492 = arith.divf %logistic3A_1490, %logistic3A_1491 : vector<64x16xf32>
    %tanh3A_1493 = math.tanh %slice3A_1478 : vector<64x16xf32>
    %mul3A_1494 = arith.mulf %logistic3A_1492, %tanh3A_1493 : vector<64x16xf32>
    %add3A_1495 = arith.addf %mul3A_1486, %mul3A_1494 : vector<64x16xf32>
    %logistic3A_1496 = arith.negf %slice3A_1479 : vector<64x16xf32>
    %logistic3A_1497 = math.exp %logistic3A_1496 : vector<64x16xf32>
    %logistic3A_1498 = arith.constant 1.000000e+00 : f32
    %logistic3A_1499 = vector.broadcast %logistic3A_1498 : f32 to vector<64x16xf32>
    %logistic3A_1500 = arith.addf %logistic3A_1499, %logistic3A_1497 : vector<64x16xf32>
    %logistic3A_1501 = arith.divf %logistic3A_1499, %logistic3A_1500 : vector<64x16xf32>
    %tanh3A_1502 = math.tanh %add3A_1495 : vector<64x16xf32>
    %mul3A_1503 = arith.mulf %logistic3A_1501, %tanh3A_1502 : vector<64x16xf32>
    %get3A_1504 = arith.constant 2 : index
    %get3A_1505 = arith.constant 0 : index
    %get3A_1506 = arith.constant 0 : index
    %get3A_1507 = vector.load %arg4[%get3A_1504, %get3A_1505, %get3A_1506] : memref<3x16x64xf32, #tpu.memory_space<vmem>>, vector<1x16x64xf32>
    %get3A_1508 = vector.shape_cast %get3A_1507 : vector<1x16x64xf32> to vector<16x64xf32>
    %dot_general3A_1509 = arith.constant dense<0.000000e+00> : vector<64x64xf32>
    %dot_general3A_1510 = tpu.matmul %mul3A_1503, %get3A_1508, %dot_general3A_1509 {dimension_numbers = #tpu.dot_dimension_numbers<[1], [0], [0], [1], [0, 0, 1, 1], [], []>, transpose_lhs_hint = false} : vector<64x16xf32>, vector<16x64xf32>, vector<64x64xf32> -> vector<64x64xf32>
    %get3A_1511 = arith.constant 3 : index
    %get3A_1512 = arith.constant 0 : index
    %get3A_1513 = arith.constant 0 : index
    %get3A_1514 = vector.load %arg6[%get3A_1511, %get3A_1512, %get3A_1513] : memref<4x1x64xf32, #tpu.memory_space<vmem>>, vector<1x1x64xf32>
    %get3A_1515 = vector.shape_cast %get3A_1514 : vector<1x1x64xf32> to vector<1x64xf32>
    %add3A_1516 = vector.broadcast %get3A_1515 : vector<1x64xf32> to vector<64x64xf32>
    %add3A_1517 = arith.addf %dot_general3A_1510, %add3A_1516 : vector<64x64xf32>
    %get3A_1518 = arith.constant 3 : index
    %get3A_1519 = arith.constant 0 : index
    %get3A_1520 = arith.constant 0 : index
    %get3A_1521 = vector.load %arg5[%get3A_1518, %get3A_1519, %get3A_1520] : memref<4x16x64xf32, #tpu.memory_space<vmem>>, vector<1x16x64xf32>
    %get3A_1522 = vector.shape_cast %get3A_1521 : vector<1x16x64xf32> to vector<16x64xf32>
    %dot_general3A_1523 = arith.constant dense<0.000000e+00> : vector<64x64xf32>
    %dot_general3A_1524 = tpu.matmul %mul3A_1297, %get3A_1522, %dot_general3A_1523 {dimension_numbers = #tpu.dot_dimension_numbers<[1], [0], [0], [1], [0, 0, 1, 1], [], []>, transpose_lhs_hint = false} : vector<64x16xf32>, vector<16x64xf32>, vector<64x64xf32> -> vector<64x64xf32>
    %add3A_1525 = arith.addf %add3A_1517, %dot_general3A_1524 : vector<64x64xf32>
    %get3A_1526 = arith.constant 3 : index
    %get3A_1527 = arith.constant 0 : index
    %get3A_1528 = arith.constant 0 : index
    %get3A_1529 = vector.load %arg7[%get3A_1526, %get3A_1527, %get3A_1528] : memref<4x1x64xf32, #tpu.memory_space<vmem>>, vector<1x1x64xf32>
    %get3A_1530 = vector.shape_cast %get3A_1529 : vector<1x1x64xf32> to vector<1x64xf32>
    %add3A_1531 = vector.broadcast %get3A_1530 : vector<1x64xf32> to vector<64x64xf32>
    %add3A_1532 = arith.addf %add3A_1525, %add3A_1531 : vector<64x64xf32>
    %slice3A_1533 = vector.extract_strided_slice %add3A_1532 {offsets = [0, 0], sizes = [64, 16], strides = [1, 1]} : vector<64x64xf32> to vector<64x16xf32>
    %slice3A_1534 = vector.extract_strided_slice %add3A_1532 {offsets = [0, 16], sizes = [64, 16], strides = [1, 1]} : vector<64x64xf32> to vector<64x16xf32>
    %slice3A_1535 = vector.extract_strided_slice %add3A_1532 {offsets = [0, 32], sizes = [64, 16], strides = [1, 1]} : vector<64x64xf32> to vector<64x16xf32>
    %slice3A_1536 = vector.extract_strided_slice %add3A_1532 {offsets = [0, 48], sizes = [64, 16], strides = [1, 1]} : vector<64x64xf32> to vector<64x16xf32>
    %logistic3A_1537 = arith.negf %slice3A_1534 : vector<64x16xf32>
    %logistic3A_1538 = math.exp %logistic3A_1537 : vector<64x16xf32>
    %logistic3A_1539 = arith.constant 1.000000e+00 : f32
    %logistic3A_1540 = vector.broadcast %logistic3A_1539 : f32 to vector<64x16xf32>
    %logistic3A_1541 = arith.addf %logistic3A_1540, %logistic3A_1538 : vector<64x16xf32>
    %logistic3A_1542 = arith.divf %logistic3A_1540, %logistic3A_1541 : vector<64x16xf32>
    %mul3A_1543 = arith.mulf %logistic3A_1542, %add3A_1289 : vector<64x16xf32>
    %logistic3A_1544 = arith.negf %slice3A_1533 : vector<64x16xf32>
    %logistic3A_1545 = math.exp %logistic3A_1544 : vector<64x16xf32>
    %logistic3A_1546 = arith.constant 1.000000e+00 : f32
    %logistic3A_1547 = vector.broadcast %logistic3A_1546 : f32 to vector<64x16xf32>
    %logistic3A_1548 = arith.addf %logistic3A_1547, %logistic3A_1545 : vector<64x16xf32>
    %logistic3A_1549 = arith.divf %logistic3A_1547, %logistic3A_1548 : vector<64x16xf32>
    %tanh3A_1550 = math.tanh %slice3A_1535 : vector<64x16xf32>
    %mul3A_1551 = arith.mulf %logistic3A_1549, %tanh3A_1550 : vector<64x16xf32>
    %add3A_1552 = arith.addf %mul3A_1543, %mul3A_1551 : vector<64x16xf32>
    %logistic3A_1553 = arith.negf %slice3A_1536 : vector<64x16xf32>
    %logistic3A_1554 = math.exp %logistic3A_1553 : vector<64x16xf32>
    %logistic3A_1555 = arith.constant 1.000000e+00 : f32
    %logistic3A_1556 = vector.broadcast %logistic3A_1555 : f32 to vector<64x16xf32>
    %logistic3A_1557 = arith.addf %logistic3A_1556, %logistic3A_1554 : vector<64x16xf32>
    %logistic3A_1558 = arith.divf %logistic3A_1556, %logistic3A_1557 : vector<64x16xf32>
    %tanh3A_1559 = math.tanh %add3A_1552 : vector<64x16xf32>
    %mul3A_1560 = arith.mulf %logistic3A_1558, %tanh3A_1559 : vector<64x16xf32>
    %dot_general3A_1561 = arith.constant dense<0.000000e+00> : vector<10000x16xf32>
    %dot_general3A_1562 = tpu.matmul %convert_element_type3A_8, %mul3A_1560, %dot_general3A_1561 {dimension_numbers = #tpu.dot_dimension_numbers<[1], [0], [0], [1], [0, 0, 1, 1], [], []>, transpose_lhs_hint = false} : vector<10000x64xf32>, vector<64x16xf32>, vector<10000x16xf32> -> vector<10000x16xf32>
    %mul3A_1563 = arith.mulf %get3A_1, %dot_general3A_1562 : vector<10000x16xf32>
    %reduce_sum3A_1564 = arith.constant dense<0.000000e+00> : vector<10000xf32>
    %reduce_sum3A_1565 = vector.multi_reduction <add>, %mul3A_1563, %reduce_sum3A_1564 [1] : vector<10000x16xf32> to vector<10000xf32>
    %broadcast_in_dim3A_1566 = vector.shape_cast %reduce_sum3A_1565 : vector<10000xf32> to vector<10000x1xf32>
    %jit3A_1567 = arith.constant -3.000000e+38 : f32
    %broadcast_in_dim3A_1568 = vector.shape_cast %broadcast_in_dim3A_1566 : vector<10000x1xf32> to vector<10000x1xf32>
    %broadcast_in_dim3A_1569 = vector.broadcast %broadcast_in_dim3A_1568 : vector<10000x1xf32> to vector<10000x64xf32>
    %broadcast_in_dim3A_1570 = vector.broadcast %jit3A_1567 : f32 to vector<10000x64xf32>
    %select_n3A_1571 = arith.select %eq3A_7, %broadcast_in_dim3A_1569, %broadcast_in_dim3A_1570 : vector<10000x64xi1>, vector<10000x64xf32>
    %reduce_max3A_1572 = arith.constant dense<0xFF800000> : vector<64xf32>
    %reduce_max3A_1573 = vector.multi_reduction <maximumf>, %select_n3A_1571, %reduce_max3A_1572 [0] : vector<10000x64xf32> to vector<64xf32>
    %broadcast_in_dim3A_1574 = vector.shape_cast %reduce_max3A_1573 : vector<64xf32> to vector<1x64xf32>
    %mul3A_1575 = vector.broadcast %broadcast_in_dim3A_1574 : vector<1x64xf32> to vector<10000x64xf32>
    %mul3A_1576 = arith.mulf %convert_element_type3A_8, %mul3A_1575 : vector<10000x64xf32>
    %reduce_sum3A_1577 = arith.constant dense<0.000000e+00> : vector<10000xf32>
    %reduce_sum3A_1578 = vector.multi_reduction <add>, %mul3A_1576, %reduce_sum3A_1577 [1] : vector<10000x64xf32> to vector<10000xf32>
    %broadcast_in_dim3A_1579 = vector.shape_cast %reduce_sum3A_1578 : vector<10000xf32> to vector<10000x1xf32>
    %sub3A_1580 = arith.subf %broadcast_in_dim3A_1566, %broadcast_in_dim3A_1579 : vector<10000x1xf32>
    %exp3A_1581 = math.exp %sub3A_1580 : vector<10000x1xf32>
    %mul3A_1582 = vector.broadcast %exp3A_1581 : vector<10000x1xf32> to vector<10000x64xf32>
    %mul3A_1583 = arith.mulf %convert_element_type3A_8, %mul3A_1582 : vector<10000x64xf32>
    %reduce_sum3A_1584 = arith.constant dense<0.000000e+00> : vector<64xf32>
    %reduce_sum3A_1585 = vector.multi_reduction <add>, %mul3A_1583, %reduce_sum3A_1584 [0] : vector<10000x64xf32> to vector<64xf32>
    %broadcast_in_dim3A_1586 = vector.shape_cast %reduce_sum3A_1585 : vector<64xf32> to vector<1x64xf32>
    %mul3A_1587 = vector.broadcast %broadcast_in_dim3A_1586 : vector<1x64xf32> to vector<10000x64xf32>
    %mul3A_1588 = arith.mulf %convert_element_type3A_8, %mul3A_1587 : vector<10000x64xf32>
    %reduce_sum3A_1589 = arith.constant dense<0.000000e+00> : vector<10000xf32>
    %reduce_sum3A_1590 = vector.multi_reduction <add>, %mul3A_1588, %reduce_sum3A_1589 [1] : vector<10000x64xf32> to vector<10000xf32>
    %broadcast_in_dim3A_1591 = vector.shape_cast %reduce_sum3A_1590 : vector<10000xf32> to vector<10000x1xf32>
    %div3A_1592 = arith.divf %exp3A_1581, %broadcast_in_dim3A_1591 : vector<10000x1xf32>
    %mul3A_1593 = vector.broadcast %div3A_1592 : vector<10000x1xf32> to vector<10000x16xf32>
    %mul3A_1594 = arith.mulf %mul3A_1593, %get3A_1 : vector<10000x16xf32>
    %dot_general3A_1595 = arith.constant dense<0.000000e+00> : vector<64x16xf32>
    %dot_general3A_1596 = tpu.matmul %convert_element_type3A_16, %mul3A_1594, %dot_general3A_1595 {dimension_numbers = #tpu.dot_dimension_numbers<[1], [0], [0], [1], [0, 0, 1, 1], [], []>, transpose_lhs_hint = false} : vector<64x10000xf32>, vector<10000x16xf32>, vector<64x16xf32> -> vector<64x16xf32>
    %concatenate3A_1597 = tpu.concatenate %mul3A_1560, %dot_general3A_1596 in 1 : vector<64x16xf32>, vector<64x16xf32> -> vector<64x32xf32>
    %reduce_sum3A_1598 = arith.constant dense<0.000000e+00> : vector<32xf32>
    %reduce_sum3A_1599 = vector.multi_reduction <add>, %concatenate3A_1597, %reduce_sum3A_1598 [0] : vector<64x32xf32> to vector<32xf32>
    %broadcast_in_dim3A_1600 = vector.shape_cast %reduce_sum3A_1599 : vector<32xf32> to vector<1x32xf32>
    %div3A_1601 = arith.constant 6.400000e+01 : f32
    %div3A_1602 = vector.broadcast %div3A_1601 : f32 to vector<1x32xf32>
    %div3A_1603 = arith.divf %broadcast_in_dim3A_1600, %div3A_1602 : vector<1x32xf32>
    %sub3A_1604 = vector.broadcast %div3A_1603 : vector<1x32xf32> to vector<64x32xf32>
    %sub3A_1605 = arith.subf %concatenate3A_1597, %sub3A_1604 : vector<64x32xf32>
    %integer_pow3A = arith.mulf %sub3A_1605, %sub3A_1605 : vector<64x32xf32>
    %reduce_sum3A_1606 = arith.constant dense<0.000000e+00> : vector<32xf32>
    %reduce_sum3A_1607 = vector.multi_reduction <add>, %integer_pow3A, %reduce_sum3A_1606 [0] : vector<64x32xf32> to vector<32xf32>
    %broadcast_in_dim3A_1608 = vector.shape_cast %reduce_sum3A_1607 : vector<32xf32> to vector<1x32xf32>
    %div3A_1609 = arith.constant 6.400000e+01 : f32
    %div3A_1610 = vector.broadcast %div3A_1609 : f32 to vector<1x32xf32>
    %div3A_1611 = arith.divf %broadcast_in_dim3A_1608, %div3A_1610 : vector<1x32xf32>
    %sub3A_1612 = vector.broadcast %div3A_1603 : vector<1x32xf32> to vector<64x32xf32>
    %sub3A_1613 = arith.subf %concatenate3A_1597, %sub3A_1612 : vector<64x32xf32>
    %add3A_1614 = arith.constant 9.99999974E-6 : f32
    %add3A_1615 = vector.broadcast %add3A_1614 : f32 to vector<1x32xf32>
    %add3A_1616 = arith.addf %div3A_1611, %add3A_1615 : vector<1x32xf32>
    %sqrt3A = math.sqrt %add3A_1616 : vector<1x32xf32>
    %div3A_1617 = vector.broadcast %sqrt3A : vector<1x32xf32> to vector<64x32xf32>
    %div3A_1618 = arith.divf %sub3A_1613, %div3A_1617 : vector<64x32xf32>
    %get3A_1619 = arith.constant 0 : index
    %get3A_1620 = arith.constant 0 : index
    %get3A_1621 = vector.load %arg8[%get3A_1619, %get3A_1620] : memref<1x32xf32, #tpu.memory_space<vmem>>, vector<1x32xf32>
    %mul3A_1622 = vector.broadcast %get3A_1621 : vector<1x32xf32> to vector<64x32xf32>
    %mul3A_1623 = arith.mulf %div3A_1618, %mul3A_1622 : vector<64x32xf32>
    %get3A_1624 = arith.constant 0 : index
    %get3A_1625 = arith.constant 0 : index
    %get3A_1626 = vector.load %arg9[%get3A_1624, %get3A_1625] : memref<1x32xf32, #tpu.memory_space<vmem>>, vector<1x32xf32>
    %add3A_1627 = vector.broadcast %get3A_1626 : vector<1x32xf32> to vector<64x32xf32>
    %add3A_1628 = arith.addf %mul3A_1623, %add3A_1627 : vector<64x32xf32>
    %get3A_1629 = arith.constant 0 : index
    %get3A_1630 = arith.constant 0 : index
    %get3A_1631 = vector.load %arg10[%get3A_1629, %get3A_1630] : memref<32x16xf32, #tpu.memory_space<vmem>>, vector<32x16xf32>
    %dot_general3A_1632 = arith.constant dense<0.000000e+00> : vector<64x16xf32>
    %dot_general3A_1633 = tpu.matmul %add3A_1628, %get3A_1631, %dot_general3A_1632 {dimension_numbers = #tpu.dot_dimension_numbers<[1], [0], [0], [1], [0, 0, 1, 1], [], []>, transpose_lhs_hint = false} : vector<64x32xf32>, vector<32x16xf32>, vector<64x16xf32> -> vector<64x16xf32>
    %get3A_1634 = arith.constant 0 : index
    %get3A_1635 = arith.constant 0 : index
    %get3A_1636 = vector.load %arg11[%get3A_1634, %get3A_1635] : memref<1x16xf32, #tpu.memory_space<vmem>>, vector<1x16xf32>
    %add3A_1637 = vector.broadcast %get3A_1636 : vector<1x16xf32> to vector<64x16xf32>
    %add3A_1638 = arith.addf %dot_general3A_1633, %add3A_1637 : vector<64x16xf32>
    %ge3A = arith.constant 0.000000e+00 : f32
    %ge3A_1639 = vector.broadcast %ge3A : f32 to vector<64x16xf32>
    %ge3A_1640 = arith.cmpf oge, %add3A_1638, %ge3A_1639 : vector<64x16xf32>
    %mul3A_1641 = arith.constant 1.000000e-01 : f32
    %mul3A_1642 = vector.broadcast %mul3A_1641 : f32 to vector<64x16xf32>
    %mul3A_1643 = arith.mulf %mul3A_1642, %add3A_1638 : vector<64x16xf32>
    %select_n3A_1644 = arith.select %ge3A_1640, %add3A_1638, %mul3A_1643 : vector<64x16xi1>, vector<64x16xf32>
    %get3A_1645 = arith.constant 0 : index
    %get3A_1646 = arith.constant 0 : index
    %get3A_1647 = vector.load %arg12[%get3A_1645, %get3A_1646] : memref<1x16xf32, #tpu.memory_space<vmem>>, vector<1x16xf32>
    %mul3A_1648 = vector.broadcast %get3A_1647 : vector<1x16xf32> to vector<64x16xf32>
    %mul3A_1649 = arith.mulf %select_n3A_1644, %mul3A_1648 : vector<64x16xf32>
    %reduce_sum3A_1650 = arith.constant dense<0.000000e+00> : vector<64xf32>
    %reduce_sum3A_1651 = vector.multi_reduction <add>, %mul3A_1649, %reduce_sum3A_1650 [1] : vector<64x16xf32> to vector<64xf32>
    %broadcast_in_dim3A_1652 = vector.shape_cast %reduce_sum3A_1651 : vector<64xf32> to vector<64x1xf32>
    %get3A_1653 = arith.constant 0 : index
    %get3A_1654 = arith.constant 0 : index
    %get3A_1655 = vector.load %arg13[%get3A_1653, %get3A_1654] : memref<1x1xf32, #tpu.memory_space<vmem>>, vector<1x1xf32>
    %add3A_1656 = vector.broadcast %get3A_1655 : vector<1x1xf32> to vector<64x1xf32>
    %add3A_1657 = arith.addf %broadcast_in_dim3A_1652, %add3A_1656 : vector<64x1xf32>
    %logistic3A_1658 = arith.negf %add3A_1657 : vector<64x1xf32>
    %logistic3A_1659 = math.exp %logistic3A_1658 : vector<64x1xf32>
    %logistic3A_1660 = arith.constant 1.000000e+00 : f32
    %logistic3A_1661 = vector.broadcast %logistic3A_1660 : f32 to vector<64x1xf32>
    %logistic3A_1662 = arith.addf %logistic3A_1661, %logistic3A_1659 : vector<64x1xf32>
    %logistic3A_1663 = arith.divf %logistic3A_1661, %logistic3A_1662 : vector<64x1xf32>
    %broadcast_in_dim3A_1664 = vector.shape_cast %logistic3A_1663 : vector<64x1xf32> to vector<64x1xf32>
    %broadcast_in_dim3A_1665 = vector.broadcast %broadcast_in_dim3A_1664 : vector<64x1xf32> to vector<64x128xf32>
    %swap3A = arith.constant 0 : index
    %swap3A_1666 = arith.constant 0 : index
    %swap3A_1667 = vector.load %arg14[%swap3A, %swap3A_1666] : memref<64x128xf32, #tpu.memory_space<vmem>>, vector<64x128xf32>
    tpu.vector_store %arg14[%swap3A, %swap3A_1666], %broadcast_in_dim3A_1665 {strides = array<i32>} : memref<64x128xf32, #tpu.memory_space<vmem>>, vector<64x128xf32>,
    return
  }
}

</mosaic_0001>

<sc_bundles>
// kernel: kernel.15.cloned.1.call-start
scs
__scs_entry_jumppad:
0x0: {  	(pc) =	sbr.rel $0x88, $3  }
0x1: {  	(tag) =	ssettag $0x0;
	lr =	simm.s32 $0x1  }
0x2: {  	[smem:$0x3F7E] =	sst lr;
	_ =	strace $0xD0000000  }
0x3: {  	_ = 	snop  }
0x4: {  	_ = 	snop  }
0x5: {  	_ = 	snop  }
0x6: {  	_ = 	snop  }
0x7: {  	_ = 	snop  }
__scs_overlays_trampoline_lowered:
0x8: {  	[smem:$0x3F8D] =	sst s0  }
0x9: {  	[smem:$0x3F8E] =	sst s1  }
0xa: {  	[smem:$0x3F8F] =	sst s2  }
0xb: {  	[smem:$0x3F90] =	sst s3  }
0xc: {  	[smem:$0x3F91] =	sst s4  }
0xd: {  	[smem:$0x3F92] =	sst s5  }
0xe: {  	[smem:$0x3F93] =	sst s6  }
0xf: {  	[smem:$0x3F94] =	sst s7  }
0x10: {  	[smem:$0x3F95] =	sst s8  }
0x11: {  	[smem:$0x3F96] =	sst s9;
	s0 =	simm.s32 @!p0 $0x0  }
0x12: {  	s1 =	sld [smem:$0x3F7C];
	s0 =	simm.s32 @p0 $0x1  }
0x13: {  	[smem:$0x3F97] =	sst s0;
	s0 =	simm.s32 @!p1 $0x0  }
0x14: {  	s2 =	sld [smem:$0x3F7B];
	s0 =	simm.s32 @p1 $0x1  }
0x15: {  	[smem:$0x3F98] =	sst s0;
	s0 =	simm.s32 @!p2 $0x0  }
0x16: {  	s3 =	sld [smem:$0x3FDB];
	s0 =	simm.s32 @p2 $0x1  }
0x17: {  	s4 =	simm.s32 $0x1BF5;
	[smem:$0x3F9A] =	sst s0  }
0x18: {  	s0 =	sld [smem:$0x3F7D];
	_ =	swait.ge [sflag:s4], $0x0  }
0x19: {  	s7 =	sld [smem:$0x3F7E]  }
0x1a: {  	s8 =	sadd.s32 $0xFFFFE003, lr  }
0x1b: {  	s9 =	sadd.s32 $0xFFFFFEF7, lr;
	s5 =	simm.s32 $0xFFFFFFFF;
	p2 =	slt.u32 s8, $0xFFFFF086  }
0x1c: {  	p1 =	slt.u32 s9, $0xF7A;
	s5 =	simm.s32 @!p2 $0x0  }
0x1d: {  	s5 =	simm.s32 @p1 $0x1;
	p0 =	seq.s32 s7, s2  }
0x1e: {  	s7 =	smul.u32 @!p0 $0xF7A, s2;
	p2 =	seq.s32 @!p0 s5, $0x0  }
0x1f: {  	s9 =	smul.u32 $0xF7A, s1;
	s8 =	simm.s32 @!p0 $0x1BF5;
	p2 =	por !p2, p0  }
0x20: {  	[sflag:s8] =	ssyncset.s32 @!p0 $0xFFFFF086;
	s6 =	sadd.s32 @!p0 s3, s7;
	s7 =	simm.s32 @!p0 $0x108  }
0x21: {  	s3 =	sadd.s32 s3, s9;
	s6 =	sadd.s32 @!p0 $0x88, s6;
	s7 =	simm.s32 @p2 $0x1082  }
0x22: {  	[simem:s7], [sflag:s8] =	dma.local @!p0 [hbm:s6], $0xF7A  }
0x23: {  	s9 =	sor.u32 $0xD0000000, s2;
	s6 =	simm.s32 $0x108;
	_ =	swait.ge @!p0 [sflag:s8], $0x0  }
0x24: {  	s3 =	sadd.s32 $0x88, s3;
	s6 =	simm.s32 @!p1 $0x1082;
	[sflag:s4] =	ssyncset.s32 $0xFFFFF086  }
0x25: {  	[simem:s6], [sflag:s4] =	dma.local [hbm:s3], $0xF7A  }
0x26: {  	[smem:$0x3F7E] =	sst s1;
	(tag) =	ssettag s2;
	_ =	strace s9  }
0x27: {  	s1 =	sld [smem:$0x3F8E]  }
0x28: {  	s2 =	sld [smem:$0x3F8F]  }
0x29: {  	s4 =	sld [smem:$0x3F91]  }
0x2a: {  	p0 =	seq.s32 s5, $0x0;
	s5 =	sld [smem:$0x3F92]  }
0x2b: {  	s6 =	sld [smem:$0x3F93]  }
0x2c: {  	s7 =	sld [smem:$0x3F94]  }
0x2d: {  	s3 =	simm.s32 $0x108;
	s8 =	sld [smem:$0x3F95]  }
0x2e: {  	s3 =	simm.s32 @!p0 $0x1082;
	s9 =	sld [smem:$0x3F96]  }
0x2f: {  	lr =	sadd.s32 s0, s3;
	s0 =	sld [smem:$0x3F8D]  }
0x30: {  	s3 =	sld [smem:$0x3F90]  }
0x31: {  	[smem:$0x3F99] =	sst s10  }
0x32: {  	s10 =	sld [smem:$0x3F97];
	_ =	sdelay $0x3  }
0x33: {  	p0 =	seq.s32 s10, $0x1;
	s10 =	sld [smem:$0x3F99];
	_ =	sdelay $0x3  }
0x34: {  	[smem:$0x3F99] =	sst s10  }
0x35: {  	s10 =	sld [smem:$0x3F98];
	_ =	sdelay $0x3  }
0x36: {  	p1 =	seq.s32 s10, $0x1;
	s10 =	sld [smem:$0x3F99];
	_ =	sdelay $0x3  }
0x37: {  	[smem:$0x3F99] =	sst s10  }
0x38: {  	s10 =	sld [smem:$0x3F9A]  }
0x39: {  	_ = 	snop;
	(pc) =	sbr.ind lr, $3  }
0x3a: {  	_ = 	snop  }
0x3b: {  	_ = 	snop  }
0x3c: {  	p2 =	seq.s32 s10, $0x1;
	s10 =	sld [smem:$0x3F99]  }
0x3d: {  	_ =	shalt  }
0x3e: {  	_ =	shalt  }
0x3f: {  	_ =	shalt  }
0x40: {  	_ =	shalt  }
0x41: {  	_ =	shalt  }
0x42: {  	_ =	shalt  }
0x43: {  	_ =	shalt  }
0x44: {  	_ =	shalt  }
0x45: {  	_ =	shalt  }
0x46: {  	_ =	shalt  }
0x47: {  	_ =	shalt  }
0x48: {  	_ =	shalt  }
0x49: {  	_ =	shalt  }
0x4a: {  	_ =	shalt  }
0x4b: {  	_ =	shalt  }
0x4c: {  	_ =	shalt  }
0x4d: {  	_ =	shalt  }
0x4e: {  	_ =	shalt  }
0x4f: {  	_ =	shalt  }
0x50: {  	_ =	shalt  }
0x51: {  	_ =	shalt  }
0x52: {  	_ =	shalt  }
0x53: {  	_ =	shalt  }
0x54: {  	_ =	shalt  }
0x55: {  	_ =	shalt  }
0x56: {  	_ =	shalt  }
0x57: {  	_ =	shalt  }
0x58: {  	_ =	shalt  }
0x59: {  	_ =	shalt  }
0x5a: {  	_ =	shalt  }
0x5b: {  	_ =	shalt  }
0x5c: {  	_ =	shalt  }
0x5d: {  	_ =	shalt  }
0x5e: {  	_ =	shalt  }
0x5f: {  	_ =	shalt  }
0x60: {  	_ =	shalt  }
0x61: {  	_ =	shalt  }
0x62: {  	_ =	shalt  }
0x63: {  	_ =	shalt  }
0x64: {  	_ =	shalt  }
0x65: {  	_ =	shalt  }
0x66: {  	_ =	shalt  }
0x67: {  	_ =	shalt  }
0x68: {  	_ =	shalt  }
0x69: {  	_ =	shalt  }
0x6a: {  	_ =	shalt  }
0x6b: {  	_ =	shalt  }
0x6c: {  	_ =	shalt  }
0x6d: {  	_ =	shalt  }
0x6e: {  	_ =	shalt  }
0x6f: {  	_ =	shalt  }
0x70: {  	_ =	shalt  }
0x71: {  	_ =	shalt  }
0x72: {  	_ =	shalt  }
0x73: {  	_ =	shalt  }
0x74: {  	_ =	shalt  }
0x75: {  	_ =	shalt  }
0x76: {  	_ =	shalt  }
0x77: {  	_ =	shalt  }
0x78: {  	_ =	shalt  }
0x79: {  	_ =	shalt  }
0x7a: {  	_ =	shalt  }
0x7b: {  	_ =	shalt  }
0x7c: {  	_ =	shalt  }
0x7d: {  	_ =	shalt  }
0x7e: {  	_ =	shalt  }
0x7f: {  	_ =	shalt  }
0x80: {  	_ =	shalt  }
0x81: {  	_ =	shalt  }
0x82: {  	_ =	shalt  }
0x83: {  	_ =	shalt  }
0x84: {  	_ =	shalt  }
0x85: {  	_ =	shalt  }
0x86: {  	_ =	shalt  }
0x87: {  	_ =	shalt  }
.Lfunc_end0:
.L_simem_size_0:
called_computation_lowered:
.L_overlay_start_0:
0x88: {  	s2 =	sld [smem:$0x3FD9]  }
0x89: {  	s3 =	sld [smem:$0x3FFE];
	_ =	sdelay $0x1  }
0x8a: {  	s1 =	srdreg.scid  }
0x8b: {  	s0 =	sand.u32 $0x1, s1  }
0x8c: {  	s16 =	sshll.u32 s0, $0xA;
	s2 =	sadd.s32 s3, s2  }
0x8d: {  	s2 =	sadd.s32 s2, s16  }
0x8e: {  	[smem:$0x3FA5] =	sst s2  }
0x8f: {  	_ = 	snop  }
0x90: {  	(tm) =	ssettm $0x1  }
0x91: {  	s17 =	sld [smem:$0x3FFB];
	_ =	sdelay $0x3  }
0x92: {  	_ =	strace s17  }
0x93: {  	s2 =	sld [smem:$0x3FFC];
	_ =	sdelay $0x3  }
0x94: {  	_ =	strace s2  }
0x95: {  	s2 =	sld [smem:$0x3FFD];
	_ =	sdelay $0x3  }
0x96: {  	_ =	strace s2  }
0x97: {  	_ =	strace $0x8FFFFFFF  }
0x98: {  	s18 =	sld [smem:$0x3FDB];
	_ =	sdelay $0x1  }
0x99: {  	s19 =	simm.s32 $_scs_section_size  }
0x9a: {  	s4 =	simm.s32 $_size__tile_overlayer_lowered;
	s5 =	simm.s32 $_tile_overlayer_lowered  }
0x9b: {  	s22 =	simm.s32 $0x1BFF;
	s21 =	sshll.u32 s5, $0x1;
	s2 =	sadd.s32 s19, s18  }
0x9c: {  	s6 =	simm.s32 $0x0;
	s20 =	sshll.u32 s4, $0x1;
	s4 =	sadd.s32 s21, s2  }
0x9d: {  	[timem:s6], [sflag:s22] =	dma.local [hbm:s4], s20  }
0x9e: {  	_ =	swait.ge [sflag:s22], s20  }
0x9f: {  	s3 =	ssub.s32 $0x0, s20;
	[sflag:s22] =	ssyncset.done $0x0  }
0xa0: {  	[sflag:s22] =	ssyncadd.s32 s3;
	_ =	sdelay $0x1  }
0xa1: {  	s23 =	simm.s32 $0x1B8B  }
0xa2: {  	_ =	swait.ge [sflag:s23], $0x1  }
0xa3: {  	[sflag:s23] =	ssyncset.done $0x0  }
0xa4: {  	s25 =	simm.s32 $0x1B8E;
	s24 =	sld [smem:$0x3FFE];
	[sflag:s23] =	ssyncadd.s32 $0xFFFFFFFF  }
0xa5: {  	s26 =	simm.s32 $execute0_lowered;
	[smem:$0x3FD2] =	sst s25  }
0xa6: {  	s4 =	sshll.u32 s26, $0x1;
	_ =	strace $0x80000046;
	[dreg:$0x1] =	wrdreg $0xFFFFFFFF  }
0xa7: {  	s28 =	simm.s32 $_size_execute0_lowered;
	s2 =	sadd.s32 s2, s4;
	[dreg:$0x0] =	wrdreg $0x0  }
0xa8: {  	s4 =	sshll.u32 s28, $0x1;
	[dreg:$0x2] =	wrdreg s2  }
0xa9: {  	[dreg:$0x3] =	wrdreg s4  }
0xaa: {  	[dreg:$0x4] =	wrdreg $0xC0  }
0xab: {  	_ =	task [dreg:s6], $0x5FFFF  }
0xac: {  	[dreg:$0x1] =	wrdreg $0xFFFFFFFF  }
0xad: {  	[dreg:$0x0] =	wrdreg $0x60  }
0xae: {  	[dreg:$0x2] =	wrdreg s24  }
0xaf: {  	[dreg:$0x3] =	wrdreg $0x9  }
0xb0: {  	_ =	task.clear_ibuf [dreg:s6], $0x4FFFF;
	_ =	strace $0x90000046  }
0xb1: {  	s29 =	simm.s32 $0x9;
	_ =	strace $0x80000048  }
0xb2: {  	_ =	swait.ge [sflag:s29], $0x1  }
0xb3: {  	[sflag:s29] =	ssyncadd.s32 $0xFFFFFFFF  }
0xb4: {  	_ =	strace $0x90000048  }
0xb5: {  	_ =	sfence  }
0xb6: {  	s30 =	sld [smem:$0x0];
	_ =	sdelay $0x2  }
0xb7: {  	s31 =	sshll.u32 s1, $0xD;
	s1 =	sshrl.u32 s1, $0x2  }
0xb8: {  	s3 =	sand.u32 $0x4000, s31;
	s1 =	sadd.s32 s1, s30  }
0xb9: {  	s0 =	sor.u32 s3, s0;
	s1 =	sshll.u32 s1, $0x11  }
0xba: {  	s0 =	sor.u32 s1, s0  }
0xbb: {  	s0 =	sadd.s32 $0x8F2B, s0  }
0xbc: {  	[sflag:s0] =	ssyncadd.remote.s32 $0x1  }
0xbd: {  	_ =	sfence.sel $0xFFFF  }
0xbe: {  	[dreg:$0x0] =	wrdreg $0xFFFFFFFF;
	(pc) =	sbr.abs _section_cstart, $3  }
0xbf: {  	[dreg:$0x1] =	wrdreg $0xFFFFFFFF  }
0xc0: {  	_ =	task.clear_ibuf [dreg:s6], $0x2FFFF;
	_ =	strace $0x9FFFFFFF  }
0xc1: {  	(tm) =	ssettm $0x7FFFFFFF  }
tec
execute0_lowered:
.L_overlay_start_1:
0x0: {  	(tag) =	ssettag $0x1  }
0x1: {  	s1 =	srdreg.scid;
	s0 =	stileid.u32  }
0x2: {  	s5 =	rddreg [dreg:$0x0];
	s2 =	simm.s32 $0x0;
	s8 =	simm.s32 $0x80  }
0x3: {  	s9 =	simm.s32 $0x8;
	s10 =	simm.s32 $0x1380;
	s11 =	simm.s32 $0x14B88  }
0x4: {  	s12 =	simm.s32 $0x1;
	s4 =	sand.u32 $0x1, s1;
	s30 =	sshll.u32 s0, $0x1  }
0x5: {  	s13 =	simm.s32 $0x1388;
	s1 =	rddreg [dreg:$0x1];
	s3 =	sor.u32 s4, s30  }
0x6: {  	s14 =	simm.s32 $0x0;
	[smem:$0x7FF] =	sst s2;
	s6 =	smul.u32 $0x271, s3  }
0x7: {  	_ =	strace $0x80000047;
	s4 =	ssub.s32 $0x2, s4;
	s7 =	smul.u32 $0x2710, s3  }
0x8: {  	s3 =	sadd.s32 $0x2F600, s5;
	s31 =	sshrl.u32 s4, $0x1;
	s6 =	sadd.s32 s6, s5  }
0x9: {  	s5 =	sadd.s32 s7, s5;
	s7 =	ssub.s32 s4, s31;
	s4 =	sadd.s32 $0x34600, s6  }
0xa: {  	s5 =	sadd.s32 $0x39600, s5;
	s6 =	smax.u32 s7, $0x1;
	s7 =	simm.s32 $0x2  }
.LBB2_1:
0xb: {  	[tilespmem:s2], [sflag:$0x2] =	stream.linear.gather [hbm4b:s4+s2], $0x1388, $0x38;
	[tilespmem:$0x14C08] =	vst v63  }
0xc: {  	_ =	swait.ge [sflag:s7], $0x1388  }
0xd: {  	s15 =	simm.s32 $0x200;
	s18 =	simm.s32 $0x0;
	[sflag:s7] =	ssyncset.done $0x0  }
0xe: {  	s16 =	simm.s32 $0x1B88;
	s17 =	simm.s32 $0x1388;
	[sflag:s7] =	ssyncadd.s32 $0xFFFFEC78  }
.LBB2_2:
0xf: {  	[tilespmem:s17], [sflag:$0x1] =	stream.indirect.gather [hbm4b:s3+s8], $0x10, s18, s8, $0xb8;
	[tilespmem:$0x14C08] =	vst v63  }
0x10: {  	s18 =	smov.u32 s15;
	s17 =	smov.u32 s16;
	p0 =	sne.s32 s15, $0x4C00  }
.Ltmp0:
0x11: {  	s15 =	sadd.s32 $0x200, s15;
	(pc) =	sbr.rel @p0 .LBB2_2-.Ltmp0, $2  }
0x12: {  	_ =	sdelay $0x2  }
0x13: {  	s16 =	sadd.s32 $0x800, s16;
	s18 =	sshra.s32 s18, $0x2  }
0x14: {  	[tilespmem:s17], [sflag:$0x1] =	stream.indirect.gather [hbm4b:s3+s8], $0x10, s18, s8, $0xb8;
	[tilespmem:$0x14C08] =	vst v63  }
0x15: {  	_ = 	snop  }
0x16: {  	[tilespmem:s11], [sflag:$0x1] =	stream.indirect.gather [hbm4b:s3+s9], $0x10, s10, s9, $0xb8;
	[tilespmem:$0x14C08] =	vst v63  }
0x17: {  	_ =	swait.ge [sflag:s12], $0x800  }
0x18: {  	s15 =	simm.s32 $0x26;
	[sflag:s12] =	ssyncset.done $0x0  }
.LBB2_4:
0x19: {  	p0 =	sne.s32 s15, $0x1;
	s15 =	sadd.s32 $0xFFFFFFFF, s15;
	[sflag:s12] =	ssyncadd.s32 $0xFFFFF800  }
.Ltmp1:
0x1a: {  	(pc) =	sbr.rel @p0 .LBB2_4-.Ltmp1, $3  }
0x1b: {  	_ =	sdelay $0x1  }
0x1c: {  	_ =	swait.ge [sflag:s12], $0x800  }
0x1d: {  	[sflag:s12] =	ssyncset.done $0x0  }
0x1e: {  	[sflag:s12] =	ssyncadd.s32 $0xFFFFF800  }
0x1f: {  	s14 =	sadd.s32 $0x1, s14;
	_ =	swait.ge [sflag:s12], $0x80  }
0x20: {  	p0 =	sne.s32 s14, s6;
	[sflag:s12] =	ssyncset.done $0x0  }
.Ltmp2:
0x21: {  	[sflag:s12] =	ssyncadd.s32 $0xFFFFFF80;
	(pc) =	sbr.rel @p0 .LBB2_1-.Ltmp2, $4  }
0x22: {  	[hbm4b:s5+s2] =	stream.linear.scatter [tilespmem:s13], [sflag:$0x2], $0x13880, $0x38;
	[tilespmem:$0x14C08] =	vst v63  }
0x23: {  	_ =	swait.ge [sflag:s7], $0x13880  }
0x24: {  	[sflag:s7] =	ssyncset.done $0x0  }
0x25: {  	[sflag:s7] =	ssyncadd.s32 $0xFFFEC780  }
0x26: {  	_ =	sfence.sel $0x180000  }
0x27: {  	[bflag:$0x0] =	sbarrier.arrive $0xFFFF  }
0x28: {  	p0 =	sne.s32 s0, $0x0;
	_ =	strace $0x90000047  }
0x29: {  	s0 =	sadd.s32 @!p0 $0x100000, s1;
	[bflag:$0x2] =	sbarrier.arrive $0xFFFF  }
0x2a: {  	[sflag:s0] =	ssyncadd.tile.s32 @!p0 $0x1;
	_ =	shalt  }
.Lfunc_end2:
_tile_overlayer_lowered:
.L_overlay_start_2:
0x2b: {  	(tag) =	ssettag $0x2  }
0x2c: {  	s0 =	rddreg [dreg:$0x0];
	s2 =	stileid.u32  }
0x2d: {  	s1 =	rddreg [dreg:$0x1];
	p0 =	sne.s32 s2, $0x0  }
0x2e: {  	s3 =	rddreg [dreg:$0x2];
	[bflag:$0x3] =	sbarrier.arrive $0xFFFF;
	s2 =	simm.s32 @!p0 $0x1C02  }
0x2f: {  	[timem:s3], [sflag:s2] =	dma.local @!p0 [hbm:s0], s1  }
0x30: {  	s0 =	simm.s32 @!p0 $0x2  }
0x31: {  	_ =	swait.ge @!p0 [sflag:s0], s1  }
0x32: {  	s1 =	ssub.s32 @!p0 $0x0, s1;
	[sflag:s0] =	ssyncset.done @!p0 $0x0  }
0x33: {  	[sflag:s0] =	ssyncadd.s32 @!p0 s1  }
0x34: {  	[bflag:$0x3] =	sbarrier.arrive $0xFFFF  }
0x35: {  	_ =	shalt  }

// kernel: kernel.18.cloned.1.call-start
scs
__scs_entry_jumppad:
0x0: {  	(pc) =	sbr.rel $0x88, $3  }
0x1: {  	(tag) =	ssettag $0x0;
	lr =	simm.s32 $0x1  }
0x2: {  	[smem:$0x3F7E] =	sst lr;
	_ =	strace $0xD0000000  }
0x3: {  	_ = 	snop  }
0x4: {  	_ = 	snop  }
0x5: {  	_ = 	snop  }
0x6: {  	_ = 	snop  }
0x7: {  	_ = 	snop  }
__scs_overlays_trampoline_lowered:
0x8: {  	[smem:$0x3F8D] =	sst s0  }
0x9: {  	[smem:$0x3F8E] =	sst s1  }
0xa: {  	[smem:$0x3F8F] =	sst s2  }
0xb: {  	[smem:$0x3F90] =	sst s3  }
0xc: {  	[smem:$0x3F91] =	sst s4  }
0xd: {  	[smem:$0x3F92] =	sst s5  }
0xe: {  	[smem:$0x3F93] =	sst s6  }
0xf: {  	[smem:$0x3F94] =	sst s7  }
0x10: {  	[smem:$0x3F95] =	sst s8  }
0x11: {  	[smem:$0x3F96] =	sst s9;
	s0 =	simm.s32 @!p0 $0x0  }
0x12: {  	s1 =	sld [smem:$0x3F7C];
	s0 =	simm.s32 @p0 $0x1  }
0x13: {  	[smem:$0x3F97] =	sst s0;
	s0 =	simm.s32 @!p1 $0x0  }
0x14: {  	s2 =	sld [smem:$0x3F7B];
	s0 =	simm.s32 @p1 $0x1  }
0x15: {  	[smem:$0x3F98] =	sst s0;
	s0 =	simm.s32 @!p2 $0x0  }
0x16: {  	s3 =	sld [smem:$0x3FDB];
	s0 =	simm.s32 @p2 $0x1  }
0x17: {  	s4 =	simm.s32 $0x1BF5;
	[smem:$0x3F9A] =	sst s0  }
0x18: {  	s0 =	sld [smem:$0x3F7D];
	_ =	swait.ge [sflag:s4], $0x0  }
0x19: {  	s7 =	sld [smem:$0x3F7E]  }
0x1a: {  	s8 =	sadd.s32 $0xFFFFE003, lr  }
0x1b: {  	s9 =	sadd.s32 $0xFFFFFEF7, lr;
	s5 =	simm.s32 $0xFFFFFFFF;
	p2 =	slt.u32 s8, $0xFFFFF086  }
0x1c: {  	p1 =	slt.u32 s9, $0xF7A;
	s5 =	simm.s32 @!p2 $0x0  }
0x1d: {  	s5 =	simm.s32 @p1 $0x1;
	p0 =	seq.s32 s7, s2  }
0x1e: {  	s7 =	smul.u32 @!p0 $0xF7A, s2;
	p2 =	seq.s32 @!p0 s5, $0x0  }
0x1f: {  	s9 =	smul.u32 $0xF7A, s1;
	s8 =	simm.s32 @!p0 $0x1BF5;
	p2 =	por !p2, p0  }
0x20: {  	[sflag:s8] =	ssyncset.s32 @!p0 $0xFFFFF086;
	s6 =	sadd.s32 @!p0 s3, s7;
	s7 =	simm.s32 @!p0 $0x108  }
0x21: {  	s3 =	sadd.s32 s3, s9;
	s6 =	sadd.s32 @!p0 $0x88, s6;
	s7 =	simm.s32 @p2 $0x1082  }
0x22: {  	[simem:s7], [sflag:s8] =	dma.local @!p0 [hbm:s6], $0xF7A  }
0x23: {  	s9 =	sor.u32 $0xD0000000, s2;
	s6 =	simm.s32 $0x108;
	_ =	swait.ge @!p0 [sflag:s8], $0x0  }
0x24: {  	s3 =	sadd.s32 $0x88, s3;
	s6 =	simm.s32 @!p1 $0x1082;
	[sflag:s4] =	ssyncset.s32 $0xFFFFF086  }
0x25: {  	[simem:s6], [sflag:s4] =	dma.local [hbm:s3], $0xF7A  }
0x26: {  	[smem:$0x3F7E] =	sst s1;
	(tag) =	ssettag s2;
	_ =	strace s9  }
0x27: {  	s1 =	sld [smem:$0x3F8E]  }
0x28: {  	s2 =	sld [smem:$0x3F8F]  }
0x29: {  	s4 =	sld [smem:$0x3F91]  }
0x2a: {  	p0 =	seq.s32 s5, $0x0;
	s5 =	sld [smem:$0x3F92]  }
0x2b: {  	s6 =	sld [smem:$0x3F93]  }
0x2c: {  	s7 =	sld [smem:$0x3F94]  }
0x2d: {  	s3 =	simm.s32 $0x108;
	s8 =	sld [smem:$0x3F95]  }
0x2e: {  	s3 =	simm.s32 @!p0 $0x1082;
	s9 =	sld [smem:$0x3F96]  }
0x2f: {  	lr =	sadd.s32 s0, s3;
	s0 =	sld [smem:$0x3F8D]  }
0x30: {  	s3 =	sld [smem:$0x3F90]  }
0x31: {  	[smem:$0x3F99] =	sst s10  }
0x32: {  	s10 =	sld [smem:$0x3F97];
	_ =	sdelay $0x3  }
0x33: {  	p0 =	seq.s32 s10, $0x1;
	s10 =	sld [smem:$0x3F99];
	_ =	sdelay $0x3  }
0x34: {  	[smem:$0x3F99] =	sst s10  }
0x35: {  	s10 =	sld [smem:$0x3F98];
	_ =	sdelay $0x3  }
0x36: {  	p1 =	seq.s32 s10, $0x1;
	s10 =	sld [smem:$0x3F99];
	_ =	sdelay $0x3  }
0x37: {  	[smem:$0x3F99] =	sst s10  }
0x38: {  	s10 =	sld [smem:$0x3F9A]  }
0x39: {  	_ = 	snop;
	(pc) =	sbr.ind lr, $3  }
0x3a: {  	_ = 	snop  }
0x3b: {  	_ = 	snop  }
0x3c: {  	p2 =	seq.s32 s10, $0x1;
	s10 =	sld [smem:$0x3F99]  }
0x3d: {  	_ =	shalt  }
0x3e: {  	_ =	shalt  }
0x3f: {  	_ =	shalt  }
0x40: {  	_ =	shalt  }
0x41: {  	_ =	shalt  }
0x42: {  	_ =	shalt  }
0x43: {  	_ =	shalt  }
0x44: {  	_ =	shalt  }
0x45: {  	_ =	shalt  }
0x46: {  	_ =	shalt  }
0x47: {  	_ =	shalt  }
0x48: {  	_ =	shalt  }
0x49: {  	_ =	shalt  }
0x4a: {  	_ =	shalt  }
0x4b: {  	_ =	shalt  }
0x4c: {  	_ =	shalt  }
0x4d: {  	_ =	shalt  }
0x4e: {  	_ =	shalt  }
0x4f: {  	_ =	shalt  }
0x50: {  	_ =	shalt  }
0x51: {  	_ =	shalt  }
0x52: {  	_ =	shalt  }
0x53: {  	_ =	shalt  }
0x54: {  	_ =	shalt  }
0x55: {  	_ =	shalt  }
0x56: {  	_ =	shalt  }
0x57: {  	_ =	shalt  }
0x58: {  	_ =	shalt  }
0x59: {  	_ =	shalt  }
0x5a: {  	_ =	shalt  }
0x5b: {  	_ =	shalt  }
0x5c: {  	_ =	shalt  }
0x5d: {  	_ =	shalt  }
0x5e: {  	_ =	shalt  }
0x5f: {  	_ =	shalt  }
0x60: {  	_ =	shalt  }
0x61: {  	_ =	shalt  }
0x62: {  	_ =	shalt  }
0x63: {  	_ =	shalt  }
0x64: {  	_ =	shalt  }
0x65: {  	_ =	shalt  }
0x66: {  	_ =	shalt  }
0x67: {  	_ =	shalt  }
0x68: {  	_ =	shalt  }
0x69: {  	_ =	shalt  }
0x6a: {  	_ =	shalt  }
0x6b: {  	_ =	shalt  }
0x6c: {  	_ =	shalt  }
0x6d: {  	_ =	shalt  }
0x6e: {  	_ =	shalt  }
0x6f: {  	_ =	shalt  }
0x70: {  	_ =	shalt  }
0x71: {  	_ =	shalt  }
0x72: {  	_ =	shalt  }
0x73: {  	_ =	shalt  }
0x74: {  	_ =	shalt  }
0x75: {  	_ =	shalt  }
0x76: {  	_ =	shalt  }
0x77: {  	_ =	shalt  }
0x78: {  	_ =	shalt  }
0x79: {  	_ =	shalt  }
0x7a: {  	_ =	shalt  }
0x7b: {  	_ =	shalt  }
0x7c: {  	_ =	shalt  }
0x7d: {  	_ =	shalt  }
0x7e: {  	_ =	shalt  }
0x7f: {  	_ =	shalt  }
0x80: {  	_ =	shalt  }
0x81: {  	_ =	shalt  }
0x82: {  	_ =	shalt  }
0x83: {  	_ =	shalt  }
0x84: {  	_ =	shalt  }
0x85: {  	_ =	shalt  }
0x86: {  	_ =	shalt  }
0x87: {  	_ =	shalt  }
.Lfunc_end0:
.L_simem_size_0:
called_computation.1_lowered:
.L_overlay_start_0:
0x88: {  	s2 =	sld [smem:$0x3FD9]  }
0x89: {  	s3 =	sld [smem:$0x3FFE];
	_ =	sdelay $0x1  }
0x8a: {  	s1 =	srdreg.scid  }
0x8b: {  	s0 =	sand.u32 $0x1, s1  }
0x8c: {  	s16 =	sshll.u32 s0, $0xA;
	s2 =	sadd.s32 s3, s2  }
0x8d: {  	s2 =	sadd.s32 s2, s16  }
0x8e: {  	[smem:$0x3FA5] =	sst s2  }
0x8f: {  	_ = 	snop  }
0x90: {  	(tm) =	ssettm $0x1  }
0x91: {  	s17 =	sld [smem:$0x3FFB];
	_ =	sdelay $0x3  }
0x92: {  	_ =	strace s17  }
0x93: {  	s2 =	sld [smem:$0x3FFC];
	_ =	sdelay $0x3  }
0x94: {  	_ =	strace s2  }
0x95: {  	s2 =	sld [smem:$0x3FFD];
	_ =	sdelay $0x3  }
0x96: {  	_ =	strace s2  }
0x97: {  	_ =	strace $0x8FFFFFFF  }
0x98: {  	s18 =	sld [smem:$0x3FDB];
	_ =	sdelay $0x1  }
0x99: {  	s19 =	simm.s32 $_scs_section_size  }
0x9a: {  	s4 =	simm.s32 $_size__tile_overlayer_lowered;
	s5 =	simm.s32 $_tile_overlayer_lowered  }
0x9b: {  	s22 =	simm.s32 $0x1BFF;
	s21 =	sshll.u32 s5, $0x1;
	s2 =	sadd.s32 s19, s18  }
0x9c: {  	s6 =	simm.s32 $0x0;
	s20 =	sshll.u32 s4, $0x1;
	s4 =	sadd.s32 s21, s2  }
0x9d: {  	[timem:s6], [sflag:s22] =	dma.local [hbm:s4], s20  }
0x9e: {  	_ =	swait.ge [sflag:s22], s20  }
0x9f: {  	s3 =	ssub.s32 $0x0, s20;
	[sflag:s22] =	ssyncset.done $0x0  }
0xa0: {  	[sflag:s22] =	ssyncadd.s32 s3;
	_ =	sdelay $0x1  }
0xa1: {  	s23 =	simm.s32 $0x1B8B  }
0xa2: {  	_ =	swait.ge [sflag:s23], $0x1  }
0xa3: {  	[sflag:s23] =	ssyncset.done $0x0  }
0xa4: {  	s25 =	simm.s32 $0x1B8E;
	s24 =	sld [smem:$0x3FFE];
	[sflag:s23] =	ssyncadd.s32 $0xFFFFFFFF  }
0xa5: {  	s26 =	simm.s32 $execute0_lowered;
	[smem:$0x3FD2] =	sst s25  }
0xa6: {  	s4 =	sshll.u32 s26, $0x1;
	_ =	strace $0x80000049;
	[dreg:$0x1] =	wrdreg $0xFFFFFFFF  }
0xa7: {  	s28 =	simm.s32 $_size_execute0_lowered;
	s2 =	sadd.s32 s2, s4;
	[dreg:$0x0] =	wrdreg $0x0  }
0xa8: {  	s4 =	sshll.u32 s28, $0x1;
	[dreg:$0x2] =	wrdreg s2  }
0xa9: {  	[dreg:$0x3] =	wrdreg s4  }
0xaa: {  	[dreg:$0x4] =	wrdreg $0xC0  }
0xab: {  	_ =	task [dreg:s6], $0x5FFFF  }
0xac: {  	[dreg:$0x1] =	wrdreg $0xFFFFFFFF  }
0xad: {  	[dreg:$0x0] =	wrdreg $0x60  }
0xae: {  	[dreg:$0x2] =	wrdreg s24  }
0xaf: {  	[dreg:$0x3] =	wrdreg $0x0  }
0xb0: {  	[dreg:$0x4] =	wrdreg $0x27200  }
0xb1: {  	[dreg:$0x5] =	wrdreg $0x9  }
0xb2: {  	_ =	task.clear_ibuf [dreg:s6], $0x6FFFF;
	_ =	strace $0x90000049  }
0xb3: {  	s29 =	simm.s32 $0x9;
	_ =	strace $0x8000004B  }
0xb4: {  	_ =	swait.ge [sflag:s29], $0x1  }
0xb5: {  	[sflag:s29] =	ssyncadd.s32 $0xFFFFFFFF  }
0xb6: {  	_ =	strace $0x9000004B  }
0xb7: {  	_ =	sfence  }
0xb8: {  	s30 =	sld [smem:$0x0];
	_ =	sdelay $0x2  }
0xb9: {  	s31 =	sshll.u32 s1, $0xD;
	s1 =	sshrl.u32 s1, $0x2  }
0xba: {  	s3 =	sand.u32 $0x4000, s31;
	s1 =	sadd.s32 s1, s30  }
0xbb: {  	s0 =	sor.u32 s3, s0;
	s1 =	sshll.u32 s1, $0x11  }
0xbc: {  	s0 =	sor.u32 s1, s0  }
0xbd: {  	s0 =	sadd.s32 $0x8F2B, s0  }
0xbe: {  	[sflag:s0] =	ssyncadd.remote.s32 $0x1  }
0xbf: {  	_ =	sfence.sel $0xFFFF  }
0xc0: {  	[dreg:$0x0] =	wrdreg $0xFFFFFFFF;
	(pc) =	sbr.abs _section_cstart, $3  }
0xc1: {  	[dreg:$0x1] =	wrdreg $0xFFFFFFFF  }
0xc2: {  	_ =	task.clear_ibuf [dreg:s6], $0x2FFFF;
	_ =	strace $0x9FFFFFFF  }
0xc3: {  	(tm) =	ssettm $0x7FFFFFFF  }
tec
execute0_lowered:
.L_overlay_start_1:
0x0: {  	(tag) =	ssettag $0x1  }
0x1: {  	s6 =	rddreg [dreg:$0x0]  }
0x2: {  	s2 =	rddreg [dreg:$0x1]  }
0x3: {  	s3 =	rddreg [dreg:$0x2];
	s4 =	srdreg.scid  }
0x4: {  	s1 =	stileid.u32;
	s0 =	rddreg [dreg:$0x3];
	s20 =	simm.s32 $0x6240  }
0x5: {  	s21 =	simm.s32 $0x80;
	s22 =	simm.s32 $0x61C0;
	s23 =	simm.s32 $0x7240  }
0x6: {  	s24 =	simm.s32 $0x0;
	s12 =	sand.u32 $0x1, s4;
	s9 =	smul.u32 $0x2720, s1  }
0x7: {  	s5 =	sshll.u32 s1, $0x1;
	s4 =	simm.s32 $0x0;
	s29 =	smul.u32 $0x4E20, s1  }
0x8: {  	s14 =	sadd.s32 $0x39600, s6;
	s31 =	sshll.u32 s1, $0x6;
	s10 =	smul.u32 $0x27200, s12  }
0x9: {  	s7 =	sor.u32 s12, s5;
	[smem:$0x7FF] =	sst s4;
	s30 =	smul.u32 $0x2710, s12  }
0xa: {  	s13 =	ssub.s32 $0x2, s12;
	s5 =	smul.u32 $0x280, s7;
	_ =	strace $0x8000004A  }
0xb: {  	s8 =	sshrl.u32 s9, $0x3;
	s15 =	sshrl.u32 s13, $0x1;
	s16 =	smul.u32 $0x13880, s7  }
0xc: {  	s7 =	sadd.s32 s9, s2;
	s8 =	sadd.s32 s8, s6;
	s10 =	sadd.s32 s9, s10  }
0xd: {  	s13 =	ssub.s32 s13, s15;
	s9 =	sadd.s32 s9, s3;
	s15 =	simm.s32 $0x1  }
0xe: {  	s18 =	sshrl.u32 s7, $0x3;
	s11 =	sadd.s32 s5, s6;
	s5 =	sadd.s32 $0x87800, s6  }
0xf: {  	s10 =	sshrl.u32 s10, $0x3;
	s8 =	sadd.s32 $0x2F600, s8;
	s28 =	sshrl.u32 s16, $0x3  }
0x10: {  	s13 =	smax.u32 s13, $0x1;
	s16 =	simm.s32 $0x6A40;
	s19 =	sshrl.u32 s9, $0x3  }
0x11: {  	s17 =	sadd.s32 s10, s6;
	s6 =	sadd.s32 $0x2F8800, s11;
	s10 =	sadd.s32 s14, s28  }
0x12: {  	s14 =	sadd.s32 s29, s14;
	s10 =	sadd.s32 $0x2700, s10;
	s11 =	sadd.s32 $0x91800, s17  }
0x13: {  	s12 =	sadd.s32 $0x87A00, s17;
	s14 =	sadd.s32 s30, s14;
	s17 =	sor.u32 $0x1C01, s31  }
.LBB2_1:
0x14: {  	s25 =	simm.s32 $0x4E40  }
0x15: {  	[tilespmem:s25], [sflag:$0x1] =	stream.linear.gather [hbm4b:s6+s4], $0x1400, $0x38;
	[tilespmem:$0x9960] =	vst v63  }
0x16: {  	_ =	swait.ge [sflag:s15], $0x1400  }
0x17: {  	[sflag:s15] =	ssyncset.done $0x0  }
0x18: {  	[sflag:s15] =	ssyncadd.s32 $0xFFFFEC00  }
0x19: {  	[tilespmem:s16], [sflag:$0x1] =	stream.linear.gather [hbm4b:s5+s4], $0x800, $0x38;
	[tilespmem:$0x9960] =	vst v63  }
0x1a: {  	_ =	swait.ge [sflag:s15], $0x800  }
0x1b: {  	[sflag:s15] =	ssyncset.done $0x0  }
0x1c: {  	[sflag:s15] =	ssyncadd.s32 $0xFFFFF800  }
0x1d: {  	[spmem:s18], [sflag:s17] =	dma.local [hbm:s8], $0x4E4  }
0x1e: {  	_ =	swait.ge [sflag:s15], $0x4E4  }
0x1f: {  	[sflag:s15] =	ssyncset.done $0x0  }
0x20: {  	[sflag:s15] =	ssyncadd.s32 $0xFFFFFB1C  }
0x21: {  	[spmem:s19], [sflag:s17] =	dma.local [hbm:s8], $0x4E4  }
0x22: {  	_ =	swait.ge [sflag:s15], $0x4E4  }
0x23: {  	[sflag:s15] =	ssyncset.done $0x0  }
0x24: {  	[sflag:s15] =	ssyncadd.s32 $0xFFFFFB1C  }
0x25: {  	s26 =	sadd.s32 $0x0, s14;
	[bflag:$0x0] =	sbarrier.arrive $0xFFFF  }
0x26: {  	[tilespmem:s20], [sflag:$0x1] =	stream.linear.gather [hbm4b:s26+s4], $0x800, $0x38;
	[tilespmem:$0x9960] =	vst v63  }
0x27: {  	_ =	swait.ge [sflag:s15], $0x800  }
0x28: {  	[sflag:s15] =	ssyncset.done $0x0  }
0x29: {  	[sflag:s15] =	ssyncadd.s32 $0xFFFFF800  }
0x2a: {  	[spmem:s2] =	stream.indirect.scatter.add.f32 [tilespmem:s20], [sflag:$0x1], $0x10, s25, s21, $0xb8;
	[tilespmem:$0x9960] =	vst v63  }
0x2b: {  	_ =	swait.ge [sflag:s15], $0x800  }
0x2c: {  	[sflag:s15] =	ssyncset.done $0x0  }
0x2d: {  	[sflag:s15] =	ssyncadd.s32 $0xFFFFF800  }
0x2e: {  	[spmem:s3] =	stream.indirect.scatter.add.f32 [tilespmem:s16], [sflag:$0x1], $0x10, s25, s21, $0xb8;
	[tilespmem:$0x9960] =	vst v63  }
0x2f: {  	s28 =	simm.s32 $0x200;
	_ =	swait.ge [sflag:s15], $0x800  }
0x30: {  	s26 =	simm.s32 $0x100;
	s25 =	simm.s32 $0x4EC0;
	[sflag:s15] =	ssyncset.done $0x0  }
.LBB2_2:
0x31: {  	s29 =	sadd.s32 s26, s14  }
0x32: {  	[sflag:s15] =	ssyncadd.s32 $0xFFFFF800;
	s26 =	smov.u32 s28;
	s30 =	sadd.s32 $0x100, s28  }
0x33: {  	[tilespmem:s20], [sflag:$0x1] =	stream.linear.gather [hbm4b:s29+s4], $0x800, $0x38;
	[tilespmem:$0x9960] =	vst v63  }
0x34: {  	p0 =	sne.s32 s28, $0x2600;
	_ =	swait.ge [sflag:s15], $0x800  }
0x35: {  	[sflag:s15] =	ssyncset.done $0x0  }
0x36: {  	[sflag:s15] =	ssyncadd.s32 $0xFFFFF800  }
0x37: {  	[spmem:s2] =	stream.indirect.scatter.add.f32 [tilespmem:s20], [sflag:$0x1], $0x10, s25, s21, $0xb8;
	[tilespmem:$0x9960] =	vst v63  }
0x38: {  	_ =	swait.ge [sflag:s15], $0x800  }
.Ltmp0:
0x39: {  	[sflag:s15] =	ssyncset.done $0x0;
	(pc) =	sbr.rel @p0 .LBB2_2-.Ltmp0, $4  }
0x3a: {  	[sflag:s15] =	ssyncadd.s32 $0xFFFFF800  }
0x3b: {  	[spmem:s3] =	stream.indirect.scatter.add.f32 [tilespmem:s16], [sflag:$0x1], $0x10, s25, s21, $0xb8;
	[tilespmem:$0x9960] =	vst v63  }
0x3c: {  	_ =	swait.ge [sflag:s15], $0x800  }
0x3d: {  	s28 =	smov.u32 s30;
	s25 =	sadd.s32 $0x80, s25;
	[sflag:s15] =	ssyncset.done $0x0  }
0x3e: {  	s26 =	sadd.s32 s26, s14;
	[sflag:s15] =	ssyncadd.s32 $0xFFFFF800  }
0x3f: {  	[tilespmem:s20], [sflag:$0x1] =	stream.linear.gather [hbm4b:s26+s4], $0x800, $0x38;
	[tilespmem:$0x9960] =	vst v63  }
0x40: {  	_ =	swait.ge [sflag:s15], $0x800  }
0x41: {  	[sflag:s15] =	ssyncset.done $0x0  }
0x42: {  	[sflag:s15] =	ssyncadd.s32 $0xFFFFF800  }
0x43: {  	[spmem:s2] =	stream.indirect.scatter.add.f32 [tilespmem:s20], [sflag:$0x1], $0x10, s25, s21, $0xb8;
	[tilespmem:$0x9960] =	vst v63  }
0x44: {  	_ =	swait.ge [sflag:s15], $0x800  }
0x45: {  	[sflag:s15] =	ssyncset.done $0x0  }
0x46: {  	[sflag:s15] =	ssyncadd.s32 $0xFFFFF800  }
0x47: {  	[spmem:s3] =	stream.indirect.scatter.add.f32 [tilespmem:s16], [sflag:$0x1], $0x10, s25, s21, $0xb8;
	[tilespmem:$0x9960] =	vst v63  }
0x48: {  	_ =	swait.ge [sflag:s15], $0x800  }
0x49: {  	[sflag:s15] =	ssyncset.done $0x0  }
0x4a: {  	[sflag:s15] =	ssyncadd.s32 $0xFFFFF800  }
0x4b: {  	[tilespmem:s20], [sflag:$0x1] =	stream.linear.gather [hbm4b:s10+s4], $0x80, $0x38;
	[tilespmem:$0x9960] =	vst v63  }
0x4c: {  	_ =	swait.ge [sflag:s15], $0x80  }
0x4d: {  	[sflag:s15] =	ssyncset.done $0x0  }
0x4e: {  	[sflag:s15] =	ssyncadd.s32 $0xFFFFFF80  }
0x4f: {  	[spmem:s2] =	stream.indirect.scatter.add.f32 [tilespmem:s20], [sflag:$0x1], $0x10, s22, s21, $0xb8;
	[tilespmem:$0x9960] =	vst v63  }
0x50: {  	_ =	swait.ge [sflag:s15], $0x800  }
0x51: {  	[sflag:s15] =	ssyncset.done $0x0  }
0x52: {  	[sflag:s15] =	ssyncadd.s32 $0xFFFFF800  }
0x53: {  	[spmem:s3] =	stream.indirect.scatter.add.f32 [tilespmem:s16], [sflag:$0x1], $0x10, s22, s21, $0xb8;
	[tilespmem:$0x9960] =	vst v63  }
0x54: {  	_ =	swait.ge [sflag:s15], $0x800  }
0x55: {  	[sflag:s15] =	ssyncset.done $0x0  }
0x56: {  	[sflag:s15] =	ssyncadd.s32 $0xFFFFF800  }
0x57: {  	[bflag:$0x0] =	sbarrier.arrive $0xFFFF  }
0x58: {  	[tilespmem:s23], [sflag:$0x1] =	stream.linear.gather [spmem:s7], $0x2720, $0x38;
	[tilespmem:$0x9960] =	vst v63  }
0x59: {  	_ =	swait.ge [sflag:s15], $0x2720  }
0x5a: {  	[sflag:s15] =	ssyncset.done $0x0  }
0x5b: {  	[sflag:s15] =	ssyncadd.s32 $0xFFFFD8E0  }
0x5c: {  	[hbm4b:s11+s4] =	stream.linear.scatter [tilespmem:s23], [sflag:$0x1], $0x2720, $0x38;
	[tilespmem:$0x9960] =	vst v63  }
0x5d: {  	_ =	swait.ge [sflag:s15], $0x2720  }
0x5e: {  	[sflag:s15] =	ssyncset.done $0x0  }
0x5f: {  	[sflag:s15] =	ssyncadd.s32 $0xFFFFD8E0  }
0x60: {  	[tilespmem:s23], [sflag:$0x1] =	stream.linear.gather [spmem:s9], $0x2720, $0x38;
	[tilespmem:$0x9960] =	vst v63  }
0x61: {  	s24 =	sadd.s32 $0x1, s24;
	_ =	swait.ge [sflag:s15], $0x2720  }
0x62: {  	p0 =	sne.s32 s24, s13;
	[sflag:s15] =	ssyncset.done $0x0  }
.Ltmp1:
0x63: {  	[sflag:s15] =	ssyncadd.s32 $0xFFFFD8E0;
	(pc) =	sbr.rel @p0 .LBB2_1-.Ltmp1, $4  }
0x64: {  	[hbm4b:s12+s4] =	stream.linear.scatter [tilespmem:s23], [sflag:$0x1], $0x2720, $0x38;
	[tilespmem:$0x9960] =	vst v63  }
0x65: {  	_ =	swait.ge [sflag:s15], $0x2720  }
0x66: {  	[sflag:s15] =	ssyncset.done $0x0  }
0x67: {  	[sflag:s15] =	ssyncadd.s32 $0xFFFFD8E0  }
0x68: {  	_ =	sfence.sel $0x180000  }
0x69: {  	[bflag:$0x0] =	sbarrier.arrive $0xFFFF  }
0x6a: {  	p0 =	sne.s32 s1, $0x0;
	_ =	strace $0x9000004A  }
0x6b: {  	s0 =	sadd.s32 @!p0 $0x100000, s0;
	[bflag:$0x2] =	sbarrier.arrive $0xFFFF  }
0x6c: {  	[sflag:s0] =	ssyncadd.tile.s32 @!p0 $0x1;
	_ =	shalt  }
.Lfunc_end2:
_tile_overlayer_lowered:
.L_overlay_start_2:
0x6d: {  	(tag) =	ssettag $0x2  }
0x6e: {  	s0 =	rddreg [dreg:$0x0];
	s2 =	stileid.u32  }
0x6f: {  	s1 =	rddreg [dreg:$0x1];
	p0 =	sne.s32 s2, $0x0  }
0x70: {  	s3 =	rddreg [dreg:$0x2];
	[bflag:$0x3] =	sbarrier.arrive $0xFFFF;
	s2 =	simm.s32 @!p0 $0x1C01  }
0x71: {  	[timem:s3], [sflag:s2] =	dma.local @!p0 [hbm:s0], s1  }
0x72: {  	s0 =	simm.s32 @!p0 $0x1  }
0x73: {  	_ =	swait.ge @!p0 [sflag:s0], s1  }
0x74: {  	s1 =	ssub.s32 @!p0 $0x0, s1;
	[sflag:s0] =	ssyncset.done @!p0 $0x0  }
0x75: {  	[sflag:s0] =	ssyncadd.s32 @!p0 s1  }
0x76: {  	[bflag:$0x3] =	sbarrier.arrive $0xFFFF  }
0x77: {  	_ =	shalt  }

// kernel: kernel.21.cloned.1.call-start
scs
__scs_entry_jumppad:
0x0: {  	(pc) =	sbr.rel $0x88, $3  }
0x1: {  	(tag) =	ssettag $0x0;
	lr =	simm.s32 $0x1  }
0x2: {  	[smem:$0x3F7E] =	sst lr;
	_ =	strace $0xD0000000  }
0x3: {  	_ = 	snop  }
0x4: {  	_ = 	snop  }
0x5: {  	_ = 	snop  }
0x6: {  	_ = 	snop  }
0x7: {  	_ = 	snop  }
__scs_overlays_trampoline_lowered:
0x8: {  	[smem:$0x3F8D] =	sst s0  }
0x9: {  	[smem:$0x3F8E] =	sst s1  }
0xa: {  	[smem:$0x3F8F] =	sst s2  }
0xb: {  	[smem:$0x3F90] =	sst s3  }
0xc: {  	[smem:$0x3F91] =	sst s4  }
0xd: {  	[smem:$0x3F92] =	sst s5  }
0xe: {  	[smem:$0x3F93] =	sst s6  }
0xf: {  	[smem:$0x3F94] =	sst s7  }
0x10: {  	[smem:$0x3F95] =	sst s8  }
0x11: {  	[smem:$0x3F96] =	sst s9;
	s0 =	simm.s32 @!p0 $0x0  }
0x12: {  	s1 =	sld [smem:$0x3F7C];
	s0 =	simm.s32 @p0 $0x1  }
0x13: {  	[smem:$0x3F97] =	sst s0;
	s0 =	simm.s32 @!p1 $0x0  }
0x14: {  	s2 =	sld [smem:$0x3F7B];
	s0 =	simm.s32 @p1 $0x1  }
0x15: {  	[smem:$0x3F98] =	sst s0;
	s0 =	simm.s32 @!p2 $0x0  }
0x16: {  	s3 =	sld [smem:$0x3FDB];
	s0 =	simm.s32 @p2 $0x1  }
0x17: {  	s4 =	simm.s32 $0x1BF5;
	[smem:$0x3F9A] =	sst s0  }
0x18: {  	s0 =	sld [smem:$0x3F7D];
	_ =	swait.ge [sflag:s4], $0x0  }
0x19: {  	s7 =	sld [smem:$0x3F7E]  }
0x1a: {  	s8 =	sadd.s32 $0xFFFFE003, lr  }
0x1b: {  	s9 =	sadd.s32 $0xFFFFFEF7, lr;
	s5 =	simm.s32 $0xFFFFFFFF;
	p2 =	slt.u32 s8, $0xFFFFF086  }
0x1c: {  	p1 =	slt.u32 s9, $0xF7A;
	s5 =	simm.s32 @!p2 $0x0  }
0x1d: {  	s5 =	simm.s32 @p1 $0x1;
	p0 =	seq.s32 s7, s2  }
0x1e: {  	s7 =	smul.u32 @!p0 $0xF7A, s2;
	p2 =	seq.s32 @!p0 s5, $0x0  }
0x1f: {  	s9 =	smul.u32 $0xF7A, s1;
	s8 =	simm.s32 @!p0 $0x1BF5;
	p2 =	por !p2, p0  }
0x20: {  	[sflag:s8] =	ssyncset.s32 @!p0 $0xFFFFF086;
	s6 =	sadd.s32 @!p0 s3, s7;
	s7 =	simm.s32 @!p0 $0x108  }
0x21: {  	s3 =	sadd.s32 s3, s9;
	s6 =	sadd.s32 @!p0 $0x88, s6;
	s7 =	simm.s32 @p2 $0x1082  }
0x22: {  	[simem:s7], [sflag:s8] =	dma.local @!p0 [hbm:s6], $0xF7A  }
0x23: {  	s9 =	sor.u32 $0xD0000000, s2;
	s6 =	simm.s32 $0x108;
	_ =	swait.ge @!p0 [sflag:s8], $0x0  }
0x24: {  	s3 =	sadd.s32 $0x88, s3;
	s6 =	simm.s32 @!p1 $0x1082;
	[sflag:s4] =	ssyncset.s32 $0xFFFFF086  }
0x25: {  	[simem:s6], [sflag:s4] =	dma.local [hbm:s3], $0xF7A  }
0x26: {  	[smem:$0x3F7E] =	sst s1;
	(tag) =	ssettag s2;
	_ =	strace s9  }
0x27: {  	s1 =	sld [smem:$0x3F8E]  }
0x28: {  	s2 =	sld [smem:$0x3F8F]  }
0x29: {  	s4 =	sld [smem:$0x3F91]  }
0x2a: {  	p0 =	seq.s32 s5, $0x0;
	s5 =	sld [smem:$0x3F92]  }
0x2b: {  	s6 =	sld [smem:$0x3F93]  }
0x2c: {  	s7 =	sld [smem:$0x3F94]  }
0x2d: {  	s3 =	simm.s32 $0x108;
	s8 =	sld [smem:$0x3F95]  }
0x2e: {  	s3 =	simm.s32 @!p0 $0x1082;
	s9 =	sld [smem:$0x3F96]  }
0x2f: {  	lr =	sadd.s32 s0, s3;
	s0 =	sld [smem:$0x3F8D]  }
0x30: {  	s3 =	sld [smem:$0x3F90]  }
0x31: {  	[smem:$0x3F99] =	sst s10  }
0x32: {  	s10 =	sld [smem:$0x3F97];
	_ =	sdelay $0x3  }
0x33: {  	p0 =	seq.s32 s10, $0x1;
	s10 =	sld [smem:$0x3F99];
	_ =	sdelay $0x3  }
0x34: {  	[smem:$0x3F99] =	sst s10  }
0x35: {  	s10 =	sld [smem:$0x3F98];
	_ =	sdelay $0x3  }
0x36: {  	p1 =	seq.s32 s10, $0x1;
	s10 =	sld [smem:$0x3F99];
	_ =	sdelay $0x3  }
0x37: {  	[smem:$0x3F99] =	sst s10  }
0x38: {  	s10 =	sld [smem:$0x3F9A]  }
0x39: {  	_ = 	snop;
	(pc) =	sbr.ind lr, $3  }
0x3a: {  	_ = 	snop  }
0x3b: {  	_ = 	snop  }
0x3c: {  	p2 =	seq.s32 s10, $0x1;
	s10 =	sld [smem:$0x3F99]  }
0x3d: {  	_ =	shalt  }
0x3e: {  	_ =	shalt  }
0x3f: {  	_ =	shalt  }
0x40: {  	_ =	shalt  }
0x41: {  	_ =	shalt  }
0x42: {  	_ =	shalt  }
0x43: {  	_ =	shalt  }
0x44: {  	_ =	shalt  }
0x45: {  	_ =	shalt  }
0x46: {  	_ =	shalt  }
0x47: {  	_ =	shalt  }
0x48: {  	_ =	shalt  }
0x49: {  	_ =	shalt  }
0x4a: {  	_ =	shalt  }
0x4b: {  	_ =	shalt  }
0x4c: {  	_ =	shalt  }
0x4d: {  	_ =	shalt  }
0x4e: {  	_ =	shalt  }
0x4f: {  	_ =	shalt  }
0x50: {  	_ =	shalt  }
0x51: {  	_ =	shalt  }
0x52: {  	_ =	shalt  }
0x53: {  	_ =	shalt  }
0x54: {  	_ =	shalt  }
0x55: {  	_ =	shalt  }
0x56: {  	_ =	shalt  }
0x57: {  	_ =	shalt  }
0x58: {  	_ =	shalt  }
0x59: {  	_ =	shalt  }
0x5a: {  	_ =	shalt  }
0x5b: {  	_ =	shalt  }
0x5c: {  	_ =	shalt  }
0x5d: {  	_ =	shalt  }
0x5e: {  	_ =	shalt  }
0x5f: {  	_ =	shalt  }
0x60: {  	_ =	shalt  }
0x61: {  	_ =	shalt  }
0x62: {  	_ =	shalt  }
0x63: {  	_ =	shalt  }
0x64: {  	_ =	shalt  }
0x65: {  	_ =	shalt  }
0x66: {  	_ =	shalt  }
0x67: {  	_ =	shalt  }
0x68: {  	_ =	shalt  }
0x69: {  	_ =	shalt  }
0x6a: {  	_ =	shalt  }
0x6b: {  	_ =	shalt  }
0x6c: {  	_ =	shalt  }
0x6d: {  	_ =	shalt  }
0x6e: {  	_ =	shalt  }
0x6f: {  	_ =	shalt  }
0x70: {  	_ =	shalt  }
0x71: {  	_ =	shalt  }
0x72: {  	_ =	shalt  }
0x73: {  	_ =	shalt  }
0x74: {  	_ =	shalt  }
0x75: {  	_ =	shalt  }
0x76: {  	_ =	shalt  }
0x77: {  	_ =	shalt  }
0x78: {  	_ =	shalt  }
0x79: {  	_ =	shalt  }
0x7a: {  	_ =	shalt  }
0x7b: {  	_ =	shalt  }
0x7c: {  	_ =	shalt  }
0x7d: {  	_ =	shalt  }
0x7e: {  	_ =	shalt  }
0x7f: {  	_ =	shalt  }
0x80: {  	_ =	shalt  }
0x81: {  	_ =	shalt  }
0x82: {  	_ =	shalt  }
0x83: {  	_ =	shalt  }
0x84: {  	_ =	shalt  }
0x85: {  	_ =	shalt  }
0x86: {  	_ =	shalt  }
0x87: {  	_ =	shalt  }
.Lfunc_end0:
.L_simem_size_0:
called_computation.2_lowered:
.L_overlay_start_0:
0x88: {  	s2 =	sld [smem:$0x3FD9]  }
0x89: {  	s3 =	sld [smem:$0x3FFE];
	_ =	sdelay $0x1  }
0x8a: {  	s1 =	srdreg.scid  }
0x8b: {  	s0 =	sand.u32 $0x1, s1  }
0x8c: {  	s16 =	sshll.u32 s0, $0xA;
	s2 =	sadd.s32 s3, s2  }
0x8d: {  	s2 =	sadd.s32 s2, s16  }
0x8e: {  	[smem:$0x3FA5] =	sst s2  }
0x8f: {  	_ = 	snop  }
0x90: {  	(tm) =	ssettm $0x1  }
0x91: {  	s17 =	sld [smem:$0x3FFB];
	_ =	sdelay $0x3  }
0x92: {  	_ =	strace s17  }
0x93: {  	s2 =	sld [smem:$0x3FFC];
	_ =	sdelay $0x3  }
0x94: {  	_ =	strace s2  }
0x95: {  	s2 =	sld [smem:$0x3FFD];
	_ =	sdelay $0x3  }
0x96: {  	_ =	strace s2  }
0x97: {  	_ =	strace $0x8FFFFFFF  }
0x98: {  	s18 =	sld [smem:$0x3FDB];
	_ =	sdelay $0x1  }
0x99: {  	s19 =	simm.s32 $_scs_section_size  }
0x9a: {  	s4 =	simm.s32 $_size__tile_overlayer_lowered;
	s5 =	simm.s32 $_tile_overlayer_lowered  }
0x9b: {  	s22 =	simm.s32 $0x1BFF;
	s21 =	sshll.u32 s5, $0x1;
	s2 =	sadd.s32 s19, s18  }
0x9c: {  	s6 =	simm.s32 $0x0;
	s20 =	sshll.u32 s4, $0x1;
	s4 =	sadd.s32 s21, s2  }
0x9d: {  	[timem:s6], [sflag:s22] =	dma.local [hbm:s4], s20  }
0x9e: {  	_ =	swait.ge [sflag:s22], s20  }
0x9f: {  	s3 =	ssub.s32 $0x0, s20;
	[sflag:s22] =	ssyncset.done $0x0  }
0xa0: {  	[sflag:s22] =	ssyncadd.s32 s3;
	_ =	sdelay $0x1  }
0xa1: {  	s23 =	simm.s32 $0x1B8B  }
0xa2: {  	_ =	swait.ge [sflag:s23], $0x1  }
0xa3: {  	[sflag:s23] =	ssyncset.done $0x0  }
0xa4: {  	s25 =	simm.s32 $0x1B8E;
	s24 =	sld [smem:$0x3FFE];
	[sflag:s23] =	ssyncadd.s32 $0xFFFFFFFF  }
0xa5: {  	s26 =	simm.s32 $execute0_lowered;
	[smem:$0x3FD2] =	sst s25  }
0xa6: {  	s4 =	sshll.u32 s26, $0x1;
	_ =	strace $0x8000004C;
	[dreg:$0x1] =	wrdreg $0xFFFFFFFF  }
0xa7: {  	s28 =	simm.s32 $_size_execute0_lowered;
	s2 =	sadd.s32 s2, s4;
	[dreg:$0x0] =	wrdreg $0x0  }
0xa8: {  	s4 =	sshll.u32 s28, $0x1;
	[dreg:$0x2] =	wrdreg s2  }
0xa9: {  	[dreg:$0x3] =	wrdreg s4  }
0xaa: {  	[dreg:$0x4] =	wrdreg $0xC0  }
0xab: {  	_ =	task [dreg:s6], $0x5FFFF  }
0xac: {  	[dreg:$0x1] =	wrdreg $0xFFFFFFFF  }
0xad: {  	[dreg:$0x0] =	wrdreg $0x60  }
0xae: {  	[dreg:$0x2] =	wrdreg s24  }
0xaf: {  	[dreg:$0x3] =	wrdreg $0x9  }
0xb0: {  	_ =	task.clear_ibuf [dreg:s6], $0x4FFFF;
	_ =	strace $0x9000004C  }
0xb1: {  	s29 =	simm.s32 $0x9;
	_ =	strace $0x8000004E  }
0xb2: {  	_ =	swait.ge [sflag:s29], $0x1  }
0xb3: {  	[sflag:s29] =	ssyncadd.s32 $0xFFFFFFFF  }
0xb4: {  	_ =	strace $0x9000004E  }
0xb5: {  	_ =	sfence  }
0xb6: {  	s30 =	sld [smem:$0x0];
	_ =	sdelay $0x2  }
0xb7: {  	s31 =	sshll.u32 s1, $0xD;
	s1 =	sshrl.u32 s1, $0x2  }
0xb8: {  	s3 =	sand.u32 $0x4000, s31;
	s1 =	sadd.s32 s1, s30  }
0xb9: {  	s0 =	sor.u32 s3, s0;
	s1 =	sshll.u32 s1, $0x11  }
0xba: {  	s0 =	sor.u32 s1, s0  }
0xbb: {  	s0 =	sadd.s32 $0x8F2B, s0  }
0xbc: {  	[sflag:s0] =	ssyncadd.remote.s32 $0x1  }
0xbd: {  	_ =	sfence.sel $0xFFFF  }
0xbe: {  	[dreg:$0x0] =	wrdreg $0xFFFFFFFF;
	(pc) =	sbr.abs _section_cstart, $3  }
0xbf: {  	[dreg:$0x1] =	wrdreg $0xFFFFFFFF  }
0xc0: {  	_ =	task.clear_ibuf [dreg:s6], $0x2FFFF;
	_ =	strace $0x9FFFFFFF  }
0xc1: {  	(tm) =	ssettm $0x7FFFFFFF  }
tec
execute0_lowered:
.L_overlay_start_1:
0x0: {  	(tag) =	ssettag $0x1  }
0x1: {  	s1 =	srdreg.scid;
	s0 =	stileid.u32  }
0x2: {  	s5 =	rddreg [dreg:$0x0];
	s2 =	simm.s32 $0x0;
	s8 =	simm.s32 $0x80  }
0x3: {  	s9 =	simm.s32 $0x8;
	s10 =	simm.s32 $0x1380;
	s11 =	simm.s32 $0x14B88  }
0x4: {  	s12 =	simm.s32 $0x1;
	s4 =	sand.u32 $0x1, s1;
	s30 =	sshll.u32 s0, $0x1  }
0x5: {  	s13 =	simm.s32 $0x1388;
	s1 =	rddreg [dreg:$0x1];
	s3 =	sor.u32 s4, s30  }
0x6: {  	s14 =	simm.s32 $0x0;
	[smem:$0x7FF] =	sst s2;
	s6 =	smul.u32 $0x271, s3  }
0x7: {  	_ =	strace $0x8000004D;
	s4 =	ssub.s32 $0x2, s4;
	s7 =	smul.u32 $0x2710, s3  }
0x8: {  	s3 =	sadd.s32 $0x60800, s5;
	s31 =	sshrl.u32 s4, $0x1;
	s6 =	sadd.s32 s6, s5  }
0x9: {  	s5 =	sadd.s32 s7, s5;
	s7 =	ssub.s32 s4, s31;
	s4 =	sadd.s32 $0x34600, s6  }
0xa: {  	s5 =	sadd.s32 $0x65800, s5;
	s6 =	smax.u32 s7, $0x1;
	s7 =	simm.s32 $0x2  }
.LBB2_1:
0xb: {  	[tilespmem:s2], [sflag:$0x2] =	stream.linear.gather [hbm4b:s4+s2], $0x1388, $0x38;
	[tilespmem:$0x14C08] =	vst v63  }
0xc: {  	_ =	swait.ge [sflag:s7], $0x1388  }
0xd: {  	s15 =	simm.s32 $0x200;
	s18 =	simm.s32 $0x0;
	[sflag:s7] =	ssyncset.done $0x0  }
0xe: {  	s16 =	simm.s32 $0x1B88;
	s17 =	simm.s32 $0x1388;
	[sflag:s7] =	ssyncadd.s32 $0xFFFFEC78  }
.LBB2_2:
0xf: {  	[tilespmem:s17], [sflag:$0x1] =	stream.indirect.gather [hbm4b:s3+s8], $0x10, s18, s8, $0xb8;
	[tilespmem:$0x14C08] =	vst v63  }
0x10: {  	s18 =	smov.u32 s15;
	s17 =	smov.u32 s16;
	p0 =	sne.s32 s15, $0x4C00  }
.Ltmp0:
0x11: {  	s15 =	sadd.s32 $0x200, s15;
	(pc) =	sbr.rel @p0 .LBB2_2-.Ltmp0, $2  }
0x12: {  	_ =	sdelay $0x2  }
0x13: {  	s16 =	sadd.s32 $0x800, s16;
	s18 =	sshra.s32 s18, $0x2  }
0x14: {  	[tilespmem:s17], [sflag:$0x1] =	stream.indirect.gather [hbm4b:s3+s8], $0x10, s18, s8, $0xb8;
	[tilespmem:$0x14C08] =	vst v63  }
0x15: {  	_ = 	snop  }
0x16: {  	[tilespmem:s11], [sflag:$0x1] =	stream.indirect.gather [hbm4b:s3+s9], $0x10, s10, s9, $0xb8;
	[tilespmem:$0x14C08] =	vst v63  }
0x17: {  	_ =	swait.ge [sflag:s12], $0x800  }
0x18: {  	s15 =	simm.s32 $0x26;
	[sflag:s12] =	ssyncset.done $0x0  }
.LBB2_4:
0x19: {  	p0 =	sne.s32 s15, $0x1;
	s15 =	sadd.s32 $0xFFFFFFFF, s15;
	[sflag:s12] =	ssyncadd.s32 $0xFFFFF800  }
.Ltmp1:
0x1a: {  	(pc) =	sbr.rel @p0 .LBB2_4-.Ltmp1, $3  }
0x1b: {  	_ =	sdelay $0x1  }
0x1c: {  	_ =	swait.ge [sflag:s12], $0x800  }
0x1d: {  	[sflag:s12] =	ssyncset.done $0x0  }
0x1e: {  	[sflag:s12] =	ssyncadd.s32 $0xFFFFF800  }
0x1f: {  	s14 =	sadd.s32 $0x1, s14;
	_ =	swait.ge [sflag:s12], $0x80  }
0x20: {  	p0 =	sne.s32 s14, s6;
	[sflag:s12] =	ssyncset.done $0x0  }
.Ltmp2:
0x21: {  	[sflag:s12] =	ssyncadd.s32 $0xFFFFFF80;
	(pc) =	sbr.rel @p0 .LBB2_1-.Ltmp2, $4  }
0x22: {  	[hbm4b:s5+s2] =	stream.linear.scatter [tilespmem:s13], [sflag:$0x2], $0x13880, $0x38;
	[tilespmem:$0x14C08] =	vst v63  }
0x23: {  	_ =	swait.ge [sflag:s7], $0x13880  }
0x24: {  	[sflag:s7] =	ssyncset.done $0x0  }
0x25: {  	[sflag:s7] =	ssyncadd.s32 $0xFFFEC780  }
0x26: {  	_ =	sfence.sel $0x180000  }
0x27: {  	[bflag:$0x0] =	sbarrier.arrive $0xFFFF  }
0x28: {  	p0 =	sne.s32 s0, $0x0;
	_ =	strace $0x9000004D  }
0x29: {  	s0 =	sadd.s32 @!p0 $0x100000, s1;
	[bflag:$0x2] =	sbarrier.arrive $0xFFFF  }
0x2a: {  	[sflag:s0] =	ssyncadd.tile.s32 @!p0 $0x1;
	_ =	shalt  }
.Lfunc_end2:
_tile_overlayer_lowered:
.L_overlay_start_2:
0x2b: {  	(tag) =	ssettag $0x2  }
0x2c: {  	s0 =	rddreg [dreg:$0x0];
	s2 =	stileid.u32  }
0x2d: {  	s1 =	rddreg [dreg:$0x1];
	p0 =	sne.s32 s2, $0x0  }
0x2e: {  	s3 =	rddreg [dreg:$0x2];
	[bflag:$0x3] =	sbarrier.arrive $0xFFFF;
	s2 =	simm.s32 @!p0 $0x1C02  }
0x2f: {  	[timem:s3], [sflag:s2] =	dma.local @!p0 [hbm:s0], s1  }
0x30: {  	s0 =	simm.s32 @!p0 $0x2  }
0x31: {  	_ =	swait.ge @!p0 [sflag:s0], s1  }
0x32: {  	s1 =	ssub.s32 @!p0 $0x0, s1;
	[sflag:s0] =	ssyncset.done @!p0 $0x0  }
0x33: {  	[sflag:s0] =	ssyncadd.s32 @!p0 s1  }
0x34: {  	[bflag:$0x3] =	sbarrier.arrive $0xFFFF  }
0x35: {  	_ =	shalt  }

// kernel: kernel.24.cloned.1.call-start
scs
__scs_entry_jumppad:
0x0: {  	(pc) =	sbr.rel $0x88, $3  }
0x1: {  	(tag) =	ssettag $0x0;
	lr =	simm.s32 $0x1  }
0x2: {  	[smem:$0x3F7E] =	sst lr;
	_ =	strace $0xD0000000  }
0x3: {  	_ = 	snop  }
0x4: {  	_ = 	snop  }
0x5: {  	_ = 	snop  }
0x6: {  	_ = 	snop  }
0x7: {  	_ = 	snop  }
__scs_overlays_trampoline_lowered:
0x8: {  	[smem:$0x3F8D] =	sst s0  }
0x9: {  	[smem:$0x3F8E] =	sst s1  }
0xa: {  	[smem:$0x3F8F] =	sst s2  }
0xb: {  	[smem:$0x3F90] =	sst s3  }
0xc: {  	[smem:$0x3F91] =	sst s4  }
0xd: {  	[smem:$0x3F92] =	sst s5  }
0xe: {  	[smem:$0x3F93] =	sst s6  }
0xf: {  	[smem:$0x3F94] =	sst s7  }
0x10: {  	[smem:$0x3F95] =	sst s8  }
0x11: {  	[smem:$0x3F96] =	sst s9;
	s0 =	simm.s32 @!p0 $0x0  }
0x12: {  	s1 =	sld [smem:$0x3F7C];
	s0 =	simm.s32 @p0 $0x1  }
0x13: {  	[smem:$0x3F97] =	sst s0;
	s0 =	simm.s32 @!p1 $0x0  }
0x14: {  	s2 =	sld [smem:$0x3F7B];
	s0 =	simm.s32 @p1 $0x1  }
0x15: {  	[smem:$0x3F98] =	sst s0;
	s0 =	simm.s32 @!p2 $0x0  }
0x16: {  	s3 =	sld [smem:$0x3FDB];
	s0 =	simm.s32 @p2 $0x1  }
0x17: {  	s4 =	simm.s32 $0x1BF5;
	[smem:$0x3F9A] =	sst s0  }
0x18: {  	s0 =	sld [smem:$0x3F7D];
	_ =	swait.ge [sflag:s4], $0x0  }
0x19: {  	s7 =	sld [smem:$0x3F7E]  }
0x1a: {  	s8 =	sadd.s32 $0xFFFFE003, lr  }
0x1b: {  	s9 =	sadd.s32 $0xFFFFFEF7, lr;
	s5 =	simm.s32 $0xFFFFFFFF;
	p2 =	slt.u32 s8, $0xFFFFF086  }
0x1c: {  	p1 =	slt.u32 s9, $0xF7A;
	s5 =	simm.s32 @!p2 $0x0  }
0x1d: {  	s5 =	simm.s32 @p1 $0x1;
	p0 =	seq.s32 s7, s2  }
0x1e: {  	s7 =	smul.u32 @!p0 $0xF7A, s2;
	p2 =	seq.s32 @!p0 s5, $0x0  }
0x1f: {  	s9 =	smul.u32 $0xF7A, s1;
	s8 =	simm.s32 @!p0 $0x1BF5;
	p2 =	por !p2, p0  }
0x20: {  	[sflag:s8] =	ssyncset.s32 @!p0 $0xFFFFF086;
	s6 =	sadd.s32 @!p0 s3, s7;
	s7 =	simm.s32 @!p0 $0x108  }
0x21: {  	s3 =	sadd.s32 s3, s9;
	s6 =	sadd.s32 @!p0 $0x88, s6;
	s7 =	simm.s32 @p2 $0x1082  }
0x22: {  	[simem:s7], [sflag:s8] =	dma.local @!p0 [hbm:s6], $0xF7A  }
0x23: {  	s9 =	sor.u32 $0xD0000000, s2;
	s6 =	simm.s32 $0x108;
	_ =	swait.ge @!p0 [sflag:s8], $0x0  }
0x24: {  	s3 =	sadd.s32 $0x88, s3;
	s6 =	simm.s32 @!p1 $0x1082;
	[sflag:s4] =	ssyncset.s32 $0xFFFFF086  }
0x25: {  	[simem:s6], [sflag:s4] =	dma.local [hbm:s3], $0xF7A  }
0x26: {  	[smem:$0x3F7E] =	sst s1;
	(tag) =	ssettag s2;
	_ =	strace s9  }
0x27: {  	s1 =	sld [smem:$0x3F8E]  }
0x28: {  	s2 =	sld [smem:$0x3F8F]  }
0x29: {  	s4 =	sld [smem:$0x3F91]  }
0x2a: {  	p0 =	seq.s32 s5, $0x0;
	s5 =	sld [smem:$0x3F92]  }
0x2b: {  	s6 =	sld [smem:$0x3F93]  }
0x2c: {  	s7 =	sld [smem:$0x3F94]  }
0x2d: {  	s3 =	simm.s32 $0x108;
	s8 =	sld [smem:$0x3F95]  }
0x2e: {  	s3 =	simm.s32 @!p0 $0x1082;
	s9 =	sld [smem:$0x3F96]  }
0x2f: {  	lr =	sadd.s32 s0, s3;
	s0 =	sld [smem:$0x3F8D]  }
0x30: {  	s3 =	sld [smem:$0x3F90]  }
0x31: {  	[smem:$0x3F99] =	sst s10  }
0x32: {  	s10 =	sld [smem:$0x3F97];
	_ =	sdelay $0x3  }
0x33: {  	p0 =	seq.s32 s10, $0x1;
	s10 =	sld [smem:$0x3F99];
	_ =	sdelay $0x3  }
0x34: {  	[smem:$0x3F99] =	sst s10  }
0x35: {  	s10 =	sld [smem:$0x3F98];
	_ =	sdelay $0x3  }
0x36: {  	p1 =	seq.s32 s10, $0x1;
	s10 =	sld [smem:$0x3F99];
	_ =	sdelay $0x3  }
0x37: {  	[smem:$0x3F99] =	sst s10  }
0x38: {  	s10 =	sld [smem:$0x3F9A]  }
0x39: {  	_ = 	snop;
	(pc) =	sbr.ind lr, $3  }
0x3a: {  	_ = 	snop  }
0x3b: {  	_ = 	snop  }
0x3c: {  	p2 =	seq.s32 s10, $0x1;
	s10 =	sld [smem:$0x3F99]  }
0x3d: {  	_ =	shalt  }
0x3e: {  	_ =	shalt  }
0x3f: {  	_ =	shalt  }
0x40: {  	_ =	shalt  }
0x41: {  	_ =	shalt  }
0x42: {  	_ =	shalt  }
0x43: {  	_ =	shalt  }
0x44: {  	_ =	shalt  }
0x45: {  	_ =	shalt  }
0x46: {  	_ =	shalt  }
0x47: {  	_ =	shalt  }
0x48: {  	_ =	shalt  }
0x49: {  	_ =	shalt  }
0x4a: {  	_ =	shalt  }
0x4b: {  	_ =	shalt  }
0x4c: {  	_ =	shalt  }
0x4d: {  	_ =	shalt  }
0x4e: {  	_ =	shalt  }
0x4f: {  	_ =	shalt  }
0x50: {  	_ =	shalt  }
0x51: {  	_ =	shalt  }
0x52: {  	_ =	shalt  }
0x53: {  	_ =	shalt  }
0x54: {  	_ =	shalt  }
0x55: {  	_ =	shalt  }
0x56: {  	_ =	shalt  }
0x57: {  	_ =	shalt  }
0x58: {  	_ =	shalt  }
0x59: {  	_ =	shalt  }
0x5a: {  	_ =	shalt  }
0x5b: {  	_ =	shalt  }
0x5c: {  	_ =	shalt  }
0x5d: {  	_ =	shalt  }
0x5e: {  	_ =	shalt  }
0x5f: {  	_ =	shalt  }
0x60: {  	_ =	shalt  }
0x61: {  	_ =	shalt  }
0x62: {  	_ =	shalt  }
0x63: {  	_ =	shalt  }
0x64: {  	_ =	shalt  }
0x65: {  	_ =	shalt  }
0x66: {  	_ =	shalt  }
0x67: {  	_ =	shalt  }
0x68: {  	_ =	shalt  }
0x69: {  	_ =	shalt  }
0x6a: {  	_ =	shalt  }
0x6b: {  	_ =	shalt  }
0x6c: {  	_ =	shalt  }
0x6d: {  	_ =	shalt  }
0x6e: {  	_ =	shalt  }
0x6f: {  	_ =	shalt  }
0x70: {  	_ =	shalt  }
0x71: {  	_ =	shalt  }
0x72: {  	_ =	shalt  }
0x73: {  	_ =	shalt  }
0x74: {  	_ =	shalt  }
0x75: {  	_ =	shalt  }
0x76: {  	_ =	shalt  }
0x77: {  	_ =	shalt  }
0x78: {  	_ =	shalt  }
0x79: {  	_ =	shalt  }
0x7a: {  	_ =	shalt  }
0x7b: {  	_ =	shalt  }
0x7c: {  	_ =	shalt  }
0x7d: {  	_ =	shalt  }
0x7e: {  	_ =	shalt  }
0x7f: {  	_ =	shalt  }
0x80: {  	_ =	shalt  }
0x81: {  	_ =	shalt  }
0x82: {  	_ =	shalt  }
0x83: {  	_ =	shalt  }
0x84: {  	_ =	shalt  }
0x85: {  	_ =	shalt  }
0x86: {  	_ =	shalt  }
0x87: {  	_ =	shalt  }
.Lfunc_end0:
.L_simem_size_0:
called_computation.3_lowered:
.L_overlay_start_0:
0x88: {  	s2 =	sld [smem:$0x3FD9]  }
0x89: {  	s3 =	sld [smem:$0x3FFE];
	_ =	sdelay $0x1  }
0x8a: {  	s1 =	srdreg.scid  }
0x8b: {  	s0 =	sand.u32 $0x1, s1  }
0x8c: {  	s16 =	sshll.u32 s0, $0xA;
	s2 =	sadd.s32 s3, s2  }
0x8d: {  	s2 =	sadd.s32 s2, s16  }
0x8e: {  	[smem:$0x3FA5] =	sst s2  }
0x8f: {  	_ = 	snop  }
0x90: {  	(tm) =	ssettm $0x1  }
0x91: {  	s17 =	sld [smem:$0x3FFB];
	_ =	sdelay $0x3  }
0x92: {  	_ =	strace s17  }
0x93: {  	s2 =	sld [smem:$0x3FFC];
	_ =	sdelay $0x3  }
0x94: {  	_ =	strace s2  }
0x95: {  	s2 =	sld [smem:$0x3FFD];
	_ =	sdelay $0x3  }
0x96: {  	_ =	strace s2  }
0x97: {  	_ =	strace $0x8FFFFFFF  }
0x98: {  	s18 =	sld [smem:$0x3FDB];
	_ =	sdelay $0x1  }
0x99: {  	s19 =	simm.s32 $_scs_section_size  }
0x9a: {  	s4 =	simm.s32 $_size__tile_overlayer_lowered;
	s5 =	simm.s32 $_tile_overlayer_lowered  }
0x9b: {  	s22 =	simm.s32 $0x1BFF;
	s21 =	sshll.u32 s5, $0x1;
	s2 =	sadd.s32 s19, s18  }
0x9c: {  	s6 =	simm.s32 $0x0;
	s20 =	sshll.u32 s4, $0x1;
	s4 =	sadd.s32 s21, s2  }
0x9d: {  	[timem:s6], [sflag:s22] =	dma.local [hbm:s4], s20  }
0x9e: {  	_ =	swait.ge [sflag:s22], s20  }
0x9f: {  	s3 =	ssub.s32 $0x0, s20;
	[sflag:s22] =	ssyncset.done $0x0  }
0xa0: {  	[sflag:s22] =	ssyncadd.s32 s3;
	_ =	sdelay $0x1  }
0xa1: {  	s23 =	simm.s32 $0x1B8B  }
0xa2: {  	_ =	swait.ge [sflag:s23], $0x1  }
0xa3: {  	[sflag:s23] =	ssyncset.done $0x0  }
0xa4: {  	s25 =	simm.s32 $0x1B8E;
	s24 =	sld [smem:$0x3FFE];
	[sflag:s23] =	ssyncadd.s32 $0xFFFFFFFF  }
0xa5: {  	s26 =	simm.s32 $execute0_lowered;
	[smem:$0x3FD2] =	sst s25  }
0xa6: {  	s4 =	sshll.u32 s26, $0x1;
	_ =	strace $0x8000004F;
	[dreg:$0x1] =	wrdreg $0xFFFFFFFF  }
0xa7: {  	s28 =	simm.s32 $_size_execute0_lowered;
	s2 =	sadd.s32 s2, s4;
	[dreg:$0x0] =	wrdreg $0x0  }
0xa8: {  	s4 =	sshll.u32 s28, $0x1;
	[dreg:$0x2] =	wrdreg s2  }
0xa9: {  	[dreg:$0x3] =	wrdreg s4  }
0xaa: {  	[dreg:$0x4] =	wrdreg $0xC0  }
0xab: {  	_ =	task [dreg:s6], $0x5FFFF  }
0xac: {  	[dreg:$0x1] =	wrdreg $0xFFFFFFFF  }
0xad: {  	[dreg:$0x0] =	wrdreg $0x60  }
0xae: {  	[dreg:$0x2] =	wrdreg s24  }
0xaf: {  	[dreg:$0x3] =	wrdreg $0x0  }
0xb0: {  	[dreg:$0x4] =	wrdreg $0x9  }
0xb1: {  	_ =	task.clear_ibuf [dreg:s6], $0x5FFFF;
	_ =	strace $0x9000004F  }
0xb2: {  	s29 =	simm.s32 $0x9;
	_ =	strace $0x80000051  }
0xb3: {  	_ =	swait.ge [sflag:s29], $0x1  }
0xb4: {  	[sflag:s29] =	ssyncadd.s32 $0xFFFFFFFF  }
0xb5: {  	_ =	strace $0x90000051  }
0xb6: {  	_ =	sfence  }
0xb7: {  	s30 =	sld [smem:$0x0];
	_ =	sdelay $0x2  }
0xb8: {  	s31 =	sshll.u32 s1, $0xD;
	s1 =	sshrl.u32 s1, $0x2  }
0xb9: {  	s3 =	sand.u32 $0x4000, s31;
	s1 =	sadd.s32 s1, s30  }
0xba: {  	s0 =	sor.u32 s3, s0;
	s1 =	sshll.u32 s1, $0x11  }
0xbb: {  	s0 =	sor.u32 s1, s0  }
0xbc: {  	s0 =	sadd.s32 $0x8F2B, s0  }
0xbd: {  	[sflag:s0] =	ssyncadd.remote.s32 $0x1  }
0xbe: {  	_ =	sfence.sel $0xFFFF  }
0xbf: {  	[dreg:$0x0] =	wrdreg $0xFFFFFFFF;
	(pc) =	sbr.abs _section_cstart, $3  }
0xc0: {  	[dreg:$0x1] =	wrdreg $0xFFFFFFFF  }
0xc1: {  	_ =	task.clear_ibuf [dreg:s6], $0x2FFFF;
	_ =	strace $0x9FFFFFFF  }
0xc2: {  	(tm) =	ssettm $0x7FFFFFFF  }
0xc3: {  	_ =	shalt  }
tec
execute0_lowered:
.L_overlay_start_1:
0x0: {  	(tag) =	ssettag $0x1  }
0x1: {  	s1 =	srdreg.scid;
	s4 =	rddreg [dreg:$0x0]  }
0x2: {  	s0 =	stileid.u32;
	s2 =	rddreg [dreg:$0x1]  }
0x3: {  	s3 =	simm.s32 $0x0;
	s15 =	simm.s32 $0x80;
	s16 =	simm.s32 $0x3AA0  }
0x4: {  	s17 =	simm.s32 $0x4320;
	s18 =	simm.s32 $0x0;
	s9 =	sand.u32 $0x1, s1  }
0x5: {  	s26 =	sshll.u32 s0, $0x1;
	s1 =	rddreg [dreg:$0x2];
	s7 =	smul.u32 $0x2720, s0  }
0x6: {  	[smem:$0x7FF] =	sst s3;
	s10 =	sadd.s32 $0x2FD800, s4;
	s29 =	smul.u32 $0x4E20, s0  }
0x7: {  	s31 =	sshll.u32 s0, $0x6;
	s5 =	sor.u32 s9, s26;
	s8 =	smul.u32 $0x27200, s9  }
0x8: {  	_ =	strace $0x80000050;
	s12 =	ssub.s32 $0x2, s9;
	s30 =	smul.u32 $0x2710, s9  }
0x9: {  	s6 =	smul.u32 $0x280, s5;
	s11 =	sshrl.u32 s7, $0x3;
	s13 =	sshrl.u32 s12, $0x1  }
0xa: {  	s14 =	smul.u32 $0x13880, s5;
	s5 =	sadd.s32 s7, s2;
	s8 =	sadd.s32 s7, s8  }
0xb: {  	s11 =	sadd.s32 s11, s4;
	s12 =	ssub.s32 s12, s13;
	s13 =	sshrl.u32 s5, $0x3  }
0xc: {  	s6 =	sadd.s32 s6, s4;
	s8 =	sshrl.u32 s8, $0x3;
	s28 =	sshrl.u32 s14, $0x3  }
0xd: {  	s9 =	smax.u32 s12, $0x1;
	s12 =	sor.u32 $0x1C01, s31;
	s14 =	simm.s32 $0x3B20  }
0xe: {  	s8 =	sadd.s32 s8, s4;
	s4 =	sadd.s32 $0x2F8800, s6;
	s6 =	sadd.s32 $0x2F600, s11  }
0xf: {  	s7 =	sadd.s32 s10, s28;
	s10 =	sadd.s32 s29, s10;
	s11 =	simm.s32 $0x1  }
0x10: {  	s7 =	sadd.s32 $0x2700, s7;
	s8 =	sadd.s32 $0x60800, s8;
	s10 =	sadd.s32 s30, s10  }
.LBB2_1:
0x11: {  	s19 =	simm.s32 $0x2720  }
0x12: {  	[tilespmem:s19], [sflag:$0x1] =	stream.linear.gather [hbm4b:s4+s3], $0x1400, $0x38;
	[tilespmem:$0x6A40] =	vst v63  }
0x13: {  	_ =	swait.ge [sflag:s11], $0x1400  }
0x14: {  	[sflag:s11] =	ssyncset.done $0x0  }
0x15: {  	[sflag:s11] =	ssyncadd.s32 $0xFFFFEC00  }
0x16: {  	[spmem:s13], [sflag:s12] =	dma.local [hbm:s6], $0x4E4  }
0x17: {  	_ =	swait.ge [sflag:s11], $0x4E4  }
0x18: {  	[sflag:s11] =	ssyncset.done $0x0  }
0x19: {  	[sflag:s11] =	ssyncadd.s32 $0xFFFFFB1C  }
0x1a: {  	s20 =	sadd.s32 $0x0, s10;
	[bflag:$0x0] =	sbarrier.arrive $0xFFFF  }
0x1b: {  	[tilespmem:s14], [sflag:$0x1] =	stream.linear.gather [hbm4b:s20+s3], $0x800, $0x38;
	[tilespmem:$0x6A40] =	vst v63  }
0x1c: {  	_ =	swait.ge [sflag:s11], $0x800  }
0x1d: {  	[sflag:s11] =	ssyncset.done $0x0  }
0x1e: {  	[sflag:s11] =	ssyncadd.s32 $0xFFFFF800  }
0x1f: {  	[spmem:s2] =	stream.indirect.scatter.add.f32 [tilespmem:s14], [sflag:$0x1], $0x10, s19, s15, $0xb8;
	[tilespmem:$0x6A40] =	vst v63  }
0x20: {  	s21 =	simm.s32 $0x200;
	_ =	swait.ge [sflag:s11], $0x800  }
0x21: {  	s20 =	simm.s32 $0x100;
	s19 =	simm.s32 $0x27A0;
	[sflag:s11] =	ssyncset.done $0x0  }
.LBB2_2:
0x22: {  	s22 =	sadd.s32 s20, s10  }
0x23: {  	[sflag:s11] =	ssyncadd.s32 $0xFFFFF800;
	s20 =	smov.u32 s21;
	s23 =	sadd.s32 $0x100, s21  }
0x24: {  	[tilespmem:s14], [sflag:$0x1] =	stream.linear.gather [hbm4b:s22+s3], $0x800, $0x38;
	[tilespmem:$0x6A40] =	vst v63  }
0x25: {  	p0 =	sne.s32 s21, $0x2600;
	_ =	swait.ge [sflag:s11], $0x800  }
.Ltmp0:
0x26: {  	[sflag:s11] =	ssyncset.done $0x0;
	(pc) =	sbr.rel @p0 .LBB2_2-.Ltmp0, $4  }
0x27: {  	[sflag:s11] =	ssyncadd.s32 $0xFFFFF800  }
0x28: {  	[spmem:s2] =	stream.indirect.scatter.add.f32 [tilespmem:s14], [sflag:$0x1], $0x10, s19, s15, $0xb8;
	[tilespmem:$0x6A40] =	vst v63  }
0x29: {  	_ =	swait.ge [sflag:s11], $0x800  }
0x2a: {  	s21 =	smov.u32 s23;
	s19 =	sadd.s32 $0x80, s19;
	[sflag:s11] =	ssyncset.done $0x0  }
0x2b: {  	s20 =	sadd.s32 s20, s10;
	[sflag:s11] =	ssyncadd.s32 $0xFFFFF800  }
0x2c: {  	[tilespmem:s14], [sflag:$0x1] =	stream.linear.gather [hbm4b:s20+s3], $0x800, $0x38;
	[tilespmem:$0x6A40] =	vst v63  }
0x2d: {  	_ =	swait.ge [sflag:s11], $0x800  }
0x2e: {  	[sflag:s11] =	ssyncset.done $0x0  }
0x2f: {  	[sflag:s11] =	ssyncadd.s32 $0xFFFFF800  }
0x30: {  	[spmem:s2] =	stream.indirect.scatter.add.f32 [tilespmem:s14], [sflag:$0x1], $0x10, s19, s15, $0xb8;
	[tilespmem:$0x6A40] =	vst v63  }
0x31: {  	_ =	swait.ge [sflag:s11], $0x800  }
0x32: {  	[sflag:s11] =	ssyncset.done $0x0  }
0x33: {  	[sflag:s11] =	ssyncadd.s32 $0xFFFFF800  }
0x34: {  	[tilespmem:s14], [sflag:$0x1] =	stream.linear.gather [hbm4b:s7+s3], $0x80, $0x38;
	[tilespmem:$0x6A40] =	vst v63  }
0x35: {  	_ =	swait.ge [sflag:s11], $0x80  }
0x36: {  	[sflag:s11] =	ssyncset.done $0x0  }
0x37: {  	[sflag:s11] =	ssyncadd.s32 $0xFFFFFF80  }
0x38: {  	[spmem:s2] =	stream.indirect.scatter.add.f32 [tilespmem:s14], [sflag:$0x1], $0x10, s16, s15, $0xb8;
	[tilespmem:$0x6A40] =	vst v63  }
0x39: {  	_ =	swait.ge [sflag:s11], $0x800  }
0x3a: {  	[sflag:s11] =	ssyncset.done $0x0  }
0x3b: {  	[sflag:s11] =	ssyncadd.s32 $0xFFFFF800  }
0x3c: {  	[bflag:$0x0] =	sbarrier.arrive $0xFFFF  }
0x3d: {  	[tilespmem:s17], [sflag:$0x1] =	stream.linear.gather [spmem:s5], $0x2720, $0x38;
	[tilespmem:$0x6A40] =	vst v63  }
0x3e: {  	s18 =	sadd.s32 $0x1, s18;
	_ =	swait.ge [sflag:s11], $0x2720  }
0x3f: {  	p0 =	sne.s32 s18, s9;
	[sflag:s11] =	ssyncset.done $0x0  }
.Ltmp1:
0x40: {  	[sflag:s11] =	ssyncadd.s32 $0xFFFFD8E0;
	(pc) =	sbr.rel @p0 .LBB2_1-.Ltmp1, $4  }
0x41: {  	[hbm4b:s8+s3] =	stream.linear.scatter [tilespmem:s17], [sflag:$0x1], $0x2720, $0x38;
	[tilespmem:$0x6A40] =	vst v63  }
0x42: {  	_ =	swait.ge [sflag:s11], $0x2720  }
0x43: {  	[sflag:s11] =	ssyncset.done $0x0  }
0x44: {  	[sflag:s11] =	ssyncadd.s32 $0xFFFFD8E0  }
0x45: {  	_ =	sfence.sel $0x180000  }
0x46: {  	[bflag:$0x0] =	sbarrier.arrive $0xFFFF  }
0x47: {  	p0 =	sne.s32 s0, $0x0;
	_ =	strace $0x90000050  }
0x48: {  	s0 =	sadd.s32 @!p0 $0x100000, s1;
	[bflag:$0x2] =	sbarrier.arrive $0xFFFF  }
0x49: {  	[sflag:s0] =	ssyncadd.tile.s32 @!p0 $0x1;
	_ =	shalt  }
.Lfunc_end2:
_tile_overlayer_lowered:
.L_overlay_start_2:
0x4a: {  	(tag) =	ssettag $0x2  }
0x4b: {  	s0 =	rddreg [dreg:$0x0];
	s2 =	stileid.u32  }
0x4c: {  	s1 =	rddreg [dreg:$0x1];
	p0 =	sne.s32 s2, $0x0  }
0x4d: {  	s3 =	rddreg [dreg:$0x2];
	[bflag:$0x3] =	sbarrier.arrive $0xFFFF;
	s2 =	simm.s32 @!p0 $0x1C01  }
0x4e: {  	[timem:s3], [sflag:s2] =	dma.local @!p0 [hbm:s0], s1  }
0x4f: {  	s0 =	simm.s32 @!p0 $0x1  }
0x50: {  	_ =	swait.ge @!p0 [sflag:s0], s1  }
0x51: {  	s1 =	ssub.s32 @!p0 $0x0, s1;
	[sflag:s0] =	ssyncset.done @!p0 $0x0  }
0x52: {  	[sflag:s0] =	ssyncadd.s32 @!p0 s1  }
0x53: {  	[bflag:$0x3] =	sbarrier.arrive $0xFFFF  }
0x54: {  	_ =	shalt  }

</sc_bundles>
